<compile_context>
chip_gen: v7x
topology: tpu7x:2x2x1
jax: 0.10.2.dev20260603
libtpu: 0.0.44.dev20260713+nightly
codegen_flags: <defaults>
</compile_context>

<pallas_src>
import functools

import jax
import jax.numpy as jnp
from jax import lax
from jax.experimental import pallas as pl
from jax.experimental.pallas import tpu as pltpu
from jax.experimental.pallas import tpu_sc as plsc

_NC = 2
_NS = 16
_L = 16
_NW = _NC * _NS

_MESH = dict(core_axis_name="c", subcore_axis_name="s")


def _degree_partials(ei5, n_pad):
    _, nw, nwin, wchunk, ch = ei5.shape
    zps = n_pad // _NS

    @functools.partial(
        pl.kernel,
        out_type=jax.ShapeDtypeStruct((_NC * n_pad,), jnp.float32),
        mesh=plsc.VectorSubcoreMesh(**_MESH),
        scratch_types=[
            pltpu.VMEM((wchunk, ch), jnp.int32),
            pltpu.VMEM((wchunk, ch), jnp.int32),
            pltpu.VMEM((ch,), jnp.float32),
            pltpu.VMEM((zps,), jnp.float32),
            pltpu.VMEM_SHARED((n_pad,), jnp.float32),
            pltpu.SemaphoreType.DMA,
            pltpu.SemaphoreType.DMA,
        ],
    )
    def deg_kernel(ei_hbm, out_hbm, cid0, cid1, ones_v, zeros_v, deg_sh,
                   semi, sems):
        cid = lax.axis_index("c")
        sid = lax.axis_index("s")
        wid = cid * _NS + sid
        cbufs = (cid0, cid1)
        pltpu.async_copy(ei_hbm.at[1, wid, 0], cid0, semi)

        @pl.loop(0, ch, step=_L)
        def _(i):
            ones_v[pl.ds(i, _L)] = jnp.ones((_L,), jnp.float32)

        @pl.loop(0, zps, step=_L)
        def _(i):
            zeros_v[pl.ds(i, _L)] = jnp.zeros((_L,), jnp.float32)

        pltpu.sync_copy(zeros_v, deg_sh.at[pl.ds(sid * zps, zps)])
        plsc.subcore_barrier()
        pltpu.make_async_copy(ei_hbm.at[1, wid, 0], cid0, semi).wait()

        for w in range(nwin):
            cbuf = cbufs[w % 2]
            if w + 1 < nwin:
                pltpu.async_copy(ei_hbm.at[1, wid, w + 1],
                                 cbufs[(w + 1) % 2], semi)

            @pl.loop(0, wchunk)
            def _(j):
                pltpu.async_copy(ones_v, deg_sh.at[cbuf.at[j]], sems,
                                 add=True)

            @pl.loop(0, wchunk)
            def _(j):
                pltpu.make_async_copy(ones_v, deg_sh.at[cbuf.at[j]],
                                      sems).wait()

            if w + 1 < nwin:
                pltpu.make_async_copy(ei_hbm.at[1, wid, w + 1],
                                      cbufs[(w + 1) % 2], semi).wait()

        plsc.subcore_barrier()
        pltpu.sync_copy(deg_sh.at[pl.ds(sid * zps, zps)], zeros_v)
        pltpu.sync_copy(zeros_v, out_hbm.at[pl.ds(cid * n_pad + sid * zps, zps)])

    return deg_kernel(ei5)


def _aggregate(y, ei5):
    n_acc, d = y.shape
    _, nw, nwin, wchunk, ch = ei5.shape
    npc = n_acc // _NS
    nring = 4
    rem = wchunk % nring
    main_hi = wchunk - nring - rem

    @functools.partial(
        pl.kernel,
        out_type=jax.ShapeDtypeStruct((_NC, n_acc, d), jnp.float32),
        mesh=plsc.VectorSubcoreMesh(**_MESH),
        scratch_types=[
            pltpu.VMEM((wchunk, ch), jnp.int32),
            pltpu.VMEM((wchunk, ch), jnp.int32),
            pltpu.VMEM((ch, d), jnp.float32),
            pltpu.VMEM((ch, d), jnp.float32),
            pltpu.VMEM((ch, d), jnp.float32),
            pltpu.VMEM((ch, d), jnp.float32),
            pltpu.VMEM_SHARED((n_acc, d), jnp.float32),
            pltpu.SemaphoreType.DMA,
            pltpu.SemaphoreType.DMA,
            pltpu.SemaphoreType.DMA,
            pltpu.SemaphoreType.DMA,
            pltpu.SemaphoreType.DMA,
        ],
    )
    def agg_kernel(y_hbm, ei_hbm, out_hbm,
                   ridx, cidx, b0, b1, b2, b3, agg_sh,
                   semi, s0, s1, s2, s3):
        bufs = (b0, b1, b2, b3)
        sems = (s0, s1, s2, s3)
        cid = lax.axis_index("c")
        sid = lax.axis_index("s")
        wid = cid * _NS + sid
        pltpu.async_copy(ei_hbm.at[0, wid, 0], ridx, semi)
        pltpu.async_copy(ei_hbm.at[1, wid, 0], cidx, semi)
        pltpu.make_async_copy(ei_hbm.at[0, wid, 0], ridx, semi).wait()
        for k in range(1, nring):
            pltpu.async_copy(y_hbm.at[ridx.at[k]], bufs[k], sems[k])

        @pl.loop(0, ch)
        def _(r):
            @pl.loop(0, d, step=_L)
            def _(c0):
                b0[r, pl.ds(c0, _L)] = jnp.zeros((_L,), jnp.float32)

        @pl.loop(0, npc, step=ch)
        def _(r0):
            pltpu.sync_copy(b0, agg_sh.at[pl.ds(sid * npc + r0, ch)])

        pltpu.async_copy(y_hbm.at[ridx.at[0]], b0, sems[0])
        plsc.subcore_barrier()
        pltpu.make_async_copy(ei_hbm.at[1, wid, 0], cidx, semi).wait()

        @pl.loop(0, nwin)
        def _(w):
            @pl.when(w > 0)
            def _():
                for k in range(nring):
                    pltpu.async_copy(y_hbm.at[ridx.at[k]], bufs[k], sems[k])

            @pl.loop(0, main_hi, step=nring)
            def _(j):
                for k in range(nring):
                    pltpu.make_async_copy(y_hbm.at[ridx.at[j + k]], bufs[k],
                                          sems[k]).wait()
                    pltpu.sync_copy(bufs[k], agg_sh.at[cidx.at[j + k]],
                                    add=True)
                    pltpu.async_copy(y_hbm.at[ridx.at[j + k + nring]],
                                     bufs[k], sems[k])

            for k in range(nring):
                pltpu.make_async_copy(y_hbm.at[ridx.at[main_hi + k]],
                                      bufs[k], sems[k]).wait()
                pltpu.sync_copy(bufs[k], agg_sh.at[cidx.at[main_hi + k]],
                                add=True)
                if k < rem:
                    pltpu.async_copy(
                        y_hbm.at[ridx.at[main_hi + nring + k]],
                        bufs[k], sems[k])
            for k in range(rem):
                pltpu.make_async_copy(y_hbm.at[ridx.at[main_hi + nring + k]],
                                      bufs[k], sems[k]).wait()
                pltpu.sync_copy(bufs[k],
                                agg_sh.at[cidx.at[main_hi + nring + k]],
                                add=True)

            @pl.when(w + 1 < nwin)
            def _():
                pltpu.sync_copy(ei_hbm.at[0, wid, w + 1], ridx)
                pltpu.sync_copy(ei_hbm.at[1, wid, w + 1], cidx)

        plsc.subcore_barrier()

        @pl.loop(0, npc, step=4 * ch)
        def _(r0):
            for k in range(4):
                pltpu.async_copy(
                    agg_sh.at[pl.ds(sid * npc + r0 + k * ch, ch)],
                    bufs[k], sems[k])
            for k in range(4):
                pltpu.make_async_copy(
                    agg_sh.at[pl.ds(sid * npc + r0 + k * ch, ch)],
                    bufs[k], sems[k]).wait()
                pltpu.async_copy(
                    bufs[k],
                    out_hbm.at[cid, pl.ds(sid * npc + r0 + k * ch, ch)],
                    sems[k])
            for k in range(4):
                pltpu.make_async_copy(
                    bufs[k],
                    out_hbm.at[cid, pl.ds(sid * npc + r0 + k * ch, ch)],
                    sems[k]).wait()

    return agg_kernel(y, ei5)


_BN = 2048


def _mm_scale_body(x_ref, w_ref, dp_ref, y_ref, dis_ref):
    i = pl.program_id(0)
    n_acc = dp_ref.shape[0] // 2
    deg = (dp_ref[pl.ds(i * _BN, _BN)]
           + dp_ref[pl.ds(n_acc + i * _BN, _BN)] + 1.0)
    dis = lax.rsqrt(deg)[:, None]
    y_ref[...] = jnp.dot(x_ref[...].astype(jnp.bfloat16),
                         w_ref[...].astype(jnp.bfloat16),
                         preferred_element_type=jnp.float32) * dis
    dis_ref[...] = dis


def _mm_scale(x, w, degp, n_acc):
    n, din = x.shape
    dout = w.shape[1]
    return pl.pallas_call(
        _mm_scale_body,
        grid=(n_acc // _BN,),
        in_specs=[pl.BlockSpec((_BN, din), lambda i: (i, 0)),
                  pl.BlockSpec((din, dout), lambda i: (0, 0)),
                  pl.BlockSpec((2 * n_acc,), lambda i: (0,))],
        out_specs=[pl.BlockSpec((_BN, dout), lambda i: (i, 0)),
                   pl.BlockSpec((_BN, 1), lambda i: (i, 0))],
        out_shape=[jax.ShapeDtypeStruct((n_acc, dout), jnp.float32),
                   jax.ShapeDtypeStruct((n_acc, 1), jnp.float32)],
    )(x, w, degp)


def _mid_body(y_ref, p0_ref, p1_ref, dis_ref, b_ref, w_ref, o_ref):
    dis = dis_ref[...]
    h = (y_ref[...] + p0_ref[0] + p1_ref[0]) * dis + b_ref[...]
    o_ref[...] = jnp.dot(h.astype(jnp.bfloat16),
                         w_ref[...].astype(jnp.bfloat16),
                         preferred_element_type=jnp.float32) * dis


def _mid(y, p, dis, b, w):
    n_acc, d = y.shape
    dout = w.shape[1]
    blk2 = pl.BlockSpec((_BN, d), lambda i: (i, 0))
    return pl.pallas_call(
        _mid_body,
        grid=(n_acc // _BN,),
        in_specs=[blk2,
                  pl.BlockSpec((1, _BN, d), lambda i: (0, i, 0)),
                  pl.BlockSpec((1, _BN, d), lambda i: (1, i, 0)),
                  pl.BlockSpec((_BN, 1), lambda i: (i, 0)),
                  pl.BlockSpec((1, d), lambda i: (0, 0)),
                  pl.BlockSpec((d, dout), lambda i: (0, 0))],
        out_specs=pl.BlockSpec((_BN, dout), lambda i: (i, 0)),
        out_shape=jax.ShapeDtypeStruct((n_acc, dout), jnp.float32),
    )(y, p, p, dis, b, w)


_BNF = 2000


def _final_body(y_ref, q0_ref, q1_ref, dis_ref, b_ref, o_ref):
    o_ref[...] = (y_ref[...] + q0_ref[0] + q1_ref[0]) * dis_ref[...] \
        + b_ref[...]


def _final(y, q, dis, b, n):
    n_acc, d = y.shape
    blk2 = pl.BlockSpec((_BNF, d), lambda i: (i, 0))
    return pl.pallas_call(
        _final_body,
        grid=(n // _BNF,),
        in_specs=[blk2,
                  pl.BlockSpec((1, _BNF, d), lambda i: (0, i, 0)),
                  pl.BlockSpec((1, _BNF, d), lambda i: (1, i, 0)),
                  pl.BlockSpec((_BNF, 1), lambda i: (i, 0)),
                  pl.BlockSpec((1, d), lambda i: (0, 0))],
        out_specs=pl.BlockSpec((_BNF, d), lambda i: (i, 0)),
        out_shape=jax.ShapeDtypeStruct((n, d), jnp.float32),
    )(y, q, q, dis, b)


def kernel(x, edge_index, W1, b1, W2, b2):
    n, _ = x.shape
    e = edge_index.shape[1]
    epw = e // _NW
    ch = 80
    nwin = 5
    wchunk = epw // ch // nwin
    ei5 = edge_index.reshape(2, _NW, nwin, wchunk, ch)
    n_acc = -(-n // (_NS * 128)) * (_NS * 128)

    degp = _degree_partials(ei5, n_acc)
    y1, dis = _mm_scale(x, W1, degp, n_acc)
    p = _aggregate(y1, ei5)
    y2 = _mid(y1, p, dis, b1.reshape(1, -1), W2)
    q = _aggregate(y2, ei5)
    return _final(y2, q, dis, b2.reshape(1, -1), n)

# --- scband reference (transcript-rebuilt; emitter-appended) ---
"""Pipeline reference for scband-gcn-45011257262605 (READ-ONLY COPY).

The authoritative reference and input builder live on the scoring server;
editing this copy changes nothing except your own understanding.
"""

import jax, jax.numpy as jnp
import numpy as np

N = 10000
E = 320000
D_IN = 128
D_OUT = 128


def gcn_layer(x, edge_index, W, b):
    # GCNConv with add_self_loops=True, edge_weight=None (all ones), symmetric norm
    n = x.shape[0]
    loop = jnp.arange(n, dtype=edge_index.dtype)
    row = jnp.concatenate([edge_index[0], loop])
    col = jnp.concatenate([edge_index[1], loop])
    ew = jnp.ones(row.shape[0], dtype=x.dtype)
    deg = jnp.zeros((n,), dtype=x.dtype).at[col].add(ew)
    deg_inv_sqrt = jnp.where(deg > 0, deg ** -0.5, 0.0)
    norm = deg_inv_sqrt[row] * ew * deg_inv_sqrt[col]
    xw = x @ W  # linear transform first (standard GCNConv order)
    msg = xw[row] * norm[:, None]
    out = jnp.zeros((n, W.shape[1]), dtype=x.dtype).at[col].add(msg)
    return out + b


def setup_inputs(seed: int = 0) -> dict:
    key = jax.random.key(seed)
    k1, k2, k3, k4, k5, k6 = jax.random.split(key, 6)
    x = jax.random.normal(k1, (N, D_IN), dtype=jnp.float32)
    edge_index = jax.random.randint(k2, (2, E), 0, N, dtype=jnp.int32)
    s1 = 1.0 / np.sqrt(D_IN)
    s2 = 1.0 / np.sqrt(D_OUT)
    W1 = jax.random.uniform(k3, (D_IN, D_OUT), jnp.float32, -s1, s1)
    b1 = jax.random.uniform(k4, (D_OUT,), jnp.float32, -s1, s1)
    W2 = jax.random.uniform(k5, (D_OUT, D_OUT), jnp.float32, -s2, s2)
    b2 = jax.random.uniform(k6, (D_OUT,), jnp.float32, -s2, s2)
    return {"x": x, "edge_index": edge_index, "W1": W1, "b1": b1, "W2": W2, "b2": b2}


def reference(x, edge_index, W1, b1, W2, b2):
    h = gcn_layer(x, edge_index, W1, b1)
    out = gcn_layer(h, edge_index, W2, b2)
    return out

if __name__ == "__main__":
    import jax
    _d = setup_inputs()
    print(jax.jit(kernel)(*tuple(_d.values())))

</pallas_src>

<mosaic_0001>
#map = affine_map<(d0, d1) -> (0, 0)>
#map1 = affine_map<(d0, d1) -> (0, 0, 0, 0, 0)>
#map2 = affine_map<(d0, d1) -> (0, 0, 0)>
module attributes {stable_mosaic.version = 14 : i64} {
  func.func @agg_kernel(%arg0: i32, %arg1: i32, %arg2: memref<10240x128xf32, #tpu.memory_space<hbm>>, %arg3: memref<2x32x5x25x80xi32, #tpu.memory_space<hbm>>, %arg4: memref<2x10240x128xf32, #tpu.memory_space<hbm>>, %arg5: memref<25x80xi32, #tpu.memory_space<vmem>>, %arg6: memref<25x80xi32, #tpu.memory_space<vmem>>, %arg7: memref<80x128xf32, #tpu.memory_space<vmem>>, %arg8: memref<80x128xf32, #tpu.memory_space<vmem>>, %arg9: memref<80x128xf32, #tpu.memory_space<vmem>>, %arg10: memref<80x128xf32, #tpu.memory_space<vmem>>, %arg11: memref<10240x128xf32, #tpu.memory_space<vmem_shared>>, %arg12: memref<!tpu.dma_semaphore, #tpu.memory_space<semaphore_mem>>, %arg13: memref<!tpu.dma_semaphore, #tpu.memory_space<semaphore_mem>>, %arg14: memref<!tpu.dma_semaphore, #tpu.memory_space<semaphore_mem>>, %arg15: memref<!tpu.dma_semaphore, #tpu.memory_space<semaphore_mem>>, %arg16: memref<!tpu.dma_semaphore, #tpu.memory_space<semaphore_mem>>) attributes {dimension_semantics = [#tpu.dimension_semantics<core_parallel>, #tpu.dimension_semantics<subcore_parallel>], iteration_bounds = array<i64: 2, 16>, scalar_prefetch = 0 : i64, scratch_operands = 12 : i64, tpu.core_type = #tpu.core_type<sc_vector_subcore>, window_params = [{transform_indices = #map}, {transform_indices = #map1}, {transform_indices = #map2}]} {
    %mul3A = arith.constant 16 : i32
    %mul3A_0 = arith.muli %arg0, %mul3A : i32
    %add3A = arith.addi %mul3A_0, %arg1 : i32
    %dma_start3A = arith.constant 0 : i32
    %dma_start3A_1 = arith.constant 0 : i32
    %dma_start3A_2 = arith.constant 0 : i32
    %dma_start3A_3 = arith.constant 0 : i32
    %dma_start3A_4 = tpu.memref_slice %arg3[%dma_start3A, %add3A, %dma_start3A_1, %dma_start3A_2, %dma_start3A_3] : memref<2x32x5x25x80xi32, #tpu.memory_space<hbm>> -> memref<1x1x1x25x80xi32, #tpu.memory_space<hbm>>
    %dma_start3A_5 = tpu.memref_squeeze %dma_start3A_4 : memref<1x1x1x25x80xi32, #tpu.memory_space<hbm>> -> memref<25x80xi32, #tpu.memory_space<hbm>>
    %dma_start3A_6 = arith.constant 0 : i32
    %dma_start3A_7 = arith.constant 0 : i32
    %dma_start3A_8 = tpu.memref_slice %arg3[%dma_start3A, %add3A, %dma_start3A_1, %dma_start3A_6, %dma_start3A_7] : memref<2x32x5x25x80xi32, #tpu.memory_space<hbm>> -> memref<1x1x1x25x80xi32, #tpu.memory_space<hbm>>
    %dma_start3A_9 = tpu.memref_squeeze %dma_start3A_8 : memref<1x1x1x25x80xi32, #tpu.memory_space<hbm>> -> memref<25x80xi32, #tpu.memory_space<hbm>>
    tpu.enqueue_dma source(%dma_start3A_9 : memref<25x80xi32, #tpu.memory_space<hbm>>) target(%arg5 : memref<25x80xi32, #tpu.memory_space<vmem>>) target_semaphore(%arg12 : memref<!tpu.dma_semaphore, #tpu.memory_space<semaphore_mem>>)
    %dma_start3A_10 = arith.constant 1 : i32
    %dma_start3A_11 = arith.constant 0 : i32
    %dma_start3A_12 = arith.constant 0 : i32
    %dma_start3A_13 = arith.constant 0 : i32
    %dma_start3A_14 = tpu.memref_slice %arg3[%dma_start3A_10, %add3A, %dma_start3A_11, %dma_start3A_12, %dma_start3A_13] : memref<2x32x5x25x80xi32, #tpu.memory_space<hbm>> -> memref<1x1x1x25x80xi32, #tpu.memory_space<hbm>>
    %dma_start3A_15 = tpu.memref_squeeze %dma_start3A_14 : memref<1x1x1x25x80xi32, #tpu.memory_space<hbm>> -> memref<25x80xi32, #tpu.memory_space<hbm>>
    %dma_start3A_16 = arith.constant 0 : i32
    %dma_start3A_17 = arith.constant 0 : i32
    %dma_start3A_18 = tpu.memref_slice %arg3[%dma_start3A_10, %add3A, %dma_start3A_11, %dma_start3A_16, %dma_start3A_17] : memref<2x32x5x25x80xi32, #tpu.memory_space<hbm>> -> memref<1x1x1x25x80xi32, #tpu.memory_space<hbm>>
    %dma_start3A_19 = tpu.memref_squeeze %dma_start3A_18 : memref<1x1x1x25x80xi32, #tpu.memory_space<hbm>> -> memref<25x80xi32, #tpu.memory_space<hbm>>
    tpu.enqueue_dma source(%dma_start3A_19 : memref<25x80xi32, #tpu.memory_space<hbm>>) target(%arg6 : memref<25x80xi32, #tpu.memory_space<vmem>>) target_semaphore(%arg12 : memref<!tpu.dma_semaphore, #tpu.memory_space<semaphore_mem>>)
    %dma_wait3A = arith.constant 0 : i32
    %dma_wait3A_20 = arith.constant 0 : i32
    %dma_wait3A_21 = arith.constant 0 : i32
    %dma_wait3A_22 = arith.constant 0 : i32
    %dma_wait3A_23 = tpu.memref_slice %arg3[%dma_wait3A, %add3A, %dma_wait3A_20, %dma_wait3A_21, %dma_wait3A_22] : memref<2x32x5x25x80xi32, #tpu.memory_space<hbm>> -> memref<1x1x1x25x80xi32, #tpu.memory_space<hbm>>
    %dma_wait3A_24 = tpu.memref_squeeze %dma_wait3A_23 : memref<1x1x1x25x80xi32, #tpu.memory_space<hbm>> -> memref<25x80xi32, #tpu.memory_space<hbm>>
    %dma_wait3A_25 = arith.constant 0 : i32
    %dma_wait3A_26 = arith.constant 0 : i32
    %dma_wait3A_27 = tpu.memref_slice %arg3[%dma_wait3A, %add3A, %dma_wait3A_20, %dma_wait3A_25, %dma_wait3A_26] : memref<2x32x5x25x80xi32, #tpu.memory_space<hbm>> -> memref<1x1x1x25x80xi32, #tpu.memory_space<hbm>>
    %dma_wait3A_28 = tpu.memref_squeeze %dma_wait3A_27 : memref<1x1x1x25x80xi32, #tpu.memory_space<hbm>> -> memref<25x80xi32, #tpu.memory_space<hbm>>
    tpu.wait_dma2 semaphore(%arg12 : memref<!tpu.dma_semaphore, #tpu.memory_space<semaphore_mem>>) src(%dma_wait3A_28 : memref<25x80xi32, #tpu.memory_space<hbm>>) dst(%arg5 : memref<25x80xi32, #tpu.memory_space<vmem>>)
    %dma_start3A_29 = arith.constant 1 : i32
    %dma_start3A_30 = arith.constant 0 : i32
    %dma_start3A_31 = tpu.memref_slice %arg5[%dma_start3A_29, %dma_start3A_30] : memref<25x80xi32, #tpu.memory_space<vmem>> -> memref<1x80xi32, #tpu.memory_space<vmem>>
    %dma_start3A_32 = tpu.memref_squeeze %dma_start3A_31 : memref<1x80xi32, #tpu.memory_space<vmem>> -> memref<80xi32, #tpu.memory_space<vmem>>
    %dma_start3A_33 = arith.constant 0 : i32
    %dma_start3A_34 = arith.constant 0 : i32
    %dma_start3A_35 = tpu.memref_slice %arg2[%dma_start3A_33, %dma_start3A_34] : memref<10240x128xf32, #tpu.memory_space<hbm>> -> memref<10240x128xf32, #tpu.memory_space<hbm>>
    tpu.enqueue_indirect_dma source(%dma_start3A_35 : memref<10240x128xf32, #tpu.memory_space<hbm>>) target(%arg8 : memref<80x128xf32, #tpu.memory_space<vmem>>) offsets(%dma_start3A_32 : memref<80xi32, #tpu.memory_space<vmem>>) semaphore(%arg14 : memref<!tpu.dma_semaphore, #tpu.memory_space<semaphore_mem>>)
    %dma_start3A_36 = arith.constant 2 : i32
    %dma_start3A_37 = arith.constant 0 : i32
    %dma_start3A_38 = tpu.memref_slice %arg5[%dma_start3A_36, %dma_start3A_37] : memref<25x80xi32, #tpu.memory_space<vmem>> -> memref<1x80xi32, #tpu.memory_space<vmem>>
    %dma_start3A_39 = tpu.memref_squeeze %dma_start3A_38 : memref<1x80xi32, #tpu.memory_space<vmem>> -> memref<80xi32, #tpu.memory_space<vmem>>
    %dma_start3A_40 = arith.constant 0 : i32
    %dma_start3A_41 = arith.constant 0 : i32
    %dma_start3A_42 = tpu.memref_slice %arg2[%dma_start3A_40, %dma_start3A_41] : memref<10240x128xf32, #tpu.memory_space<hbm>> -> memref<10240x128xf32, #tpu.memory_space<hbm>>
    tpu.enqueue_indirect_dma source(%dma_start3A_42 : memref<10240x128xf32, #tpu.memory_space<hbm>>) target(%arg9 : memref<80x128xf32, #tpu.memory_space<vmem>>) offsets(%dma_start3A_39 : memref<80xi32, #tpu.memory_space<vmem>>) semaphore(%arg15 : memref<!tpu.dma_semaphore, #tpu.memory_space<semaphore_mem>>)
    %dma_start3A_43 = arith.constant 3 : i32
    %dma_start3A_44 = arith.constant 0 : i32
    %dma_start3A_45 = tpu.memref_slice %arg5[%dma_start3A_43, %dma_start3A_44] : memref<25x80xi32, #tpu.memory_space<vmem>> -> memref<1x80xi32, #tpu.memory_space<vmem>>
    %dma_start3A_46 = tpu.memref_squeeze %dma_start3A_45 : memref<1x80xi32, #tpu.memory_space<vmem>> -> memref<80xi32, #tpu.memory_space<vmem>>
    %dma_start3A_47 = arith.constant 0 : i32
    %dma_start3A_48 = arith.constant 0 : i32
    %dma_start3A_49 = tpu.memref_slice %arg2[%dma_start3A_47, %dma_start3A_48] : memref<10240x128xf32, #tpu.memory_space<hbm>> -> memref<10240x128xf32, #tpu.memory_space<hbm>>
    tpu.enqueue_indirect_dma source(%dma_start3A_49 : memref<10240x128xf32, #tpu.memory_space<hbm>>) target(%arg10 : memref<80x128xf32, #tpu.memory_space<vmem>>) offsets(%dma_start3A_46 : memref<80xi32, #tpu.memory_space<vmem>>) semaphore(%arg16 : memref<!tpu.dma_semaphore, #tpu.memory_space<semaphore_mem>>)
    %scan3A = arith.constant 0 : i32
    %scan3A_50 = arith.constant 80 : i32
    %scan3A_51 = arith.addi %scan3A, %scan3A_50 : i32
    %scan3A_52 = arith.constant 1 : i32
    scf.for %scan3A_87 = %scan3A to %scan3A_51 step %scan3A_52  : i32 {
      %mul3A_88 = arith.constant 1 : i32
      %mul3A_89 = arith.muli %scan3A_87, %mul3A_88 : i32
      %add3A_90 = arith.constant 0 : i32
      %add3A_91 = arith.addi %add3A_90, %mul3A_89 : i32
      %scan3A_92 = arith.constant 0 : i32
      %scan3A_93 = arith.constant 8 : i32
      %scan3A_94 = arith.addi %scan3A_92, %scan3A_93 : i32
      %scan3A_95 = arith.constant 1 : i32
      scf.for %scan3A_97 = %scan3A_92 to %scan3A_94 step %scan3A_95  : i32 {
        %mul3A_98 = arith.constant 16 : i32
        %mul3A_99 = arith.muli %scan3A_97, %mul3A_98 : i32
        %add3A_100 = arith.constant 0 : i32
        %add3A_101 = arith.addi %add3A_100, %mul3A_99 : i32
        %broadcast_in_dim3A = arith.constant 0.000000e+00 : f32
        %broadcast_in_dim3A_102 = vector.broadcast %broadcast_in_dim3A : f32 to vector<16xf32>
        %swap3A = arith.index_cast %add3A_91 : i32 to index
        %swap3A_103 = arith.index_cast %add3A_101 : i32 to index
        %swap3A_104 = tpu.vector_load %arg7[%swap3A, %swap3A_103] {strides = array<i32>} : memref<80x128xf32, #tpu.memory_space<vmem>>, vector<1x16xf32>,
        %swap3A_105 = vector.shape_cast %swap3A_104 : vector<1x16xf32> to vector<16xf32>
        %swap3A_106 = vector.shape_cast %broadcast_in_dim3A_102 : vector<16xf32> to vector<1x16xf32>
        tpu.vector_store %arg7[%swap3A, %swap3A_103], %swap3A_106 {strides = array<i32>} : memref<80x128xf32, #tpu.memory_space<vmem>>, vector<1x16xf32>,
      }
      %scan3A_96 = arith.constant 8 : i32
    }
    %scan3A_53 = arith.constant 80 : i32
    %scan3A_54 = arith.constant 0 : i32
    %scan3A_55 = arith.constant 8 : i32
    %scan3A_56 = arith.addi %scan3A_54, %scan3A_55 : i32
    %scan3A_57 = arith.constant 1 : i32
    scf.for %scan3A_87 = %scan3A_54 to %scan3A_56 step %scan3A_57  : i32 {
      %mul3A_88 = arith.constant 80 : i32
      %mul3A_89 = arith.muli %scan3A_87, %mul3A_88 : i32
      %add3A_90 = arith.constant 0 : i32
      %add3A_91 = arith.addi %add3A_90, %mul3A_89 : i32
      %mul3A_92 = arith.constant 640 : i32
      %mul3A_93 = arith.muli %arg1, %mul3A_92 : i32
      %add3A_94 = arith.addi %mul3A_93, %add3A_91 : i32
      "tpu.region"() ({
        %run_scoped3A = tpu.sem_alloc : memref<!tpu.dma_semaphore, #tpu.memory_space<semaphore_mem>>
        %dma_start3A_95 = arith.constant 0 : i32
        %dma_start3A_96 = tpu.memref_slice %arg11[%add3A_94, %dma_start3A_95] : memref<10240x128xf32, #tpu.memory_space<vmem_shared>> -> memref<80x128xf32, #tpu.memory_space<vmem_shared>>
        %dma_start3A_97 = arith.constant 0 : i32
        %dma_start3A_98 = tpu.memref_slice %arg11[%add3A_94, %dma_start3A_97] : memref<10240x128xf32, #tpu.memory_space<vmem_shared>> -> memref<80x128xf32, #tpu.memory_space<vmem_shared>>
        tpu.enqueue_dma source(%arg7 : memref<80x128xf32, #tpu.memory_space<vmem>>) target(%dma_start3A_98 : memref<80x128xf32, #tpu.memory_space<vmem_shared>>) target_semaphore(%run_scoped3A : memref<!tpu.dma_semaphore, #tpu.memory_space<semaphore_mem>>)
        %dma_wait3A_99 = arith.constant 0 : i32
        %dma_wait3A_100 = tpu.memref_slice %arg11[%add3A_94, %dma_wait3A_99] : memref<10240x128xf32, #tpu.memory_space<vmem_shared>> -> memref<80x128xf32, #tpu.memory_space<vmem_shared>>
        %dma_wait3A_101 = arith.constant 0 : i32
        %dma_wait3A_102 = tpu.memref_slice %arg11[%add3A_94, %dma_wait3A_101] : memref<10240x128xf32, #tpu.memory_space<vmem_shared>> -> memref<80x128xf32, #tpu.memory_space<vmem_shared>>
        tpu.wait_dma2 semaphore(%run_scoped3A : memref<!tpu.dma_semaphore, #tpu.memory_space<semaphore_mem>>) src(%arg7 : memref<80x128xf32, #tpu.memory_space<vmem>>) dst(%dma_wait3A_102 : memref<80x128xf32, #tpu.memory_space<vmem_shared>>)
        tpu.yield
      }) : () -> ()
    }
    %scan3A_58 = arith.constant 8 : i32
    %dma_start3A_59 = arith.constant 0 : i32
    %dma_start3A_60 = arith.constant 0 : i32
    %dma_start3A_61 = tpu.memref_slice %arg5[%dma_start3A_59, %dma_start3A_60] : memref<25x80xi32, #tpu.memory_space<vmem>> -> memref<1x80xi32, #tpu.memory_space<vmem>>
    %dma_start3A_62 = tpu.memref_squeeze %dma_start3A_61 : memref<1x80xi32, #tpu.memory_space<vmem>> -> memref<80xi32, #tpu.memory_space<vmem>>
    %dma_start3A_63 = arith.constant 0 : i32
    %dma_start3A_64 = arith.constant 0 : i32
    %dma_start3A_65 = tpu.memref_slice %arg2[%dma_start3A_63, %dma_start3A_64] : memref<10240x128xf32, #tpu.memory_space<hbm>> -> memref<10240x128xf32, #tpu.memory_space<hbm>>
    tpu.enqueue_indirect_dma source(%dma_start3A_65 : memref<10240x128xf32, #tpu.memory_space<hbm>>) target(%arg7 : memref<80x128xf32, #tpu.memory_space<vmem>>) offsets(%dma_start3A_62 : memref<80xi32, #tpu.memory_space<vmem>>) semaphore(%arg13 : memref<!tpu.dma_semaphore, #tpu.memory_space<semaphore_mem>>)
    %barrier3A = arith.constant 0 : index
    tpu.barrier barrier_id(%barrier3A)
    %dma_wait3A_66 = arith.constant 1 : i32
    %dma_wait3A_67 = arith.constant 0 : i32
    %dma_wait3A_68 = arith.constant 0 : i32
    %dma_wait3A_69 = arith.constant 0 : i32
    %dma_wait3A_70 = tpu.memref_slice %arg3[%dma_wait3A_66, %add3A, %dma_wait3A_67, %dma_wait3A_68, %dma_wait3A_69] : memref<2x32x5x25x80xi32, #tpu.memory_space<hbm>> -> memref<1x1x1x25x80xi32, #tpu.memory_space<hbm>>
    %dma_wait3A_71 = tpu.memref_squeeze %dma_wait3A_70 : memref<1x1x1x25x80xi32, #tpu.memory_space<hbm>> -> memref<25x80xi32, #tpu.memory_space<hbm>>
    %dma_wait3A_72 = arith.constant 0 : i32
    %dma_wait3A_73 = arith.constant 0 : i32
    %dma_wait3A_74 = tpu.memref_slice %arg3[%dma_wait3A_66, %add3A, %dma_wait3A_67, %dma_wait3A_72, %dma_wait3A_73] : memref<2x32x5x25x80xi32, #tpu.memory_space<hbm>> -> memref<1x1x1x25x80xi32, #tpu.memory_space<hbm>>
    %dma_wait3A_75 = tpu.memref_squeeze %dma_wait3A_74 : memref<1x1x1x25x80xi32, #tpu.memory_space<hbm>> -> memref<25x80xi32, #tpu.memory_space<hbm>>
    tpu.wait_dma2 semaphore(%arg12 : memref<!tpu.dma_semaphore, #tpu.memory_space<semaphore_mem>>) src(%dma_wait3A_75 : memref<25x80xi32, #tpu.memory_space<hbm>>) dst(%arg6 : memref<25x80xi32, #tpu.memory_space<vmem>>)
    %scan3A_76 = arith.constant 0 : i32
    %scan3A_77 = arith.constant 5 : i32
    %scan3A_78 = arith.addi %scan3A_76, %scan3A_77 : i32
    %scan3A_79 = arith.constant 1 : i32
    scf.for %scan3A_87 = %scan3A_76 to %scan3A_78 step %scan3A_79  : i32 {
      %mul3A_88 = arith.constant 1 : i32
      %mul3A_89 = arith.muli %scan3A_87, %mul3A_88 : i32
      %add3A_90 = arith.constant 0 : i32
      %add3A_91 = arith.addi %add3A_90, %mul3A_89 : i32
      %gt3A = arith.constant 0 : i32
      %gt3A_92 = arith.cmpi sgt, %add3A_91, %gt3A : i32
      %convert_element_type3A = arith.extui %gt3A_92 : i1 to i32
      %cond3A = arith.constant 0 : i32
      %cond3A_93 = arith.cmpi ne, %convert_element_type3A, %cond3A : i32
      scf.if %cond3A_93 {
        %dma_start3A_151 = arith.constant 0 : i32
        %dma_start3A_152 = arith.constant 0 : i32
        %dma_start3A_153 = tpu.memref_slice %arg5[%dma_start3A_151, %dma_start3A_152] : memref<25x80xi32, #tpu.memory_space<vmem>> -> memref<1x80xi32, #tpu.memory_space<vmem>>
        %dma_start3A_154 = tpu.memref_squeeze %dma_start3A_153 : memref<1x80xi32, #tpu.memory_space<vmem>> -> memref<80xi32, #tpu.memory_space<vmem>>
        %dma_start3A_155 = arith.constant 0 : i32
        %dma_start3A_156 = arith.constant 0 : i32
        %dma_start3A_157 = tpu.memref_slice %arg2[%dma_start3A_155, %dma_start3A_156] : memref<10240x128xf32, #tpu.memory_space<hbm>> -> memref<10240x128xf32, #tpu.memory_space<hbm>>
        tpu.enqueue_indirect_dma source(%dma_start3A_157 : memref<10240x128xf32, #tpu.memory_space<hbm>>) target(%arg7 : memref<80x128xf32, #tpu.memory_space<vmem>>) offsets(%dma_start3A_154 : memref<80xi32, #tpu.memory_space<vmem>>) semaphore(%arg13 : memref<!tpu.dma_semaphore, #tpu.memory_space<semaphore_mem>>)
        %dma_start3A_158 = arith.constant 1 : i32
        %dma_start3A_159 = arith.constant 0 : i32
        %dma_start3A_160 = tpu.memref_slice %arg5[%dma_start3A_158, %dma_start3A_159] : memref<25x80xi32, #tpu.memory_space<vmem>> -> memref<1x80xi32, #tpu.memory_space<vmem>>
        %dma_start3A_161 = tpu.memref_squeeze %dma_start3A_160 : memref<1x80xi32, #tpu.memory_space<vmem>> -> memref<80xi32, #tpu.memory_space<vmem>>
        %dma_start3A_162 = arith.constant 0 : i32
        %dma_start3A_163 = arith.constant 0 : i32
        %dma_start3A_164 = tpu.memref_slice %arg2[%dma_start3A_162, %dma_start3A_163] : memref<10240x128xf32, #tpu.memory_space<hbm>> -> memref<10240x128xf32, #tpu.memory_space<hbm>>
        tpu.enqueue_indirect_dma source(%dma_start3A_164 : memref<10240x128xf32, #tpu.memory_space<hbm>>) target(%arg8 : memref<80x128xf32, #tpu.memory_space<vmem>>) offsets(%dma_start3A_161 : memref<80xi32, #tpu.memory_space<vmem>>) semaphore(%arg14 : memref<!tpu.dma_semaphore, #tpu.memory_space<semaphore_mem>>)
        %dma_start3A_165 = arith.constant 2 : i32
        %dma_start3A_166 = arith.constant 0 : i32
        %dma_start3A_167 = tpu.memref_slice %arg5[%dma_start3A_165, %dma_start3A_166] : memref<25x80xi32, #tpu.memory_space<vmem>> -> memref<1x80xi32, #tpu.memory_space<vmem>>
        %dma_start3A_168 = tpu.memref_squeeze %dma_start3A_167 : memref<1x80xi32, #tpu.memory_space<vmem>> -> memref<80xi32, #tpu.memory_space<vmem>>
        %dma_start3A_169 = arith.constant 0 : i32
        %dma_start3A_170 = arith.constant 0 : i32
        %dma_start3A_171 = tpu.memref_slice %arg2[%dma_start3A_169, %dma_start3A_170] : memref<10240x128xf32, #tpu.memory_space<hbm>> -> memref<10240x128xf32, #tpu.memory_space<hbm>>
        tpu.enqueue_indirect_dma source(%dma_start3A_171 : memref<10240x128xf32, #tpu.memory_space<hbm>>) target(%arg9 : memref<80x128xf32, #tpu.memory_space<vmem>>) offsets(%dma_start3A_168 : memref<80xi32, #tpu.memory_space<vmem>>) semaphore(%arg15 : memref<!tpu.dma_semaphore, #tpu.memory_space<semaphore_mem>>)
        %dma_start3A_172 = arith.constant 3 : i32
        %dma_start3A_173 = arith.constant 0 : i32
        %dma_start3A_174 = tpu.memref_slice %arg5[%dma_start3A_172, %dma_start3A_173] : memref<25x80xi32, #tpu.memory_space<vmem>> -> memref<1x80xi32, #tpu.memory_space<vmem>>
        %dma_start3A_175 = tpu.memref_squeeze %dma_start3A_174 : memref<1x80xi32, #tpu.memory_space<vmem>> -> memref<80xi32, #tpu.memory_space<vmem>>
        %dma_start3A_176 = arith.constant 0 : i32
        %dma_start3A_177 = arith.constant 0 : i32
        %dma_start3A_178 = tpu.memref_slice %arg2[%dma_start3A_176, %dma_start3A_177] : memref<10240x128xf32, #tpu.memory_space<hbm>> -> memref<10240x128xf32, #tpu.memory_space<hbm>>
        tpu.enqueue_indirect_dma source(%dma_start3A_178 : memref<10240x128xf32, #tpu.memory_space<hbm>>) target(%arg10 : memref<80x128xf32, #tpu.memory_space<vmem>>) offsets(%dma_start3A_175 : memref<80xi32, #tpu.memory_space<vmem>>) semaphore(%arg16 : memref<!tpu.dma_semaphore, #tpu.memory_space<semaphore_mem>>)
      } else {
      }
      %scan3A_94 = arith.constant 0 : i32
      %scan3A_95 = arith.constant 5 : i32
      %scan3A_96 = arith.addi %scan3A_94, %scan3A_95 : i32
      %scan3A_97 = arith.constant 1 : i32
      scf.for %scan3A_151 = %scan3A_94 to %scan3A_96 step %scan3A_97  : i32 {
        %mul3A_152 = arith.constant 4 : i32
        %mul3A_153 = arith.muli %scan3A_151, %mul3A_152 : i32
        %add3A_154 = arith.constant 0 : i32
        %add3A_155 = arith.addi %add3A_154, %mul3A_153 : i32
        %add3A_156 = arith.constant 0 : i32
        %add3A_157 = arith.addi %add3A_155, %add3A_156 : i32
        %dma_wait3A_158 = arith.constant 0 : i32
        %dma_wait3A_159 = tpu.memref_slice %arg5[%add3A_157, %dma_wait3A_158] : memref<25x80xi32, #tpu.memory_space<vmem>> -> memref<1x80xi32, #tpu.memory_space<vmem>>
        %dma_wait3A_160 = tpu.memref_squeeze %dma_wait3A_159 : memref<1x80xi32, #tpu.memory_space<vmem>> -> memref<80xi32, #tpu.memory_space<vmem>>
        %dma_wait3A_161 = arith.constant 0 : i32
        %dma_wait3A_162 = arith.constant 0 : i32
        %dma_wait3A_163 = tpu.memref_slice %arg2[%dma_wait3A_161, %dma_wait3A_162] : memref<10240x128xf32, #tpu.memory_space<hbm>> -> memref<10240x128xf32, #tpu.memory_space<hbm>>
        tpu.wait_indirect_dma semaphore(%arg13 : memref<!tpu.dma_semaphore, #tpu.memory_space<semaphore_mem>>) src(%dma_wait3A_163 : memref<10240x128xf32, #tpu.memory_space<hbm>>) dst(%arg7 : memref<80x128xf32, #tpu.memory_space<vmem>>)
        %add3A_164 = arith.constant 0 : i32
        %add3A_165 = arith.addi %add3A_155, %add3A_164 : i32
        "tpu.region"() ({
          %run_scoped3A_236 = tpu.sem_alloc : memref<!tpu.dma_semaphore, #tpu.memory_space<semaphore_mem>>
          %dma_start3A_237 = arith.constant 0 : i32
          %dma_start3A_238 = tpu.memref_slice %arg6[%add3A_165, %dma_start3A_237] : memref<25x80xi32, #tpu.memory_space<vmem>> -> memref<1x80xi32, #tpu.memory_space<vmem>>
          %dma_start3A_239 = tpu.memref_squeeze %dma_start3A_238 : memref<1x80xi32, #tpu.memory_space<vmem>> -> memref<80xi32, #tpu.memory_space<vmem>>
          %dma_start3A_240 = arith.constant 0 : i32
          %dma_start3A_241 = arith.constant 0 : i32
          %dma_start3A_242 = tpu.memref_slice %arg11[%dma_start3A_240, %dma_start3A_241] : memref<10240x128xf32, #tpu.memory_space<vmem_shared>> -> memref<10240x128xf32, #tpu.memory_space<vmem_shared>>
          tpu.enqueue_indirect_dma source(%arg7 : memref<80x128xf32, #tpu.memory_space<vmem>>) target(%dma_start3A_242 : memref<10240x128xf32, #tpu.memory_space<vmem_shared>>) offsets(%dma_start3A_239 : memref<80xi32, #tpu.memory_space<vmem>>) semaphore(%run_scoped3A_236 : memref<!tpu.dma_semaphore, #tpu.memory_space<semaphore_mem>>) {add = true}
          %dma_wait3A_243 = arith.constant 0 : i32
          %dma_wait3A_244 = tpu.memref_slice %arg6[%add3A_165, %dma_wait3A_243] : memref<25x80xi32, #tpu.memory_space<vmem>> -> memref<1x80xi32, #tpu.memory_space<vmem>>
          %dma_wait3A_245 = tpu.memref_squeeze %dma_wait3A_244 : memref<1x80xi32, #tpu.memory_space<vmem>> -> memref<80xi32, #tpu.memory_space<vmem>>
          %dma_wait3A_246 = arith.constant 0 : i32
          %dma_wait3A_247 = arith.constant 0 : i32
          %dma_wait3A_248 = tpu.memref_slice %arg11[%dma_wait3A_246, %dma_wait3A_247] : memref<10240x128xf32, #tpu.memory_space<vmem_shared>> -> memref<10240x128xf32, #tpu.memory_space<vmem_shared>>
          tpu.wait_indirect_dma semaphore(%run_scoped3A_236 : memref<!tpu.dma_semaphore, #tpu.memory_space<semaphore_mem>>) src(%arg7 : memref<80x128xf32, #tpu.memory_space<vmem>>) dst(%dma_wait3A_248 : memref<10240x128xf32, #tpu.memory_space<vmem_shared>>)
          tpu.yield
        }) : () -> ()
        %add3A_166 = arith.constant 0 : i32
        %add3A_167 = arith.addi %add3A_155, %add3A_166 : i32
        %add3A_168 = arith.constant 4 : i32
        %add3A_169 = arith.addi %add3A_167, %add3A_168 : i32
        %dma_start3A_170 = arith.constant 0 : i32
        %dma_start3A_171 = tpu.memref_slice %arg5[%add3A_169, %dma_start3A_170] : memref<25x80xi32, #tpu.memory_space<vmem>> -> memref<1x80xi32, #tpu.memory_space<vmem>>
        %dma_start3A_172 = tpu.memref_squeeze %dma_start3A_171 : memref<1x80xi32, #tpu.memory_space<vmem>> -> memref<80xi32, #tpu.memory_space<vmem>>
        %dma_start3A_173 = arith.constant 0 : i32
        %dma_start3A_174 = arith.constant 0 : i32
        %dma_start3A_175 = tpu.memref_slice %arg2[%dma_start3A_173, %dma_start3A_174] : memref<10240x128xf32, #tpu.memory_space<hbm>> -> memref<10240x128xf32, #tpu.memory_space<hbm>>
        tpu.enqueue_indirect_dma source(%dma_start3A_175 : memref<10240x128xf32, #tpu.memory_space<hbm>>) target(%arg7 : memref<80x128xf32, #tpu.memory_space<vmem>>) offsets(%dma_start3A_172 : memref<80xi32, #tpu.memory_space<vmem>>) semaphore(%arg13 : memref<!tpu.dma_semaphore, #tpu.memory_space<semaphore_mem>>)
        %add3A_176 = arith.constant 1 : i32
        %add3A_177 = arith.addi %add3A_155, %add3A_176 : i32
        %dma_wait3A_178 = arith.constant 0 : i32
        %dma_wait3A_179 = tpu.memref_slice %arg5[%add3A_177, %dma_wait3A_178] : memref<25x80xi32, #tpu.memory_space<vmem>> -> memref<1x80xi32, #tpu.memory_space<vmem>>
        %dma_wait3A_180 = tpu.memref_squeeze %dma_wait3A_179 : memref<1x80xi32, #tpu.memory_space<vmem>> -> memref<80xi32, #tpu.memory_space<vmem>>
        %dma_wait3A_181 = arith.constant 0 : i32
        %dma_wait3A_182 = arith.constant 0 : i32
        %dma_wait3A_183 = tpu.memref_slice %arg2[%dma_wait3A_181, %dma_wait3A_182] : memref<10240x128xf32, #tpu.memory_space<hbm>> -> memref<10240x128xf32, #tpu.memory_space<hbm>>
        tpu.wait_indirect_dma semaphore(%arg14 : memref<!tpu.dma_semaphore, #tpu.memory_space<semaphore_mem>>) src(%dma_wait3A_183 : memref<10240x128xf32, #tpu.memory_space<hbm>>) dst(%arg8 : memref<80x128xf32, #tpu.memory_space<vmem>>)
        %add3A_184 = arith.constant 1 : i32
        %add3A_185 = arith.addi %add3A_155, %add3A_184 : i32
        "tpu.region"() ({
          %run_scoped3A_236 = tpu.sem_alloc : memref<!tpu.dma_semaphore, #tpu.memory_space<semaphore_mem>>
          %dma_start3A_237 = arith.constant 0 : i32
          %dma_start3A_238 = tpu.memref_slice %arg6[%add3A_185, %dma_start3A_237] : memref<25x80xi32, #tpu.memory_space<vmem>> -> memref<1x80xi32, #tpu.memory_space<vmem>>
          %dma_start3A_239 = tpu.memref_squeeze %dma_start3A_238 : memref<1x80xi32, #tpu.memory_space<vmem>> -> memref<80xi32, #tpu.memory_space<vmem>>
          %dma_start3A_240 = arith.constant 0 : i32
          %dma_start3A_241 = arith.constant 0 : i32
          %dma_start3A_242 = tpu.memref_slice %arg11[%dma_start3A_240, %dma_start3A_241] : memref<10240x128xf32, #tpu.memory_space<vmem_shared>> -> memref<10240x128xf32, #tpu.memory_space<vmem_shared>>
          tpu.enqueue_indirect_dma source(%arg8 : memref<80x128xf32, #tpu.memory_space<vmem>>) target(%dma_start3A_242 : memref<10240x128xf32, #tpu.memory_space<vmem_shared>>) offsets(%dma_start3A_239 : memref<80xi32, #tpu.memory_space<vmem>>) semaphore(%run_scoped3A_236 : memref<!tpu.dma_semaphore, #tpu.memory_space<semaphore_mem>>) {add = true}
          %dma_wait3A_243 = arith.constant 0 : i32
          %dma_wait3A_244 = tpu.memref_slice %arg6[%add3A_185, %dma_wait3A_243] : memref<25x80xi32, #tpu.memory_space<vmem>> -> memref<1x80xi32, #tpu.memory_space<vmem>>
          %dma_wait3A_245 = tpu.memref_squeeze %dma_wait3A_244 : memref<1x80xi32, #tpu.memory_space<vmem>> -> memref<80xi32, #tpu.memory_space<vmem>>
          %dma_wait3A_246 = arith.constant 0 : i32
          %dma_wait3A_247 = arith.constant 0 : i32
          %dma_wait3A_248 = tpu.memref_slice %arg11[%dma_wait3A_246, %dma_wait3A_247] : memref<10240x128xf32, #tpu.memory_space<vmem_shared>> -> memref<10240x128xf32, #tpu.memory_space<vmem_shared>>
          tpu.wait_indirect_dma semaphore(%run_scoped3A_236 : memref<!tpu.dma_semaphore, #tpu.memory_space<semaphore_mem>>) src(%arg8 : memref<80x128xf32, #tpu.memory_space<vmem>>) dst(%dma_wait3A_248 : memref<10240x128xf32, #tpu.memory_space<vmem_shared>>)
          tpu.yield
        }) : () -> ()
        %add3A_186 = arith.constant 1 : i32
        %add3A_187 = arith.addi %add3A_155, %add3A_186 : i32
        %add3A_188 = arith.constant 4 : i32
        %add3A_189 = arith.addi %add3A_187, %add3A_188 : i32
        %dma_start3A_190 = arith.constant 0 : i32
        %dma_start3A_191 = tpu.memref_slice %arg5[%add3A_189, %dma_start3A_190] : memref<25x80xi32, #tpu.memory_space<vmem>> -> memref<1x80xi32, #tpu.memory_space<vmem>>
        %dma_start3A_192 = tpu.memref_squeeze %dma_start3A_191 : memref<1x80xi32, #tpu.memory_space<vmem>> -> memref<80xi32, #tpu.memory_space<vmem>>
        %dma_start3A_193 = arith.constant 0 : i32
        %dma_start3A_194 = arith.constant 0 : i32
        %dma_start3A_195 = tpu.memref_slice %arg2[%dma_start3A_193, %dma_start3A_194] : memref<10240x128xf32, #tpu.memory_space<hbm>> -> memref<10240x128xf32, #tpu.memory_space<hbm>>
        tpu.enqueue_indirect_dma source(%dma_start3A_195 : memref<10240x128xf32, #tpu.memory_space<hbm>>) target(%arg8 : memref<80x128xf32, #tpu.memory_space<vmem>>) offsets(%dma_start3A_192 : memref<80xi32, #tpu.memory_space<vmem>>) semaphore(%arg14 : memref<!tpu.dma_semaphore, #tpu.memory_space<semaphore_mem>>)
        %add3A_196 = arith.constant 2 : i32
        %add3A_197 = arith.addi %add3A_155, %add3A_196 : i32
        %dma_wait3A_198 = arith.constant 0 : i32
        %dma_wait3A_199 = tpu.memref_slice %arg5[%add3A_197, %dma_wait3A_198] : memref<25x80xi32, #tpu.memory_space<vmem>> -> memref<1x80xi32, #tpu.memory_space<vmem>>
        %dma_wait3A_200 = tpu.memref_squeeze %dma_wait3A_199 : memref<1x80xi32, #tpu.memory_space<vmem>> -> memref<80xi32, #tpu.memory_space<vmem>>
        %dma_wait3A_201 = arith.constant 0 : i32
        %dma_wait3A_202 = arith.constant 0 : i32
        %dma_wait3A_203 = tpu.memref_slice %arg2[%dma_wait3A_201, %dma_wait3A_202] : memref<10240x128xf32, #tpu.memory_space<hbm>> -> memref<10240x128xf32, #tpu.memory_space<hbm>>
        tpu.wait_indirect_dma semaphore(%arg15 : memref<!tpu.dma_semaphore, #tpu.memory_space<semaphore_mem>>) src(%dma_wait3A_203 : memref<10240x128xf32, #tpu.memory_space<hbm>>) dst(%arg9 : memref<80x128xf32, #tpu.memory_space<vmem>>)
        %add3A_204 = arith.constant 2 : i32
        %add3A_205 = arith.addi %add3A_155, %add3A_204 : i32
        "tpu.region"() ({
          %run_scoped3A_236 = tpu.sem_alloc : memref<!tpu.dma_semaphore, #tpu.memory_space<semaphore_mem>>
          %dma_start3A_237 = arith.constant 0 : i32
          %dma_start3A_238 = tpu.memref_slice %arg6[%add3A_205, %dma_start3A_237] : memref<25x80xi32, #tpu.memory_space<vmem>> -> memref<1x80xi32, #tpu.memory_space<vmem>>
          %dma_start3A_239 = tpu.memref_squeeze %dma_start3A_238 : memref<1x80xi32, #tpu.memory_space<vmem>> -> memref<80xi32, #tpu.memory_space<vmem>>
          %dma_start3A_240 = arith.constant 0 : i32
          %dma_start3A_241 = arith.constant 0 : i32
          %dma_start3A_242 = tpu.memref_slice %arg11[%dma_start3A_240, %dma_start3A_241] : memref<10240x128xf32, #tpu.memory_space<vmem_shared>> -> memref<10240x128xf32, #tpu.memory_space<vmem_shared>>
          tpu.enqueue_indirect_dma source(%arg9 : memref<80x128xf32, #tpu.memory_space<vmem>>) target(%dma_start3A_242 : memref<10240x128xf32, #tpu.memory_space<vmem_shared>>) offsets(%dma_start3A_239 : memref<80xi32, #tpu.memory_space<vmem>>) semaphore(%run_scoped3A_236 : memref<!tpu.dma_semaphore, #tpu.memory_space<semaphore_mem>>) {add = true}
          %dma_wait3A_243 = arith.constant 0 : i32
          %dma_wait3A_244 = tpu.memref_slice %arg6[%add3A_205, %dma_wait3A_243] : memref<25x80xi32, #tpu.memory_space<vmem>> -> memref<1x80xi32, #tpu.memory_space<vmem>>
          %dma_wait3A_245 = tpu.memref_squeeze %dma_wait3A_244 : memref<1x80xi32, #tpu.memory_space<vmem>> -> memref<80xi32, #tpu.memory_space<vmem>>
          %dma_wait3A_246 = arith.constant 0 : i32
          %dma_wait3A_247 = arith.constant 0 : i32
          %dma_wait3A_248 = tpu.memref_slice %arg11[%dma_wait3A_246, %dma_wait3A_247] : memref<10240x128xf32, #tpu.memory_space<vmem_shared>> -> memref<10240x128xf32, #tpu.memory_space<vmem_shared>>
          tpu.wait_indirect_dma semaphore(%run_scoped3A_236 : memref<!tpu.dma_semaphore, #tpu.memory_space<semaphore_mem>>) src(%arg9 : memref<80x128xf32, #tpu.memory_space<vmem>>) dst(%dma_wait3A_248 : memref<10240x128xf32, #tpu.memory_space<vmem_shared>>)
          tpu.yield
        }) : () -> ()
        %add3A_206 = arith.constant 2 : i32
        %add3A_207 = arith.addi %add3A_155, %add3A_206 : i32
        %add3A_208 = arith.constant 4 : i32
        %add3A_209 = arith.addi %add3A_207, %add3A_208 : i32
        %dma_start3A_210 = arith.constant 0 : i32
        %dma_start3A_211 = tpu.memref_slice %arg5[%add3A_209, %dma_start3A_210] : memref<25x80xi32, #tpu.memory_space<vmem>> -> memref<1x80xi32, #tpu.memory_space<vmem>>
        %dma_start3A_212 = tpu.memref_squeeze %dma_start3A_211 : memref<1x80xi32, #tpu.memory_space<vmem>> -> memref<80xi32, #tpu.memory_space<vmem>>
        %dma_start3A_213 = arith.constant 0 : i32
        %dma_start3A_214 = arith.constant 0 : i32
        %dma_start3A_215 = tpu.memref_slice %arg2[%dma_start3A_213, %dma_start3A_214] : memref<10240x128xf32, #tpu.memory_space<hbm>> -> memref<10240x128xf32, #tpu.memory_space<hbm>>
        tpu.enqueue_indirect_dma source(%dma_start3A_215 : memref<10240x128xf32, #tpu.memory_space<hbm>>) target(%arg9 : memref<80x128xf32, #tpu.memory_space<vmem>>) offsets(%dma_start3A_212 : memref<80xi32, #tpu.memory_space<vmem>>) semaphore(%arg15 : memref<!tpu.dma_semaphore, #tpu.memory_space<semaphore_mem>>)
        %add3A_216 = arith.constant 3 : i32
        %add3A_217 = arith.addi %add3A_155, %add3A_216 : i32
        %dma_wait3A_218 = arith.constant 0 : i32
        %dma_wait3A_219 = tpu.memref_slice %arg5[%add3A_217, %dma_wait3A_218] : memref<25x80xi32, #tpu.memory_space<vmem>> -> memref<1x80xi32, #tpu.memory_space<vmem>>
        %dma_wait3A_220 = tpu.memref_squeeze %dma_wait3A_219 : memref<1x80xi32, #tpu.memory_space<vmem>> -> memref<80xi32, #tpu.memory_space<vmem>>
        %dma_wait3A_221 = arith.constant 0 : i32
        %dma_wait3A_222 = arith.constant 0 : i32
        %dma_wait3A_223 = tpu.memref_slice %arg2[%dma_wait3A_221, %dma_wait3A_222] : memref<10240x128xf32, #tpu.memory_space<hbm>> -> memref<10240x128xf32, #tpu.memory_space<hbm>>
        tpu.wait_indirect_dma semaphore(%arg16 : memref<!tpu.dma_semaphore, #tpu.memory_space<semaphore_mem>>) src(%dma_wait3A_223 : memref<10240x128xf32, #tpu.memory_space<hbm>>) dst(%arg10 : memref<80x128xf32, #tpu.memory_space<vmem>>)
        %add3A_224 = arith.constant 3 : i32
        %add3A_225 = arith.addi %add3A_155, %add3A_224 : i32
        "tpu.region"() ({
          %run_scoped3A_236 = tpu.sem_alloc : memref<!tpu.dma_semaphore, #tpu.memory_space<semaphore_mem>>
          %dma_start3A_237 = arith.constant 0 : i32
          %dma_start3A_238 = tpu.memref_slice %arg6[%add3A_225, %dma_start3A_237] : memref<25x80xi32, #tpu.memory_space<vmem>> -> memref<1x80xi32, #tpu.memory_space<vmem>>
          %dma_start3A_239 = tpu.memref_squeeze %dma_start3A_238 : memref<1x80xi32, #tpu.memory_space<vmem>> -> memref<80xi32, #tpu.memory_space<vmem>>
          %dma_start3A_240 = arith.constant 0 : i32
          %dma_start3A_241 = arith.constant 0 : i32
          %dma_start3A_242 = tpu.memref_slice %arg11[%dma_start3A_240, %dma_start3A_241] : memref<10240x128xf32, #tpu.memory_space<vmem_shared>> -> memref<10240x128xf32, #tpu.memory_space<vmem_shared>>
          tpu.enqueue_indirect_dma source(%arg10 : memref<80x128xf32, #tpu.memory_space<vmem>>) target(%dma_start3A_242 : memref<10240x128xf32, #tpu.memory_space<vmem_shared>>) offsets(%dma_start3A_239 : memref<80xi32, #tpu.memory_space<vmem>>) semaphore(%run_scoped3A_236 : memref<!tpu.dma_semaphore, #tpu.memory_space<semaphore_mem>>) {add = true}
          %dma_wait3A_243 = arith.constant 0 : i32
          %dma_wait3A_244 = tpu.memref_slice %arg6[%add3A_225, %dma_wait3A_243] : memref<25x80xi32, #tpu.memory_space<vmem>> -> memref<1x80xi32, #tpu.memory_space<vmem>>
          %dma_wait3A_245 = tpu.memref_squeeze %dma_wait3A_244 : memref<1x80xi32, #tpu.memory_space<vmem>> -> memref<80xi32, #tpu.memory_space<vmem>>
          %dma_wait3A_246 = arith.constant 0 : i32
          %dma_wait3A_247 = arith.constant 0 : i32
          %dma_wait3A_248 = tpu.memref_slice %arg11[%dma_wait3A_246, %dma_wait3A_247] : memref<10240x128xf32, #tpu.memory_space<vmem_shared>> -> memref<10240x128xf32, #tpu.memory_space<vmem_shared>>
          tpu.wait_indirect_dma semaphore(%run_scoped3A_236 : memref<!tpu.dma_semaphore, #tpu.memory_space<semaphore_mem>>) src(%arg10 : memref<80x128xf32, #tpu.memory_space<vmem>>) dst(%dma_wait3A_248 : memref<10240x128xf32, #tpu.memory_space<vmem_shared>>)
          tpu.yield
        }) : () -> ()
        %add3A_226 = arith.constant 3 : i32
        %add3A_227 = arith.addi %add3A_155, %add3A_226 : i32
        %add3A_228 = arith.constant 4 : i32
        %add3A_229 = arith.addi %add3A_227, %add3A_228 : i32
        %dma_start3A_230 = arith.constant 0 : i32
        %dma_start3A_231 = tpu.memref_slice %arg5[%add3A_229, %dma_start3A_230] : memref<25x80xi32, #tpu.memory_space<vmem>> -> memref<1x80xi32, #tpu.memory_space<vmem>>
        %dma_start3A_232 = tpu.memref_squeeze %dma_start3A_231 : memref<1x80xi32, #tpu.memory_space<vmem>> -> memref<80xi32, #tpu.memory_space<vmem>>
        %dma_start3A_233 = arith.constant 0 : i32
        %dma_start3A_234 = arith.constant 0 : i32
        %dma_start3A_235 = tpu.memref_slice %arg2[%dma_start3A_233, %dma_start3A_234] : memref<10240x128xf32, #tpu.memory_space<hbm>> -> memref<10240x128xf32, #tpu.memory_space<hbm>>
        tpu.enqueue_indirect_dma source(%dma_start3A_235 : memref<10240x128xf32, #tpu.memory_space<hbm>>) target(%arg10 : memref<80x128xf32, #tpu.memory_space<vmem>>) offsets(%dma_start3A_232 : memref<80xi32, #tpu.memory_space<vmem>>) semaphore(%arg16 : memref<!tpu.dma_semaphore, #tpu.memory_space<semaphore_mem>>)
      }
      %scan3A_98 = arith.constant 5 : i32
      %dma_wait3A_99 = arith.constant 20 : i32
      %dma_wait3A_100 = arith.constant 0 : i32
      %dma_wait3A_101 = tpu.memref_slice %arg5[%dma_wait3A_99, %dma_wait3A_100] : memref<25x80xi32, #tpu.memory_space<vmem>> -> memref<1x80xi32, #tpu.memory_space<vmem>>
      %dma_wait3A_102 = tpu.memref_squeeze %dma_wait3A_101 : memref<1x80xi32, #tpu.memory_space<vmem>> -> memref<80xi32, #tpu.memory_space<vmem>>
      %dma_wait3A_103 = arith.constant 0 : i32
      %dma_wait3A_104 = arith.constant 0 : i32
      %dma_wait3A_105 = tpu.memref_slice %arg2[%dma_wait3A_103, %dma_wait3A_104] : memref<10240x128xf32, #tpu.memory_space<hbm>> -> memref<10240x128xf32, #tpu.memory_space<hbm>>
      tpu.wait_indirect_dma semaphore(%arg13 : memref<!tpu.dma_semaphore, #tpu.memory_space<semaphore_mem>>) src(%dma_wait3A_105 : memref<10240x128xf32, #tpu.memory_space<hbm>>) dst(%arg7 : memref<80x128xf32, #tpu.memory_space<vmem>>)
      %run_scoped3A = arith.constant 20 : i32
      "tpu.region"() ({
        %run_scoped3A_151 = tpu.sem_alloc : memref<!tpu.dma_semaphore, #tpu.memory_space<semaphore_mem>>
        %dma_start3A_152 = arith.constant 0 : i32
        %dma_start3A_153 = tpu.memref_slice %arg6[%run_scoped3A, %dma_start3A_152] : memref<25x80xi32, #tpu.memory_space<vmem>> -> memref<1x80xi32, #tpu.memory_space<vmem>>
        %dma_start3A_154 = tpu.memref_squeeze %dma_start3A_153 : memref<1x80xi32, #tpu.memory_space<vmem>> -> memref<80xi32, #tpu.memory_space<vmem>>
        %dma_start3A_155 = arith.constant 0 : i32
        %dma_start3A_156 = arith.constant 0 : i32
        %dma_start3A_157 = tpu.memref_slice %arg11[%dma_start3A_155, %dma_start3A_156] : memref<10240x128xf32, #tpu.memory_space<vmem_shared>> -> memref<10240x128xf32, #tpu.memory_space<vmem_shared>>
        tpu.enqueue_indirect_dma source(%arg7 : memref<80x128xf32, #tpu.memory_space<vmem>>) target(%dma_start3A_157 : memref<10240x128xf32, #tpu.memory_space<vmem_shared>>) offsets(%dma_start3A_154 : memref<80xi32, #tpu.memory_space<vmem>>) semaphore(%run_scoped3A_151 : memref<!tpu.dma_semaphore, #tpu.memory_space<semaphore_mem>>) {add = true}
        %dma_wait3A_158 = arith.constant 0 : i32
        %dma_wait3A_159 = tpu.memref_slice %arg6[%run_scoped3A, %dma_wait3A_158] : memref<25x80xi32, #tpu.memory_space<vmem>> -> memref<1x80xi32, #tpu.memory_space<vmem>>
        %dma_wait3A_160 = tpu.memref_squeeze %dma_wait3A_159 : memref<1x80xi32, #tpu.memory_space<vmem>> -> memref<80xi32, #tpu.memory_space<vmem>>
        %dma_wait3A_161 = arith.constant 0 : i32
        %dma_wait3A_162 = arith.constant 0 : i32
        %dma_wait3A_163 = tpu.memref_slice %arg11[%dma_wait3A_161, %dma_wait3A_162] : memref<10240x128xf32, #tpu.memory_space<vmem_shared>> -> memref<10240x128xf32, #tpu.memory_space<vmem_shared>>
        tpu.wait_indirect_dma semaphore(%run_scoped3A_151 : memref<!tpu.dma_semaphore, #tpu.memory_space<semaphore_mem>>) src(%arg7 : memref<80x128xf32, #tpu.memory_space<vmem>>) dst(%dma_wait3A_163 : memref<10240x128xf32, #tpu.memory_space<vmem_shared>>)
        tpu.yield
      }) : () -> ()
      %dma_start3A_106 = arith.constant 24 : i32
      %dma_start3A_107 = arith.constant 0 : i32
      %dma_start3A_108 = tpu.memref_slice %arg5[%dma_start3A_106, %dma_start3A_107] : memref<25x80xi32, #tpu.memory_space<vmem>> -> memref<1x80xi32, #tpu.memory_space<vmem>>
      %dma_start3A_109 = tpu.memref_squeeze %dma_start3A_108 : memref<1x80xi32, #tpu.memory_space<vmem>> -> memref<80xi32, #tpu.memory_space<vmem>>
      %dma_start3A_110 = arith.constant 0 : i32
      %dma_start3A_111 = arith.constant 0 : i32
      %dma_start3A_112 = tpu.memref_slice %arg2[%dma_start3A_110, %dma_start3A_111] : memref<10240x128xf32, #tpu.memory_space<hbm>> -> memref<10240x128xf32, #tpu.memory_space<hbm>>
      tpu.enqueue_indirect_dma source(%dma_start3A_112 : memref<10240x128xf32, #tpu.memory_space<hbm>>) target(%arg7 : memref<80x128xf32, #tpu.memory_space<vmem>>) offsets(%dma_start3A_109 : memref<80xi32, #tpu.memory_space<vmem>>) semaphore(%arg13 : memref<!tpu.dma_semaphore, #tpu.memory_space<semaphore_mem>>)
      %dma_wait3A_113 = arith.constant 21 : i32
      %dma_wait3A_114 = arith.constant 0 : i32
      %dma_wait3A_115 = tpu.memref_slice %arg5[%dma_wait3A_113, %dma_wait3A_114] : memref<25x80xi32, #tpu.memory_space<vmem>> -> memref<1x80xi32, #tpu.memory_space<vmem>>
      %dma_wait3A_116 = tpu.memref_squeeze %dma_wait3A_115 : memref<1x80xi32, #tpu.memory_space<vmem>> -> memref<80xi32, #tpu.memory_space<vmem>>
      %dma_wait3A_117 = arith.constant 0 : i32
      %dma_wait3A_118 = arith.constant 0 : i32
      %dma_wait3A_119 = tpu.memref_slice %arg2[%dma_wait3A_117, %dma_wait3A_118] : memref<10240x128xf32, #tpu.memory_space<hbm>> -> memref<10240x128xf32, #tpu.memory_space<hbm>>
      tpu.wait_indirect_dma semaphore(%arg14 : memref<!tpu.dma_semaphore, #tpu.memory_space<semaphore_mem>>) src(%dma_wait3A_119 : memref<10240x128xf32, #tpu.memory_space<hbm>>) dst(%arg8 : memref<80x128xf32, #tpu.memory_space<vmem>>)
      %run_scoped3A_120 = arith.constant 21 : i32
      "tpu.region"() ({
        %run_scoped3A_151 = tpu.sem_alloc : memref<!tpu.dma_semaphore, #tpu.memory_space<semaphore_mem>>
        %dma_start3A_152 = arith.constant 0 : i32
        %dma_start3A_153 = tpu.memref_slice %arg6[%run_scoped3A_120, %dma_start3A_152] : memref<25x80xi32, #tpu.memory_space<vmem>> -> memref<1x80xi32, #tpu.memory_space<vmem>>
        %dma_start3A_154 = tpu.memref_squeeze %dma_start3A_153 : memref<1x80xi32, #tpu.memory_space<vmem>> -> memref<80xi32, #tpu.memory_space<vmem>>
        %dma_start3A_155 = arith.constant 0 : i32
        %dma_start3A_156 = arith.constant 0 : i32
        %dma_start3A_157 = tpu.memref_slice %arg11[%dma_start3A_155, %dma_start3A_156] : memref<10240x128xf32, #tpu.memory_space<vmem_shared>> -> memref<10240x128xf32, #tpu.memory_space<vmem_shared>>
        tpu.enqueue_indirect_dma source(%arg8 : memref<80x128xf32, #tpu.memory_space<vmem>>) target(%dma_start3A_157 : memref<10240x128xf32, #tpu.memory_space<vmem_shared>>) offsets(%dma_start3A_154 : memref<80xi32, #tpu.memory_space<vmem>>) semaphore(%run_scoped3A_151 : memref<!tpu.dma_semaphore, #tpu.memory_space<semaphore_mem>>) {add = true}
        %dma_wait3A_158 = arith.constant 0 : i32
        %dma_wait3A_159 = tpu.memref_slice %arg6[%run_scoped3A_120, %dma_wait3A_158] : memref<25x80xi32, #tpu.memory_space<vmem>> -> memref<1x80xi32, #tpu.memory_space<vmem>>
        %dma_wait3A_160 = tpu.memref_squeeze %dma_wait3A_159 : memref<1x80xi32, #tpu.memory_space<vmem>> -> memref<80xi32, #tpu.memory_space<vmem>>
        %dma_wait3A_161 = arith.constant 0 : i32
        %dma_wait3A_162 = arith.constant 0 : i32
        %dma_wait3A_163 = tpu.memref_slice %arg11[%dma_wait3A_161, %dma_wait3A_162] : memref<10240x128xf32, #tpu.memory_space<vmem_shared>> -> memref<10240x128xf32, #tpu.memory_space<vmem_shared>>
        tpu.wait_indirect_dma semaphore(%run_scoped3A_151 : memref<!tpu.dma_semaphore, #tpu.memory_space<semaphore_mem>>) src(%arg8 : memref<80x128xf32, #tpu.memory_space<vmem>>) dst(%dma_wait3A_163 : memref<10240x128xf32, #tpu.memory_space<vmem_shared>>)
        tpu.yield
      }) : () -> ()
      %dma_wait3A_121 = arith.constant 22 : i32
      %dma_wait3A_122 = arith.constant 0 : i32
      %dma_wait3A_123 = tpu.memref_slice %arg5[%dma_wait3A_121, %dma_wait3A_122] : memref<25x80xi32, #tpu.memory_space<vmem>> -> memref<1x80xi32, #tpu.memory_space<vmem>>
      %dma_wait3A_124 = tpu.memref_squeeze %dma_wait3A_123 : memref<1x80xi32, #tpu.memory_space<vmem>> -> memref<80xi32, #tpu.memory_space<vmem>>
      %dma_wait3A_125 = arith.constant 0 : i32
      %dma_wait3A_126 = arith.constant 0 : i32
      %dma_wait3A_127 = tpu.memref_slice %arg2[%dma_wait3A_125, %dma_wait3A_126] : memref<10240x128xf32, #tpu.memory_space<hbm>> -> memref<10240x128xf32, #tpu.memory_space<hbm>>
      tpu.wait_indirect_dma semaphore(%arg15 : memref<!tpu.dma_semaphore, #tpu.memory_space<semaphore_mem>>) src(%dma_wait3A_127 : memref<10240x128xf32, #tpu.memory_space<hbm>>) dst(%arg9 : memref<80x128xf32, #tpu.memory_space<vmem>>)
      %run_scoped3A_128 = arith.constant 22 : i32
      "tpu.region"() ({
        %run_scoped3A_151 = tpu.sem_alloc : memref<!tpu.dma_semaphore, #tpu.memory_space<semaphore_mem>>
        %dma_start3A_152 = arith.constant 0 : i32
        %dma_start3A_153 = tpu.memref_slice %arg6[%run_scoped3A_128, %dma_start3A_152] : memref<25x80xi32, #tpu.memory_space<vmem>> -> memref<1x80xi32, #tpu.memory_space<vmem>>
        %dma_start3A_154 = tpu.memref_squeeze %dma_start3A_153 : memref<1x80xi32, #tpu.memory_space<vmem>> -> memref<80xi32, #tpu.memory_space<vmem>>
        %dma_start3A_155 = arith.constant 0 : i32
        %dma_start3A_156 = arith.constant 0 : i32
        %dma_start3A_157 = tpu.memref_slice %arg11[%dma_start3A_155, %dma_start3A_156] : memref<10240x128xf32, #tpu.memory_space<vmem_shared>> -> memref<10240x128xf32, #tpu.memory_space<vmem_shared>>
        tpu.enqueue_indirect_dma source(%arg9 : memref<80x128xf32, #tpu.memory_space<vmem>>) target(%dma_start3A_157 : memref<10240x128xf32, #tpu.memory_space<vmem_shared>>) offsets(%dma_start3A_154 : memref<80xi32, #tpu.memory_space<vmem>>) semaphore(%run_scoped3A_151 : memref<!tpu.dma_semaphore, #tpu.memory_space<semaphore_mem>>) {add = true}
        %dma_wait3A_158 = arith.constant 0 : i32
        %dma_wait3A_159 = tpu.memref_slice %arg6[%run_scoped3A_128, %dma_wait3A_158] : memref<25x80xi32, #tpu.memory_space<vmem>> -> memref<1x80xi32, #tpu.memory_space<vmem>>
        %dma_wait3A_160 = tpu.memref_squeeze %dma_wait3A_159 : memref<1x80xi32, #tpu.memory_space<vmem>> -> memref<80xi32, #tpu.memory_space<vmem>>
        %dma_wait3A_161 = arith.constant 0 : i32
        %dma_wait3A_162 = arith.constant 0 : i32
        %dma_wait3A_163 = tpu.memref_slice %arg11[%dma_wait3A_161, %dma_wait3A_162] : memref<10240x128xf32, #tpu.memory_space<vmem_shared>> -> memref<10240x128xf32, #tpu.memory_space<vmem_shared>>
        tpu.wait_indirect_dma semaphore(%run_scoped3A_151 : memref<!tpu.dma_semaphore, #tpu.memory_space<semaphore_mem>>) src(%arg9 : memref<80x128xf32, #tpu.memory_space<vmem>>) dst(%dma_wait3A_163 : memref<10240x128xf32, #tpu.memory_space<vmem_shared>>)
        tpu.yield
      }) : () -> ()
      %dma_wait3A_129 = arith.constant 23 : i32
      %dma_wait3A_130 = arith.constant 0 : i32
      %dma_wait3A_131 = tpu.memref_slice %arg5[%dma_wait3A_129, %dma_wait3A_130] : memref<25x80xi32, #tpu.memory_space<vmem>> -> memref<1x80xi32, #tpu.memory_space<vmem>>
      %dma_wait3A_132 = tpu.memref_squeeze %dma_wait3A_131 : memref<1x80xi32, #tpu.memory_space<vmem>> -> memref<80xi32, #tpu.memory_space<vmem>>
      %dma_wait3A_133 = arith.constant 0 : i32
      %dma_wait3A_134 = arith.constant 0 : i32
      %dma_wait3A_135 = tpu.memref_slice %arg2[%dma_wait3A_133, %dma_wait3A_134] : memref<10240x128xf32, #tpu.memory_space<hbm>> -> memref<10240x128xf32, #tpu.memory_space<hbm>>
      tpu.wait_indirect_dma semaphore(%arg16 : memref<!tpu.dma_semaphore, #tpu.memory_space<semaphore_mem>>) src(%dma_wait3A_135 : memref<10240x128xf32, #tpu.memory_space<hbm>>) dst(%arg10 : memref<80x128xf32, #tpu.memory_space<vmem>>)
      %run_scoped3A_136 = arith.constant 23 : i32
      "tpu.region"() ({
        %run_scoped3A_151 = tpu.sem_alloc : memref<!tpu.dma_semaphore, #tpu.memory_space<semaphore_mem>>
        %dma_start3A_152 = arith.constant 0 : i32
        %dma_start3A_153 = tpu.memref_slice %arg6[%run_scoped3A_136, %dma_start3A_152] : memref<25x80xi32, #tpu.memory_space<vmem>> -> memref<1x80xi32, #tpu.memory_space<vmem>>
        %dma_start3A_154 = tpu.memref_squeeze %dma_start3A_153 : memref<1x80xi32, #tpu.memory_space<vmem>> -> memref<80xi32, #tpu.memory_space<vmem>>
        %dma_start3A_155 = arith.constant 0 : i32
        %dma_start3A_156 = arith.constant 0 : i32
        %dma_start3A_157 = tpu.memref_slice %arg11[%dma_start3A_155, %dma_start3A_156] : memref<10240x128xf32, #tpu.memory_space<vmem_shared>> -> memref<10240x128xf32, #tpu.memory_space<vmem_shared>>
        tpu.enqueue_indirect_dma source(%arg10 : memref<80x128xf32, #tpu.memory_space<vmem>>) target(%dma_start3A_157 : memref<10240x128xf32, #tpu.memory_space<vmem_shared>>) offsets(%dma_start3A_154 : memref<80xi32, #tpu.memory_space<vmem>>) semaphore(%run_scoped3A_151 : memref<!tpu.dma_semaphore, #tpu.memory_space<semaphore_mem>>) {add = true}
        %dma_wait3A_158 = arith.constant 0 : i32
        %dma_wait3A_159 = tpu.memref_slice %arg6[%run_scoped3A_136, %dma_wait3A_158] : memref<25x80xi32, #tpu.memory_space<vmem>> -> memref<1x80xi32, #tpu.memory_space<vmem>>
        %dma_wait3A_160 = tpu.memref_squeeze %dma_wait3A_159 : memref<1x80xi32, #tpu.memory_space<vmem>> -> memref<80xi32, #tpu.memory_space<vmem>>
        %dma_wait3A_161 = arith.constant 0 : i32
        %dma_wait3A_162 = arith.constant 0 : i32
        %dma_wait3A_163 = tpu.memref_slice %arg11[%dma_wait3A_161, %dma_wait3A_162] : memref<10240x128xf32, #tpu.memory_space<vmem_shared>> -> memref<10240x128xf32, #tpu.memory_space<vmem_shared>>
        tpu.wait_indirect_dma semaphore(%run_scoped3A_151 : memref<!tpu.dma_semaphore, #tpu.memory_space<semaphore_mem>>) src(%arg10 : memref<80x128xf32, #tpu.memory_space<vmem>>) dst(%dma_wait3A_163 : memref<10240x128xf32, #tpu.memory_space<vmem_shared>>)
        tpu.yield
      }) : () -> ()
      %dma_wait3A_137 = arith.constant 24 : i32
      %dma_wait3A_138 = arith.constant 0 : i32
      %dma_wait3A_139 = tpu.memref_slice %arg5[%dma_wait3A_137, %dma_wait3A_138] : memref<25x80xi32, #tpu.memory_space<vmem>> -> memref<1x80xi32, #tpu.memory_space<vmem>>
      %dma_wait3A_140 = tpu.memref_squeeze %dma_wait3A_139 : memref<1x80xi32, #tpu.memory_space<vmem>> -> memref<80xi32, #tpu.memory_space<vmem>>
      %dma_wait3A_141 = arith.constant 0 : i32
      %dma_wait3A_142 = arith.constant 0 : i32
      %dma_wait3A_143 = tpu.memref_slice %arg2[%dma_wait3A_141, %dma_wait3A_142] : memref<10240x128xf32, #tpu.memory_space<hbm>> -> memref<10240x128xf32, #tpu.memory_space<hbm>>
      tpu.wait_indirect_dma semaphore(%arg13 : memref<!tpu.dma_semaphore, #tpu.memory_space<semaphore_mem>>) src(%dma_wait3A_143 : memref<10240x128xf32, #tpu.memory_space<hbm>>) dst(%arg7 : memref<80x128xf32, #tpu.memory_space<vmem>>)
      %run_scoped3A_144 = arith.constant 24 : i32
      "tpu.region"() ({
        %run_scoped3A_151 = tpu.sem_alloc : memref<!tpu.dma_semaphore, #tpu.memory_space<semaphore_mem>>
        %dma_start3A_152 = arith.constant 0 : i32
        %dma_start3A_153 = tpu.memref_slice %arg6[%run_scoped3A_144, %dma_start3A_152] : memref<25x80xi32, #tpu.memory_space<vmem>> -> memref<1x80xi32, #tpu.memory_space<vmem>>
        %dma_start3A_154 = tpu.memref_squeeze %dma_start3A_153 : memref<1x80xi32, #tpu.memory_space<vmem>> -> memref<80xi32, #tpu.memory_space<vmem>>
        %dma_start3A_155 = arith.constant 0 : i32
        %dma_start3A_156 = arith.constant 0 : i32
        %dma_start3A_157 = tpu.memref_slice %arg11[%dma_start3A_155, %dma_start3A_156] : memref<10240x128xf32, #tpu.memory_space<vmem_shared>> -> memref<10240x128xf32, #tpu.memory_space<vmem_shared>>
        tpu.enqueue_indirect_dma source(%arg7 : memref<80x128xf32, #tpu.memory_space<vmem>>) target(%dma_start3A_157 : memref<10240x128xf32, #tpu.memory_space<vmem_shared>>) offsets(%dma_start3A_154 : memref<80xi32, #tpu.memory_space<vmem>>) semaphore(%run_scoped3A_151 : memref<!tpu.dma_semaphore, #tpu.memory_space<semaphore_mem>>) {add = true}
        %dma_wait3A_158 = arith.constant 0 : i32
        %dma_wait3A_159 = tpu.memref_slice %arg6[%run_scoped3A_144, %dma_wait3A_158] : memref<25x80xi32, #tpu.memory_space<vmem>> -> memref<1x80xi32, #tpu.memory_space<vmem>>
        %dma_wait3A_160 = tpu.memref_squeeze %dma_wait3A_159 : memref<1x80xi32, #tpu.memory_space<vmem>> -> memref<80xi32, #tpu.memory_space<vmem>>
        %dma_wait3A_161 = arith.constant 0 : i32
        %dma_wait3A_162 = arith.constant 0 : i32
        %dma_wait3A_163 = tpu.memref_slice %arg11[%dma_wait3A_161, %dma_wait3A_162] : memref<10240x128xf32, #tpu.memory_space<vmem_shared>> -> memref<10240x128xf32, #tpu.memory_space<vmem_shared>>
        tpu.wait_indirect_dma semaphore(%run_scoped3A_151 : memref<!tpu.dma_semaphore, #tpu.memory_space<semaphore_mem>>) src(%arg7 : memref<80x128xf32, #tpu.memory_space<vmem>>) dst(%dma_wait3A_163 : memref<10240x128xf32, #tpu.memory_space<vmem_shared>>)
        tpu.yield
      }) : () -> ()
      %add3A_145 = arith.constant 1 : i32
      %add3A_146 = arith.addi %add3A_91, %add3A_145 : i32
      %lt3A = arith.constant 5 : i32
      %lt3A_147 = arith.cmpi slt, %add3A_146, %lt3A : i32
      %convert_element_type3A_148 = arith.extui %lt3A_147 : i1 to i32
      %cond3A_149 = arith.constant 0 : i32
      %cond3A_150 = arith.cmpi ne, %convert_element_type3A_148, %cond3A_149 : i32
      scf.if %cond3A_150 {
        %add3A_151 = arith.constant 1 : i32
        %add3A_152 = arith.addi %add3A_91, %add3A_151 : i32
        %run_scoped3A_153 = arith.constant 0 : i32
        "tpu.region"() ({
          %run_scoped3A_157 = tpu.sem_alloc : memref<!tpu.dma_semaphore, #tpu.memory_space<semaphore_mem>>
          %dma_start3A_158 = arith.constant 0 : i32
          %dma_start3A_159 = arith.constant 0 : i32
          %dma_start3A_160 = tpu.memref_slice %arg3[%run_scoped3A_153, %add3A, %add3A_152, %dma_start3A_158, %dma_start3A_159] : memref<2x32x5x25x80xi32, #tpu.memory_space<hbm>> -> memref<1x1x1x25x80xi32, #tpu.memory_space<hbm>>
          %dma_start3A_161 = tpu.memref_squeeze %dma_start3A_160 : memref<1x1x1x25x80xi32, #tpu.memory_space<hbm>> -> memref<25x80xi32, #tpu.memory_space<hbm>>
          %dma_start3A_162 = arith.constant 0 : i32
          %dma_start3A_163 = arith.constant 0 : i32
          %dma_start3A_164 = tpu.memref_slice %arg3[%run_scoped3A_153, %add3A, %add3A_152, %dma_start3A_162, %dma_start3A_163] : memref<2x32x5x25x80xi32, #tpu.memory_space<hbm>> -> memref<1x1x1x25x80xi32, #tpu.memory_space<hbm>>
          %dma_start3A_165 = tpu.memref_squeeze %dma_start3A_164 : memref<1x1x1x25x80xi32, #tpu.memory_space<hbm>> -> memref<25x80xi32, #tpu.memory_space<hbm>>
          tpu.enqueue_dma source(%dma_start3A_165 : memref<25x80xi32, #tpu.memory_space<hbm>>) target(%arg5 : memref<25x80xi32, #tpu.memory_space<vmem>>) target_semaphore(%run_scoped3A_157 : memref<!tpu.dma_semaphore, #tpu.memory_space<semaphore_mem>>)
          %dma_wait3A_166 = arith.constant 0 : i32
          %dma_wait3A_167 = arith.constant 0 : i32
          %dma_wait3A_168 = tpu.memref_slice %arg3[%run_scoped3A_153, %add3A, %add3A_152, %dma_wait3A_166, %dma_wait3A_167] : memref<2x32x5x25x80xi32, #tpu.memory_space<hbm>> -> memref<1x1x1x25x80xi32, #tpu.memory_space<hbm>>
          %dma_wait3A_169 = tpu.memref_squeeze %dma_wait3A_168 : memref<1x1x1x25x80xi32, #tpu.memory_space<hbm>> -> memref<25x80xi32, #tpu.memory_space<hbm>>
          %dma_wait3A_170 = arith.constant 0 : i32
          %dma_wait3A_171 = arith.constant 0 : i32
          %dma_wait3A_172 = tpu.memref_slice %arg3[%run_scoped3A_153, %add3A, %add3A_152, %dma_wait3A_170, %dma_wait3A_171] : memref<2x32x5x25x80xi32, #tpu.memory_space<hbm>> -> memref<1x1x1x25x80xi32, #tpu.memory_space<hbm>>
          %dma_wait3A_173 = tpu.memref_squeeze %dma_wait3A_172 : memref<1x1x1x25x80xi32, #tpu.memory_space<hbm>> -> memref<25x80xi32, #tpu.memory_space<hbm>>
          tpu.wait_dma2 semaphore(%run_scoped3A_157 : memref<!tpu.dma_semaphore, #tpu.memory_space<semaphore_mem>>) src(%dma_wait3A_173 : memref<25x80xi32, #tpu.memory_space<hbm>>) dst(%arg5 : memref<25x80xi32, #tpu.memory_space<vmem>>)
          tpu.yield
        }) : () -> ()
        %add3A_154 = arith.constant 1 : i32
        %add3A_155 = arith.addi %add3A_91, %add3A_154 : i32
        %run_scoped3A_156 = arith.constant 1 : i32
        "tpu.region"() ({
          %run_scoped3A_157 = tpu.sem_alloc : memref<!tpu.dma_semaphore, #tpu.memory_space<semaphore_mem>>
          %dma_start3A_158 = arith.constant 0 : i32
          %dma_start3A_159 = arith.constant 0 : i32
          %dma_start3A_160 = tpu.memref_slice %arg3[%run_scoped3A_156, %add3A, %add3A_155, %dma_start3A_158, %dma_start3A_159] : memref<2x32x5x25x80xi32, #tpu.memory_space<hbm>> -> memref<1x1x1x25x80xi32, #tpu.memory_space<hbm>>
          %dma_start3A_161 = tpu.memref_squeeze %dma_start3A_160 : memref<1x1x1x25x80xi32, #tpu.memory_space<hbm>> -> memref<25x80xi32, #tpu.memory_space<hbm>>
          %dma_start3A_162 = arith.constant 0 : i32
          %dma_start3A_163 = arith.constant 0 : i32
          %dma_start3A_164 = tpu.memref_slice %arg3[%run_scoped3A_156, %add3A, %add3A_155, %dma_start3A_162, %dma_start3A_163] : memref<2x32x5x25x80xi32, #tpu.memory_space<hbm>> -> memref<1x1x1x25x80xi32, #tpu.memory_space<hbm>>
          %dma_start3A_165 = tpu.memref_squeeze %dma_start3A_164 : memref<1x1x1x25x80xi32, #tpu.memory_space<hbm>> -> memref<25x80xi32, #tpu.memory_space<hbm>>
          tpu.enqueue_dma source(%dma_start3A_165 : memref<25x80xi32, #tpu.memory_space<hbm>>) target(%arg6 : memref<25x80xi32, #tpu.memory_space<vmem>>) target_semaphore(%run_scoped3A_157 : memref<!tpu.dma_semaphore, #tpu.memory_space<semaphore_mem>>)
          %dma_wait3A_166 = arith.constant 0 : i32
          %dma_wait3A_167 = arith.constant 0 : i32
          %dma_wait3A_168 = tpu.memref_slice %arg3[%run_scoped3A_156, %add3A, %add3A_155, %dma_wait3A_166, %dma_wait3A_167] : memref<2x32x5x25x80xi32, #tpu.memory_space<hbm>> -> memref<1x1x1x25x80xi32, #tpu.memory_space<hbm>>
          %dma_wait3A_169 = tpu.memref_squeeze %dma_wait3A_168 : memref<1x1x1x25x80xi32, #tpu.memory_space<hbm>> -> memref<25x80xi32, #tpu.memory_space<hbm>>
          %dma_wait3A_170 = arith.constant 0 : i32
          %dma_wait3A_171 = arith.constant 0 : i32
          %dma_wait3A_172 = tpu.memref_slice %arg3[%run_scoped3A_156, %add3A, %add3A_155, %dma_wait3A_170, %dma_wait3A_171] : memref<2x32x5x25x80xi32, #tpu.memory_space<hbm>> -> memref<1x1x1x25x80xi32, #tpu.memory_space<hbm>>
          %dma_wait3A_173 = tpu.memref_squeeze %dma_wait3A_172 : memref<1x1x1x25x80xi32, #tpu.memory_space<hbm>> -> memref<25x80xi32, #tpu.memory_space<hbm>>
          tpu.wait_dma2 semaphore(%run_scoped3A_157 : memref<!tpu.dma_semaphore, #tpu.memory_space<semaphore_mem>>) src(%dma_wait3A_173 : memref<25x80xi32, #tpu.memory_space<hbm>>) dst(%arg6 : memref<25x80xi32, #tpu.memory_space<vmem>>)
          tpu.yield
        }) : () -> ()
      } else {
      }
    }
    %scan3A_80 = arith.constant 5 : i32
    %barrier3A_81 = arith.constant 0 : index
    tpu.barrier barrier_id(%barrier3A_81)
    %scan3A_82 = arith.constant 0 : i32
    %scan3A_83 = arith.constant 2 : i32
    %scan3A_84 = arith.addi %scan3A_82, %scan3A_83 : i32
    %scan3A_85 = arith.constant 1 : i32
    scf.for %scan3A_87 = %scan3A_82 to %scan3A_84 step %scan3A_85  : i32 {
      %mul3A_88 = arith.constant 320 : i32
      %mul3A_89 = arith.muli %scan3A_87, %mul3A_88 : i32
      %add3A_90 = arith.constant 0 : i32
      %add3A_91 = arith.addi %add3A_90, %mul3A_89 : i32
      %mul3A_92 = arith.constant 640 : i32
      %mul3A_93 = arith.muli %arg1, %mul3A_92 : i32
      %add3A_94 = arith.addi %mul3A_93, %add3A_91 : i32
      %add3A_95 = arith.constant 0 : i32
      %add3A_96 = arith.addi %add3A_94, %add3A_95 : i32
      %dma_start3A_97 = arith.constant 0 : i32
      %dma_start3A_98 = tpu.memref_slice %arg11[%add3A_96, %dma_start3A_97] : memref<10240x128xf32, #tpu.memory_space<vmem_shared>> -> memref<80x128xf32, #tpu.memory_space<vmem_shared>>
      %dma_start3A_99 = arith.constant 0 : i32
      %dma_start3A_100 = tpu.memref_slice %arg11[%add3A_96, %dma_start3A_99] : memref<10240x128xf32, #tpu.memory_space<vmem_shared>> -> memref<80x128xf32, #tpu.memory_space<vmem_shared>>
      tpu.enqueue_dma source(%dma_start3A_100 : memref<80x128xf32, #tpu.memory_space<vmem_shared>>) target(%arg7 : memref<80x128xf32, #tpu.memory_space<vmem>>) target_semaphore(%arg13 : memref<!tpu.dma_semaphore, #tpu.memory_space<semaphore_mem>>)
      %mul3A_101 = arith.constant 640 : i32
      %mul3A_102 = arith.muli %arg1, %mul3A_101 : i32
      %add3A_103 = arith.addi %mul3A_102, %add3A_91 : i32
      %add3A_104 = arith.constant 80 : i32
      %add3A_105 = arith.addi %add3A_103, %add3A_104 : i32
      %dma_start3A_106 = arith.constant 0 : i32
      %dma_start3A_107 = tpu.memref_slice %arg11[%add3A_105, %dma_start3A_106] : memref<10240x128xf32, #tpu.memory_space<vmem_shared>> -> memref<80x128xf32, #tpu.memory_space<vmem_shared>>
      %dma_start3A_108 = arith.constant 0 : i32
      %dma_start3A_109 = tpu.memref_slice %arg11[%add3A_105, %dma_start3A_108] : memref<10240x128xf32, #tpu.memory_space<vmem_shared>> -> memref<80x128xf32, #tpu.memory_space<vmem_shared>>
      tpu.enqueue_dma source(%dma_start3A_109 : memref<80x128xf32, #tpu.memory_space<vmem_shared>>) target(%arg8 : memref<80x128xf32, #tpu.memory_space<vmem>>) target_semaphore(%arg14 : memref<!tpu.dma_semaphore, #tpu.memory_space<semaphore_mem>>)
      %mul3A_110 = arith.constant 640 : i32
      %mul3A_111 = arith.muli %arg1, %mul3A_110 : i32
      %add3A_112 = arith.addi %mul3A_111, %add3A_91 : i32
      %add3A_113 = arith.constant 160 : i32
      %add3A_114 = arith.addi %add3A_112, %add3A_113 : i32
      %dma_start3A_115 = arith.constant 0 : i32
      %dma_start3A_116 = tpu.memref_slice %arg11[%add3A_114, %dma_start3A_115] : memref<10240x128xf32, #tpu.memory_space<vmem_shared>> -> memref<80x128xf32, #tpu.memory_space<vmem_shared>>
      %dma_start3A_117 = arith.constant 0 : i32
      %dma_start3A_118 = tpu.memref_slice %arg11[%add3A_114, %dma_start3A_117] : memref<10240x128xf32, #tpu.memory_space<vmem_shared>> -> memref<80x128xf32, #tpu.memory_space<vmem_shared>>
      tpu.enqueue_dma source(%dma_start3A_118 : memref<80x128xf32, #tpu.memory_space<vmem_shared>>) target(%arg9 : memref<80x128xf32, #tpu.memory_space<vmem>>) target_semaphore(%arg15 : memref<!tpu.dma_semaphore, #tpu.memory_space<semaphore_mem>>)
      %mul3A_119 = arith.constant 640 : i32
      %mul3A_120 = arith.muli %arg1, %mul3A_119 : i32
      %add3A_121 = arith.addi %mul3A_120, %add3A_91 : i32
      %add3A_122 = arith.constant 240 : i32
      %add3A_123 = arith.addi %add3A_121, %add3A_122 : i32
      %dma_start3A_124 = arith.constant 0 : i32
      %dma_start3A_125 = tpu.memref_slice %arg11[%add3A_123, %dma_start3A_124] : memref<10240x128xf32, #tpu.memory_space<vmem_shared>> -> memref<80x128xf32, #tpu.memory_space<vmem_shared>>
      %dma_start3A_126 = arith.constant 0 : i32
      %dma_start3A_127 = tpu.memref_slice %arg11[%add3A_123, %dma_start3A_126] : memref<10240x128xf32, #tpu.memory_space<vmem_shared>> -> memref<80x128xf32, #tpu.memory_space<vmem_shared>>
      tpu.enqueue_dma source(%dma_start3A_127 : memref<80x128xf32, #tpu.memory_space<vmem_shared>>) target(%arg10 : memref<80x128xf32, #tpu.memory_space<vmem>>) target_semaphore(%arg16 : memref<!tpu.dma_semaphore, #tpu.memory_space<semaphore_mem>>)
      %mul3A_128 = arith.constant 640 : i32
      %mul3A_129 = arith.muli %arg1, %mul3A_128 : i32
      %add3A_130 = arith.addi %mul3A_129, %add3A_91 : i32
      %add3A_131 = arith.constant 0 : i32
      %add3A_132 = arith.addi %add3A_130, %add3A_131 : i32
      %dma_wait3A_133 = arith.constant 0 : i32
      %dma_wait3A_134 = tpu.memref_slice %arg11[%add3A_132, %dma_wait3A_133] : memref<10240x128xf32, #tpu.memory_space<vmem_shared>> -> memref<80x128xf32, #tpu.memory_space<vmem_shared>>
      %dma_wait3A_135 = arith.constant 0 : i32
      %dma_wait3A_136 = tpu.memref_slice %arg11[%add3A_132, %dma_wait3A_135] : memref<10240x128xf32, #tpu.memory_space<vmem_shared>> -> memref<80x128xf32, #tpu.memory_space<vmem_shared>>
      tpu.wait_dma2 semaphore(%arg13 : memref<!tpu.dma_semaphore, #tpu.memory_space<semaphore_mem>>) src(%dma_wait3A_136 : memref<80x128xf32, #tpu.memory_space<vmem_shared>>) dst(%arg7 : memref<80x128xf32, #tpu.memory_space<vmem>>)
      %mul3A_137 = arith.constant 640 : i32
      %mul3A_138 = arith.muli %arg1, %mul3A_137 : i32
      %add3A_139 = arith.addi %mul3A_138, %add3A_91 : i32
      %add3A_140 = arith.constant 0 : i32
      %add3A_141 = arith.addi %add3A_139, %add3A_140 : i32
      %dma_start3A_142 = arith.constant 0 : i32
      %dma_start3A_143 = tpu.memref_slice %arg4[%arg0, %add3A_141, %dma_start3A_142] : memref<2x10240x128xf32, #tpu.memory_space<hbm>> -> memref<1x80x128xf32, #tpu.memory_space<hbm>>
      %dma_start3A_144 = tpu.memref_squeeze %dma_start3A_143 : memref<1x80x128xf32, #tpu.memory_space<hbm>> -> memref<80x128xf32, #tpu.memory_space<hbm>>
      %dma_start3A_145 = arith.constant 0 : i32
      %dma_start3A_146 = tpu.memref_slice %arg4[%arg0, %add3A_141, %dma_start3A_145] : memref<2x10240x128xf32, #tpu.memory_space<hbm>> -> memref<1x80x128xf32, #tpu.memory_space<hbm>>
      %dma_start3A_147 = tpu.memref_squeeze %dma_start3A_146 : memref<1x80x128xf32, #tpu.memory_space<hbm>> -> memref<80x128xf32, #tpu.memory_space<hbm>>
      tpu.enqueue_dma source(%arg7 : memref<80x128xf32, #tpu.memory_space<vmem>>) target(%dma_start3A_147 : memref<80x128xf32, #tpu.memory_space<hbm>>) target_semaphore(%arg13 : memref<!tpu.dma_semaphore, #tpu.memory_space<semaphore_mem>>)
      %mul3A_148 = arith.constant 640 : i32
      %mul3A_149 = arith.muli %arg1, %mul3A_148 : i32
      %add3A_150 = arith.addi %mul3A_149, %add3A_91 : i32
      %add3A_151 = arith.constant 80 : i32
      %add3A_152 = arith.addi %add3A_150, %add3A_151 : i32
      %dma_wait3A_153 = arith.constant 0 : i32
      %dma_wait3A_154 = tpu.memref_slice %arg11[%add3A_152, %dma_wait3A_153] : memref<10240x128xf32, #tpu.memory_space<vmem_shared>> -> memref<80x128xf32, #tpu.memory_space<vmem_shared>>
      %dma_wait3A_155 = arith.constant 0 : i32
      %dma_wait3A_156 = tpu.memref_slice %arg11[%add3A_152, %dma_wait3A_155] : memref<10240x128xf32, #tpu.memory_space<vmem_shared>> -> memref<80x128xf32, #tpu.memory_space<vmem_shared>>
      tpu.wait_dma2 semaphore(%arg14 : memref<!tpu.dma_semaphore, #tpu.memory_space<semaphore_mem>>) src(%dma_wait3A_156 : memref<80x128xf32, #tpu.memory_space<vmem_shared>>) dst(%arg8 : memref<80x128xf32, #tpu.memory_space<vmem>>)
      %mul3A_157 = arith.constant 640 : i32
      %mul3A_158 = arith.muli %arg1, %mul3A_157 : i32
      %add3A_159 = arith.addi %mul3A_158, %add3A_91 : i32
      %add3A_160 = arith.constant 80 : i32
      %add3A_161 = arith.addi %add3A_159, %add3A_160 : i32
      %dma_start3A_162 = arith.constant 0 : i32
      %dma_start3A_163 = tpu.memref_slice %arg4[%arg0, %add3A_161, %dma_start3A_162] : memref<2x10240x128xf32, #tpu.memory_space<hbm>> -> memref<1x80x128xf32, #tpu.memory_space<hbm>>
      %dma_start3A_164 = tpu.memref_squeeze %dma_start3A_163 : memref<1x80x128xf32, #tpu.memory_space<hbm>> -> memref<80x128xf32, #tpu.memory_space<hbm>>
      %dma_start3A_165 = arith.constant 0 : i32
      %dma_start3A_166 = tpu.memref_slice %arg4[%arg0, %add3A_161, %dma_start3A_165] : memref<2x10240x128xf32, #tpu.memory_space<hbm>> -> memref<1x80x128xf32, #tpu.memory_space<hbm>>
      %dma_start3A_167 = tpu.memref_squeeze %dma_start3A_166 : memref<1x80x128xf32, #tpu.memory_space<hbm>> -> memref<80x128xf32, #tpu.memory_space<hbm>>
      tpu.enqueue_dma source(%arg8 : memref<80x128xf32, #tpu.memory_space<vmem>>) target(%dma_start3A_167 : memref<80x128xf32, #tpu.memory_space<hbm>>) target_semaphore(%arg14 : memref<!tpu.dma_semaphore, #tpu.memory_space<semaphore_mem>>)
      %mul3A_168 = arith.constant 640 : i32
      %mul3A_169 = arith.muli %arg1, %mul3A_168 : i32
      %add3A_170 = arith.addi %mul3A_169, %add3A_91 : i32
      %add3A_171 = arith.constant 160 : i32
      %add3A_172 = arith.addi %add3A_170, %add3A_171 : i32
      %dma_wait3A_173 = arith.constant 0 : i32
      %dma_wait3A_174 = tpu.memref_slice %arg11[%add3A_172, %dma_wait3A_173] : memref<10240x128xf32, #tpu.memory_space<vmem_shared>> -> memref<80x128xf32, #tpu.memory_space<vmem_shared>>
      %dma_wait3A_175 = arith.constant 0 : i32
      %dma_wait3A_176 = tpu.memref_slice %arg11[%add3A_172, %dma_wait3A_175] : memref<10240x128xf32, #tpu.memory_space<vmem_shared>> -> memref<80x128xf32, #tpu.memory_space<vmem_shared>>
      tpu.wait_dma2 semaphore(%arg15 : memref<!tpu.dma_semaphore, #tpu.memory_space<semaphore_mem>>) src(%dma_wait3A_176 : memref<80x128xf32, #tpu.memory_space<vmem_shared>>) dst(%arg9 : memref<80x128xf32, #tpu.memory_space<vmem>>)
      %mul3A_177 = arith.constant 640 : i32
      %mul3A_178 = arith.muli %arg1, %mul3A_177 : i32
      %add3A_179 = arith.addi %mul3A_178, %add3A_91 : i32
      %add3A_180 = arith.constant 160 : i32
      %add3A_181 = arith.addi %add3A_179, %add3A_180 : i32
      %dma_start3A_182 = arith.constant 0 : i32
      %dma_start3A_183 = tpu.memref_slice %arg4[%arg0, %add3A_181, %dma_start3A_182] : memref<2x10240x128xf32, #tpu.memory_space<hbm>> -> memref<1x80x128xf32, #tpu.memory_space<hbm>>
      %dma_start3A_184 = tpu.memref_squeeze %dma_start3A_183 : memref<1x80x128xf32, #tpu.memory_space<hbm>> -> memref<80x128xf32, #tpu.memory_space<hbm>>
      %dma_start3A_185 = arith.constant 0 : i32
      %dma_start3A_186 = tpu.memref_slice %arg4[%arg0, %add3A_181, %dma_start3A_185] : memref<2x10240x128xf32, #tpu.memory_space<hbm>> -> memref<1x80x128xf32, #tpu.memory_space<hbm>>
      %dma_start3A_187 = tpu.memref_squeeze %dma_start3A_186 : memref<1x80x128xf32, #tpu.memory_space<hbm>> -> memref<80x128xf32, #tpu.memory_space<hbm>>
      tpu.enqueue_dma source(%arg9 : memref<80x128xf32, #tpu.memory_space<vmem>>) target(%dma_start3A_187 : memref<80x128xf32, #tpu.memory_space<hbm>>) target_semaphore(%arg15 : memref<!tpu.dma_semaphore, #tpu.memory_space<semaphore_mem>>)
      %mul3A_188 = arith.constant 640 : i32
      %mul3A_189 = arith.muli %arg1, %mul3A_188 : i32
      %add3A_190 = arith.addi %mul3A_189, %add3A_91 : i32
      %add3A_191 = arith.constant 240 : i32
      %add3A_192 = arith.addi %add3A_190, %add3A_191 : i32
      %dma_wait3A_193 = arith.constant 0 : i32
      %dma_wait3A_194 = tpu.memref_slice %arg11[%add3A_192, %dma_wait3A_193] : memref<10240x128xf32, #tpu.memory_space<vmem_shared>> -> memref<80x128xf32, #tpu.memory_space<vmem_shared>>
      %dma_wait3A_195 = arith.constant 0 : i32
      %dma_wait3A_196 = tpu.memref_slice %arg11[%add3A_192, %dma_wait3A_195] : memref<10240x128xf32, #tpu.memory_space<vmem_shared>> -> memref<80x128xf32, #tpu.memory_space<vmem_shared>>
      tpu.wait_dma2 semaphore(%arg16 : memref<!tpu.dma_semaphore, #tpu.memory_space<semaphore_mem>>) src(%dma_wait3A_196 : memref<80x128xf32, #tpu.memory_space<vmem_shared>>) dst(%arg10 : memref<80x128xf32, #tpu.memory_space<vmem>>)
      %mul3A_197 = arith.constant 640 : i32
      %mul3A_198 = arith.muli %arg1, %mul3A_197 : i32
      %add3A_199 = arith.addi %mul3A_198, %add3A_91 : i32
      %add3A_200 = arith.constant 240 : i32
      %add3A_201 = arith.addi %add3A_199, %add3A_200 : i32
      %dma_start3A_202 = arith.constant 0 : i32
      %dma_start3A_203 = tpu.memref_slice %arg4[%arg0, %add3A_201, %dma_start3A_202] : memref<2x10240x128xf32, #tpu.memory_space<hbm>> -> memref<1x80x128xf32, #tpu.memory_space<hbm>>
      %dma_start3A_204 = tpu.memref_squeeze %dma_start3A_203 : memref<1x80x128xf32, #tpu.memory_space<hbm>> -> memref<80x128xf32, #tpu.memory_space<hbm>>
      %dma_start3A_205 = arith.constant 0 : i32
      %dma_start3A_206 = tpu.memref_slice %arg4[%arg0, %add3A_201, %dma_start3A_205] : memref<2x10240x128xf32, #tpu.memory_space<hbm>> -> memref<1x80x128xf32, #tpu.memory_space<hbm>>
      %dma_start3A_207 = tpu.memref_squeeze %dma_start3A_206 : memref<1x80x128xf32, #tpu.memory_space<hbm>> -> memref<80x128xf32, #tpu.memory_space<hbm>>
      tpu.enqueue_dma source(%arg10 : memref<80x128xf32, #tpu.memory_space<vmem>>) target(%dma_start3A_207 : memref<80x128xf32, #tpu.memory_space<hbm>>) target_semaphore(%arg16 : memref<!tpu.dma_semaphore, #tpu.memory_space<semaphore_mem>>)
      %mul3A_208 = arith.constant 640 : i32
      %mul3A_209 = arith.muli %arg1, %mul3A_208 : i32
      %add3A_210 = arith.addi %mul3A_209, %add3A_91 : i32
      %add3A_211 = arith.constant 0 : i32
      %add3A_212 = arith.addi %add3A_210, %add3A_211 : i32
      %dma_wait3A_213 = arith.constant 0 : i32
      %dma_wait3A_214 = tpu.memref_slice %arg4[%arg0, %add3A_212, %dma_wait3A_213] : memref<2x10240x128xf32, #tpu.memory_space<hbm>> -> memref<1x80x128xf32, #tpu.memory_space<hbm>>
      %dma_wait3A_215 = tpu.memref_squeeze %dma_wait3A_214 : memref<1x80x128xf32, #tpu.memory_space<hbm>> -> memref<80x128xf32, #tpu.memory_space<hbm>>
      %dma_wait3A_216 = arith.constant 0 : i32
      %dma_wait3A_217 = tpu.memref_slice %arg4[%arg0, %add3A_212, %dma_wait3A_216] : memref<2x10240x128xf32, #tpu.memory_space<hbm>> -> memref<1x80x128xf32, #tpu.memory_space<hbm>>
      %dma_wait3A_218 = tpu.memref_squeeze %dma_wait3A_217 : memref<1x80x128xf32, #tpu.memory_space<hbm>> -> memref<80x128xf32, #tpu.memory_space<hbm>>
      tpu.wait_dma2 semaphore(%arg13 : memref<!tpu.dma_semaphore, #tpu.memory_space<semaphore_mem>>) src(%arg7 : memref<80x128xf32, #tpu.memory_space<vmem>>) dst(%dma_wait3A_218 : memref<80x128xf32, #tpu.memory_space<hbm>>)
      %mul3A_219 = arith.constant 640 : i32
      %mul3A_220 = arith.muli %arg1, %mul3A_219 : i32
      %add3A_221 = arith.addi %mul3A_220, %add3A_91 : i32
      %add3A_222 = arith.constant 80 : i32
      %add3A_223 = arith.addi %add3A_221, %add3A_222 : i32
      %dma_wait3A_224 = arith.constant 0 : i32
      %dma_wait3A_225 = tpu.memref_slice %arg4[%arg0, %add3A_223, %dma_wait3A_224] : memref<2x10240x128xf32, #tpu.memory_space<hbm>> -> memref<1x80x128xf32, #tpu.memory_space<hbm>>
      %dma_wait3A_226 = tpu.memref_squeeze %dma_wait3A_225 : memref<1x80x128xf32, #tpu.memory_space<hbm>> -> memref<80x128xf32, #tpu.memory_space<hbm>>
      %dma_wait3A_227 = arith.constant 0 : i32
      %dma_wait3A_228 = tpu.memref_slice %arg4[%arg0, %add3A_223, %dma_wait3A_227] : memref<2x10240x128xf32, #tpu.memory_space<hbm>> -> memref<1x80x128xf32, #tpu.memory_space<hbm>>
      %dma_wait3A_229 = tpu.memref_squeeze %dma_wait3A_228 : memref<1x80x128xf32, #tpu.memory_space<hbm>> -> memref<80x128xf32, #tpu.memory_space<hbm>>
      tpu.wait_dma2 semaphore(%arg14 : memref<!tpu.dma_semaphore, #tpu.memory_space<semaphore_mem>>) src(%arg8 : memref<80x128xf32, #tpu.memory_space<vmem>>) dst(%dma_wait3A_229 : memref<80x128xf32, #tpu.memory_space<hbm>>)
      %mul3A_230 = arith.constant 640 : i32
      %mul3A_231 = arith.muli %arg1, %mul3A_230 : i32
      %add3A_232 = arith.addi %mul3A_231, %add3A_91 : i32
      %add3A_233 = arith.constant 160 : i32
      %add3A_234 = arith.addi %add3A_232, %add3A_233 : i32
      %dma_wait3A_235 = arith.constant 0 : i32
      %dma_wait3A_236 = tpu.memref_slice %arg4[%arg0, %add3A_234, %dma_wait3A_235] : memref<2x10240x128xf32, #tpu.memory_space<hbm>> -> memref<1x80x128xf32, #tpu.memory_space<hbm>>
      %dma_wait3A_237 = tpu.memref_squeeze %dma_wait3A_236 : memref<1x80x128xf32, #tpu.memory_space<hbm>> -> memref<80x128xf32, #tpu.memory_space<hbm>>
      %dma_wait3A_238 = arith.constant 0 : i32
      %dma_wait3A_239 = tpu.memref_slice %arg4[%arg0, %add3A_234, %dma_wait3A_238] : memref<2x10240x128xf32, #tpu.memory_space<hbm>> -> memref<1x80x128xf32, #tpu.memory_space<hbm>>
      %dma_wait3A_240 = tpu.memref_squeeze %dma_wait3A_239 : memref<1x80x128xf32, #tpu.memory_space<hbm>> -> memref<80x128xf32, #tpu.memory_space<hbm>>
      tpu.wait_dma2 semaphore(%arg15 : memref<!tpu.dma_semaphore, #tpu.memory_space<semaphore_mem>>) src(%arg9 : memref<80x128xf32, #tpu.memory_space<vmem>>) dst(%dma_wait3A_240 : memref<80x128xf32, #tpu.memory_space<hbm>>)
      %mul3A_241 = arith.constant 640 : i32
      %mul3A_242 = arith.muli %arg1, %mul3A_241 : i32
      %add3A_243 = arith.addi %mul3A_242, %add3A_91 : i32
      %add3A_244 = arith.constant 240 : i32
      %add3A_245 = arith.addi %add3A_243, %add3A_244 : i32
      %dma_wait3A_246 = arith.constant 0 : i32
      %dma_wait3A_247 = tpu.memref_slice %arg4[%arg0, %add3A_245, %dma_wait3A_246] : memref<2x10240x128xf32, #tpu.memory_space<hbm>> -> memref<1x80x128xf32, #tpu.memory_space<hbm>>
      %dma_wait3A_248 = tpu.memref_squeeze %dma_wait3A_247 : memref<1x80x128xf32, #tpu.memory_space<hbm>> -> memref<80x128xf32, #tpu.memory_space<hbm>>
      %dma_wait3A_249 = arith.constant 0 : i32
      %dma_wait3A_250 = tpu.memref_slice %arg4[%arg0, %add3A_245, %dma_wait3A_249] : memref<2x10240x128xf32, #tpu.memory_space<hbm>> -> memref<1x80x128xf32, #tpu.memory_space<hbm>>
      %dma_wait3A_251 = tpu.memref_squeeze %dma_wait3A_250 : memref<1x80x128xf32, #tpu.memory_space<hbm>> -> memref<80x128xf32, #tpu.memory_space<hbm>>
      tpu.wait_dma2 semaphore(%arg16 : memref<!tpu.dma_semaphore, #tpu.memory_space<semaphore_mem>>) src(%arg10 : memref<80x128xf32, #tpu.memory_space<vmem>>) dst(%dma_wait3A_251 : memref<80x128xf32, #tpu.memory_space<hbm>>)
    }
    %scan3A_86 = arith.constant 2 : i32
    return
  }
}

#map = affine_map<(d0, d1) -> (0, 0, 0, 0, 0)>
#map1 = affine_map<(d0, d1) -> (0)>
module attributes {stable_mosaic.version = 14 : i64} {
  func.func @deg_kernel(%arg0: i32, %arg1: i32, %arg2: memref<2x32x5x25x80xi32, #tpu.memory_space<hbm>>, %arg3: memref<20480xf32, #tpu.memory_space<hbm>>, %arg4: memref<25x80xi32, #tpu.memory_space<vmem>>, %arg5: memref<25x80xi32, #tpu.memory_space<vmem>>, %arg6: memref<80xf32, #tpu.memory_space<vmem>>, %arg7: memref<640xf32, #tpu.memory_space<vmem>>, %arg8: memref<10240xf32, #tpu.memory_space<vmem_shared>>, %arg9: memref<!tpu.dma_semaphore, #tpu.memory_space<semaphore_mem>>, %arg10: memref<!tpu.dma_semaphore, #tpu.memory_space<semaphore_mem>>) attributes {dimension_semantics = [#tpu.dimension_semantics<core_parallel>, #tpu.dimension_semantics<subcore_parallel>], iteration_bounds = array<i64: 2, 16>, scalar_prefetch = 0 : i64, scratch_operands = 7 : i64, tpu.core_type = #tpu.core_type<sc_vector_subcore>, window_params = [{transform_indices = #map}, {transform_indices = #map1}]} {
    %mul3A = arith.constant 16 : i32
    %mul3A_0 = arith.muli %arg0, %mul3A : i32
    %add3A = arith.addi %mul3A_0, %arg1 : i32
    %dma_start3A = arith.constant 1 : i32
    %dma_start3A_1 = arith.constant 0 : i32
    %dma_start3A_2 = arith.constant 0 : i32
    %dma_start3A_3 = arith.constant 0 : i32
    %dma_start3A_4 = tpu.memref_slice %arg2[%dma_start3A, %add3A, %dma_start3A_1, %dma_start3A_2, %dma_start3A_3] : memref<2x32x5x25x80xi32, #tpu.memory_space<hbm>> -> memref<1x1x1x25x80xi32, #tpu.memory_space<hbm>>
    %dma_start3A_5 = tpu.memref_squeeze %dma_start3A_4 : memref<1x1x1x25x80xi32, #tpu.memory_space<hbm>> -> memref<25x80xi32, #tpu.memory_space<hbm>>
    %dma_start3A_6 = arith.constant 0 : i32
    %dma_start3A_7 = arith.constant 0 : i32
    %dma_start3A_8 = tpu.memref_slice %arg2[%dma_start3A, %add3A, %dma_start3A_1, %dma_start3A_6, %dma_start3A_7] : memref<2x32x5x25x80xi32, #tpu.memory_space<hbm>> -> memref<1x1x1x25x80xi32, #tpu.memory_space<hbm>>
    %dma_start3A_9 = tpu.memref_squeeze %dma_start3A_8 : memref<1x1x1x25x80xi32, #tpu.memory_space<hbm>> -> memref<25x80xi32, #tpu.memory_space<hbm>>
    tpu.enqueue_dma source(%dma_start3A_9 : memref<25x80xi32, #tpu.memory_space<hbm>>) target(%arg4 : memref<25x80xi32, #tpu.memory_space<vmem>>) target_semaphore(%arg9 : memref<!tpu.dma_semaphore, #tpu.memory_space<semaphore_mem>>)
    %scan3A = arith.constant 0 : i32
    %scan3A_10 = arith.constant 5 : i32
    %scan3A_11 = arith.addi %scan3A, %scan3A_10 : i32
    %scan3A_12 = arith.constant 1 : i32
    scf.for %scan3A_168 = %scan3A to %scan3A_11 step %scan3A_12  : i32 {
      %mul3A_169 = arith.constant 16 : i32
      %mul3A_170 = arith.muli %scan3A_168, %mul3A_169 : i32
      %add3A_171 = arith.constant 0 : i32
      %add3A_172 = arith.addi %add3A_171, %mul3A_170 : i32
      %broadcast_in_dim3A = arith.constant 1.000000e+00 : f32
      %broadcast_in_dim3A_173 = vector.broadcast %broadcast_in_dim3A : f32 to vector<16xf32>
      %swap3A = arith.index_cast %add3A_172 : i32 to index
      %swap3A_174 = tpu.vector_load %arg6[%swap3A] {strides = array<i32>} : memref<80xf32, #tpu.memory_space<vmem>>, vector<16xf32>,
      %swap3A_175 = vector.shape_cast %swap3A_174 : vector<16xf32> to vector<16xf32>
      %swap3A_176 = vector.shape_cast %broadcast_in_dim3A_173 : vector<16xf32> to vector<16xf32>
      tpu.vector_store %arg6[%swap3A], %swap3A_176 {strides = array<i32>} : memref<80xf32, #tpu.memory_space<vmem>>, vector<16xf32>,
    }
    %scan3A_13 = arith.constant 5 : i32
    %scan3A_14 = arith.constant 0 : i32
    %scan3A_15 = arith.constant 40 : i32
    %scan3A_16 = arith.addi %scan3A_14, %scan3A_15 : i32
    %scan3A_17 = arith.constant 1 : i32
    scf.for %scan3A_168 = %scan3A_14 to %scan3A_16 step %scan3A_17  : i32 {
      %mul3A_169 = arith.constant 16 : i32
      %mul3A_170 = arith.muli %scan3A_168, %mul3A_169 : i32
      %add3A_171 = arith.constant 0 : i32
      %add3A_172 = arith.addi %add3A_171, %mul3A_170 : i32
      %broadcast_in_dim3A = arith.constant 0.000000e+00 : f32
      %broadcast_in_dim3A_173 = vector.broadcast %broadcast_in_dim3A : f32 to vector<16xf32>
      %swap3A = arith.index_cast %add3A_172 : i32 to index
      %swap3A_174 = tpu.vector_load %arg7[%swap3A] {strides = array<i32>} : memref<640xf32, #tpu.memory_space<vmem>>, vector<16xf32>,
      %swap3A_175 = vector.shape_cast %swap3A_174 : vector<16xf32> to vector<16xf32>
      %swap3A_176 = vector.shape_cast %broadcast_in_dim3A_173 : vector<16xf32> to vector<16xf32>
      tpu.vector_store %arg7[%swap3A], %swap3A_176 {strides = array<i32>} : memref<640xf32, #tpu.memory_space<vmem>>, vector<16xf32>,
    }
    %scan3A_18 = arith.constant 40 : i32
    %mul3A_19 = arith.constant 640 : i32
    %mul3A_20 = arith.muli %arg1, %mul3A_19 : i32
    "tpu.region"() ({
      %run_scoped3A = tpu.sem_alloc : memref<!tpu.dma_semaphore, #tpu.memory_space<semaphore_mem>>
      %dma_start3A_168 = tpu.memref_slice %arg8[%mul3A_20] : memref<10240xf32, #tpu.memory_space<vmem_shared>> -> memref<640xf32, #tpu.memory_space<vmem_shared>>
      %dma_start3A_169 = tpu.memref_slice %arg8[%mul3A_20] : memref<10240xf32, #tpu.memory_space<vmem_shared>> -> memref<640xf32, #tpu.memory_space<vmem_shared>>
      tpu.enqueue_dma source(%arg7 : memref<640xf32, #tpu.memory_space<vmem>>) target(%dma_start3A_169 : memref<640xf32, #tpu.memory_space<vmem_shared>>) target_semaphore(%run_scoped3A : memref<!tpu.dma_semaphore, #tpu.memory_space<semaphore_mem>>)
      %dma_wait3A_170 = tpu.memref_slice %arg8[%mul3A_20] : memref<10240xf32, #tpu.memory_space<vmem_shared>> -> memref<640xf32, #tpu.memory_space<vmem_shared>>
      %dma_wait3A_171 = tpu.memref_slice %arg8[%mul3A_20] : memref<10240xf32, #tpu.memory_space<vmem_shared>> -> memref<640xf32, #tpu.memory_space<vmem_shared>>
      tpu.wait_dma2 semaphore(%run_scoped3A : memref<!tpu.dma_semaphore, #tpu.memory_space<semaphore_mem>>) src(%arg7 : memref<640xf32, #tpu.memory_space<vmem>>) dst(%dma_wait3A_171 : memref<640xf32, #tpu.memory_space<vmem_shared>>)
      tpu.yield
    }) : () -> ()
    %barrier3A = arith.constant 0 : index
    tpu.barrier barrier_id(%barrier3A)
    %dma_wait3A = arith.constant 1 : i32
    %dma_wait3A_21 = arith.constant 0 : i32
    %dma_wait3A_22 = arith.constant 0 : i32
    %dma_wait3A_23 = arith.constant 0 : i32
    %dma_wait3A_24 = tpu.memref_slice %arg2[%dma_wait3A, %add3A, %dma_wait3A_21, %dma_wait3A_22, %dma_wait3A_23] : memref<2x32x5x25x80xi32, #tpu.memory_space<hbm>> -> memref<1x1x1x25x80xi32, #tpu.memory_space<hbm>>
    %dma_wait3A_25 = tpu.memref_squeeze %dma_wait3A_24 : memref<1x1x1x25x80xi32, #tpu.memory_space<hbm>> -> memref<25x80xi32, #tpu.memory_space<hbm>>
    %dma_wait3A_26 = arith.constant 0 : i32
    %dma_wait3A_27 = arith.constant 0 : i32
    %dma_wait3A_28 = tpu.memref_slice %arg2[%dma_wait3A, %add3A, %dma_wait3A_21, %dma_wait3A_26, %dma_wait3A_27] : memref<2x32x5x25x80xi32, #tpu.memory_space<hbm>> -> memref<1x1x1x25x80xi32, #tpu.memory_space<hbm>>
    %dma_wait3A_29 = tpu.memref_squeeze %dma_wait3A_28 : memref<1x1x1x25x80xi32, #tpu.memory_space<hbm>> -> memref<25x80xi32, #tpu.memory_space<hbm>>
    tpu.wait_dma2 semaphore(%arg9 : memref<!tpu.dma_semaphore, #tpu.memory_space<semaphore_mem>>) src(%dma_wait3A_29 : memref<25x80xi32, #tpu.memory_space<hbm>>) dst(%arg4 : memref<25x80xi32, #tpu.memory_space<vmem>>)
    %dma_start3A_30 = arith.constant 1 : i32
    %dma_start3A_31 = arith.constant 1 : i32
    %dma_start3A_32 = arith.constant 0 : i32
    %dma_start3A_33 = arith.constant 0 : i32
    %dma_start3A_34 = tpu.memref_slice %arg2[%dma_start3A_30, %add3A, %dma_start3A_31, %dma_start3A_32, %dma_start3A_33] : memref<2x32x5x25x80xi32, #tpu.memory_space<hbm>> -> memref<1x1x1x25x80xi32, #tpu.memory_space<hbm>>
    %dma_start3A_35 = tpu.memref_squeeze %dma_start3A_34 : memref<1x1x1x25x80xi32, #tpu.memory_space<hbm>> -> memref<25x80xi32, #tpu.memory_space<hbm>>
    %dma_start3A_36 = arith.constant 0 : i32
    %dma_start3A_37 = arith.constant 0 : i32
    %dma_start3A_38 = tpu.memref_slice %arg2[%dma_start3A_30, %add3A, %dma_start3A_31, %dma_start3A_36, %dma_start3A_37] : memref<2x32x5x25x80xi32, #tpu.memory_space<hbm>> -> memref<1x1x1x25x80xi32, #tpu.memory_space<hbm>>
    %dma_start3A_39 = tpu.memref_squeeze %dma_start3A_38 : memref<1x1x1x25x80xi32, #tpu.memory_space<hbm>> -> memref<25x80xi32, #tpu.memory_space<hbm>>
    tpu.enqueue_dma source(%dma_start3A_39 : memref<25x80xi32, #tpu.memory_space<hbm>>) target(%arg5 : memref<25x80xi32, #tpu.memory_space<vmem>>) target_semaphore(%arg9 : memref<!tpu.dma_semaphore, #tpu.memory_space<semaphore_mem>>)
    %scan3A_40 = arith.constant 0 : i32
    %scan3A_41 = arith.constant 25 : i32
    %scan3A_42 = arith.addi %scan3A_40, %scan3A_41 : i32
    %scan3A_43 = arith.constant 1 : i32
    scf.for %scan3A_168 = %scan3A_40 to %scan3A_42 step %scan3A_43  : i32 {
      %mul3A_169 = arith.constant 1 : i32
      %mul3A_170 = arith.muli %scan3A_168, %mul3A_169 : i32
      %add3A_171 = arith.constant 0 : i32
      %add3A_172 = arith.addi %add3A_171, %mul3A_170 : i32
      %dma_start3A_173 = arith.constant 0 : i32
      %dma_start3A_174 = tpu.memref_slice %arg4[%add3A_172, %dma_start3A_173] : memref<25x80xi32, #tpu.memory_space<vmem>> -> memref<1x80xi32, #tpu.memory_space<vmem>>
      %dma_start3A_175 = tpu.memref_squeeze %dma_start3A_174 : memref<1x80xi32, #tpu.memory_space<vmem>> -> memref<80xi32, #tpu.memory_space<vmem>>
      %dma_start3A_176 = arith.constant 0 : i32
      %dma_start3A_177 = tpu.memref_slice %arg8[%dma_start3A_176] : memref<10240xf32, #tpu.memory_space<vmem_shared>> -> memref<10240xf32, #tpu.memory_space<vmem_shared>>
      tpu.enqueue_indirect_dma source(%arg6 : memref<80xf32, #tpu.memory_space<vmem>>) target(%dma_start3A_177 : memref<10240xf32, #tpu.memory_space<vmem_shared>>) offsets(%dma_start3A_175 : memref<80xi32, #tpu.memory_space<vmem>>) semaphore(%arg10 : memref<!tpu.dma_semaphore, #tpu.memory_space<semaphore_mem>>) {add = true}
    }
    %scan3A_44 = arith.constant 25 : i32
    %scan3A_45 = arith.constant 0 : i32
    %scan3A_46 = arith.constant 25 : i32
    %scan3A_47 = arith.addi %scan3A_45, %scan3A_46 : i32
    %scan3A_48 = arith.constant 1 : i32
    scf.for %scan3A_168 = %scan3A_45 to %scan3A_47 step %scan3A_48  : i32 {
      %mul3A_169 = arith.constant 1 : i32
      %mul3A_170 = arith.muli %scan3A_168, %mul3A_169 : i32
      %add3A_171 = arith.constant 0 : i32
      %add3A_172 = arith.addi %add3A_171, %mul3A_170 : i32
      %dma_wait3A_173 = arith.constant 0 : i32
      %dma_wait3A_174 = tpu.memref_slice %arg4[%add3A_172, %dma_wait3A_173] : memref<25x80xi32, #tpu.memory_space<vmem>> -> memref<1x80xi32, #tpu.memory_space<vmem>>
      %dma_wait3A_175 = tpu.memref_squeeze %dma_wait3A_174 : memref<1x80xi32, #tpu.memory_space<vmem>> -> memref<80xi32, #tpu.memory_space<vmem>>
      %dma_wait3A_176 = arith.constant 0 : i32
      %dma_wait3A_177 = tpu.memref_slice %arg8[%dma_wait3A_176] : memref<10240xf32, #tpu.memory_space<vmem_shared>> -> memref<10240xf32, #tpu.memory_space<vmem_shared>>
      tpu.wait_indirect_dma semaphore(%arg10 : memref<!tpu.dma_semaphore, #tpu.memory_space<semaphore_mem>>) src(%arg6 : memref<80xf32, #tpu.memory_space<vmem>>) dst(%dma_wait3A_177 : memref<10240xf32, #tpu.memory_space<vmem_shared>>)
    }
    %scan3A_49 = arith.constant 25 : i32
    %dma_wait3A_50 = arith.constant 1 : i32
    %dma_wait3A_51 = arith.constant 1 : i32
    %dma_wait3A_52 = arith.constant 0 : i32
    %dma_wait3A_53 = arith.constant 0 : i32
    %dma_wait3A_54 = tpu.memref_slice %arg2[%dma_wait3A_50, %add3A, %dma_wait3A_51, %dma_wait3A_52, %dma_wait3A_53] : memref<2x32x5x25x80xi32, #tpu.memory_space<hbm>> -> memref<1x1x1x25x80xi32, #tpu.memory_space<hbm>>
    %dma_wait3A_55 = tpu.memref_squeeze %dma_wait3A_54 : memref<1x1x1x25x80xi32, #tpu.memory_space<hbm>> -> memref<25x80xi32, #tpu.memory_space<hbm>>
    %dma_wait3A_56 = arith.constant 0 : i32
    %dma_wait3A_57 = arith.constant 0 : i32
    %dma_wait3A_58 = tpu.memref_slice %arg2[%dma_wait3A_50, %add3A, %dma_wait3A_51, %dma_wait3A_56, %dma_wait3A_57] : memref<2x32x5x25x80xi32, #tpu.memory_space<hbm>> -> memref<1x1x1x25x80xi32, #tpu.memory_space<hbm>>
    %dma_wait3A_59 = tpu.memref_squeeze %dma_wait3A_58 : memref<1x1x1x25x80xi32, #tpu.memory_space<hbm>> -> memref<25x80xi32, #tpu.memory_space<hbm>>
    tpu.wait_dma2 semaphore(%arg9 : memref<!tpu.dma_semaphore, #tpu.memory_space<semaphore_mem>>) src(%dma_wait3A_59 : memref<25x80xi32, #tpu.memory_space<hbm>>) dst(%arg5 : memref<25x80xi32, #tpu.memory_space<vmem>>)
    %dma_start3A_60 = arith.constant 1 : i32
    %dma_start3A_61 = arith.constant 2 : i32
    %dma_start3A_62 = arith.constant 0 : i32
    %dma_start3A_63 = arith.constant 0 : i32
    %dma_start3A_64 = tpu.memref_slice %arg2[%dma_start3A_60, %add3A, %dma_start3A_61, %dma_start3A_62, %dma_start3A_63] : memref<2x32x5x25x80xi32, #tpu.memory_space<hbm>> -> memref<1x1x1x25x80xi32, #tpu.memory_space<hbm>>
    %dma_start3A_65 = tpu.memref_squeeze %dma_start3A_64 : memref<1x1x1x25x80xi32, #tpu.memory_space<hbm>> -> memref<25x80xi32, #tpu.memory_space<hbm>>
    %dma_start3A_66 = arith.constant 0 : i32
    %dma_start3A_67 = arith.constant 0 : i32
    %dma_start3A_68 = tpu.memref_slice %arg2[%dma_start3A_60, %add3A, %dma_start3A_61, %dma_start3A_66, %dma_start3A_67] : memref<2x32x5x25x80xi32, #tpu.memory_space<hbm>> -> memref<1x1x1x25x80xi32, #tpu.memory_space<hbm>>
    %dma_start3A_69 = tpu.memref_squeeze %dma_start3A_68 : memref<1x1x1x25x80xi32, #tpu.memory_space<hbm>> -> memref<25x80xi32, #tpu.memory_space<hbm>>
    tpu.enqueue_dma source(%dma_start3A_69 : memref<25x80xi32, #tpu.memory_space<hbm>>) target(%arg4 : memref<25x80xi32, #tpu.memory_space<vmem>>) target_semaphore(%arg9 : memref<!tpu.dma_semaphore, #tpu.memory_space<semaphore_mem>>)
    %scan3A_70 = arith.constant 0 : i32
    %scan3A_71 = arith.constant 25 : i32
    %scan3A_72 = arith.addi %scan3A_70, %scan3A_71 : i32
    %scan3A_73 = arith.constant 1 : i32
    scf.for %scan3A_168 = %scan3A_70 to %scan3A_72 step %scan3A_73  : i32 {
      %mul3A_169 = arith.constant 1 : i32
      %mul3A_170 = arith.muli %scan3A_168, %mul3A_169 : i32
      %add3A_171 = arith.constant 0 : i32
      %add3A_172 = arith.addi %add3A_171, %mul3A_170 : i32
      %dma_start3A_173 = arith.constant 0 : i32
      %dma_start3A_174 = tpu.memref_slice %arg5[%add3A_172, %dma_start3A_173] : memref<25x80xi32, #tpu.memory_space<vmem>> -> memref<1x80xi32, #tpu.memory_space<vmem>>
      %dma_start3A_175 = tpu.memref_squeeze %dma_start3A_174 : memref<1x80xi32, #tpu.memory_space<vmem>> -> memref<80xi32, #tpu.memory_space<vmem>>
      %dma_start3A_176 = arith.constant 0 : i32
      %dma_start3A_177 = tpu.memref_slice %arg8[%dma_start3A_176] : memref<10240xf32, #tpu.memory_space<vmem_shared>> -> memref<10240xf32, #tpu.memory_space<vmem_shared>>
      tpu.enqueue_indirect_dma source(%arg6 : memref<80xf32, #tpu.memory_space<vmem>>) target(%dma_start3A_177 : memref<10240xf32, #tpu.memory_space<vmem_shared>>) offsets(%dma_start3A_175 : memref<80xi32, #tpu.memory_space<vmem>>) semaphore(%arg10 : memref<!tpu.dma_semaphore, #tpu.memory_space<semaphore_mem>>) {add = true}
    }
    %scan3A_74 = arith.constant 25 : i32
    %scan3A_75 = arith.constant 0 : i32
    %scan3A_76 = arith.constant 25 : i32
    %scan3A_77 = arith.addi %scan3A_75, %scan3A_76 : i32
    %scan3A_78 = arith.constant 1 : i32
    scf.for %scan3A_168 = %scan3A_75 to %scan3A_77 step %scan3A_78  : i32 {
      %mul3A_169 = arith.constant 1 : i32
      %mul3A_170 = arith.muli %scan3A_168, %mul3A_169 : i32
      %add3A_171 = arith.constant 0 : i32
      %add3A_172 = arith.addi %add3A_171, %mul3A_170 : i32
      %dma_wait3A_173 = arith.constant 0 : i32
      %dma_wait3A_174 = tpu.memref_slice %arg5[%add3A_172, %dma_wait3A_173] : memref<25x80xi32, #tpu.memory_space<vmem>> -> memref<1x80xi32, #tpu.memory_space<vmem>>
      %dma_wait3A_175 = tpu.memref_squeeze %dma_wait3A_174 : memref<1x80xi32, #tpu.memory_space<vmem>> -> memref<80xi32, #tpu.memory_space<vmem>>
      %dma_wait3A_176 = arith.constant 0 : i32
      %dma_wait3A_177 = tpu.memref_slice %arg8[%dma_wait3A_176] : memref<10240xf32, #tpu.memory_space<vmem_shared>> -> memref<10240xf32, #tpu.memory_space<vmem_shared>>
      tpu.wait_indirect_dma semaphore(%arg10 : memref<!tpu.dma_semaphore, #tpu.memory_space<semaphore_mem>>) src(%arg6 : memref<80xf32, #tpu.memory_space<vmem>>) dst(%dma_wait3A_177 : memref<10240xf32, #tpu.memory_space<vmem_shared>>)
    }
    %scan3A_79 = arith.constant 25 : i32
    %dma_wait3A_80 = arith.constant 1 : i32
    %dma_wait3A_81 = arith.constant 2 : i32
    %dma_wait3A_82 = arith.constant 0 : i32
    %dma_wait3A_83 = arith.constant 0 : i32
    %dma_wait3A_84 = tpu.memref_slice %arg2[%dma_wait3A_80, %add3A, %dma_wait3A_81, %dma_wait3A_82, %dma_wait3A_83] : memref<2x32x5x25x80xi32, #tpu.memory_space<hbm>> -> memref<1x1x1x25x80xi32, #tpu.memory_space<hbm>>
    %dma_wait3A_85 = tpu.memref_squeeze %dma_wait3A_84 : memref<1x1x1x25x80xi32, #tpu.memory_space<hbm>> -> memref<25x80xi32, #tpu.memory_space<hbm>>
    %dma_wait3A_86 = arith.constant 0 : i32
    %dma_wait3A_87 = arith.constant 0 : i32
    %dma_wait3A_88 = tpu.memref_slice %arg2[%dma_wait3A_80, %add3A, %dma_wait3A_81, %dma_wait3A_86, %dma_wait3A_87] : memref<2x32x5x25x80xi32, #tpu.memory_space<hbm>> -> memref<1x1x1x25x80xi32, #tpu.memory_space<hbm>>
    %dma_wait3A_89 = tpu.memref_squeeze %dma_wait3A_88 : memref<1x1x1x25x80xi32, #tpu.memory_space<hbm>> -> memref<25x80xi32, #tpu.memory_space<hbm>>
    tpu.wait_dma2 semaphore(%arg9 : memref<!tpu.dma_semaphore, #tpu.memory_space<semaphore_mem>>) src(%dma_wait3A_89 : memref<25x80xi32, #tpu.memory_space<hbm>>) dst(%arg4 : memref<25x80xi32, #tpu.memory_space<vmem>>)
    %dma_start3A_90 = arith.constant 1 : i32
    %dma_start3A_91 = arith.constant 3 : i32
    %dma_start3A_92 = arith.constant 0 : i32
    %dma_start3A_93 = arith.constant 0 : i32
    %dma_start3A_94 = tpu.memref_slice %arg2[%dma_start3A_90, %add3A, %dma_start3A_91, %dma_start3A_92, %dma_start3A_93] : memref<2x32x5x25x80xi32, #tpu.memory_space<hbm>> -> memref<1x1x1x25x80xi32, #tpu.memory_space<hbm>>
    %dma_start3A_95 = tpu.memref_squeeze %dma_start3A_94 : memref<1x1x1x25x80xi32, #tpu.memory_space<hbm>> -> memref<25x80xi32, #tpu.memory_space<hbm>>
    %dma_start3A_96 = arith.constant 0 : i32
    %dma_start3A_97 = arith.constant 0 : i32
    %dma_start3A_98 = tpu.memref_slice %arg2[%dma_start3A_90, %add3A, %dma_start3A_91, %dma_start3A_96, %dma_start3A_97] : memref<2x32x5x25x80xi32, #tpu.memory_space<hbm>> -> memref<1x1x1x25x80xi32, #tpu.memory_space<hbm>>
    %dma_start3A_99 = tpu.memref_squeeze %dma_start3A_98 : memref<1x1x1x25x80xi32, #tpu.memory_space<hbm>> -> memref<25x80xi32, #tpu.memory_space<hbm>>
    tpu.enqueue_dma source(%dma_start3A_99 : memref<25x80xi32, #tpu.memory_space<hbm>>) target(%arg5 : memref<25x80xi32, #tpu.memory_space<vmem>>) target_semaphore(%arg9 : memref<!tpu.dma_semaphore, #tpu.memory_space<semaphore_mem>>)
    %scan3A_100 = arith.constant 0 : i32
    %scan3A_101 = arith.constant 25 : i32
    %scan3A_102 = arith.addi %scan3A_100, %scan3A_101 : i32
    %scan3A_103 = arith.constant 1 : i32
    scf.for %scan3A_168 = %scan3A_100 to %scan3A_102 step %scan3A_103  : i32 {
      %mul3A_169 = arith.constant 1 : i32
      %mul3A_170 = arith.muli %scan3A_168, %mul3A_169 : i32
      %add3A_171 = arith.constant 0 : i32
      %add3A_172 = arith.addi %add3A_171, %mul3A_170 : i32
      %dma_start3A_173 = arith.constant 0 : i32
      %dma_start3A_174 = tpu.memref_slice %arg4[%add3A_172, %dma_start3A_173] : memref<25x80xi32, #tpu.memory_space<vmem>> -> memref<1x80xi32, #tpu.memory_space<vmem>>
      %dma_start3A_175 = tpu.memref_squeeze %dma_start3A_174 : memref<1x80xi32, #tpu.memory_space<vmem>> -> memref<80xi32, #tpu.memory_space<vmem>>
      %dma_start3A_176 = arith.constant 0 : i32
      %dma_start3A_177 = tpu.memref_slice %arg8[%dma_start3A_176] : memref<10240xf32, #tpu.memory_space<vmem_shared>> -> memref<10240xf32, #tpu.memory_space<vmem_shared>>
      tpu.enqueue_indirect_dma source(%arg6 : memref<80xf32, #tpu.memory_space<vmem>>) target(%dma_start3A_177 : memref<10240xf32, #tpu.memory_space<vmem_shared>>) offsets(%dma_start3A_175 : memref<80xi32, #tpu.memory_space<vmem>>) semaphore(%arg10 : memref<!tpu.dma_semaphore, #tpu.memory_space<semaphore_mem>>) {add = true}
    }
    %scan3A_104 = arith.constant 25 : i32
    %scan3A_105 = arith.constant 0 : i32
    %scan3A_106 = arith.constant 25 : i32
    %scan3A_107 = arith.addi %scan3A_105, %scan3A_106 : i32
    %scan3A_108 = arith.constant 1 : i32
    scf.for %scan3A_168 = %scan3A_105 to %scan3A_107 step %scan3A_108  : i32 {
      %mul3A_169 = arith.constant 1 : i32
      %mul3A_170 = arith.muli %scan3A_168, %mul3A_169 : i32
      %add3A_171 = arith.constant 0 : i32
      %add3A_172 = arith.addi %add3A_171, %mul3A_170 : i32
      %dma_wait3A_173 = arith.constant 0 : i32
      %dma_wait3A_174 = tpu.memref_slice %arg4[%add3A_172, %dma_wait3A_173] : memref<25x80xi32, #tpu.memory_space<vmem>> -> memref<1x80xi32, #tpu.memory_space<vmem>>
      %dma_wait3A_175 = tpu.memref_squeeze %dma_wait3A_174 : memref<1x80xi32, #tpu.memory_space<vmem>> -> memref<80xi32, #tpu.memory_space<vmem>>
      %dma_wait3A_176 = arith.constant 0 : i32
      %dma_wait3A_177 = tpu.memref_slice %arg8[%dma_wait3A_176] : memref<10240xf32, #tpu.memory_space<vmem_shared>> -> memref<10240xf32, #tpu.memory_space<vmem_shared>>
      tpu.wait_indirect_dma semaphore(%arg10 : memref<!tpu.dma_semaphore, #tpu.memory_space<semaphore_mem>>) src(%arg6 : memref<80xf32, #tpu.memory_space<vmem>>) dst(%dma_wait3A_177 : memref<10240xf32, #tpu.memory_space<vmem_shared>>)
    }
    %scan3A_109 = arith.constant 25 : i32
    %dma_wait3A_110 = arith.constant 1 : i32
    %dma_wait3A_111 = arith.constant 3 : i32
    %dma_wait3A_112 = arith.constant 0 : i32
    %dma_wait3A_113 = arith.constant 0 : i32
    %dma_wait3A_114 = tpu.memref_slice %arg2[%dma_wait3A_110, %add3A, %dma_wait3A_111, %dma_wait3A_112, %dma_wait3A_113] : memref<2x32x5x25x80xi32, #tpu.memory_space<hbm>> -> memref<1x1x1x25x80xi32, #tpu.memory_space<hbm>>
    %dma_wait3A_115 = tpu.memref_squeeze %dma_wait3A_114 : memref<1x1x1x25x80xi32, #tpu.memory_space<hbm>> -> memref<25x80xi32, #tpu.memory_space<hbm>>
    %dma_wait3A_116 = arith.constant 0 : i32
    %dma_wait3A_117 = arith.constant 0 : i32
    %dma_wait3A_118 = tpu.memref_slice %arg2[%dma_wait3A_110, %add3A, %dma_wait3A_111, %dma_wait3A_116, %dma_wait3A_117] : memref<2x32x5x25x80xi32, #tpu.memory_space<hbm>> -> memref<1x1x1x25x80xi32, #tpu.memory_space<hbm>>
    %dma_wait3A_119 = tpu.memref_squeeze %dma_wait3A_118 : memref<1x1x1x25x80xi32, #tpu.memory_space<hbm>> -> memref<25x80xi32, #tpu.memory_space<hbm>>
    tpu.wait_dma2 semaphore(%arg9 : memref<!tpu.dma_semaphore, #tpu.memory_space<semaphore_mem>>) src(%dma_wait3A_119 : memref<25x80xi32, #tpu.memory_space<hbm>>) dst(%arg5 : memref<25x80xi32, #tpu.memory_space<vmem>>)
    %dma_start3A_120 = arith.constant 1 : i32
    %dma_start3A_121 = arith.constant 4 : i32
    %dma_start3A_122 = arith.constant 0 : i32
    %dma_start3A_123 = arith.constant 0 : i32
    %dma_start3A_124 = tpu.memref_slice %arg2[%dma_start3A_120, %add3A, %dma_start3A_121, %dma_start3A_122, %dma_start3A_123] : memref<2x32x5x25x80xi32, #tpu.memory_space<hbm>> -> memref<1x1x1x25x80xi32, #tpu.memory_space<hbm>>
    %dma_start3A_125 = tpu.memref_squeeze %dma_start3A_124 : memref<1x1x1x25x80xi32, #tpu.memory_space<hbm>> -> memref<25x80xi32, #tpu.memory_space<hbm>>
    %dma_start3A_126 = arith.constant 0 : i32
    %dma_start3A_127 = arith.constant 0 : i32
    %dma_start3A_128 = tpu.memref_slice %arg2[%dma_start3A_120, %add3A, %dma_start3A_121, %dma_start3A_126, %dma_start3A_127] : memref<2x32x5x25x80xi32, #tpu.memory_space<hbm>> -> memref<1x1x1x25x80xi32, #tpu.memory_space<hbm>>
    %dma_start3A_129 = tpu.memref_squeeze %dma_start3A_128 : memref<1x1x1x25x80xi32, #tpu.memory_space<hbm>> -> memref<25x80xi32, #tpu.memory_space<hbm>>
    tpu.enqueue_dma source(%dma_start3A_129 : memref<25x80xi32, #tpu.memory_space<hbm>>) target(%arg4 : memref<25x80xi32, #tpu.memory_space<vmem>>) target_semaphore(%arg9 : memref<!tpu.dma_semaphore, #tpu.memory_space<semaphore_mem>>)
    %scan3A_130 = arith.constant 0 : i32
    %scan3A_131 = arith.constant 25 : i32
    %scan3A_132 = arith.addi %scan3A_130, %scan3A_131 : i32
    %scan3A_133 = arith.constant 1 : i32
    scf.for %scan3A_168 = %scan3A_130 to %scan3A_132 step %scan3A_133  : i32 {
      %mul3A_169 = arith.constant 1 : i32
      %mul3A_170 = arith.muli %scan3A_168, %mul3A_169 : i32
      %add3A_171 = arith.constant 0 : i32
      %add3A_172 = arith.addi %add3A_171, %mul3A_170 : i32
      %dma_start3A_173 = arith.constant 0 : i32
      %dma_start3A_174 = tpu.memref_slice %arg5[%add3A_172, %dma_start3A_173] : memref<25x80xi32, #tpu.memory_space<vmem>> -> memref<1x80xi32, #tpu.memory_space<vmem>>
      %dma_start3A_175 = tpu.memref_squeeze %dma_start3A_174 : memref<1x80xi32, #tpu.memory_space<vmem>> -> memref<80xi32, #tpu.memory_space<vmem>>
      %dma_start3A_176 = arith.constant 0 : i32
      %dma_start3A_177 = tpu.memref_slice %arg8[%dma_start3A_176] : memref<10240xf32, #tpu.memory_space<vmem_shared>> -> memref<10240xf32, #tpu.memory_space<vmem_shared>>
      tpu.enqueue_indirect_dma source(%arg6 : memref<80xf32, #tpu.memory_space<vmem>>) target(%dma_start3A_177 : memref<10240xf32, #tpu.memory_space<vmem_shared>>) offsets(%dma_start3A_175 : memref<80xi32, #tpu.memory_space<vmem>>) semaphore(%arg10 : memref<!tpu.dma_semaphore, #tpu.memory_space<semaphore_mem>>) {add = true}
    }
    %scan3A_134 = arith.constant 25 : i32
    %scan3A_135 = arith.constant 0 : i32
    %scan3A_136 = arith.constant 25 : i32
    %scan3A_137 = arith.addi %scan3A_135, %scan3A_136 : i32
    %scan3A_138 = arith.constant 1 : i32
    scf.for %scan3A_168 = %scan3A_135 to %scan3A_137 step %scan3A_138  : i32 {
      %mul3A_169 = arith.constant 1 : i32
      %mul3A_170 = arith.muli %scan3A_168, %mul3A_169 : i32
      %add3A_171 = arith.constant 0 : i32
      %add3A_172 = arith.addi %add3A_171, %mul3A_170 : i32
      %dma_wait3A_173 = arith.constant 0 : i32
      %dma_wait3A_174 = tpu.memref_slice %arg5[%add3A_172, %dma_wait3A_173] : memref<25x80xi32, #tpu.memory_space<vmem>> -> memref<1x80xi32, #tpu.memory_space<vmem>>
      %dma_wait3A_175 = tpu.memref_squeeze %dma_wait3A_174 : memref<1x80xi32, #tpu.memory_space<vmem>> -> memref<80xi32, #tpu.memory_space<vmem>>
      %dma_wait3A_176 = arith.constant 0 : i32
      %dma_wait3A_177 = tpu.memref_slice %arg8[%dma_wait3A_176] : memref<10240xf32, #tpu.memory_space<vmem_shared>> -> memref<10240xf32, #tpu.memory_space<vmem_shared>>
      tpu.wait_indirect_dma semaphore(%arg10 : memref<!tpu.dma_semaphore, #tpu.memory_space<semaphore_mem>>) src(%arg6 : memref<80xf32, #tpu.memory_space<vmem>>) dst(%dma_wait3A_177 : memref<10240xf32, #tpu.memory_space<vmem_shared>>)
    }
    %scan3A_139 = arith.constant 25 : i32
    %dma_wait3A_140 = arith.constant 1 : i32
    %dma_wait3A_141 = arith.constant 4 : i32
    %dma_wait3A_142 = arith.constant 0 : i32
    %dma_wait3A_143 = arith.constant 0 : i32
    %dma_wait3A_144 = tpu.memref_slice %arg2[%dma_wait3A_140, %add3A, %dma_wait3A_141, %dma_wait3A_142, %dma_wait3A_143] : memref<2x32x5x25x80xi32, #tpu.memory_space<hbm>> -> memref<1x1x1x25x80xi32, #tpu.memory_space<hbm>>
    %dma_wait3A_145 = tpu.memref_squeeze %dma_wait3A_144 : memref<1x1x1x25x80xi32, #tpu.memory_space<hbm>> -> memref<25x80xi32, #tpu.memory_space<hbm>>
    %dma_wait3A_146 = arith.constant 0 : i32
    %dma_wait3A_147 = arith.constant 0 : i32
    %dma_wait3A_148 = tpu.memref_slice %arg2[%dma_wait3A_140, %add3A, %dma_wait3A_141, %dma_wait3A_146, %dma_wait3A_147] : memref<2x32x5x25x80xi32, #tpu.memory_space<hbm>> -> memref<1x1x1x25x80xi32, #tpu.memory_space<hbm>>
    %dma_wait3A_149 = tpu.memref_squeeze %dma_wait3A_148 : memref<1x1x1x25x80xi32, #tpu.memory_space<hbm>> -> memref<25x80xi32, #tpu.memory_space<hbm>>
    tpu.wait_dma2 semaphore(%arg9 : memref<!tpu.dma_semaphore, #tpu.memory_space<semaphore_mem>>) src(%dma_wait3A_149 : memref<25x80xi32, #tpu.memory_space<hbm>>) dst(%arg4 : memref<25x80xi32, #tpu.memory_space<vmem>>)
    %scan3A_150 = arith.constant 0 : i32
    %scan3A_151 = arith.constant 25 : i32
    %scan3A_152 = arith.addi %scan3A_150, %scan3A_151 : i32
    %scan3A_153 = arith.constant 1 : i32
    scf.for %scan3A_168 = %scan3A_150 to %scan3A_152 step %scan3A_153  : i32 {
      %mul3A_169 = arith.constant 1 : i32
      %mul3A_170 = arith.muli %scan3A_168, %mul3A_169 : i32
      %add3A_171 = arith.constant 0 : i32
      %add3A_172 = arith.addi %add3A_171, %mul3A_170 : i32
      %dma_start3A_173 = arith.constant 0 : i32
      %dma_start3A_174 = tpu.memref_slice %arg4[%add3A_172, %dma_start3A_173] : memref<25x80xi32, #tpu.memory_space<vmem>> -> memref<1x80xi32, #tpu.memory_space<vmem>>
      %dma_start3A_175 = tpu.memref_squeeze %dma_start3A_174 : memref<1x80xi32, #tpu.memory_space<vmem>> -> memref<80xi32, #tpu.memory_space<vmem>>
      %dma_start3A_176 = arith.constant 0 : i32
      %dma_start3A_177 = tpu.memref_slice %arg8[%dma_start3A_176] : memref<10240xf32, #tpu.memory_space<vmem_shared>> -> memref<10240xf32, #tpu.memory_space<vmem_shared>>
      tpu.enqueue_indirect_dma source(%arg6 : memref<80xf32, #tpu.memory_space<vmem>>) target(%dma_start3A_177 : memref<10240xf32, #tpu.memory_space<vmem_shared>>) offsets(%dma_start3A_175 : memref<80xi32, #tpu.memory_space<vmem>>) semaphore(%arg10 : memref<!tpu.dma_semaphore, #tpu.memory_space<semaphore_mem>>) {add = true}
    }
    %scan3A_154 = arith.constant 25 : i32
    %scan3A_155 = arith.constant 0 : i32
    %scan3A_156 = arith.constant 25 : i32
    %scan3A_157 = arith.addi %scan3A_155, %scan3A_156 : i32
    %scan3A_158 = arith.constant 1 : i32
    scf.for %scan3A_168 = %scan3A_155 to %scan3A_157 step %scan3A_158  : i32 {
      %mul3A_169 = arith.constant 1 : i32
      %mul3A_170 = arith.muli %scan3A_168, %mul3A_169 : i32
      %add3A_171 = arith.constant 0 : i32
      %add3A_172 = arith.addi %add3A_171, %mul3A_170 : i32
      %dma_wait3A_173 = arith.constant 0 : i32
      %dma_wait3A_174 = tpu.memref_slice %arg4[%add3A_172, %dma_wait3A_173] : memref<25x80xi32, #tpu.memory_space<vmem>> -> memref<1x80xi32, #tpu.memory_space<vmem>>
      %dma_wait3A_175 = tpu.memref_squeeze %dma_wait3A_174 : memref<1x80xi32, #tpu.memory_space<vmem>> -> memref<80xi32, #tpu.memory_space<vmem>>
      %dma_wait3A_176 = arith.constant 0 : i32
      %dma_wait3A_177 = tpu.memref_slice %arg8[%dma_wait3A_176] : memref<10240xf32, #tpu.memory_space<vmem_shared>> -> memref<10240xf32, #tpu.memory_space<vmem_shared>>
      tpu.wait_indirect_dma semaphore(%arg10 : memref<!tpu.dma_semaphore, #tpu.memory_space<semaphore_mem>>) src(%arg6 : memref<80xf32, #tpu.memory_space<vmem>>) dst(%dma_wait3A_177 : memref<10240xf32, #tpu.memory_space<vmem_shared>>)
    }
    %scan3A_159 = arith.constant 25 : i32
    %barrier3A_160 = arith.constant 0 : index
    tpu.barrier barrier_id(%barrier3A_160)
    %mul3A_161 = arith.constant 640 : i32
    %mul3A_162 = arith.muli %arg1, %mul3A_161 : i32
    "tpu.region"() ({
      %run_scoped3A = tpu.sem_alloc : memref<!tpu.dma_semaphore, #tpu.memory_space<semaphore_mem>>
      %dma_start3A_168 = tpu.memref_slice %arg8[%mul3A_162] : memref<10240xf32, #tpu.memory_space<vmem_shared>> -> memref<640xf32, #tpu.memory_space<vmem_shared>>
      %dma_start3A_169 = tpu.memref_slice %arg8[%mul3A_162] : memref<10240xf32, #tpu.memory_space<vmem_shared>> -> memref<640xf32, #tpu.memory_space<vmem_shared>>
      tpu.enqueue_dma source(%dma_start3A_169 : memref<640xf32, #tpu.memory_space<vmem_shared>>) target(%arg7 : memref<640xf32, #tpu.memory_space<vmem>>) target_semaphore(%run_scoped3A : memref<!tpu.dma_semaphore, #tpu.memory_space<semaphore_mem>>)
      %dma_wait3A_170 = tpu.memref_slice %arg8[%mul3A_162] : memref<10240xf32, #tpu.memory_space<vmem_shared>> -> memref<640xf32, #tpu.memory_space<vmem_shared>>
      %dma_wait3A_171 = tpu.memref_slice %arg8[%mul3A_162] : memref<10240xf32, #tpu.memory_space<vmem_shared>> -> memref<640xf32, #tpu.memory_space<vmem_shared>>
      tpu.wait_dma2 semaphore(%run_scoped3A : memref<!tpu.dma_semaphore, #tpu.memory_space<semaphore_mem>>) src(%dma_wait3A_171 : memref<640xf32, #tpu.memory_space<vmem_shared>>) dst(%arg7 : memref<640xf32, #tpu.memory_space<vmem>>)
      tpu.yield
    }) : () -> ()
    %mul3A_163 = arith.constant 10240 : i32
    %mul3A_164 = arith.muli %arg0, %mul3A_163 : i32
    %mul3A_165 = arith.constant 640 : i32
    %mul3A_166 = arith.muli %arg1, %mul3A_165 : i32
    %add3A_167 = arith.addi %mul3A_164, %mul3A_166 : i32
    "tpu.region"() ({
      %run_scoped3A = tpu.sem_alloc : memref<!tpu.dma_semaphore, #tpu.memory_space<semaphore_mem>>
      %dma_start3A_168 = tpu.memref_slice %arg3[%add3A_167] : memref<20480xf32, #tpu.memory_space<hbm>> -> memref<640xf32, #tpu.memory_space<hbm>>
      %dma_start3A_169 = tpu.memref_slice %arg3[%add3A_167] : memref<20480xf32, #tpu.memory_space<hbm>> -> memref<640xf32, #tpu.memory_space<hbm>>
      tpu.enqueue_dma source(%arg7 : memref<640xf32, #tpu.memory_space<vmem>>) target(%dma_start3A_169 : memref<640xf32, #tpu.memory_space<hbm>>) target_semaphore(%run_scoped3A : memref<!tpu.dma_semaphore, #tpu.memory_space<semaphore_mem>>)
      %dma_wait3A_170 = tpu.memref_slice %arg3[%add3A_167] : memref<20480xf32, #tpu.memory_space<hbm>> -> memref<640xf32, #tpu.memory_space<hbm>>
      %dma_wait3A_171 = tpu.memref_slice %arg3[%add3A_167] : memref<20480xf32, #tpu.memory_space<hbm>> -> memref<640xf32, #tpu.memory_space<hbm>>
      tpu.wait_dma2 semaphore(%run_scoped3A : memref<!tpu.dma_semaphore, #tpu.memory_space<semaphore_mem>>) src(%arg7 : memref<640xf32, #tpu.memory_space<vmem>>) dst(%dma_wait3A_171 : memref<640xf32, #tpu.memory_space<hbm>>)
      tpu.yield
    }) : () -> ()
    return
  }
}

#map = affine_map<(d0, d1) -> (0, 0)>
#map1 = affine_map<(d0, d1) -> (0, 0, 0, 0, 0)>
#map2 = affine_map<(d0, d1) -> (0, 0, 0)>
module attributes {stable_mosaic.version = 14 : i64} {
  func.func @agg_kernel(%arg0: i32, %arg1: i32, %arg2: memref<10240x128xf32, #tpu.memory_space<hbm>>, %arg3: memref<2x32x5x25x80xi32, #tpu.memory_space<hbm>>, %arg4: memref<2x10240x128xf32, #tpu.memory_space<hbm>>, %arg5: memref<25x80xi32, #tpu.memory_space<vmem>>, %arg6: memref<25x80xi32, #tpu.memory_space<vmem>>, %arg7: memref<80x128xf32, #tpu.memory_space<vmem>>, %arg8: memref<80x128xf32, #tpu.memory_space<vmem>>, %arg9: memref<80x128xf32, #tpu.memory_space<vmem>>, %arg10: memref<80x128xf32, #tpu.memory_space<vmem>>, %arg11: memref<10240x128xf32, #tpu.memory_space<vmem_shared>>, %arg12: memref<!tpu.dma_semaphore, #tpu.memory_space<semaphore_mem>>, %arg13: memref<!tpu.dma_semaphore, #tpu.memory_space<semaphore_mem>>, %arg14: memref<!tpu.dma_semaphore, #tpu.memory_space<semaphore_mem>>, %arg15: memref<!tpu.dma_semaphore, #tpu.memory_space<semaphore_mem>>, %arg16: memref<!tpu.dma_semaphore, #tpu.memory_space<semaphore_mem>>) attributes {dimension_semantics = [#tpu.dimension_semantics<core_parallel>, #tpu.dimension_semantics<subcore_parallel>], iteration_bounds = array<i64: 2, 16>, scalar_prefetch = 0 : i64, scratch_operands = 12 : i64, tpu.core_type = #tpu.core_type<sc_vector_subcore>, window_params = [{transform_indices = #map}, {transform_indices = #map1}, {transform_indices = #map2}]} {
    %mul3A = arith.constant 16 : i32
    %mul3A_0 = arith.muli %arg0, %mul3A : i32
    %add3A = arith.addi %mul3A_0, %arg1 : i32
    %dma_start3A = arith.constant 0 : i32
    %dma_start3A_1 = arith.constant 0 : i32
    %dma_start3A_2 = arith.constant 0 : i32
    %dma_start3A_3 = arith.constant 0 : i32
    %dma_start3A_4 = tpu.memref_slice %arg3[%dma_start3A, %add3A, %dma_start3A_1, %dma_start3A_2, %dma_start3A_3] : memref<2x32x5x25x80xi32, #tpu.memory_space<hbm>> -> memref<1x1x1x25x80xi32, #tpu.memory_space<hbm>>
    %dma_start3A_5 = tpu.memref_squeeze %dma_start3A_4 : memref<1x1x1x25x80xi32, #tpu.memory_space<hbm>> -> memref<25x80xi32, #tpu.memory_space<hbm>>
    %dma_start3A_6 = arith.constant 0 : i32
    %dma_start3A_7 = arith.constant 0 : i32
    %dma_start3A_8 = tpu.memref_slice %arg3[%dma_start3A, %add3A, %dma_start3A_1, %dma_start3A_6, %dma_start3A_7] : memref<2x32x5x25x80xi32, #tpu.memory_space<hbm>> -> memref<1x1x1x25x80xi32, #tpu.memory_space<hbm>>
    %dma_start3A_9 = tpu.memref_squeeze %dma_start3A_8 : memref<1x1x1x25x80xi32, #tpu.memory_space<hbm>> -> memref<25x80xi32, #tpu.memory_space<hbm>>
    tpu.enqueue_dma source(%dma_start3A_9 : memref<25x80xi32, #tpu.memory_space<hbm>>) target(%arg5 : memref<25x80xi32, #tpu.memory_space<vmem>>) target_semaphore(%arg12 : memref<!tpu.dma_semaphore, #tpu.memory_space<semaphore_mem>>)
    %dma_start3A_10 = arith.constant 1 : i32
    %dma_start3A_11 = arith.constant 0 : i32
    %dma_start3A_12 = arith.constant 0 : i32
    %dma_start3A_13 = arith.constant 0 : i32
    %dma_start3A_14 = tpu.memref_slice %arg3[%dma_start3A_10, %add3A, %dma_start3A_11, %dma_start3A_12, %dma_start3A_13] : memref<2x32x5x25x80xi32, #tpu.memory_space<hbm>> -> memref<1x1x1x25x80xi32, #tpu.memory_space<hbm>>
    %dma_start3A_15 = tpu.memref_squeeze %dma_start3A_14 : memref<1x1x1x25x80xi32, #tpu.memory_space<hbm>> -> memref<25x80xi32, #tpu.memory_space<hbm>>
    %dma_start3A_16 = arith.constant 0 : i32
    %dma_start3A_17 = arith.constant 0 : i32
    %dma_start3A_18 = tpu.memref_slice %arg3[%dma_start3A_10, %add3A, %dma_start3A_11, %dma_start3A_16, %dma_start3A_17] : memref<2x32x5x25x80xi32, #tpu.memory_space<hbm>> -> memref<1x1x1x25x80xi32, #tpu.memory_space<hbm>>
    %dma_start3A_19 = tpu.memref_squeeze %dma_start3A_18 : memref<1x1x1x25x80xi32, #tpu.memory_space<hbm>> -> memref<25x80xi32, #tpu.memory_space<hbm>>
    tpu.enqueue_dma source(%dma_start3A_19 : memref<25x80xi32, #tpu.memory_space<hbm>>) target(%arg6 : memref<25x80xi32, #tpu.memory_space<vmem>>) target_semaphore(%arg12 : memref<!tpu.dma_semaphore, #tpu.memory_space<semaphore_mem>>)
    %dma_wait3A = arith.constant 0 : i32
    %dma_wait3A_20 = arith.constant 0 : i32
    %dma_wait3A_21 = arith.constant 0 : i32
    %dma_wait3A_22 = arith.constant 0 : i32
    %dma_wait3A_23 = tpu.memref_slice %arg3[%dma_wait3A, %add3A, %dma_wait3A_20, %dma_wait3A_21, %dma_wait3A_22] : memref<2x32x5x25x80xi32, #tpu.memory_space<hbm>> -> memref<1x1x1x25x80xi32, #tpu.memory_space<hbm>>
    %dma_wait3A_24 = tpu.memref_squeeze %dma_wait3A_23 : memref<1x1x1x25x80xi32, #tpu.memory_space<hbm>> -> memref<25x80xi32, #tpu.memory_space<hbm>>
    %dma_wait3A_25 = arith.constant 0 : i32
    %dma_wait3A_26 = arith.constant 0 : i32
    %dma_wait3A_27 = tpu.memref_slice %arg3[%dma_wait3A, %add3A, %dma_wait3A_20, %dma_wait3A_25, %dma_wait3A_26] : memref<2x32x5x25x80xi32, #tpu.memory_space<hbm>> -> memref<1x1x1x25x80xi32, #tpu.memory_space<hbm>>
    %dma_wait3A_28 = tpu.memref_squeeze %dma_wait3A_27 : memref<1x1x1x25x80xi32, #tpu.memory_space<hbm>> -> memref<25x80xi32, #tpu.memory_space<hbm>>
    tpu.wait_dma2 semaphore(%arg12 : memref<!tpu.dma_semaphore, #tpu.memory_space<semaphore_mem>>) src(%dma_wait3A_28 : memref<25x80xi32, #tpu.memory_space<hbm>>) dst(%arg5 : memref<25x80xi32, #tpu.memory_space<vmem>>)
    %dma_start3A_29 = arith.constant 1 : i32
    %dma_start3A_30 = arith.constant 0 : i32
    %dma_start3A_31 = tpu.memref_slice %arg5[%dma_start3A_29, %dma_start3A_30] : memref<25x80xi32, #tpu.memory_space<vmem>> -> memref<1x80xi32, #tpu.memory_space<vmem>>
    %dma_start3A_32 = tpu.memref_squeeze %dma_start3A_31 : memref<1x80xi32, #tpu.memory_space<vmem>> -> memref<80xi32, #tpu.memory_space<vmem>>
    %dma_start3A_33 = arith.constant 0 : i32
    %dma_start3A_34 = arith.constant 0 : i32
    %dma_start3A_35 = tpu.memref_slice %arg2[%dma_start3A_33, %dma_start3A_34] : memref<10240x128xf32, #tpu.memory_space<hbm>> -> memref<10240x128xf32, #tpu.memory_space<hbm>>
    tpu.enqueue_indirect_dma source(%dma_start3A_35 : memref<10240x128xf32, #tpu.memory_space<hbm>>) target(%arg8 : memref<80x128xf32, #tpu.memory_space<vmem>>) offsets(%dma_start3A_32 : memref<80xi32, #tpu.memory_space<vmem>>) semaphore(%arg14 : memref<!tpu.dma_semaphore, #tpu.memory_space<semaphore_mem>>)
    %dma_start3A_36 = arith.constant 2 : i32
    %dma_start3A_37 = arith.constant 0 : i32
    %dma_start3A_38 = tpu.memref_slice %arg5[%dma_start3A_36, %dma_start3A_37] : memref<25x80xi32, #tpu.memory_space<vmem>> -> memref<1x80xi32, #tpu.memory_space<vmem>>
    %dma_start3A_39 = tpu.memref_squeeze %dma_start3A_38 : memref<1x80xi32, #tpu.memory_space<vmem>> -> memref<80xi32, #tpu.memory_space<vmem>>
    %dma_start3A_40 = arith.constant 0 : i32
    %dma_start3A_41 = arith.constant 0 : i32
    %dma_start3A_42 = tpu.memref_slice %arg2[%dma_start3A_40, %dma_start3A_41] : memref<10240x128xf32, #tpu.memory_space<hbm>> -> memref<10240x128xf32, #tpu.memory_space<hbm>>
    tpu.enqueue_indirect_dma source(%dma_start3A_42 : memref<10240x128xf32, #tpu.memory_space<hbm>>) target(%arg9 : memref<80x128xf32, #tpu.memory_space<vmem>>) offsets(%dma_start3A_39 : memref<80xi32, #tpu.memory_space<vmem>>) semaphore(%arg15 : memref<!tpu.dma_semaphore, #tpu.memory_space<semaphore_mem>>)
    %dma_start3A_43 = arith.constant 3 : i32
    %dma_start3A_44 = arith.constant 0 : i32
    %dma_start3A_45 = tpu.memref_slice %arg5[%dma_start3A_43, %dma_start3A_44] : memref<25x80xi32, #tpu.memory_space<vmem>> -> memref<1x80xi32, #tpu.memory_space<vmem>>
    %dma_start3A_46 = tpu.memref_squeeze %dma_start3A_45 : memref<1x80xi32, #tpu.memory_space<vmem>> -> memref<80xi32, #tpu.memory_space<vmem>>
    %dma_start3A_47 = arith.constant 0 : i32
    %dma_start3A_48 = arith.constant 0 : i32
    %dma_start3A_49 = tpu.memref_slice %arg2[%dma_start3A_47, %dma_start3A_48] : memref<10240x128xf32, #tpu.memory_space<hbm>> -> memref<10240x128xf32, #tpu.memory_space<hbm>>
    tpu.enqueue_indirect_dma source(%dma_start3A_49 : memref<10240x128xf32, #tpu.memory_space<hbm>>) target(%arg10 : memref<80x128xf32, #tpu.memory_space<vmem>>) offsets(%dma_start3A_46 : memref<80xi32, #tpu.memory_space<vmem>>) semaphore(%arg16 : memref<!tpu.dma_semaphore, #tpu.memory_space<semaphore_mem>>)
    %scan3A = arith.constant 0 : i32
    %scan3A_50 = arith.constant 80 : i32
    %scan3A_51 = arith.addi %scan3A, %scan3A_50 : i32
    %scan3A_52 = arith.constant 1 : i32
    scf.for %scan3A_87 = %scan3A to %scan3A_51 step %scan3A_52  : i32 {
      %mul3A_88 = arith.constant 1 : i32
      %mul3A_89 = arith.muli %scan3A_87, %mul3A_88 : i32
      %add3A_90 = arith.constant 0 : i32
      %add3A_91 = arith.addi %add3A_90, %mul3A_89 : i32
      %scan3A_92 = arith.constant 0 : i32
      %scan3A_93 = arith.constant 8 : i32
      %scan3A_94 = arith.addi %scan3A_92, %scan3A_93 : i32
      %scan3A_95 = arith.constant 1 : i32
      scf.for %scan3A_97 = %scan3A_92 to %scan3A_94 step %scan3A_95  : i32 {
        %mul3A_98 = arith.constant 16 : i32
        %mul3A_99 = arith.muli %scan3A_97, %mul3A_98 : i32
        %add3A_100 = arith.constant 0 : i32
        %add3A_101 = arith.addi %add3A_100, %mul3A_99 : i32
        %broadcast_in_dim3A = arith.constant 0.000000e+00 : f32
        %broadcast_in_dim3A_102 = vector.broadcast %broadcast_in_dim3A : f32 to vector<16xf32>
        %swap3A = arith.index_cast %add3A_91 : i32 to index
        %swap3A_103 = arith.index_cast %add3A_101 : i32 to index
        %swap3A_104 = tpu.vector_load %arg7[%swap3A, %swap3A_103] {strides = array<i32>} : memref<80x128xf32, #tpu.memory_space<vmem>>, vector<1x16xf32>,
        %swap3A_105 = vector.shape_cast %swap3A_104 : vector<1x16xf32> to vector<16xf32>
        %swap3A_106 = vector.shape_cast %broadcast_in_dim3A_102 : vector<16xf32> to vector<1x16xf32>
        tpu.vector_store %arg7[%swap3A, %swap3A_103], %swap3A_106 {strides = array<i32>} : memref<80x128xf32, #tpu.memory_space<vmem>>, vector<1x16xf32>,
      }
      %scan3A_96 = arith.constant 8 : i32
    }
    %scan3A_53 = arith.constant 80 : i32
    %scan3A_54 = arith.constant 0 : i32
    %scan3A_55 = arith.constant 8 : i32
    %scan3A_56 = arith.addi %scan3A_54, %scan3A_55 : i32
    %scan3A_57 = arith.constant 1 : i32
    scf.for %scan3A_87 = %scan3A_54 to %scan3A_56 step %scan3A_57  : i32 {
      %mul3A_88 = arith.constant 80 : i32
      %mul3A_89 = arith.muli %scan3A_87, %mul3A_88 : i32
      %add3A_90 = arith.constant 0 : i32
      %add3A_91 = arith.addi %add3A_90, %mul3A_89 : i32
      %mul3A_92 = arith.constant 640 : i32
      %mul3A_93 = arith.muli %arg1, %mul3A_92 : i32
      %add3A_94 = arith.addi %mul3A_93, %add3A_91 : i32
      "tpu.region"() ({
        %run_scoped3A = tpu.sem_alloc : memref<!tpu.dma_semaphore, #tpu.memory_space<semaphore_mem>>
        %dma_start3A_95 = arith.constant 0 : i32
        %dma_start3A_96 = tpu.memref_slice %arg11[%add3A_94, %dma_start3A_95] : memref<10240x128xf32, #tpu.memory_space<vmem_shared>> -> memref<80x128xf32, #tpu.memory_space<vmem_shared>>
        %dma_start3A_97 = arith.constant 0 : i32
        %dma_start3A_98 = tpu.memref_slice %arg11[%add3A_94, %dma_start3A_97] : memref<10240x128xf32, #tpu.memory_space<vmem_shared>> -> memref<80x128xf32, #tpu.memory_space<vmem_shared>>
        tpu.enqueue_dma source(%arg7 : memref<80x128xf32, #tpu.memory_space<vmem>>) target(%dma_start3A_98 : memref<80x128xf32, #tpu.memory_space<vmem_shared>>) target_semaphore(%run_scoped3A : memref<!tpu.dma_semaphore, #tpu.memory_space<semaphore_mem>>)
        %dma_wait3A_99 = arith.constant 0 : i32
        %dma_wait3A_100 = tpu.memref_slice %arg11[%add3A_94, %dma_wait3A_99] : memref<10240x128xf32, #tpu.memory_space<vmem_shared>> -> memref<80x128xf32, #tpu.memory_space<vmem_shared>>
        %dma_wait3A_101 = arith.constant 0 : i32
        %dma_wait3A_102 = tpu.memref_slice %arg11[%add3A_94, %dma_wait3A_101] : memref<10240x128xf32, #tpu.memory_space<vmem_shared>> -> memref<80x128xf32, #tpu.memory_space<vmem_shared>>
        tpu.wait_dma2 semaphore(%run_scoped3A : memref<!tpu.dma_semaphore, #tpu.memory_space<semaphore_mem>>) src(%arg7 : memref<80x128xf32, #tpu.memory_space<vmem>>) dst(%dma_wait3A_102 : memref<80x128xf32, #tpu.memory_space<vmem_shared>>)
        tpu.yield
      }) : () -> ()
    }
    %scan3A_58 = arith.constant 8 : i32
    %dma_start3A_59 = arith.constant 0 : i32
    %dma_start3A_60 = arith.constant 0 : i32
    %dma_start3A_61 = tpu.memref_slice %arg5[%dma_start3A_59, %dma_start3A_60] : memref<25x80xi32, #tpu.memory_space<vmem>> -> memref<1x80xi32, #tpu.memory_space<vmem>>
    %dma_start3A_62 = tpu.memref_squeeze %dma_start3A_61 : memref<1x80xi32, #tpu.memory_space<vmem>> -> memref<80xi32, #tpu.memory_space<vmem>>
    %dma_start3A_63 = arith.constant 0 : i32
    %dma_start3A_64 = arith.constant 0 : i32
    %dma_start3A_65 = tpu.memref_slice %arg2[%dma_start3A_63, %dma_start3A_64] : memref<10240x128xf32, #tpu.memory_space<hbm>> -> memref<10240x128xf32, #tpu.memory_space<hbm>>
    tpu.enqueue_indirect_dma source(%dma_start3A_65 : memref<10240x128xf32, #tpu.memory_space<hbm>>) target(%arg7 : memref<80x128xf32, #tpu.memory_space<vmem>>) offsets(%dma_start3A_62 : memref<80xi32, #tpu.memory_space<vmem>>) semaphore(%arg13 : memref<!tpu.dma_semaphore, #tpu.memory_space<semaphore_mem>>)
    %barrier3A = arith.constant 0 : index
    tpu.barrier barrier_id(%barrier3A)
    %dma_wait3A_66 = arith.constant 1 : i32
    %dma_wait3A_67 = arith.constant 0 : i32
    %dma_wait3A_68 = arith.constant 0 : i32
    %dma_wait3A_69 = arith.constant 0 : i32
    %dma_wait3A_70 = tpu.memref_slice %arg3[%dma_wait3A_66, %add3A, %dma_wait3A_67, %dma_wait3A_68, %dma_wait3A_69] : memref<2x32x5x25x80xi32, #tpu.memory_space<hbm>> -> memref<1x1x1x25x80xi32, #tpu.memory_space<hbm>>
    %dma_wait3A_71 = tpu.memref_squeeze %dma_wait3A_70 : memref<1x1x1x25x80xi32, #tpu.memory_space<hbm>> -> memref<25x80xi32, #tpu.memory_space<hbm>>
    %dma_wait3A_72 = arith.constant 0 : i32
    %dma_wait3A_73 = arith.constant 0 : i32
    %dma_wait3A_74 = tpu.memref_slice %arg3[%dma_wait3A_66, %add3A, %dma_wait3A_67, %dma_wait3A_72, %dma_wait3A_73] : memref<2x32x5x25x80xi32, #tpu.memory_space<hbm>> -> memref<1x1x1x25x80xi32, #tpu.memory_space<hbm>>
    %dma_wait3A_75 = tpu.memref_squeeze %dma_wait3A_74 : memref<1x1x1x25x80xi32, #tpu.memory_space<hbm>> -> memref<25x80xi32, #tpu.memory_space<hbm>>
    tpu.wait_dma2 semaphore(%arg12 : memref<!tpu.dma_semaphore, #tpu.memory_space<semaphore_mem>>) src(%dma_wait3A_75 : memref<25x80xi32, #tpu.memory_space<hbm>>) dst(%arg6 : memref<25x80xi32, #tpu.memory_space<vmem>>)
    %scan3A_76 = arith.constant 0 : i32
    %scan3A_77 = arith.constant 5 : i32
    %scan3A_78 = arith.addi %scan3A_76, %scan3A_77 : i32
    %scan3A_79 = arith.constant 1 : i32
    scf.for %scan3A_87 = %scan3A_76 to %scan3A_78 step %scan3A_79  : i32 {
      %mul3A_88 = arith.constant 1 : i32
      %mul3A_89 = arith.muli %scan3A_87, %mul3A_88 : i32
      %add3A_90 = arith.constant 0 : i32
      %add3A_91 = arith.addi %add3A_90, %mul3A_89 : i32
      %gt3A = arith.constant 0 : i32
      %gt3A_92 = arith.cmpi sgt, %add3A_91, %gt3A : i32
      %convert_element_type3A = arith.extui %gt3A_92 : i1 to i32
      %cond3A = arith.constant 0 : i32
      %cond3A_93 = arith.cmpi ne, %convert_element_type3A, %cond3A : i32
      scf.if %cond3A_93 {
        %dma_start3A_151 = arith.constant 0 : i32
        %dma_start3A_152 = arith.constant 0 : i32
        %dma_start3A_153 = tpu.memref_slice %arg5[%dma_start3A_151, %dma_start3A_152] : memref<25x80xi32, #tpu.memory_space<vmem>> -> memref<1x80xi32, #tpu.memory_space<vmem>>
        %dma_start3A_154 = tpu.memref_squeeze %dma_start3A_153 : memref<1x80xi32, #tpu.memory_space<vmem>> -> memref<80xi32, #tpu.memory_space<vmem>>
        %dma_start3A_155 = arith.constant 0 : i32
        %dma_start3A_156 = arith.constant 0 : i32
        %dma_start3A_157 = tpu.memref_slice %arg2[%dma_start3A_155, %dma_start3A_156] : memref<10240x128xf32, #tpu.memory_space<hbm>> -> memref<10240x128xf32, #tpu.memory_space<hbm>>
        tpu.enqueue_indirect_dma source(%dma_start3A_157 : memref<10240x128xf32, #tpu.memory_space<hbm>>) target(%arg7 : memref<80x128xf32, #tpu.memory_space<vmem>>) offsets(%dma_start3A_154 : memref<80xi32, #tpu.memory_space<vmem>>) semaphore(%arg13 : memref<!tpu.dma_semaphore, #tpu.memory_space<semaphore_mem>>)
        %dma_start3A_158 = arith.constant 1 : i32
        %dma_start3A_159 = arith.constant 0 : i32
        %dma_start3A_160 = tpu.memref_slice %arg5[%dma_start3A_158, %dma_start3A_159] : memref<25x80xi32, #tpu.memory_space<vmem>> -> memref<1x80xi32, #tpu.memory_space<vmem>>
        %dma_start3A_161 = tpu.memref_squeeze %dma_start3A_160 : memref<1x80xi32, #tpu.memory_space<vmem>> -> memref<80xi32, #tpu.memory_space<vmem>>
        %dma_start3A_162 = arith.constant 0 : i32
        %dma_start3A_163 = arith.constant 0 : i32
        %dma_start3A_164 = tpu.memref_slice %arg2[%dma_start3A_162, %dma_start3A_163] : memref<10240x128xf32, #tpu.memory_space<hbm>> -> memref<10240x128xf32, #tpu.memory_space<hbm>>
        tpu.enqueue_indirect_dma source(%dma_start3A_164 : memref<10240x128xf32, #tpu.memory_space<hbm>>) target(%arg8 : memref<80x128xf32, #tpu.memory_space<vmem>>) offsets(%dma_start3A_161 : memref<80xi32, #tpu.memory_space<vmem>>) semaphore(%arg14 : memref<!tpu.dma_semaphore, #tpu.memory_space<semaphore_mem>>)
        %dma_start3A_165 = arith.constant 2 : i32
        %dma_start3A_166 = arith.constant 0 : i32
        %dma_start3A_167 = tpu.memref_slice %arg5[%dma_start3A_165, %dma_start3A_166] : memref<25x80xi32, #tpu.memory_space<vmem>> -> memref<1x80xi32, #tpu.memory_space<vmem>>
        %dma_start3A_168 = tpu.memref_squeeze %dma_start3A_167 : memref<1x80xi32, #tpu.memory_space<vmem>> -> memref<80xi32, #tpu.memory_space<vmem>>
        %dma_start3A_169 = arith.constant 0 : i32
        %dma_start3A_170 = arith.constant 0 : i32
        %dma_start3A_171 = tpu.memref_slice %arg2[%dma_start3A_169, %dma_start3A_170] : memref<10240x128xf32, #tpu.memory_space<hbm>> -> memref<10240x128xf32, #tpu.memory_space<hbm>>
        tpu.enqueue_indirect_dma source(%dma_start3A_171 : memref<10240x128xf32, #tpu.memory_space<hbm>>) target(%arg9 : memref<80x128xf32, #tpu.memory_space<vmem>>) offsets(%dma_start3A_168 : memref<80xi32, #tpu.memory_space<vmem>>) semaphore(%arg15 : memref<!tpu.dma_semaphore, #tpu.memory_space<semaphore_mem>>)
        %dma_start3A_172 = arith.constant 3 : i32
        %dma_start3A_173 = arith.constant 0 : i32
        %dma_start3A_174 = tpu.memref_slice %arg5[%dma_start3A_172, %dma_start3A_173] : memref<25x80xi32, #tpu.memory_space<vmem>> -> memref<1x80xi32, #tpu.memory_space<vmem>>
        %dma_start3A_175 = tpu.memref_squeeze %dma_start3A_174 : memref<1x80xi32, #tpu.memory_space<vmem>> -> memref<80xi32, #tpu.memory_space<vmem>>
        %dma_start3A_176 = arith.constant 0 : i32
        %dma_start3A_177 = arith.constant 0 : i32
        %dma_start3A_178 = tpu.memref_slice %arg2[%dma_start3A_176, %dma_start3A_177] : memref<10240x128xf32, #tpu.memory_space<hbm>> -> memref<10240x128xf32, #tpu.memory_space<hbm>>
        tpu.enqueue_indirect_dma source(%dma_start3A_178 : memref<10240x128xf32, #tpu.memory_space<hbm>>) target(%arg10 : memref<80x128xf32, #tpu.memory_space<vmem>>) offsets(%dma_start3A_175 : memref<80xi32, #tpu.memory_space<vmem>>) semaphore(%arg16 : memref<!tpu.dma_semaphore, #tpu.memory_space<semaphore_mem>>)
      } else {
      }
      %scan3A_94 = arith.constant 0 : i32
      %scan3A_95 = arith.constant 5 : i32
      %scan3A_96 = arith.addi %scan3A_94, %scan3A_95 : i32
      %scan3A_97 = arith.constant 1 : i32
      scf.for %scan3A_151 = %scan3A_94 to %scan3A_96 step %scan3A_97  : i32 {
        %mul3A_152 = arith.constant 4 : i32
        %mul3A_153 = arith.muli %scan3A_151, %mul3A_152 : i32
        %add3A_154 = arith.constant 0 : i32
        %add3A_155 = arith.addi %add3A_154, %mul3A_153 : i32
        %add3A_156 = arith.constant 0 : i32
        %add3A_157 = arith.addi %add3A_155, %add3A_156 : i32
        %dma_wait3A_158 = arith.constant 0 : i32
        %dma_wait3A_159 = tpu.memref_slice %arg5[%add3A_157, %dma_wait3A_158] : memref<25x80xi32, #tpu.memory_space<vmem>> -> memref<1x80xi32, #tpu.memory_space<vmem>>
        %dma_wait3A_160 = tpu.memref_squeeze %dma_wait3A_159 : memref<1x80xi32, #tpu.memory_space<vmem>> -> memref<80xi32, #tpu.memory_space<vmem>>
        %dma_wait3A_161 = arith.constant 0 : i32
        %dma_wait3A_162 = arith.constant 0 : i32
        %dma_wait3A_163 = tpu.memref_slice %arg2[%dma_wait3A_161, %dma_wait3A_162] : memref<10240x128xf32, #tpu.memory_space<hbm>> -> memref<10240x128xf32, #tpu.memory_space<hbm>>
        tpu.wait_indirect_dma semaphore(%arg13 : memref<!tpu.dma_semaphore, #tpu.memory_space<semaphore_mem>>) src(%dma_wait3A_163 : memref<10240x128xf32, #tpu.memory_space<hbm>>) dst(%arg7 : memref<80x128xf32, #tpu.memory_space<vmem>>)
        %add3A_164 = arith.constant 0 : i32
        %add3A_165 = arith.addi %add3A_155, %add3A_164 : i32
        "tpu.region"() ({
          %run_scoped3A_236 = tpu.sem_alloc : memref<!tpu.dma_semaphore, #tpu.memory_space<semaphore_mem>>
          %dma_start3A_237 = arith.constant 0 : i32
          %dma_start3A_238 = tpu.memref_slice %arg6[%add3A_165, %dma_start3A_237] : memref<25x80xi32, #tpu.memory_space<vmem>> -> memref<1x80xi32, #tpu.memory_space<vmem>>
          %dma_start3A_239 = tpu.memref_squeeze %dma_start3A_238 : memref<1x80xi32, #tpu.memory_space<vmem>> -> memref<80xi32, #tpu.memory_space<vmem>>
          %dma_start3A_240 = arith.constant 0 : i32
          %dma_start3A_241 = arith.constant 0 : i32
          %dma_start3A_242 = tpu.memref_slice %arg11[%dma_start3A_240, %dma_start3A_241] : memref<10240x128xf32, #tpu.memory_space<vmem_shared>> -> memref<10240x128xf32, #tpu.memory_space<vmem_shared>>
          tpu.enqueue_indirect_dma source(%arg7 : memref<80x128xf32, #tpu.memory_space<vmem>>) target(%dma_start3A_242 : memref<10240x128xf32, #tpu.memory_space<vmem_shared>>) offsets(%dma_start3A_239 : memref<80xi32, #tpu.memory_space<vmem>>) semaphore(%run_scoped3A_236 : memref<!tpu.dma_semaphore, #tpu.memory_space<semaphore_mem>>) {add = true}
          %dma_wait3A_243 = arith.constant 0 : i32
          %dma_wait3A_244 = tpu.memref_slice %arg6[%add3A_165, %dma_wait3A_243] : memref<25x80xi32, #tpu.memory_space<vmem>> -> memref<1x80xi32, #tpu.memory_space<vmem>>
          %dma_wait3A_245 = tpu.memref_squeeze %dma_wait3A_244 : memref<1x80xi32, #tpu.memory_space<vmem>> -> memref<80xi32, #tpu.memory_space<vmem>>
          %dma_wait3A_246 = arith.constant 0 : i32
          %dma_wait3A_247 = arith.constant 0 : i32
          %dma_wait3A_248 = tpu.memref_slice %arg11[%dma_wait3A_246, %dma_wait3A_247] : memref<10240x128xf32, #tpu.memory_space<vmem_shared>> -> memref<10240x128xf32, #tpu.memory_space<vmem_shared>>
          tpu.wait_indirect_dma semaphore(%run_scoped3A_236 : memref<!tpu.dma_semaphore, #tpu.memory_space<semaphore_mem>>) src(%arg7 : memref<80x128xf32, #tpu.memory_space<vmem>>) dst(%dma_wait3A_248 : memref<10240x128xf32, #tpu.memory_space<vmem_shared>>)
          tpu.yield
        }) : () -> ()
        %add3A_166 = arith.constant 0 : i32
        %add3A_167 = arith.addi %add3A_155, %add3A_166 : i32
        %add3A_168 = arith.constant 4 : i32
        %add3A_169 = arith.addi %add3A_167, %add3A_168 : i32
        %dma_start3A_170 = arith.constant 0 : i32
        %dma_start3A_171 = tpu.memref_slice %arg5[%add3A_169, %dma_start3A_170] : memref<25x80xi32, #tpu.memory_space<vmem>> -> memref<1x80xi32, #tpu.memory_space<vmem>>
        %dma_start3A_172 = tpu.memref_squeeze %dma_start3A_171 : memref<1x80xi32, #tpu.memory_space<vmem>> -> memref<80xi32, #tpu.memory_space<vmem>>
        %dma_start3A_173 = arith.constant 0 : i32
        %dma_start3A_174 = arith.constant 0 : i32
        %dma_start3A_175 = tpu.memref_slice %arg2[%dma_start3A_173, %dma_start3A_174] : memref<10240x128xf32, #tpu.memory_space<hbm>> -> memref<10240x128xf32, #tpu.memory_space<hbm>>
        tpu.enqueue_indirect_dma source(%dma_start3A_175 : memref<10240x128xf32, #tpu.memory_space<hbm>>) target(%arg7 : memref<80x128xf32, #tpu.memory_space<vmem>>) offsets(%dma_start3A_172 : memref<80xi32, #tpu.memory_space<vmem>>) semaphore(%arg13 : memref<!tpu.dma_semaphore, #tpu.memory_space<semaphore_mem>>)
        %add3A_176 = arith.constant 1 : i32
        %add3A_177 = arith.addi %add3A_155, %add3A_176 : i32
        %dma_wait3A_178 = arith.constant 0 : i32
        %dma_wait3A_179 = tpu.memref_slice %arg5[%add3A_177, %dma_wait3A_178] : memref<25x80xi32, #tpu.memory_space<vmem>> -> memref<1x80xi32, #tpu.memory_space<vmem>>
        %dma_wait3A_180 = tpu.memref_squeeze %dma_wait3A_179 : memref<1x80xi32, #tpu.memory_space<vmem>> -> memref<80xi32, #tpu.memory_space<vmem>>
        %dma_wait3A_181 = arith.constant 0 : i32
        %dma_wait3A_182 = arith.constant 0 : i32
        %dma_wait3A_183 = tpu.memref_slice %arg2[%dma_wait3A_181, %dma_wait3A_182] : memref<10240x128xf32, #tpu.memory_space<hbm>> -> memref<10240x128xf32, #tpu.memory_space<hbm>>
        tpu.wait_indirect_dma semaphore(%arg14 : memref<!tpu.dma_semaphore, #tpu.memory_space<semaphore_mem>>) src(%dma_wait3A_183 : memref<10240x128xf32, #tpu.memory_space<hbm>>) dst(%arg8 : memref<80x128xf32, #tpu.memory_space<vmem>>)
        %add3A_184 = arith.constant 1 : i32
        %add3A_185 = arith.addi %add3A_155, %add3A_184 : i32
        "tpu.region"() ({
          %run_scoped3A_236 = tpu.sem_alloc : memref<!tpu.dma_semaphore, #tpu.memory_space<semaphore_mem>>
          %dma_start3A_237 = arith.constant 0 : i32
          %dma_start3A_238 = tpu.memref_slice %arg6[%add3A_185, %dma_start3A_237] : memref<25x80xi32, #tpu.memory_space<vmem>> -> memref<1x80xi32, #tpu.memory_space<vmem>>
          %dma_start3A_239 = tpu.memref_squeeze %dma_start3A_238 : memref<1x80xi32, #tpu.memory_space<vmem>> -> memref<80xi32, #tpu.memory_space<vmem>>
          %dma_start3A_240 = arith.constant 0 : i32
          %dma_start3A_241 = arith.constant 0 : i32
          %dma_start3A_242 = tpu.memref_slice %arg11[%dma_start3A_240, %dma_start3A_241] : memref<10240x128xf32, #tpu.memory_space<vmem_shared>> -> memref<10240x128xf32, #tpu.memory_space<vmem_shared>>
          tpu.enqueue_indirect_dma source(%arg8 : memref<80x128xf32, #tpu.memory_space<vmem>>) target(%dma_start3A_242 : memref<10240x128xf32, #tpu.memory_space<vmem_shared>>) offsets(%dma_start3A_239 : memref<80xi32, #tpu.memory_space<vmem>>) semaphore(%run_scoped3A_236 : memref<!tpu.dma_semaphore, #tpu.memory_space<semaphore_mem>>) {add = true}
          %dma_wait3A_243 = arith.constant 0 : i32
          %dma_wait3A_244 = tpu.memref_slice %arg6[%add3A_185, %dma_wait3A_243] : memref<25x80xi32, #tpu.memory_space<vmem>> -> memref<1x80xi32, #tpu.memory_space<vmem>>
          %dma_wait3A_245 = tpu.memref_squeeze %dma_wait3A_244 : memref<1x80xi32, #tpu.memory_space<vmem>> -> memref<80xi32, #tpu.memory_space<vmem>>
          %dma_wait3A_246 = arith.constant 0 : i32
          %dma_wait3A_247 = arith.constant 0 : i32
          %dma_wait3A_248 = tpu.memref_slice %arg11[%dma_wait3A_246, %dma_wait3A_247] : memref<10240x128xf32, #tpu.memory_space<vmem_shared>> -> memref<10240x128xf32, #tpu.memory_space<vmem_shared>>
          tpu.wait_indirect_dma semaphore(%run_scoped3A_236 : memref<!tpu.dma_semaphore, #tpu.memory_space<semaphore_mem>>) src(%arg8 : memref<80x128xf32, #tpu.memory_space<vmem>>) dst(%dma_wait3A_248 : memref<10240x128xf32, #tpu.memory_space<vmem_shared>>)
          tpu.yield
        }) : () -> ()
        %add3A_186 = arith.constant 1 : i32
        %add3A_187 = arith.addi %add3A_155, %add3A_186 : i32
        %add3A_188 = arith.constant 4 : i32
        %add3A_189 = arith.addi %add3A_187, %add3A_188 : i32
        %dma_start3A_190 = arith.constant 0 : i32
        %dma_start3A_191 = tpu.memref_slice %arg5[%add3A_189, %dma_start3A_190] : memref<25x80xi32, #tpu.memory_space<vmem>> -> memref<1x80xi32, #tpu.memory_space<vmem>>
        %dma_start3A_192 = tpu.memref_squeeze %dma_start3A_191 : memref<1x80xi32, #tpu.memory_space<vmem>> -> memref<80xi32, #tpu.memory_space<vmem>>
        %dma_start3A_193 = arith.constant 0 : i32
        %dma_start3A_194 = arith.constant 0 : i32
        %dma_start3A_195 = tpu.memref_slice %arg2[%dma_start3A_193, %dma_start3A_194] : memref<10240x128xf32, #tpu.memory_space<hbm>> -> memref<10240x128xf32, #tpu.memory_space<hbm>>
        tpu.enqueue_indirect_dma source(%dma_start3A_195 : memref<10240x128xf32, #tpu.memory_space<hbm>>) target(%arg8 : memref<80x128xf32, #tpu.memory_space<vmem>>) offsets(%dma_start3A_192 : memref<80xi32, #tpu.memory_space<vmem>>) semaphore(%arg14 : memref<!tpu.dma_semaphore, #tpu.memory_space<semaphore_mem>>)
        %add3A_196 = arith.constant 2 : i32
        %add3A_197 = arith.addi %add3A_155, %add3A_196 : i32
        %dma_wait3A_198 = arith.constant 0 : i32
        %dma_wait3A_199 = tpu.memref_slice %arg5[%add3A_197, %dma_wait3A_198] : memref<25x80xi32, #tpu.memory_space<vmem>> -> memref<1x80xi32, #tpu.memory_space<vmem>>
        %dma_wait3A_200 = tpu.memref_squeeze %dma_wait3A_199 : memref<1x80xi32, #tpu.memory_space<vmem>> -> memref<80xi32, #tpu.memory_space<vmem>>
        %dma_wait3A_201 = arith.constant 0 : i32
        %dma_wait3A_202 = arith.constant 0 : i32
        %dma_wait3A_203 = tpu.memref_slice %arg2[%dma_wait3A_201, %dma_wait3A_202] : memref<10240x128xf32, #tpu.memory_space<hbm>> -> memref<10240x128xf32, #tpu.memory_space<hbm>>
        tpu.wait_indirect_dma semaphore(%arg15 : memref<!tpu.dma_semaphore, #tpu.memory_space<semaphore_mem>>) src(%dma_wait3A_203 : memref<10240x128xf32, #tpu.memory_space<hbm>>) dst(%arg9 : memref<80x128xf32, #tpu.memory_space<vmem>>)
        %add3A_204 = arith.constant 2 : i32
        %add3A_205 = arith.addi %add3A_155, %add3A_204 : i32
        "tpu.region"() ({
          %run_scoped3A_236 = tpu.sem_alloc : memref<!tpu.dma_semaphore, #tpu.memory_space<semaphore_mem>>
          %dma_start3A_237 = arith.constant 0 : i32
          %dma_start3A_238 = tpu.memref_slice %arg6[%add3A_205, %dma_start3A_237] : memref<25x80xi32, #tpu.memory_space<vmem>> -> memref<1x80xi32, #tpu.memory_space<vmem>>
          %dma_start3A_239 = tpu.memref_squeeze %dma_start3A_238 : memref<1x80xi32, #tpu.memory_space<vmem>> -> memref<80xi32, #tpu.memory_space<vmem>>
          %dma_start3A_240 = arith.constant 0 : i32
          %dma_start3A_241 = arith.constant 0 : i32
          %dma_start3A_242 = tpu.memref_slice %arg11[%dma_start3A_240, %dma_start3A_241] : memref<10240x128xf32, #tpu.memory_space<vmem_shared>> -> memref<10240x128xf32, #tpu.memory_space<vmem_shared>>
          tpu.enqueue_indirect_dma source(%arg9 : memref<80x128xf32, #tpu.memory_space<vmem>>) target(%dma_start3A_242 : memref<10240x128xf32, #tpu.memory_space<vmem_shared>>) offsets(%dma_start3A_239 : memref<80xi32, #tpu.memory_space<vmem>>) semaphore(%run_scoped3A_236 : memref<!tpu.dma_semaphore, #tpu.memory_space<semaphore_mem>>) {add = true}
          %dma_wait3A_243 = arith.constant 0 : i32
          %dma_wait3A_244 = tpu.memref_slice %arg6[%add3A_205, %dma_wait3A_243] : memref<25x80xi32, #tpu.memory_space<vmem>> -> memref<1x80xi32, #tpu.memory_space<vmem>>
          %dma_wait3A_245 = tpu.memref_squeeze %dma_wait3A_244 : memref<1x80xi32, #tpu.memory_space<vmem>> -> memref<80xi32, #tpu.memory_space<vmem>>
          %dma_wait3A_246 = arith.constant 0 : i32
          %dma_wait3A_247 = arith.constant 0 : i32
          %dma_wait3A_248 = tpu.memref_slice %arg11[%dma_wait3A_246, %dma_wait3A_247] : memref<10240x128xf32, #tpu.memory_space<vmem_shared>> -> memref<10240x128xf32, #tpu.memory_space<vmem_shared>>
          tpu.wait_indirect_dma semaphore(%run_scoped3A_236 : memref<!tpu.dma_semaphore, #tpu.memory_space<semaphore_mem>>) src(%arg9 : memref<80x128xf32, #tpu.memory_space<vmem>>) dst(%dma_wait3A_248 : memref<10240x128xf32, #tpu.memory_space<vmem_shared>>)
          tpu.yield
        }) : () -> ()
        %add3A_206 = arith.constant 2 : i32
        %add3A_207 = arith.addi %add3A_155, %add3A_206 : i32
        %add3A_208 = arith.constant 4 : i32
        %add3A_209 = arith.addi %add3A_207, %add3A_208 : i32
        %dma_start3A_210 = arith.constant 0 : i32
        %dma_start3A_211 = tpu.memref_slice %arg5[%add3A_209, %dma_start3A_210] : memref<25x80xi32, #tpu.memory_space<vmem>> -> memref<1x80xi32, #tpu.memory_space<vmem>>
        %dma_start3A_212 = tpu.memref_squeeze %dma_start3A_211 : memref<1x80xi32, #tpu.memory_space<vmem>> -> memref<80xi32, #tpu.memory_space<vmem>>
        %dma_start3A_213 = arith.constant 0 : i32
        %dma_start3A_214 = arith.constant 0 : i32
        %dma_start3A_215 = tpu.memref_slice %arg2[%dma_start3A_213, %dma_start3A_214] : memref<10240x128xf32, #tpu.memory_space<hbm>> -> memref<10240x128xf32, #tpu.memory_space<hbm>>
        tpu.enqueue_indirect_dma source(%dma_start3A_215 : memref<10240x128xf32, #tpu.memory_space<hbm>>) target(%arg9 : memref<80x128xf32, #tpu.memory_space<vmem>>) offsets(%dma_start3A_212 : memref<80xi32, #tpu.memory_space<vmem>>) semaphore(%arg15 : memref<!tpu.dma_semaphore, #tpu.memory_space<semaphore_mem>>)
        %add3A_216 = arith.constant 3 : i32
        %add3A_217 = arith.addi %add3A_155, %add3A_216 : i32
        %dma_wait3A_218 = arith.constant 0 : i32
        %dma_wait3A_219 = tpu.memref_slice %arg5[%add3A_217, %dma_wait3A_218] : memref<25x80xi32, #tpu.memory_space<vmem>> -> memref<1x80xi32, #tpu.memory_space<vmem>>
        %dma_wait3A_220 = tpu.memref_squeeze %dma_wait3A_219 : memref<1x80xi32, #tpu.memory_space<vmem>> -> memref<80xi32, #tpu.memory_space<vmem>>
        %dma_wait3A_221 = arith.constant 0 : i32
        %dma_wait3A_222 = arith.constant 0 : i32
        %dma_wait3A_223 = tpu.memref_slice %arg2[%dma_wait3A_221, %dma_wait3A_222] : memref<10240x128xf32, #tpu.memory_space<hbm>> -> memref<10240x128xf32, #tpu.memory_space<hbm>>
        tpu.wait_indirect_dma semaphore(%arg16 : memref<!tpu.dma_semaphore, #tpu.memory_space<semaphore_mem>>) src(%dma_wait3A_223 : memref<10240x128xf32, #tpu.memory_space<hbm>>) dst(%arg10 : memref<80x128xf32, #tpu.memory_space<vmem>>)
        %add3A_224 = arith.constant 3 : i32
        %add3A_225 = arith.addi %add3A_155, %add3A_224 : i32
        "tpu.region"() ({
          %run_scoped3A_236 = tpu.sem_alloc : memref<!tpu.dma_semaphore, #tpu.memory_space<semaphore_mem>>
          %dma_start3A_237 = arith.constant 0 : i32
          %dma_start3A_238 = tpu.memref_slice %arg6[%add3A_225, %dma_start3A_237] : memref<25x80xi32, #tpu.memory_space<vmem>> -> memref<1x80xi32, #tpu.memory_space<vmem>>
          %dma_start3A_239 = tpu.memref_squeeze %dma_start3A_238 : memref<1x80xi32, #tpu.memory_space<vmem>> -> memref<80xi32, #tpu.memory_space<vmem>>
          %dma_start3A_240 = arith.constant 0 : i32
          %dma_start3A_241 = arith.constant 0 : i32
          %dma_start3A_242 = tpu.memref_slice %arg11[%dma_start3A_240, %dma_start3A_241] : memref<10240x128xf32, #tpu.memory_space<vmem_shared>> -> memref<10240x128xf32, #tpu.memory_space<vmem_shared>>
          tpu.enqueue_indirect_dma source(%arg10 : memref<80x128xf32, #tpu.memory_space<vmem>>) target(%dma_start3A_242 : memref<10240x128xf32, #tpu.memory_space<vmem_shared>>) offsets(%dma_start3A_239 : memref<80xi32, #tpu.memory_space<vmem>>) semaphore(%run_scoped3A_236 : memref<!tpu.dma_semaphore, #tpu.memory_space<semaphore_mem>>) {add = true}
          %dma_wait3A_243 = arith.constant 0 : i32
          %dma_wait3A_244 = tpu.memref_slice %arg6[%add3A_225, %dma_wait3A_243] : memref<25x80xi32, #tpu.memory_space<vmem>> -> memref<1x80xi32, #tpu.memory_space<vmem>>
          %dma_wait3A_245 = tpu.memref_squeeze %dma_wait3A_244 : memref<1x80xi32, #tpu.memory_space<vmem>> -> memref<80xi32, #tpu.memory_space<vmem>>
          %dma_wait3A_246 = arith.constant 0 : i32
          %dma_wait3A_247 = arith.constant 0 : i32
          %dma_wait3A_248 = tpu.memref_slice %arg11[%dma_wait3A_246, %dma_wait3A_247] : memref<10240x128xf32, #tpu.memory_space<vmem_shared>> -> memref<10240x128xf32, #tpu.memory_space<vmem_shared>>
          tpu.wait_indirect_dma semaphore(%run_scoped3A_236 : memref<!tpu.dma_semaphore, #tpu.memory_space<semaphore_mem>>) src(%arg10 : memref<80x128xf32, #tpu.memory_space<vmem>>) dst(%dma_wait3A_248 : memref<10240x128xf32, #tpu.memory_space<vmem_shared>>)
          tpu.yield
        }) : () -> ()
        %add3A_226 = arith.constant 3 : i32
        %add3A_227 = arith.addi %add3A_155, %add3A_226 : i32
        %add3A_228 = arith.constant 4 : i32
        %add3A_229 = arith.addi %add3A_227, %add3A_228 : i32
        %dma_start3A_230 = arith.constant 0 : i32
        %dma_start3A_231 = tpu.memref_slice %arg5[%add3A_229, %dma_start3A_230] : memref<25x80xi32, #tpu.memory_space<vmem>> -> memref<1x80xi32, #tpu.memory_space<vmem>>
        %dma_start3A_232 = tpu.memref_squeeze %dma_start3A_231 : memref<1x80xi32, #tpu.memory_space<vmem>> -> memref<80xi32, #tpu.memory_space<vmem>>
        %dma_start3A_233 = arith.constant 0 : i32
        %dma_start3A_234 = arith.constant 0 : i32
        %dma_start3A_235 = tpu.memref_slice %arg2[%dma_start3A_233, %dma_start3A_234] : memref<10240x128xf32, #tpu.memory_space<hbm>> -> memref<10240x128xf32, #tpu.memory_space<hbm>>
        tpu.enqueue_indirect_dma source(%dma_start3A_235 : memref<10240x128xf32, #tpu.memory_space<hbm>>) target(%arg10 : memref<80x128xf32, #tpu.memory_space<vmem>>) offsets(%dma_start3A_232 : memref<80xi32, #tpu.memory_space<vmem>>) semaphore(%arg16 : memref<!tpu.dma_semaphore, #tpu.memory_space<semaphore_mem>>)
      }
      %scan3A_98 = arith.constant 5 : i32
      %dma_wait3A_99 = arith.constant 20 : i32
      %dma_wait3A_100 = arith.constant 0 : i32
      %dma_wait3A_101 = tpu.memref_slice %arg5[%dma_wait3A_99, %dma_wait3A_100] : memref<25x80xi32, #tpu.memory_space<vmem>> -> memref<1x80xi32, #tpu.memory_space<vmem>>
      %dma_wait3A_102 = tpu.memref_squeeze %dma_wait3A_101 : memref<1x80xi32, #tpu.memory_space<vmem>> -> memref<80xi32, #tpu.memory_space<vmem>>
      %dma_wait3A_103 = arith.constant 0 : i32
      %dma_wait3A_104 = arith.constant 0 : i32
      %dma_wait3A_105 = tpu.memref_slice %arg2[%dma_wait3A_103, %dma_wait3A_104] : memref<10240x128xf32, #tpu.memory_space<hbm>> -> memref<10240x128xf32, #tpu.memory_space<hbm>>
      tpu.wait_indirect_dma semaphore(%arg13 : memref<!tpu.dma_semaphore, #tpu.memory_space<semaphore_mem>>) src(%dma_wait3A_105 : memref<10240x128xf32, #tpu.memory_space<hbm>>) dst(%arg7 : memref<80x128xf32, #tpu.memory_space<vmem>>)
      %run_scoped3A = arith.constant 20 : i32
      "tpu.region"() ({
        %run_scoped3A_151 = tpu.sem_alloc : memref<!tpu.dma_semaphore, #tpu.memory_space<semaphore_mem>>
        %dma_start3A_152 = arith.constant 0 : i32
        %dma_start3A_153 = tpu.memref_slice %arg6[%run_scoped3A, %dma_start3A_152] : memref<25x80xi32, #tpu.memory_space<vmem>> -> memref<1x80xi32, #tpu.memory_space<vmem>>
        %dma_start3A_154 = tpu.memref_squeeze %dma_start3A_153 : memref<1x80xi32, #tpu.memory_space<vmem>> -> memref<80xi32, #tpu.memory_space<vmem>>
        %dma_start3A_155 = arith.constant 0 : i32
        %dma_start3A_156 = arith.constant 0 : i32
        %dma_start3A_157 = tpu.memref_slice %arg11[%dma_start3A_155, %dma_start3A_156] : memref<10240x128xf32, #tpu.memory_space<vmem_shared>> -> memref<10240x128xf32, #tpu.memory_space<vmem_shared>>
        tpu.enqueue_indirect_dma source(%arg7 : memref<80x128xf32, #tpu.memory_space<vmem>>) target(%dma_start3A_157 : memref<10240x128xf32, #tpu.memory_space<vmem_shared>>) offsets(%dma_start3A_154 : memref<80xi32, #tpu.memory_space<vmem>>) semaphore(%run_scoped3A_151 : memref<!tpu.dma_semaphore, #tpu.memory_space<semaphore_mem>>) {add = true}
        %dma_wait3A_158 = arith.constant 0 : i32
        %dma_wait3A_159 = tpu.memref_slice %arg6[%run_scoped3A, %dma_wait3A_158] : memref<25x80xi32, #tpu.memory_space<vmem>> -> memref<1x80xi32, #tpu.memory_space<vmem>>
        %dma_wait3A_160 = tpu.memref_squeeze %dma_wait3A_159 : memref<1x80xi32, #tpu.memory_space<vmem>> -> memref<80xi32, #tpu.memory_space<vmem>>
        %dma_wait3A_161 = arith.constant 0 : i32
        %dma_wait3A_162 = arith.constant 0 : i32
        %dma_wait3A_163 = tpu.memref_slice %arg11[%dma_wait3A_161, %dma_wait3A_162] : memref<10240x128xf32, #tpu.memory_space<vmem_shared>> -> memref<10240x128xf32, #tpu.memory_space<vmem_shared>>
        tpu.wait_indirect_dma semaphore(%run_scoped3A_151 : memref<!tpu.dma_semaphore, #tpu.memory_space<semaphore_mem>>) src(%arg7 : memref<80x128xf32, #tpu.memory_space<vmem>>) dst(%dma_wait3A_163 : memref<10240x128xf32, #tpu.memory_space<vmem_shared>>)
        tpu.yield
      }) : () -> ()
      %dma_start3A_106 = arith.constant 24 : i32
      %dma_start3A_107 = arith.constant 0 : i32
      %dma_start3A_108 = tpu.memref_slice %arg5[%dma_start3A_106, %dma_start3A_107] : memref<25x80xi32, #tpu.memory_space<vmem>> -> memref<1x80xi32, #tpu.memory_space<vmem>>
      %dma_start3A_109 = tpu.memref_squeeze %dma_start3A_108 : memref<1x80xi32, #tpu.memory_space<vmem>> -> memref<80xi32, #tpu.memory_space<vmem>>
      %dma_start3A_110 = arith.constant 0 : i32
      %dma_start3A_111 = arith.constant 0 : i32
      %dma_start3A_112 = tpu.memref_slice %arg2[%dma_start3A_110, %dma_start3A_111] : memref<10240x128xf32, #tpu.memory_space<hbm>> -> memref<10240x128xf32, #tpu.memory_space<hbm>>
      tpu.enqueue_indirect_dma source(%dma_start3A_112 : memref<10240x128xf32, #tpu.memory_space<hbm>>) target(%arg7 : memref<80x128xf32, #tpu.memory_space<vmem>>) offsets(%dma_start3A_109 : memref<80xi32, #tpu.memory_space<vmem>>) semaphore(%arg13 : memref<!tpu.dma_semaphore, #tpu.memory_space<semaphore_mem>>)
      %dma_wait3A_113 = arith.constant 21 : i32
      %dma_wait3A_114 = arith.constant 0 : i32
      %dma_wait3A_115 = tpu.memref_slice %arg5[%dma_wait3A_113, %dma_wait3A_114] : memref<25x80xi32, #tpu.memory_space<vmem>> -> memref<1x80xi32, #tpu.memory_space<vmem>>
      %dma_wait3A_116 = tpu.memref_squeeze %dma_wait3A_115 : memref<1x80xi32, #tpu.memory_space<vmem>> -> memref<80xi32, #tpu.memory_space<vmem>>
      %dma_wait3A_117 = arith.constant 0 : i32
      %dma_wait3A_118 = arith.constant 0 : i32
      %dma_wait3A_119 = tpu.memref_slice %arg2[%dma_wait3A_117, %dma_wait3A_118] : memref<10240x128xf32, #tpu.memory_space<hbm>> -> memref<10240x128xf32, #tpu.memory_space<hbm>>
      tpu.wait_indirect_dma semaphore(%arg14 : memref<!tpu.dma_semaphore, #tpu.memory_space<semaphore_mem>>) src(%dma_wait3A_119 : memref<10240x128xf32, #tpu.memory_space<hbm>>) dst(%arg8 : memref<80x128xf32, #tpu.memory_space<vmem>>)
      %run_scoped3A_120 = arith.constant 21 : i32
      "tpu.region"() ({
        %run_scoped3A_151 = tpu.sem_alloc : memref<!tpu.dma_semaphore, #tpu.memory_space<semaphore_mem>>
        %dma_start3A_152 = arith.constant 0 : i32
        %dma_start3A_153 = tpu.memref_slice %arg6[%run_scoped3A_120, %dma_start3A_152] : memref<25x80xi32, #tpu.memory_space<vmem>> -> memref<1x80xi32, #tpu.memory_space<vmem>>
        %dma_start3A_154 = tpu.memref_squeeze %dma_start3A_153 : memref<1x80xi32, #tpu.memory_space<vmem>> -> memref<80xi32, #tpu.memory_space<vmem>>
        %dma_start3A_155 = arith.constant 0 : i32
        %dma_start3A_156 = arith.constant 0 : i32
        %dma_start3A_157 = tpu.memref_slice %arg11[%dma_start3A_155, %dma_start3A_156] : memref<10240x128xf32, #tpu.memory_space<vmem_shared>> -> memref<10240x128xf32, #tpu.memory_space<vmem_shared>>
        tpu.enqueue_indirect_dma source(%arg8 : memref<80x128xf32, #tpu.memory_space<vmem>>) target(%dma_start3A_157 : memref<10240x128xf32, #tpu.memory_space<vmem_shared>>) offsets(%dma_start3A_154 : memref<80xi32, #tpu.memory_space<vmem>>) semaphore(%run_scoped3A_151 : memref<!tpu.dma_semaphore, #tpu.memory_space<semaphore_mem>>) {add = true}
        %dma_wait3A_158 = arith.constant 0 : i32
        %dma_wait3A_159 = tpu.memref_slice %arg6[%run_scoped3A_120, %dma_wait3A_158] : memref<25x80xi32, #tpu.memory_space<vmem>> -> memref<1x80xi32, #tpu.memory_space<vmem>>
        %dma_wait3A_160 = tpu.memref_squeeze %dma_wait3A_159 : memref<1x80xi32, #tpu.memory_space<vmem>> -> memref<80xi32, #tpu.memory_space<vmem>>
        %dma_wait3A_161 = arith.constant 0 : i32
        %dma_wait3A_162 = arith.constant 0 : i32
        %dma_wait3A_163 = tpu.memref_slice %arg11[%dma_wait3A_161, %dma_wait3A_162] : memref<10240x128xf32, #tpu.memory_space<vmem_shared>> -> memref<10240x128xf32, #tpu.memory_space<vmem_shared>>
        tpu.wait_indirect_dma semaphore(%run_scoped3A_151 : memref<!tpu.dma_semaphore, #tpu.memory_space<semaphore_mem>>) src(%arg8 : memref<80x128xf32, #tpu.memory_space<vmem>>) dst(%dma_wait3A_163 : memref<10240x128xf32, #tpu.memory_space<vmem_shared>>)
        tpu.yield
      }) : () -> ()
      %dma_wait3A_121 = arith.constant 22 : i32
      %dma_wait3A_122 = arith.constant 0 : i32
      %dma_wait3A_123 = tpu.memref_slice %arg5[%dma_wait3A_121, %dma_wait3A_122] : memref<25x80xi32, #tpu.memory_space<vmem>> -> memref<1x80xi32, #tpu.memory_space<vmem>>
      %dma_wait3A_124 = tpu.memref_squeeze %dma_wait3A_123 : memref<1x80xi32, #tpu.memory_space<vmem>> -> memref<80xi32, #tpu.memory_space<vmem>>
      %dma_wait3A_125 = arith.constant 0 : i32
      %dma_wait3A_126 = arith.constant 0 : i32
      %dma_wait3A_127 = tpu.memref_slice %arg2[%dma_wait3A_125, %dma_wait3A_126] : memref<10240x128xf32, #tpu.memory_space<hbm>> -> memref<10240x128xf32, #tpu.memory_space<hbm>>
      tpu.wait_indirect_dma semaphore(%arg15 : memref<!tpu.dma_semaphore, #tpu.memory_space<semaphore_mem>>) src(%dma_wait3A_127 : memref<10240x128xf32, #tpu.memory_space<hbm>>) dst(%arg9 : memref<80x128xf32, #tpu.memory_space<vmem>>)
      %run_scoped3A_128 = arith.constant 22 : i32
      "tpu.region"() ({
        %run_scoped3A_151 = tpu.sem_alloc : memref<!tpu.dma_semaphore, #tpu.memory_space<semaphore_mem>>
        %dma_start3A_152 = arith.constant 0 : i32
        %dma_start3A_153 = tpu.memref_slice %arg6[%run_scoped3A_128, %dma_start3A_152] : memref<25x80xi32, #tpu.memory_space<vmem>> -> memref<1x80xi32, #tpu.memory_space<vmem>>
        %dma_start3A_154 = tpu.memref_squeeze %dma_start3A_153 : memref<1x80xi32, #tpu.memory_space<vmem>> -> memref<80xi32, #tpu.memory_space<vmem>>
        %dma_start3A_155 = arith.constant 0 : i32
        %dma_start3A_156 = arith.constant 0 : i32
        %dma_start3A_157 = tpu.memref_slice %arg11[%dma_start3A_155, %dma_start3A_156] : memref<10240x128xf32, #tpu.memory_space<vmem_shared>> -> memref<10240x128xf32, #tpu.memory_space<vmem_shared>>
        tpu.enqueue_indirect_dma source(%arg9 : memref<80x128xf32, #tpu.memory_space<vmem>>) target(%dma_start3A_157 : memref<10240x128xf32, #tpu.memory_space<vmem_shared>>) offsets(%dma_start3A_154 : memref<80xi32, #tpu.memory_space<vmem>>) semaphore(%run_scoped3A_151 : memref<!tpu.dma_semaphore, #tpu.memory_space<semaphore_mem>>) {add = true}
        %dma_wait3A_158 = arith.constant 0 : i32
        %dma_wait3A_159 = tpu.memref_slice %arg6[%run_scoped3A_128, %dma_wait3A_158] : memref<25x80xi32, #tpu.memory_space<vmem>> -> memref<1x80xi32, #tpu.memory_space<vmem>>
        %dma_wait3A_160 = tpu.memref_squeeze %dma_wait3A_159 : memref<1x80xi32, #tpu.memory_space<vmem>> -> memref<80xi32, #tpu.memory_space<vmem>>
        %dma_wait3A_161 = arith.constant 0 : i32
        %dma_wait3A_162 = arith.constant 0 : i32
        %dma_wait3A_163 = tpu.memref_slice %arg11[%dma_wait3A_161, %dma_wait3A_162] : memref<10240x128xf32, #tpu.memory_space<vmem_shared>> -> memref<10240x128xf32, #tpu.memory_space<vmem_shared>>
        tpu.wait_indirect_dma semaphore(%run_scoped3A_151 : memref<!tpu.dma_semaphore, #tpu.memory_space<semaphore_mem>>) src(%arg9 : memref<80x128xf32, #tpu.memory_space<vmem>>) dst(%dma_wait3A_163 : memref<10240x128xf32, #tpu.memory_space<vmem_shared>>)
        tpu.yield
      }) : () -> ()
      %dma_wait3A_129 = arith.constant 23 : i32
      %dma_wait3A_130 = arith.constant 0 : i32
      %dma_wait3A_131 = tpu.memref_slice %arg5[%dma_wait3A_129, %dma_wait3A_130] : memref<25x80xi32, #tpu.memory_space<vmem>> -> memref<1x80xi32, #tpu.memory_space<vmem>>
      %dma_wait3A_132 = tpu.memref_squeeze %dma_wait3A_131 : memref<1x80xi32, #tpu.memory_space<vmem>> -> memref<80xi32, #tpu.memory_space<vmem>>
      %dma_wait3A_133 = arith.constant 0 : i32
      %dma_wait3A_134 = arith.constant 0 : i32
      %dma_wait3A_135 = tpu.memref_slice %arg2[%dma_wait3A_133, %dma_wait3A_134] : memref<10240x128xf32, #tpu.memory_space<hbm>> -> memref<10240x128xf32, #tpu.memory_space<hbm>>
      tpu.wait_indirect_dma semaphore(%arg16 : memref<!tpu.dma_semaphore, #tpu.memory_space<semaphore_mem>>) src(%dma_wait3A_135 : memref<10240x128xf32, #tpu.memory_space<hbm>>) dst(%arg10 : memref<80x128xf32, #tpu.memory_space<vmem>>)
      %run_scoped3A_136 = arith.constant 23 : i32
      "tpu.region"() ({
        %run_scoped3A_151 = tpu.sem_alloc : memref<!tpu.dma_semaphore, #tpu.memory_space<semaphore_mem>>
        %dma_start3A_152 = arith.constant 0 : i32
        %dma_start3A_153 = tpu.memref_slice %arg6[%run_scoped3A_136, %dma_start3A_152] : memref<25x80xi32, #tpu.memory_space<vmem>> -> memref<1x80xi32, #tpu.memory_space<vmem>>
        %dma_start3A_154 = tpu.memref_squeeze %dma_start3A_153 : memref<1x80xi32, #tpu.memory_space<vmem>> -> memref<80xi32, #tpu.memory_space<vmem>>
        %dma_start3A_155 = arith.constant 0 : i32
        %dma_start3A_156 = arith.constant 0 : i32
        %dma_start3A_157 = tpu.memref_slice %arg11[%dma_start3A_155, %dma_start3A_156] : memref<10240x128xf32, #tpu.memory_space<vmem_shared>> -> memref<10240x128xf32, #tpu.memory_space<vmem_shared>>
        tpu.enqueue_indirect_dma source(%arg10 : memref<80x128xf32, #tpu.memory_space<vmem>>) target(%dma_start3A_157 : memref<10240x128xf32, #tpu.memory_space<vmem_shared>>) offsets(%dma_start3A_154 : memref<80xi32, #tpu.memory_space<vmem>>) semaphore(%run_scoped3A_151 : memref<!tpu.dma_semaphore, #tpu.memory_space<semaphore_mem>>) {add = true}
        %dma_wait3A_158 = arith.constant 0 : i32
        %dma_wait3A_159 = tpu.memref_slice %arg6[%run_scoped3A_136, %dma_wait3A_158] : memref<25x80xi32, #tpu.memory_space<vmem>> -> memref<1x80xi32, #tpu.memory_space<vmem>>
        %dma_wait3A_160 = tpu.memref_squeeze %dma_wait3A_159 : memref<1x80xi32, #tpu.memory_space<vmem>> -> memref<80xi32, #tpu.memory_space<vmem>>
        %dma_wait3A_161 = arith.constant 0 : i32
        %dma_wait3A_162 = arith.constant 0 : i32
        %dma_wait3A_163 = tpu.memref_slice %arg11[%dma_wait3A_161, %dma_wait3A_162] : memref<10240x128xf32, #tpu.memory_space<vmem_shared>> -> memref<10240x128xf32, #tpu.memory_space<vmem_shared>>
        tpu.wait_indirect_dma semaphore(%run_scoped3A_151 : memref<!tpu.dma_semaphore, #tpu.memory_space<semaphore_mem>>) src(%arg10 : memref<80x128xf32, #tpu.memory_space<vmem>>) dst(%dma_wait3A_163 : memref<10240x128xf32, #tpu.memory_space<vmem_shared>>)
        tpu.yield
      }) : () -> ()
      %dma_wait3A_137 = arith.constant 24 : i32
      %dma_wait3A_138 = arith.constant 0 : i32
      %dma_wait3A_139 = tpu.memref_slice %arg5[%dma_wait3A_137, %dma_wait3A_138] : memref<25x80xi32, #tpu.memory_space<vmem>> -> memref<1x80xi32, #tpu.memory_space<vmem>>
      %dma_wait3A_140 = tpu.memref_squeeze %dma_wait3A_139 : memref<1x80xi32, #tpu.memory_space<vmem>> -> memref<80xi32, #tpu.memory_space<vmem>>
      %dma_wait3A_141 = arith.constant 0 : i32
      %dma_wait3A_142 = arith.constant 0 : i32
      %dma_wait3A_143 = tpu.memref_slice %arg2[%dma_wait3A_141, %dma_wait3A_142] : memref<10240x128xf32, #tpu.memory_space<hbm>> -> memref<10240x128xf32, #tpu.memory_space<hbm>>
      tpu.wait_indirect_dma semaphore(%arg13 : memref<!tpu.dma_semaphore, #tpu.memory_space<semaphore_mem>>) src(%dma_wait3A_143 : memref<10240x128xf32, #tpu.memory_space<hbm>>) dst(%arg7 : memref<80x128xf32, #tpu.memory_space<vmem>>)
      %run_scoped3A_144 = arith.constant 24 : i32
      "tpu.region"() ({
        %run_scoped3A_151 = tpu.sem_alloc : memref<!tpu.dma_semaphore, #tpu.memory_space<semaphore_mem>>
        %dma_start3A_152 = arith.constant 0 : i32
        %dma_start3A_153 = tpu.memref_slice %arg6[%run_scoped3A_144, %dma_start3A_152] : memref<25x80xi32, #tpu.memory_space<vmem>> -> memref<1x80xi32, #tpu.memory_space<vmem>>
        %dma_start3A_154 = tpu.memref_squeeze %dma_start3A_153 : memref<1x80xi32, #tpu.memory_space<vmem>> -> memref<80xi32, #tpu.memory_space<vmem>>
        %dma_start3A_155 = arith.constant 0 : i32
        %dma_start3A_156 = arith.constant 0 : i32
        %dma_start3A_157 = tpu.memref_slice %arg11[%dma_start3A_155, %dma_start3A_156] : memref<10240x128xf32, #tpu.memory_space<vmem_shared>> -> memref<10240x128xf32, #tpu.memory_space<vmem_shared>>
        tpu.enqueue_indirect_dma source(%arg7 : memref<80x128xf32, #tpu.memory_space<vmem>>) target(%dma_start3A_157 : memref<10240x128xf32, #tpu.memory_space<vmem_shared>>) offsets(%dma_start3A_154 : memref<80xi32, #tpu.memory_space<vmem>>) semaphore(%run_scoped3A_151 : memref<!tpu.dma_semaphore, #tpu.memory_space<semaphore_mem>>) {add = true}
        %dma_wait3A_158 = arith.constant 0 : i32
        %dma_wait3A_159 = tpu.memref_slice %arg6[%run_scoped3A_144, %dma_wait3A_158] : memref<25x80xi32, #tpu.memory_space<vmem>> -> memref<1x80xi32, #tpu.memory_space<vmem>>
        %dma_wait3A_160 = tpu.memref_squeeze %dma_wait3A_159 : memref<1x80xi32, #tpu.memory_space<vmem>> -> memref<80xi32, #tpu.memory_space<vmem>>
        %dma_wait3A_161 = arith.constant 0 : i32
        %dma_wait3A_162 = arith.constant 0 : i32
        %dma_wait3A_163 = tpu.memref_slice %arg11[%dma_wait3A_161, %dma_wait3A_162] : memref<10240x128xf32, #tpu.memory_space<vmem_shared>> -> memref<10240x128xf32, #tpu.memory_space<vmem_shared>>
        tpu.wait_indirect_dma semaphore(%run_scoped3A_151 : memref<!tpu.dma_semaphore, #tpu.memory_space<semaphore_mem>>) src(%arg7 : memref<80x128xf32, #tpu.memory_space<vmem>>) dst(%dma_wait3A_163 : memref<10240x128xf32, #tpu.memory_space<vmem_shared>>)
        tpu.yield
      }) : () -> ()
      %add3A_145 = arith.constant 1 : i32
      %add3A_146 = arith.addi %add3A_91, %add3A_145 : i32
      %lt3A = arith.constant 5 : i32
      %lt3A_147 = arith.cmpi slt, %add3A_146, %lt3A : i32
      %convert_element_type3A_148 = arith.extui %lt3A_147 : i1 to i32
      %cond3A_149 = arith.constant 0 : i32
      %cond3A_150 = arith.cmpi ne, %convert_element_type3A_148, %cond3A_149 : i32
      scf.if %cond3A_150 {
        %add3A_151 = arith.constant 1 : i32
        %add3A_152 = arith.addi %add3A_91, %add3A_151 : i32
        %run_scoped3A_153 = arith.constant 0 : i32
        "tpu.region"() ({
          %run_scoped3A_157 = tpu.sem_alloc : memref<!tpu.dma_semaphore, #tpu.memory_space<semaphore_mem>>
          %dma_start3A_158 = arith.constant 0 : i32
          %dma_start3A_159 = arith.constant 0 : i32
          %dma_start3A_160 = tpu.memref_slice %arg3[%run_scoped3A_153, %add3A, %add3A_152, %dma_start3A_158, %dma_start3A_159] : memref<2x32x5x25x80xi32, #tpu.memory_space<hbm>> -> memref<1x1x1x25x80xi32, #tpu.memory_space<hbm>>
          %dma_start3A_161 = tpu.memref_squeeze %dma_start3A_160 : memref<1x1x1x25x80xi32, #tpu.memory_space<hbm>> -> memref<25x80xi32, #tpu.memory_space<hbm>>
          %dma_start3A_162 = arith.constant 0 : i32
          %dma_start3A_163 = arith.constant 0 : i32
          %dma_start3A_164 = tpu.memref_slice %arg3[%run_scoped3A_153, %add3A, %add3A_152, %dma_start3A_162, %dma_start3A_163] : memref<2x32x5x25x80xi32, #tpu.memory_space<hbm>> -> memref<1x1x1x25x80xi32, #tpu.memory_space<hbm>>
          %dma_start3A_165 = tpu.memref_squeeze %dma_start3A_164 : memref<1x1x1x25x80xi32, #tpu.memory_space<hbm>> -> memref<25x80xi32, #tpu.memory_space<hbm>>
          tpu.enqueue_dma source(%dma_start3A_165 : memref<25x80xi32, #tpu.memory_space<hbm>>) target(%arg5 : memref<25x80xi32, #tpu.memory_space<vmem>>) target_semaphore(%run_scoped3A_157 : memref<!tpu.dma_semaphore, #tpu.memory_space<semaphore_mem>>)
          %dma_wait3A_166 = arith.constant 0 : i32
          %dma_wait3A_167 = arith.constant 0 : i32
          %dma_wait3A_168 = tpu.memref_slice %arg3[%run_scoped3A_153, %add3A, %add3A_152, %dma_wait3A_166, %dma_wait3A_167] : memref<2x32x5x25x80xi32, #tpu.memory_space<hbm>> -> memref<1x1x1x25x80xi32, #tpu.memory_space<hbm>>
          %dma_wait3A_169 = tpu.memref_squeeze %dma_wait3A_168 : memref<1x1x1x25x80xi32, #tpu.memory_space<hbm>> -> memref<25x80xi32, #tpu.memory_space<hbm>>
          %dma_wait3A_170 = arith.constant 0 : i32
          %dma_wait3A_171 = arith.constant 0 : i32
          %dma_wait3A_172 = tpu.memref_slice %arg3[%run_scoped3A_153, %add3A, %add3A_152, %dma_wait3A_170, %dma_wait3A_171] : memref<2x32x5x25x80xi32, #tpu.memory_space<hbm>> -> memref<1x1x1x25x80xi32, #tpu.memory_space<hbm>>
          %dma_wait3A_173 = tpu.memref_squeeze %dma_wait3A_172 : memref<1x1x1x25x80xi32, #tpu.memory_space<hbm>> -> memref<25x80xi32, #tpu.memory_space<hbm>>
          tpu.wait_dma2 semaphore(%run_scoped3A_157 : memref<!tpu.dma_semaphore, #tpu.memory_space<semaphore_mem>>) src(%dma_wait3A_173 : memref<25x80xi32, #tpu.memory_space<hbm>>) dst(%arg5 : memref<25x80xi32, #tpu.memory_space<vmem>>)
          tpu.yield
        }) : () -> ()
        %add3A_154 = arith.constant 1 : i32
        %add3A_155 = arith.addi %add3A_91, %add3A_154 : i32
        %run_scoped3A_156 = arith.constant 1 : i32
        "tpu.region"() ({
          %run_scoped3A_157 = tpu.sem_alloc : memref<!tpu.dma_semaphore, #tpu.memory_space<semaphore_mem>>
          %dma_start3A_158 = arith.constant 0 : i32
          %dma_start3A_159 = arith.constant 0 : i32
          %dma_start3A_160 = tpu.memref_slice %arg3[%run_scoped3A_156, %add3A, %add3A_155, %dma_start3A_158, %dma_start3A_159] : memref<2x32x5x25x80xi32, #tpu.memory_space<hbm>> -> memref<1x1x1x25x80xi32, #tpu.memory_space<hbm>>
          %dma_start3A_161 = tpu.memref_squeeze %dma_start3A_160 : memref<1x1x1x25x80xi32, #tpu.memory_space<hbm>> -> memref<25x80xi32, #tpu.memory_space<hbm>>
          %dma_start3A_162 = arith.constant 0 : i32
          %dma_start3A_163 = arith.constant 0 : i32
          %dma_start3A_164 = tpu.memref_slice %arg3[%run_scoped3A_156, %add3A, %add3A_155, %dma_start3A_162, %dma_start3A_163] : memref<2x32x5x25x80xi32, #tpu.memory_space<hbm>> -> memref<1x1x1x25x80xi32, #tpu.memory_space<hbm>>
          %dma_start3A_165 = tpu.memref_squeeze %dma_start3A_164 : memref<1x1x1x25x80xi32, #tpu.memory_space<hbm>> -> memref<25x80xi32, #tpu.memory_space<hbm>>
          tpu.enqueue_dma source(%dma_start3A_165 : memref<25x80xi32, #tpu.memory_space<hbm>>) target(%arg6 : memref<25x80xi32, #tpu.memory_space<vmem>>) target_semaphore(%run_scoped3A_157 : memref<!tpu.dma_semaphore, #tpu.memory_space<semaphore_mem>>)
          %dma_wait3A_166 = arith.constant 0 : i32
          %dma_wait3A_167 = arith.constant 0 : i32
          %dma_wait3A_168 = tpu.memref_slice %arg3[%run_scoped3A_156, %add3A, %add3A_155, %dma_wait3A_166, %dma_wait3A_167] : memref<2x32x5x25x80xi32, #tpu.memory_space<hbm>> -> memref<1x1x1x25x80xi32, #tpu.memory_space<hbm>>
          %dma_wait3A_169 = tpu.memref_squeeze %dma_wait3A_168 : memref<1x1x1x25x80xi32, #tpu.memory_space<hbm>> -> memref<25x80xi32, #tpu.memory_space<hbm>>
          %dma_wait3A_170 = arith.constant 0 : i32
          %dma_wait3A_171 = arith.constant 0 : i32
          %dma_wait3A_172 = tpu.memref_slice %arg3[%run_scoped3A_156, %add3A, %add3A_155, %dma_wait3A_170, %dma_wait3A_171] : memref<2x32x5x25x80xi32, #tpu.memory_space<hbm>> -> memref<1x1x1x25x80xi32, #tpu.memory_space<hbm>>
          %dma_wait3A_173 = tpu.memref_squeeze %dma_wait3A_172 : memref<1x1x1x25x80xi32, #tpu.memory_space<hbm>> -> memref<25x80xi32, #tpu.memory_space<hbm>>
          tpu.wait_dma2 semaphore(%run_scoped3A_157 : memref<!tpu.dma_semaphore, #tpu.memory_space<semaphore_mem>>) src(%dma_wait3A_173 : memref<25x80xi32, #tpu.memory_space<hbm>>) dst(%arg6 : memref<25x80xi32, #tpu.memory_space<vmem>>)
          tpu.yield
        }) : () -> ()
      } else {
      }
    }
    %scan3A_80 = arith.constant 5 : i32
    %barrier3A_81 = arith.constant 0 : index
    tpu.barrier barrier_id(%barrier3A_81)
    %scan3A_82 = arith.constant 0 : i32
    %scan3A_83 = arith.constant 2 : i32
    %scan3A_84 = arith.addi %scan3A_82, %scan3A_83 : i32
    %scan3A_85 = arith.constant 1 : i32
    scf.for %scan3A_87 = %scan3A_82 to %scan3A_84 step %scan3A_85  : i32 {
      %mul3A_88 = arith.constant 320 : i32
      %mul3A_89 = arith.muli %scan3A_87, %mul3A_88 : i32
      %add3A_90 = arith.constant 0 : i32
      %add3A_91 = arith.addi %add3A_90, %mul3A_89 : i32
      %mul3A_92 = arith.constant 640 : i32
      %mul3A_93 = arith.muli %arg1, %mul3A_92 : i32
      %add3A_94 = arith.addi %mul3A_93, %add3A_91 : i32
      %add3A_95 = arith.constant 0 : i32
      %add3A_96 = arith.addi %add3A_94, %add3A_95 : i32
      %dma_start3A_97 = arith.constant 0 : i32
      %dma_start3A_98 = tpu.memref_slice %arg11[%add3A_96, %dma_start3A_97] : memref<10240x128xf32, #tpu.memory_space<vmem_shared>> -> memref<80x128xf32, #tpu.memory_space<vmem_shared>>
      %dma_start3A_99 = arith.constant 0 : i32
      %dma_start3A_100 = tpu.memref_slice %arg11[%add3A_96, %dma_start3A_99] : memref<10240x128xf32, #tpu.memory_space<vmem_shared>> -> memref<80x128xf32, #tpu.memory_space<vmem_shared>>
      tpu.enqueue_dma source(%dma_start3A_100 : memref<80x128xf32, #tpu.memory_space<vmem_shared>>) target(%arg7 : memref<80x128xf32, #tpu.memory_space<vmem>>) target_semaphore(%arg13 : memref<!tpu.dma_semaphore, #tpu.memory_space<semaphore_mem>>)
      %mul3A_101 = arith.constant 640 : i32
      %mul3A_102 = arith.muli %arg1, %mul3A_101 : i32
      %add3A_103 = arith.addi %mul3A_102, %add3A_91 : i32
      %add3A_104 = arith.constant 80 : i32
      %add3A_105 = arith.addi %add3A_103, %add3A_104 : i32
      %dma_start3A_106 = arith.constant 0 : i32
      %dma_start3A_107 = tpu.memref_slice %arg11[%add3A_105, %dma_start3A_106] : memref<10240x128xf32, #tpu.memory_space<vmem_shared>> -> memref<80x128xf32, #tpu.memory_space<vmem_shared>>
      %dma_start3A_108 = arith.constant 0 : i32
      %dma_start3A_109 = tpu.memref_slice %arg11[%add3A_105, %dma_start3A_108] : memref<10240x128xf32, #tpu.memory_space<vmem_shared>> -> memref<80x128xf32, #tpu.memory_space<vmem_shared>>
      tpu.enqueue_dma source(%dma_start3A_109 : memref<80x128xf32, #tpu.memory_space<vmem_shared>>) target(%arg8 : memref<80x128xf32, #tpu.memory_space<vmem>>) target_semaphore(%arg14 : memref<!tpu.dma_semaphore, #tpu.memory_space<semaphore_mem>>)
      %mul3A_110 = arith.constant 640 : i32
      %mul3A_111 = arith.muli %arg1, %mul3A_110 : i32
      %add3A_112 = arith.addi %mul3A_111, %add3A_91 : i32
      %add3A_113 = arith.constant 160 : i32
      %add3A_114 = arith.addi %add3A_112, %add3A_113 : i32
      %dma_start3A_115 = arith.constant 0 : i32
      %dma_start3A_116 = tpu.memref_slice %arg11[%add3A_114, %dma_start3A_115] : memref<10240x128xf32, #tpu.memory_space<vmem_shared>> -> memref<80x128xf32, #tpu.memory_space<vmem_shared>>
      %dma_start3A_117 = arith.constant 0 : i32
      %dma_start3A_118 = tpu.memref_slice %arg11[%add3A_114, %dma_start3A_117] : memref<10240x128xf32, #tpu.memory_space<vmem_shared>> -> memref<80x128xf32, #tpu.memory_space<vmem_shared>>
      tpu.enqueue_dma source(%dma_start3A_118 : memref<80x128xf32, #tpu.memory_space<vmem_shared>>) target(%arg9 : memref<80x128xf32, #tpu.memory_space<vmem>>) target_semaphore(%arg15 : memref<!tpu.dma_semaphore, #tpu.memory_space<semaphore_mem>>)
      %mul3A_119 = arith.constant 640 : i32
      %mul3A_120 = arith.muli %arg1, %mul3A_119 : i32
      %add3A_121 = arith.addi %mul3A_120, %add3A_91 : i32
      %add3A_122 = arith.constant 240 : i32
      %add3A_123 = arith.addi %add3A_121, %add3A_122 : i32
      %dma_start3A_124 = arith.constant 0 : i32
      %dma_start3A_125 = tpu.memref_slice %arg11[%add3A_123, %dma_start3A_124] : memref<10240x128xf32, #tpu.memory_space<vmem_shared>> -> memref<80x128xf32, #tpu.memory_space<vmem_shared>>
      %dma_start3A_126 = arith.constant 0 : i32
      %dma_start3A_127 = tpu.memref_slice %arg11[%add3A_123, %dma_start3A_126] : memref<10240x128xf32, #tpu.memory_space<vmem_shared>> -> memref<80x128xf32, #tpu.memory_space<vmem_shared>>
      tpu.enqueue_dma source(%dma_start3A_127 : memref<80x128xf32, #tpu.memory_space<vmem_shared>>) target(%arg10 : memref<80x128xf32, #tpu.memory_space<vmem>>) target_semaphore(%arg16 : memref<!tpu.dma_semaphore, #tpu.memory_space<semaphore_mem>>)
      %mul3A_128 = arith.constant 640 : i32
      %mul3A_129 = arith.muli %arg1, %mul3A_128 : i32
      %add3A_130 = arith.addi %mul3A_129, %add3A_91 : i32
      %add3A_131 = arith.constant 0 : i32
      %add3A_132 = arith.addi %add3A_130, %add3A_131 : i32
      %dma_wait3A_133 = arith.constant 0 : i32
      %dma_wait3A_134 = tpu.memref_slice %arg11[%add3A_132, %dma_wait3A_133] : memref<10240x128xf32, #tpu.memory_space<vmem_shared>> -> memref<80x128xf32, #tpu.memory_space<vmem_shared>>
      %dma_wait3A_135 = arith.constant 0 : i32
      %dma_wait3A_136 = tpu.memref_slice %arg11[%add3A_132, %dma_wait3A_135] : memref<10240x128xf32, #tpu.memory_space<vmem_shared>> -> memref<80x128xf32, #tpu.memory_space<vmem_shared>>
      tpu.wait_dma2 semaphore(%arg13 : memref<!tpu.dma_semaphore, #tpu.memory_space<semaphore_mem>>) src(%dma_wait3A_136 : memref<80x128xf32, #tpu.memory_space<vmem_shared>>) dst(%arg7 : memref<80x128xf32, #tpu.memory_space<vmem>>)
      %mul3A_137 = arith.constant 640 : i32
      %mul3A_138 = arith.muli %arg1, %mul3A_137 : i32
      %add3A_139 = arith.addi %mul3A_138, %add3A_91 : i32
      %add3A_140 = arith.constant 0 : i32
      %add3A_141 = arith.addi %add3A_139, %add3A_140 : i32
      %dma_start3A_142 = arith.constant 0 : i32
      %dma_start3A_143 = tpu.memref_slice %arg4[%arg0, %add3A_141, %dma_start3A_142] : memref<2x10240x128xf32, #tpu.memory_space<hbm>> -> memref<1x80x128xf32, #tpu.memory_space<hbm>>
      %dma_start3A_144 = tpu.memref_squeeze %dma_start3A_143 : memref<1x80x128xf32, #tpu.memory_space<hbm>> -> memref<80x128xf32, #tpu.memory_space<hbm>>
      %dma_start3A_145 = arith.constant 0 : i32
      %dma_start3A_146 = tpu.memref_slice %arg4[%arg0, %add3A_141, %dma_start3A_145] : memref<2x10240x128xf32, #tpu.memory_space<hbm>> -> memref<1x80x128xf32, #tpu.memory_space<hbm>>
      %dma_start3A_147 = tpu.memref_squeeze %dma_start3A_146 : memref<1x80x128xf32, #tpu.memory_space<hbm>> -> memref<80x128xf32, #tpu.memory_space<hbm>>
      tpu.enqueue_dma source(%arg7 : memref<80x128xf32, #tpu.memory_space<vmem>>) target(%dma_start3A_147 : memref<80x128xf32, #tpu.memory_space<hbm>>) target_semaphore(%arg13 : memref<!tpu.dma_semaphore, #tpu.memory_space<semaphore_mem>>)
      %mul3A_148 = arith.constant 640 : i32
      %mul3A_149 = arith.muli %arg1, %mul3A_148 : i32
      %add3A_150 = arith.addi %mul3A_149, %add3A_91 : i32
      %add3A_151 = arith.constant 80 : i32
      %add3A_152 = arith.addi %add3A_150, %add3A_151 : i32
      %dma_wait3A_153 = arith.constant 0 : i32
      %dma_wait3A_154 = tpu.memref_slice %arg11[%add3A_152, %dma_wait3A_153] : memref<10240x128xf32, #tpu.memory_space<vmem_shared>> -> memref<80x128xf32, #tpu.memory_space<vmem_shared>>
      %dma_wait3A_155 = arith.constant 0 : i32
      %dma_wait3A_156 = tpu.memref_slice %arg11[%add3A_152, %dma_wait3A_155] : memref<10240x128xf32, #tpu.memory_space<vmem_shared>> -> memref<80x128xf32, #tpu.memory_space<vmem_shared>>
      tpu.wait_dma2 semaphore(%arg14 : memref<!tpu.dma_semaphore, #tpu.memory_space<semaphore_mem>>) src(%dma_wait3A_156 : memref<80x128xf32, #tpu.memory_space<vmem_shared>>) dst(%arg8 : memref<80x128xf32, #tpu.memory_space<vmem>>)
      %mul3A_157 = arith.constant 640 : i32
      %mul3A_158 = arith.muli %arg1, %mul3A_157 : i32
      %add3A_159 = arith.addi %mul3A_158, %add3A_91 : i32
      %add3A_160 = arith.constant 80 : i32
      %add3A_161 = arith.addi %add3A_159, %add3A_160 : i32
      %dma_start3A_162 = arith.constant 0 : i32
      %dma_start3A_163 = tpu.memref_slice %arg4[%arg0, %add3A_161, %dma_start3A_162] : memref<2x10240x128xf32, #tpu.memory_space<hbm>> -> memref<1x80x128xf32, #tpu.memory_space<hbm>>
      %dma_start3A_164 = tpu.memref_squeeze %dma_start3A_163 : memref<1x80x128xf32, #tpu.memory_space<hbm>> -> memref<80x128xf32, #tpu.memory_space<hbm>>
      %dma_start3A_165 = arith.constant 0 : i32
      %dma_start3A_166 = tpu.memref_slice %arg4[%arg0, %add3A_161, %dma_start3A_165] : memref<2x10240x128xf32, #tpu.memory_space<hbm>> -> memref<1x80x128xf32, #tpu.memory_space<hbm>>
      %dma_start3A_167 = tpu.memref_squeeze %dma_start3A_166 : memref<1x80x128xf32, #tpu.memory_space<hbm>> -> memref<80x128xf32, #tpu.memory_space<hbm>>
      tpu.enqueue_dma source(%arg8 : memref<80x128xf32, #tpu.memory_space<vmem>>) target(%dma_start3A_167 : memref<80x128xf32, #tpu.memory_space<hbm>>) target_semaphore(%arg14 : memref<!tpu.dma_semaphore, #tpu.memory_space<semaphore_mem>>)
      %mul3A_168 = arith.constant 640 : i32
      %mul3A_169 = arith.muli %arg1, %mul3A_168 : i32
      %add3A_170 = arith.addi %mul3A_169, %add3A_91 : i32
      %add3A_171 = arith.constant 160 : i32
      %add3A_172 = arith.addi %add3A_170, %add3A_171 : i32
      %dma_wait3A_173 = arith.constant 0 : i32
      %dma_wait3A_174 = tpu.memref_slice %arg11[%add3A_172, %dma_wait3A_173] : memref<10240x128xf32, #tpu.memory_space<vmem_shared>> -> memref<80x128xf32, #tpu.memory_space<vmem_shared>>
      %dma_wait3A_175 = arith.constant 0 : i32
      %dma_wait3A_176 = tpu.memref_slice %arg11[%add3A_172, %dma_wait3A_175] : memref<10240x128xf32, #tpu.memory_space<vmem_shared>> -> memref<80x128xf32, #tpu.memory_space<vmem_shared>>
      tpu.wait_dma2 semaphore(%arg15 : memref<!tpu.dma_semaphore, #tpu.memory_space<semaphore_mem>>) src(%dma_wait3A_176 : memref<80x128xf32, #tpu.memory_space<vmem_shared>>) dst(%arg9 : memref<80x128xf32, #tpu.memory_space<vmem>>)
      %mul3A_177 = arith.constant 640 : i32
      %mul3A_178 = arith.muli %arg1, %mul3A_177 : i32
      %add3A_179 = arith.addi %mul3A_178, %add3A_91 : i32
      %add3A_180 = arith.constant 160 : i32
      %add3A_181 = arith.addi %add3A_179, %add3A_180 : i32
      %dma_start3A_182 = arith.constant 0 : i32
      %dma_start3A_183 = tpu.memref_slice %arg4[%arg0, %add3A_181, %dma_start3A_182] : memref<2x10240x128xf32, #tpu.memory_space<hbm>> -> memref<1x80x128xf32, #tpu.memory_space<hbm>>
      %dma_start3A_184 = tpu.memref_squeeze %dma_start3A_183 : memref<1x80x128xf32, #tpu.memory_space<hbm>> -> memref<80x128xf32, #tpu.memory_space<hbm>>
      %dma_start3A_185 = arith.constant 0 : i32
      %dma_start3A_186 = tpu.memref_slice %arg4[%arg0, %add3A_181, %dma_start3A_185] : memref<2x10240x128xf32, #tpu.memory_space<hbm>> -> memref<1x80x128xf32, #tpu.memory_space<hbm>>
      %dma_start3A_187 = tpu.memref_squeeze %dma_start3A_186 : memref<1x80x128xf32, #tpu.memory_space<hbm>> -> memref<80x128xf32, #tpu.memory_space<hbm>>
      tpu.enqueue_dma source(%arg9 : memref<80x128xf32, #tpu.memory_space<vmem>>) target(%dma_start3A_187 : memref<80x128xf32, #tpu.memory_space<hbm>>) target_semaphore(%arg15 : memref<!tpu.dma_semaphore, #tpu.memory_space<semaphore_mem>>)
      %mul3A_188 = arith.constant 640 : i32
      %mul3A_189 = arith.muli %arg1, %mul3A_188 : i32
      %add3A_190 = arith.addi %mul3A_189, %add3A_91 : i32
      %add3A_191 = arith.constant 240 : i32
      %add3A_192 = arith.addi %add3A_190, %add3A_191 : i32
      %dma_wait3A_193 = arith.constant 0 : i32
      %dma_wait3A_194 = tpu.memref_slice %arg11[%add3A_192, %dma_wait3A_193] : memref<10240x128xf32, #tpu.memory_space<vmem_shared>> -> memref<80x128xf32, #tpu.memory_space<vmem_shared>>
      %dma_wait3A_195 = arith.constant 0 : i32
      %dma_wait3A_196 = tpu.memref_slice %arg11[%add3A_192, %dma_wait3A_195] : memref<10240x128xf32, #tpu.memory_space<vmem_shared>> -> memref<80x128xf32, #tpu.memory_space<vmem_shared>>
      tpu.wait_dma2 semaphore(%arg16 : memref<!tpu.dma_semaphore, #tpu.memory_space<semaphore_mem>>) src(%dma_wait3A_196 : memref<80x128xf32, #tpu.memory_space<vmem_shared>>) dst(%arg10 : memref<80x128xf32, #tpu.memory_space<vmem>>)
      %mul3A_197 = arith.constant 640 : i32
      %mul3A_198 = arith.muli %arg1, %mul3A_197 : i32
      %add3A_199 = arith.addi %mul3A_198, %add3A_91 : i32
      %add3A_200 = arith.constant 240 : i32
      %add3A_201 = arith.addi %add3A_199, %add3A_200 : i32
      %dma_start3A_202 = arith.constant 0 : i32
      %dma_start3A_203 = tpu.memref_slice %arg4[%arg0, %add3A_201, %dma_start3A_202] : memref<2x10240x128xf32, #tpu.memory_space<hbm>> -> memref<1x80x128xf32, #tpu.memory_space<hbm>>
      %dma_start3A_204 = tpu.memref_squeeze %dma_start3A_203 : memref<1x80x128xf32, #tpu.memory_space<hbm>> -> memref<80x128xf32, #tpu.memory_space<hbm>>
      %dma_start3A_205 = arith.constant 0 : i32
      %dma_start3A_206 = tpu.memref_slice %arg4[%arg0, %add3A_201, %dma_start3A_205] : memref<2x10240x128xf32, #tpu.memory_space<hbm>> -> memref<1x80x128xf32, #tpu.memory_space<hbm>>
      %dma_start3A_207 = tpu.memref_squeeze %dma_start3A_206 : memref<1x80x128xf32, #tpu.memory_space<hbm>> -> memref<80x128xf32, #tpu.memory_space<hbm>>
      tpu.enqueue_dma source(%arg10 : memref<80x128xf32, #tpu.memory_space<vmem>>) target(%dma_start3A_207 : memref<80x128xf32, #tpu.memory_space<hbm>>) target_semaphore(%arg16 : memref<!tpu.dma_semaphore, #tpu.memory_space<semaphore_mem>>)
      %mul3A_208 = arith.constant 640 : i32
      %mul3A_209 = arith.muli %arg1, %mul3A_208 : i32
      %add3A_210 = arith.addi %mul3A_209, %add3A_91 : i32
      %add3A_211 = arith.constant 0 : i32
      %add3A_212 = arith.addi %add3A_210, %add3A_211 : i32
      %dma_wait3A_213 = arith.constant 0 : i32
      %dma_wait3A_214 = tpu.memref_slice %arg4[%arg0, %add3A_212, %dma_wait3A_213] : memref<2x10240x128xf32, #tpu.memory_space<hbm>> -> memref<1x80x128xf32, #tpu.memory_space<hbm>>
      %dma_wait3A_215 = tpu.memref_squeeze %dma_wait3A_214 : memref<1x80x128xf32, #tpu.memory_space<hbm>> -> memref<80x128xf32, #tpu.memory_space<hbm>>
      %dma_wait3A_216 = arith.constant 0 : i32
      %dma_wait3A_217 = tpu.memref_slice %arg4[%arg0, %add3A_212, %dma_wait3A_216] : memref<2x10240x128xf32, #tpu.memory_space<hbm>> -> memref<1x80x128xf32, #tpu.memory_space<hbm>>
      %dma_wait3A_218 = tpu.memref_squeeze %dma_wait3A_217 : memref<1x80x128xf32, #tpu.memory_space<hbm>> -> memref<80x128xf32, #tpu.memory_space<hbm>>
      tpu.wait_dma2 semaphore(%arg13 : memref<!tpu.dma_semaphore, #tpu.memory_space<semaphore_mem>>) src(%arg7 : memref<80x128xf32, #tpu.memory_space<vmem>>) dst(%dma_wait3A_218 : memref<80x128xf32, #tpu.memory_space<hbm>>)
      %mul3A_219 = arith.constant 640 : i32
      %mul3A_220 = arith.muli %arg1, %mul3A_219 : i32
      %add3A_221 = arith.addi %mul3A_220, %add3A_91 : i32
      %add3A_222 = arith.constant 80 : i32
      %add3A_223 = arith.addi %add3A_221, %add3A_222 : i32
      %dma_wait3A_224 = arith.constant 0 : i32
      %dma_wait3A_225 = tpu.memref_slice %arg4[%arg0, %add3A_223, %dma_wait3A_224] : memref<2x10240x128xf32, #tpu.memory_space<hbm>> -> memref<1x80x128xf32, #tpu.memory_space<hbm>>
      %dma_wait3A_226 = tpu.memref_squeeze %dma_wait3A_225 : memref<1x80x128xf32, #tpu.memory_space<hbm>> -> memref<80x128xf32, #tpu.memory_space<hbm>>
      %dma_wait3A_227 = arith.constant 0 : i32
      %dma_wait3A_228 = tpu.memref_slice %arg4[%arg0, %add3A_223, %dma_wait3A_227] : memref<2x10240x128xf32, #tpu.memory_space<hbm>> -> memref<1x80x128xf32, #tpu.memory_space<hbm>>
      %dma_wait3A_229 = tpu.memref_squeeze %dma_wait3A_228 : memref<1x80x128xf32, #tpu.memory_space<hbm>> -> memref<80x128xf32, #tpu.memory_space<hbm>>
      tpu.wait_dma2 semaphore(%arg14 : memref<!tpu.dma_semaphore, #tpu.memory_space<semaphore_mem>>) src(%arg8 : memref<80x128xf32, #tpu.memory_space<vmem>>) dst(%dma_wait3A_229 : memref<80x128xf32, #tpu.memory_space<hbm>>)
      %mul3A_230 = arith.constant 640 : i32
      %mul3A_231 = arith.muli %arg1, %mul3A_230 : i32
      %add3A_232 = arith.addi %mul3A_231, %add3A_91 : i32
      %add3A_233 = arith.constant 160 : i32
      %add3A_234 = arith.addi %add3A_232, %add3A_233 : i32
      %dma_wait3A_235 = arith.constant 0 : i32
      %dma_wait3A_236 = tpu.memref_slice %arg4[%arg0, %add3A_234, %dma_wait3A_235] : memref<2x10240x128xf32, #tpu.memory_space<hbm>> -> memref<1x80x128xf32, #tpu.memory_space<hbm>>
      %dma_wait3A_237 = tpu.memref_squeeze %dma_wait3A_236 : memref<1x80x128xf32, #tpu.memory_space<hbm>> -> memref<80x128xf32, #tpu.memory_space<hbm>>
      %dma_wait3A_238 = arith.constant 0 : i32
      %dma_wait3A_239 = tpu.memref_slice %arg4[%arg0, %add3A_234, %dma_wait3A_238] : memref<2x10240x128xf32, #tpu.memory_space<hbm>> -> memref<1x80x128xf32, #tpu.memory_space<hbm>>
      %dma_wait3A_240 = tpu.memref_squeeze %dma_wait3A_239 : memref<1x80x128xf32, #tpu.memory_space<hbm>> -> memref<80x128xf32, #tpu.memory_space<hbm>>
      tpu.wait_dma2 semaphore(%arg15 : memref<!tpu.dma_semaphore, #tpu.memory_space<semaphore_mem>>) src(%arg9 : memref<80x128xf32, #tpu.memory_space<vmem>>) dst(%dma_wait3A_240 : memref<80x128xf32, #tpu.memory_space<hbm>>)
      %mul3A_241 = arith.constant 640 : i32
      %mul3A_242 = arith.muli %arg1, %mul3A_241 : i32
      %add3A_243 = arith.addi %mul3A_242, %add3A_91 : i32
      %add3A_244 = arith.constant 240 : i32
      %add3A_245 = arith.addi %add3A_243, %add3A_244 : i32
      %dma_wait3A_246 = arith.constant 0 : i32
      %dma_wait3A_247 = tpu.memref_slice %arg4[%arg0, %add3A_245, %dma_wait3A_246] : memref<2x10240x128xf32, #tpu.memory_space<hbm>> -> memref<1x80x128xf32, #tpu.memory_space<hbm>>
      %dma_wait3A_248 = tpu.memref_squeeze %dma_wait3A_247 : memref<1x80x128xf32, #tpu.memory_space<hbm>> -> memref<80x128xf32, #tpu.memory_space<hbm>>
      %dma_wait3A_249 = arith.constant 0 : i32
      %dma_wait3A_250 = tpu.memref_slice %arg4[%arg0, %add3A_245, %dma_wait3A_249] : memref<2x10240x128xf32, #tpu.memory_space<hbm>> -> memref<1x80x128xf32, #tpu.memory_space<hbm>>
      %dma_wait3A_251 = tpu.memref_squeeze %dma_wait3A_250 : memref<1x80x128xf32, #tpu.memory_space<hbm>> -> memref<80x128xf32, #tpu.memory_space<hbm>>
      tpu.wait_dma2 semaphore(%arg16 : memref<!tpu.dma_semaphore, #tpu.memory_space<semaphore_mem>>) src(%arg10 : memref<80x128xf32, #tpu.memory_space<vmem>>) dst(%dma_wait3A_251 : memref<80x128xf32, #tpu.memory_space<hbm>>)
    }
    %scan3A_86 = arith.constant 2 : i32
    return
  }
}

module attributes {stable_mosaic.version = 14 : i64} {
  func.func @_mm_scale_body(%arg0: i32, %arg1: memref<2048x128xf32, #tpu.memory_space<vmem>>, %arg2: memref<128x128xf32, #tpu.memory_space<vmem>>, %arg3: memref<20480xf32, #tpu.memory_space<vmem>>, %arg4: memref<2048x128xf32, #tpu.memory_space<vmem>>, %arg5: memref<2048x1xf32, #tpu.memory_space<vmem>>) attributes {dimension_semantics = [#tpu.dimension_semantics<arbitrary>], iteration_bounds = array<i64: 5>, scalar_prefetch = 0 : i64, scratch_operands = 0 : i64, tpu.core_type = #tpu.core_type<tc>, window_params = [{transform_indices = @transform_0, window_bounds = array<i64: 2048, 128>}, {pipeline_mode = #tpu.pipeline_mode<synchronous>, transform_indices = @transform_1, window_bounds = array<i64: 128, 128>}, {pipeline_mode = #tpu.pipeline_mode<synchronous>, transform_indices = @transform_2, window_bounds = array<i64: 20480>}, {transform_indices = @transform_3, window_bounds = array<i64: 2048, 128>}, {transform_indices = @transform_4, window_bounds = array<i64: 2048, 1>}]} {
    %mul3A = arith.constant 2048 : i32
    %mul3A_0 = arith.muli %arg0, %mul3A : i32
    %get3A = arith.index_cast %mul3A_0 : i32 to index
    %get3A_1 = vector.load %arg3[%get3A] : memref<20480xf32, #tpu.memory_space<vmem>>, vector<2048xf32>
    %mul3A_2 = arith.constant 2048 : i32
    %mul3A_3 = arith.muli %arg0, %mul3A_2 : i32
    %add3A = arith.constant 10240 : i32
    %add3A_4 = arith.addi %add3A, %mul3A_3 : i32
    %get3A_5 = arith.index_cast %add3A_4 : i32 to index
    %get3A_6 = vector.load %arg3[%get3A_5] : memref<20480xf32, #tpu.memory_space<vmem>>, vector<2048xf32>
    %add3A_7 = arith.addf %get3A_1, %get3A_6 : vector<2048xf32>
    %add3A_8 = arith.constant 1.000000e+00 : f32
    %add3A_9 = vector.broadcast %add3A_8 : f32 to vector<2048xf32>
    %add3A_10 = arith.addf %add3A_7, %add3A_9 : vector<2048xf32>
    %rsqrt3A = math.rsqrt %add3A_10 : vector<2048xf32>
    %broadcast_in_dim3A = vector.shape_cast %rsqrt3A : vector<2048xf32> to vector<2048x1xf32>
    %get3A_11 = arith.constant 0 : index
    %get3A_12 = arith.constant 0 : index
    %get3A_13 = vector.load %arg1[%get3A_11, %get3A_12] : memref<2048x128xf32, #tpu.memory_space<vmem>>, vector<2048x128xf32>
    %convert_element_type3A = arith.truncf %get3A_13 : vector<2048x128xf32> to vector<2048x128xbf16>
    %get3A_14 = arith.constant 0 : index
    %get3A_15 = arith.constant 0 : index
    %get3A_16 = vector.load %arg2[%get3A_14, %get3A_15] : memref<128x128xf32, #tpu.memory_space<vmem>>, vector<128x128xf32>
    %convert_element_type3A_17 = arith.truncf %get3A_16 : vector<128x128xf32> to vector<128x128xbf16>
    %dot_general3A = arith.constant dense<0.000000e+00> : vector<2048x128xf32>
    %dot_general3A_18 = tpu.matmul %convert_element_type3A, %convert_element_type3A_17, %dot_general3A {dimension_numbers = #tpu.dot_dimension_numbers<[1], [0], [0], [1], [0, 0, 1, 1], [], []>, transpose_lhs_hint = false} : vector<2048x128xbf16>, vector<128x128xbf16>, vector<2048x128xf32> -> vector<2048x128xf32>
    %mul3A_19 = vector.broadcast %broadcast_in_dim3A : vector<2048x1xf32> to vector<2048x128xf32>
    %mul3A_20 = arith.mulf %dot_general3A_18, %mul3A_19 : vector<2048x128xf32>
    %swap3A = arith.constant 0 : index
    %swap3A_21 = arith.constant 0 : index
    %swap3A_22 = vector.load %arg4[%swap3A, %swap3A_21] : memref<2048x128xf32, #tpu.memory_space<vmem>>, vector<2048x128xf32>
    tpu.vector_store %arg4[%swap3A, %swap3A_21], %mul3A_20 {strides = array<i32>} : memref<2048x128xf32, #tpu.memory_space<vmem>>, vector<2048x128xf32>,
    %swap3A_23 = arith.constant 0 : index
    %swap3A_24 = arith.constant 0 : index
    %swap3A_25 = vector.load %arg5[%swap3A_23, %swap3A_24] : memref<2048x1xf32, #tpu.memory_space<vmem>>, vector<2048x1xf32>
    tpu.vector_store %arg5[%swap3A_23, %swap3A_24], %broadcast_in_dim3A {strides = array<i32>} : memref<2048x1xf32, #tpu.memory_space<vmem>>, vector<2048x1xf32>,
    return
  }
  func.func @transform_0(%arg0: i32) -> (i32, i32) {
    %c0_i32 = arith.constant 0 : i32
    %c0_i32_0 = arith.constant 0 : i32
    return %arg0, %c0_i32 : i32, i32
  }
  func.func @transform_1(%arg0: i32) -> (i32, i32) {
    %c0_i32 = arith.constant 0 : i32
    %c0_i32_0 = arith.constant 0 : i32
    %c0_i32_1 = arith.constant 0 : i32
    return %c0_i32, %c0_i32_0 : i32, i32
  }
  func.func @transform_2(%arg0: i32) -> i32 {
    %c0_i32 = arith.constant 0 : i32
    %c0_i32_0 = arith.constant 0 : i32
    return %c0_i32 : i32
  }
  func.func @transform_3(%arg0: i32) -> (i32, i32) {
    %c0_i32 = arith.constant 0 : i32
    %c0_i32_0 = arith.constant 0 : i32
    return %arg0, %c0_i32 : i32, i32
  }
  func.func @transform_4(%arg0: i32) -> (i32, i32) {
    %c0_i32 = arith.constant 0 : i32
    %c0_i32_0 = arith.constant 0 : i32
    return %arg0, %c0_i32 : i32, i32
  }
}

module attributes {stable_mosaic.version = 14 : i64} {
  func.func @_final_body(%arg0: i32, %arg1: memref<2000x128xf32, #tpu.memory_space<vmem>>, %arg2: memref<1x2000x128xf32, #tpu.memory_space<vmem>>, %arg3: memref<1x2000x128xf32, #tpu.memory_space<vmem>>, %arg4: memref<2000x1xf32, #tpu.memory_space<vmem>>, %arg5: memref<1x128xf32, #tpu.memory_space<vmem>>, %arg6: memref<2000x128xf32, #tpu.memory_space<vmem>>) attributes {dimension_semantics = [#tpu.dimension_semantics<arbitrary>], iteration_bounds = array<i64: 5>, scalar_prefetch = 0 : i64, scratch_operands = 0 : i64, tpu.core_type = #tpu.core_type<tc>, window_params = [{transform_indices = @transform_0, window_bounds = array<i64: 2000, 128>}, {transform_indices = @transform_1, window_bounds = array<i64: 1, 2000, 128>}, {transform_indices = @transform_2, window_bounds = array<i64: 1, 2000, 128>}, {transform_indices = @transform_3, window_bounds = array<i64: 2000, 1>}, {pipeline_mode = #tpu.pipeline_mode<synchronous>, transform_indices = @transform_4, window_bounds = array<i64: 1, 128>}, {transform_indices = @transform_5, window_bounds = array<i64: 2000, 128>}]} {
    %get3A = arith.constant 0 : index
    %get3A_0 = arith.constant 0 : index
    %get3A_1 = vector.load %arg1[%get3A, %get3A_0] : memref<2000x128xf32, #tpu.memory_space<vmem>>, vector<2000x128xf32>
    %get3A_2 = arith.constant 0 : index
    %get3A_3 = arith.constant 0 : index
    %get3A_4 = arith.constant 0 : index
    %get3A_5 = vector.load %arg2[%get3A_2, %get3A_3, %get3A_4] : memref<1x2000x128xf32, #tpu.memory_space<vmem>>, vector<1x2000x128xf32>
    %get3A_6 = vector.shape_cast %get3A_5 : vector<1x2000x128xf32> to vector<2000x128xf32>
    %add3A = arith.addf %get3A_1, %get3A_6 : vector<2000x128xf32>
    %get3A_7 = arith.constant 0 : index
    %get3A_8 = arith.constant 0 : index
    %get3A_9 = arith.constant 0 : index
    %get3A_10 = vector.load %arg3[%get3A_7, %get3A_8, %get3A_9] : memref<1x2000x128xf32, #tpu.memory_space<vmem>>, vector<1x2000x128xf32>
    %get3A_11 = vector.shape_cast %get3A_10 : vector<1x2000x128xf32> to vector<2000x128xf32>
    %add3A_12 = arith.addf %add3A, %get3A_11 : vector<2000x128xf32>
    %get3A_13 = arith.constant 0 : index
    %get3A_14 = arith.constant 0 : index
    %get3A_15 = vector.load %arg4[%get3A_13, %get3A_14] : memref<2000x1xf32, #tpu.memory_space<vmem>>, vector<2000x1xf32>
    %mul3A = vector.broadcast %get3A_15 : vector<2000x1xf32> to vector<2000x128xf32>
    %mul3A_16 = arith.mulf %add3A_12, %mul3A : vector<2000x128xf32>
    %get3A_17 = arith.constant 0 : index
    %get3A_18 = arith.constant 0 : index
    %get3A_19 = vector.load %arg5[%get3A_17, %get3A_18] : memref<1x128xf32, #tpu.memory_space<vmem>>, vector<1x128xf32>
    %add3A_20 = vector.broadcast %get3A_19 : vector<1x128xf32> to vector<2000x128xf32>
    %add3A_21 = arith.addf %mul3A_16, %add3A_20 : vector<2000x128xf32>
    %swap3A = arith.constant 0 : index
    %swap3A_22 = arith.constant 0 : index
    %swap3A_23 = vector.load %arg6[%swap3A, %swap3A_22] : memref<2000x128xf32, #tpu.memory_space<vmem>>, vector<2000x128xf32>
    tpu.vector_store %arg6[%swap3A, %swap3A_22], %add3A_21 {strides = array<i32>} : memref<2000x128xf32, #tpu.memory_space<vmem>>, vector<2000x128xf32>,
    return
  }
  func.func @transform_0(%arg0: i32) -> (i32, i32) {
    %c0_i32 = arith.constant 0 : i32
    %c0_i32_0 = arith.constant 0 : i32
    return %arg0, %c0_i32 : i32, i32
  }
  func.func @transform_1(%arg0: i32) -> (i32, i32, i32) {
    %c0_i32 = arith.constant 0 : i32
    %c0_i32_0 = arith.constant 0 : i32
    %c0_i32_1 = arith.constant 0 : i32
    return %c0_i32, %arg0, %c0_i32_0 : i32, i32, i32
  }
  func.func @transform_2(%arg0: i32) -> (i32, i32, i32) {
    %c1_i32 = arith.constant 1 : i32
    %c0_i32 = arith.constant 0 : i32
    %c0_i32_0 = arith.constant 0 : i32
    return %c1_i32, %arg0, %c0_i32 : i32, i32, i32
  }
  func.func @transform_3(%arg0: i32) -> (i32, i32) {
    %c0_i32 = arith.constant 0 : i32
    %c0_i32_0 = arith.constant 0 : i32
    return %arg0, %c0_i32 : i32, i32
  }
  func.func @transform_4(%arg0: i32) -> (i32, i32) {
    %c0_i32 = arith.constant 0 : i32
    %c0_i32_0 = arith.constant 0 : i32
    %c0_i32_1 = arith.constant 0 : i32
    return %c0_i32, %c0_i32_0 : i32, i32
  }
  func.func @transform_5(%arg0: i32) -> (i32, i32) {
    %c0_i32 = arith.constant 0 : i32
    %c0_i32_0 = arith.constant 0 : i32
    return %arg0, %c0_i32 : i32, i32
  }
}

module attributes {stable_mosaic.version = 14 : i64} {
  func.func @_mid_body(%arg0: i32, %arg1: memref<2048x128xf32, #tpu.memory_space<vmem>>, %arg2: memref<1x2048x128xf32, #tpu.memory_space<vmem>>, %arg3: memref<1x2048x128xf32, #tpu.memory_space<vmem>>, %arg4: memref<2048x1xf32, #tpu.memory_space<vmem>>, %arg5: memref<1x128xf32, #tpu.memory_space<vmem>>, %arg6: memref<128x128xf32, #tpu.memory_space<vmem>>, %arg7: memref<2048x128xf32, #tpu.memory_space<vmem>>) attributes {dimension_semantics = [#tpu.dimension_semantics<arbitrary>], iteration_bounds = array<i64: 5>, scalar_prefetch = 0 : i64, scratch_operands = 0 : i64, tpu.core_type = #tpu.core_type<tc>, window_params = [{transform_indices = @transform_0, window_bounds = array<i64: 2048, 128>}, {transform_indices = @transform_1, window_bounds = array<i64: 1, 2048, 128>}, {transform_indices = @transform_2, window_bounds = array<i64: 1, 2048, 128>}, {transform_indices = @transform_3, window_bounds = array<i64: 2048, 1>}, {pipeline_mode = #tpu.pipeline_mode<synchronous>, transform_indices = @transform_4, window_bounds = array<i64: 1, 128>}, {pipeline_mode = #tpu.pipeline_mode<synchronous>, transform_indices = @transform_5, window_bounds = array<i64: 128, 128>}, {transform_indices = @transform_6, window_bounds = array<i64: 2048, 128>}]} {
    %get3A = arith.constant 0 : index
    %get3A_0 = arith.constant 0 : index
    %get3A_1 = vector.load %arg4[%get3A, %get3A_0] : memref<2048x1xf32, #tpu.memory_space<vmem>>, vector<2048x1xf32>
    %get3A_2 = arith.constant 0 : index
    %get3A_3 = arith.constant 0 : index
    %get3A_4 = vector.load %arg1[%get3A_2, %get3A_3] : memref<2048x128xf32, #tpu.memory_space<vmem>>, vector<2048x128xf32>
    %get3A_5 = arith.constant 0 : index
    %get3A_6 = arith.constant 0 : index
    %get3A_7 = arith.constant 0 : index
    %get3A_8 = vector.load %arg2[%get3A_5, %get3A_6, %get3A_7] : memref<1x2048x128xf32, #tpu.memory_space<vmem>>, vector<1x2048x128xf32>
    %get3A_9 = vector.shape_cast %get3A_8 : vector<1x2048x128xf32> to vector<2048x128xf32>
    %add3A = arith.addf %get3A_4, %get3A_9 : vector<2048x128xf32>
    %get3A_10 = arith.constant 0 : index
    %get3A_11 = arith.constant 0 : index
    %get3A_12 = arith.constant 0 : index
    %get3A_13 = vector.load %arg3[%get3A_10, %get3A_11, %get3A_12] : memref<1x2048x128xf32, #tpu.memory_space<vmem>>, vector<1x2048x128xf32>
    %get3A_14 = vector.shape_cast %get3A_13 : vector<1x2048x128xf32> to vector<2048x128xf32>
    %add3A_15 = arith.addf %add3A, %get3A_14 : vector<2048x128xf32>
    %mul3A = vector.broadcast %get3A_1 : vector<2048x1xf32> to vector<2048x128xf32>
    %mul3A_16 = arith.mulf %add3A_15, %mul3A : vector<2048x128xf32>
    %get3A_17 = arith.constant 0 : index
    %get3A_18 = arith.constant 0 : index
    %get3A_19 = vector.load %arg5[%get3A_17, %get3A_18] : memref<1x128xf32, #tpu.memory_space<vmem>>, vector<1x128xf32>
    %add3A_20 = vector.broadcast %get3A_19 : vector<1x128xf32> to vector<2048x128xf32>
    %add3A_21 = arith.addf %mul3A_16, %add3A_20 : vector<2048x128xf32>
    %convert_element_type3A = arith.truncf %add3A_21 : vector<2048x128xf32> to vector<2048x128xbf16>
    %get3A_22 = arith.constant 0 : index
    %get3A_23 = arith.constant 0 : index
    %get3A_24 = vector.load %arg6[%get3A_22, %get3A_23] : memref<128x128xf32, #tpu.memory_space<vmem>>, vector<128x128xf32>
    %convert_element_type3A_25 = arith.truncf %get3A_24 : vector<128x128xf32> to vector<128x128xbf16>
    %dot_general3A = arith.constant dense<0.000000e+00> : vector<2048x128xf32>
    %dot_general3A_26 = tpu.matmul %convert_element_type3A, %convert_element_type3A_25, %dot_general3A {dimension_numbers = #tpu.dot_dimension_numbers<[1], [0], [0], [1], [0, 0, 1, 1], [], []>, transpose_lhs_hint = false} : vector<2048x128xbf16>, vector<128x128xbf16>, vector<2048x128xf32> -> vector<2048x128xf32>
    %mul3A_27 = vector.broadcast %get3A_1 : vector<2048x1xf32> to vector<2048x128xf32>
    %mul3A_28 = arith.mulf %dot_general3A_26, %mul3A_27 : vector<2048x128xf32>
    %swap3A = arith.constant 0 : index
    %swap3A_29 = arith.constant 0 : index
    %swap3A_30 = vector.load %arg7[%swap3A, %swap3A_29] : memref<2048x128xf32, #tpu.memory_space<vmem>>, vector<2048x128xf32>
    tpu.vector_store %arg7[%swap3A, %swap3A_29], %mul3A_28 {strides = array<i32>} : memref<2048x128xf32, #tpu.memory_space<vmem>>, vector<2048x128xf32>,
    return
  }
  func.func @transform_0(%arg0: i32) -> (i32, i32) {
    %c0_i32 = arith.constant 0 : i32
    %c0_i32_0 = arith.constant 0 : i32
    return %arg0, %c0_i32 : i32, i32
  }
  func.func @transform_1(%arg0: i32) -> (i32, i32, i32) {
    %c0_i32 = arith.constant 0 : i32
    %c0_i32_0 = arith.constant 0 : i32
    %c0_i32_1 = arith.constant 0 : i32
    return %c0_i32, %arg0, %c0_i32_0 : i32, i32, i32
  }
  func.func @transform_2(%arg0: i32) -> (i32, i32, i32) {
    %c1_i32 = arith.constant 1 : i32
    %c0_i32 = arith.constant 0 : i32
    %c0_i32_0 = arith.constant 0 : i32
    return %c1_i32, %arg0, %c0_i32 : i32, i32, i32
  }
  func.func @transform_3(%arg0: i32) -> (i32, i32) {
    %c0_i32 = arith.constant 0 : i32
    %c0_i32_0 = arith.constant 0 : i32
    return %arg0, %c0_i32 : i32, i32
  }
  func.func @transform_4(%arg0: i32) -> (i32, i32) {
    %c0_i32 = arith.constant 0 : i32
    %c0_i32_0 = arith.constant 0 : i32
    %c0_i32_1 = arith.constant 0 : i32
    return %c0_i32, %c0_i32_0 : i32, i32
  }
  func.func @transform_5(%arg0: i32) -> (i32, i32) {
    %c0_i32 = arith.constant 0 : i32
    %c0_i32_0 = arith.constant 0 : i32
    %c0_i32_1 = arith.constant 0 : i32
    return %c0_i32, %c0_i32_0 : i32, i32
  }
  func.func @transform_6(%arg0: i32) -> (i32, i32) {
    %c0_i32 = arith.constant 0 : i32
    %c0_i32_0 = arith.constant 0 : i32
    return %arg0, %c0_i32 : i32, i32
  }
}

</mosaic_0001>

<sc_bundles>
// kernel: kernel.11.cloned.1.call-start
scs
__scs_entry_jumppad:
0x0: {  	(pc) =	sbr.rel $0x88, $3  }
0x1: {  	(tag) =	ssettag $0x0;
	lr =	simm.s32 $0x1  }
0x2: {  	[smem:$0x3F9B] =	sst lr;
	_ =	strace $0xD0000000  }
0x3: {  	_ = 	snop  }
0x4: {  	_ = 	snop  }
0x5: {  	_ = 	snop  }
0x6: {  	_ = 	snop  }
0x7: {  	_ = 	snop  }
__scs_overlays_trampoline_lowered:
0x8: {  	[smem:$0x3FAA] =	sst s0  }
0x9: {  	[smem:$0x3FAB] =	sst s1  }
0xa: {  	[smem:$0x3FAC] =	sst s2  }
0xb: {  	[smem:$0x3FAD] =	sst s3  }
0xc: {  	[smem:$0x3FAE] =	sst s4  }
0xd: {  	[smem:$0x3FAF] =	sst s5  }
0xe: {  	[smem:$0x3FB0] =	sst s6  }
0xf: {  	[smem:$0x3FB1] =	sst s7  }
0x10: {  	[smem:$0x3FB2] =	sst s8  }
0x11: {  	[smem:$0x3FB3] =	sst s9;
	s0 =	simm.s32 @!p0 $0x0  }
0x12: {  	s1 =	sld [smem:$0x3F99];
	s0 =	simm.s32 @p0 $0x1  }
0x13: {  	[smem:$0x3FB4] =	sst s0;
	s0 =	simm.s32 @!p1 $0x0  }
0x14: {  	s2 =	sld [smem:$0x3F98];
	s0 =	simm.s32 @p1 $0x1  }
0x15: {  	[smem:$0x3FB5] =	sst s0;
	s0 =	simm.s32 @!p2 $0x0  }
0x16: {  	s3 =	sld [smem:$0x3FDB];
	s0 =	simm.s32 @p2 $0x1  }
0x17: {  	s4 =	simm.s32 $0x1BF5;
	[smem:$0x3FB7] =	sst s0  }
0x18: {  	s0 =	sld [smem:$0x3F9A];
	_ =	swait.ge [sflag:s4], $0x0  }
0x19: {  	s7 =	sld [smem:$0x3F9B]  }
0x1a: {  	s8 =	sadd.s32 $0xFFFFE003, lr  }
0x1b: {  	s9 =	sadd.s32 $0xFFFFFEF7, lr;
	s5 =	simm.s32 $0xFFFFFFFF;
	p2 =	slt.u32 s8, $0xFFFFF086  }
0x1c: {  	p1 =	slt.u32 s9, $0xF7A;
	s5 =	simm.s32 @!p2 $0x0  }
0x1d: {  	s5 =	simm.s32 @p1 $0x1;
	p0 =	seq.s32 s7, s2  }
0x1e: {  	s7 =	smul.u32 @!p0 $0xF7A, s2;
	p2 =	seq.s32 @!p0 s5, $0x0  }
0x1f: {  	s9 =	smul.u32 $0xF7A, s1;
	s8 =	simm.s32 @!p0 $0x1BF5;
	p2 =	por !p2, p0  }
0x20: {  	[sflag:s8] =	ssyncset.s32 @!p0 $0xFFFFF086;
	s6 =	sadd.s32 @!p0 s3, s7;
	s7 =	simm.s32 @!p0 $0x108  }
0x21: {  	s3 =	sadd.s32 s3, s9;
	s6 =	sadd.s32 @!p0 $0x88, s6;
	s7 =	simm.s32 @p2 $0x1082  }
0x22: {  	[simem:s7], [sflag:s8] =	dma.local @!p0 [hbm:s6], $0xF7A  }
0x23: {  	s9 =	sor.u32 $0xD0000000, s2;
	s6 =	simm.s32 $0x108;
	_ =	swait.ge @!p0 [sflag:s8], $0x0  }
0x24: {  	s3 =	sadd.s32 $0x88, s3;
	s6 =	simm.s32 @!p1 $0x1082;
	[sflag:s4] =	ssyncset.s32 $0xFFFFF086  }
0x25: {  	[simem:s6], [sflag:s4] =	dma.local [hbm:s3], $0xF7A  }
0x26: {  	[smem:$0x3F9B] =	sst s1;
	(tag) =	ssettag s2;
	_ =	strace s9  }
0x27: {  	s1 =	sld [smem:$0x3FAB]  }
0x28: {  	s2 =	sld [smem:$0x3FAC]  }
0x29: {  	s4 =	sld [smem:$0x3FAE]  }
0x2a: {  	p0 =	seq.s32 s5, $0x0;
	s5 =	sld [smem:$0x3FAF]  }
0x2b: {  	s6 =	sld [smem:$0x3FB0]  }
0x2c: {  	s7 =	sld [smem:$0x3FB1]  }
0x2d: {  	s3 =	simm.s32 $0x108;
	s8 =	sld [smem:$0x3FB2]  }
0x2e: {  	s3 =	simm.s32 @!p0 $0x1082;
	s9 =	sld [smem:$0x3FB3]  }
0x2f: {  	lr =	sadd.s32 s0, s3;
	s0 =	sld [smem:$0x3FAA]  }
0x30: {  	s3 =	sld [smem:$0x3FAD]  }
0x31: {  	[smem:$0x3FB6] =	sst s10  }
0x32: {  	s10 =	sld [smem:$0x3FB4];
	_ =	sdelay $0x3  }
0x33: {  	p0 =	seq.s32 s10, $0x1;
	s10 =	sld [smem:$0x3FB6];
	_ =	sdelay $0x3  }
0x34: {  	[smem:$0x3FB6] =	sst s10  }
0x35: {  	s10 =	sld [smem:$0x3FB5];
	_ =	sdelay $0x3  }
0x36: {  	p1 =	seq.s32 s10, $0x1;
	s10 =	sld [smem:$0x3FB6];
	_ =	sdelay $0x3  }
0x37: {  	[smem:$0x3FB6] =	sst s10  }
0x38: {  	s10 =	sld [smem:$0x3FB7]  }
0x39: {  	_ = 	snop;
	(pc) =	sbr.ind lr, $3  }
0x3a: {  	_ = 	snop  }
0x3b: {  	_ = 	snop  }
0x3c: {  	p2 =	seq.s32 s10, $0x1;
	s10 =	sld [smem:$0x3FB6]  }
0x3d: {  	_ =	shalt  }
0x3e: {  	_ =	shalt  }
0x3f: {  	_ =	shalt  }
0x40: {  	_ =	shalt  }
0x41: {  	_ =	shalt  }
0x42: {  	_ =	shalt  }
0x43: {  	_ =	shalt  }
0x44: {  	_ =	shalt  }
0x45: {  	_ =	shalt  }
0x46: {  	_ =	shalt  }
0x47: {  	_ =	shalt  }
0x48: {  	_ =	shalt  }
0x49: {  	_ =	shalt  }
0x4a: {  	_ =	shalt  }
0x4b: {  	_ =	shalt  }
0x4c: {  	_ =	shalt  }
0x4d: {  	_ =	shalt  }
0x4e: {  	_ =	shalt  }
0x4f: {  	_ =	shalt  }
0x50: {  	_ =	shalt  }
0x51: {  	_ =	shalt  }
0x52: {  	_ =	shalt  }
0x53: {  	_ =	shalt  }
0x54: {  	_ =	shalt  }
0x55: {  	_ =	shalt  }
0x56: {  	_ =	shalt  }
0x57: {  	_ =	shalt  }
0x58: {  	_ =	shalt  }
0x59: {  	_ =	shalt  }
0x5a: {  	_ =	shalt  }
0x5b: {  	_ =	shalt  }
0x5c: {  	_ =	shalt  }
0x5d: {  	_ =	shalt  }
0x5e: {  	_ =	shalt  }
0x5f: {  	_ =	shalt  }
0x60: {  	_ =	shalt  }
0x61: {  	_ =	shalt  }
0x62: {  	_ =	shalt  }
0x63: {  	_ =	shalt  }
0x64: {  	_ =	shalt  }
0x65: {  	_ =	shalt  }
0x66: {  	_ =	shalt  }
0x67: {  	_ =	shalt  }
0x68: {  	_ =	shalt  }
0x69: {  	_ =	shalt  }
0x6a: {  	_ =	shalt  }
0x6b: {  	_ =	shalt  }
0x6c: {  	_ =	shalt  }
0x6d: {  	_ =	shalt  }
0x6e: {  	_ =	shalt  }
0x6f: {  	_ =	shalt  }
0x70: {  	_ =	shalt  }
0x71: {  	_ =	shalt  }
0x72: {  	_ =	shalt  }
0x73: {  	_ =	shalt  }
0x74: {  	_ =	shalt  }
0x75: {  	_ =	shalt  }
0x76: {  	_ =	shalt  }
0x77: {  	_ =	shalt  }
0x78: {  	_ =	shalt  }
0x79: {  	_ =	shalt  }
0x7a: {  	_ =	shalt  }
0x7b: {  	_ =	shalt  }
0x7c: {  	_ =	shalt  }
0x7d: {  	_ =	shalt  }
0x7e: {  	_ =	shalt  }
0x7f: {  	_ =	shalt  }
0x80: {  	_ =	shalt  }
0x81: {  	_ =	shalt  }
0x82: {  	_ =	shalt  }
0x83: {  	_ =	shalt  }
0x84: {  	_ =	shalt  }
0x85: {  	_ =	shalt  }
0x86: {  	_ =	shalt  }
0x87: {  	_ =	shalt  }
.Lfunc_end0:
.L_simem_size_0:
called_computation.1_lowered:
.L_overlay_start_0:
0x88: {  	s2 =	sld [smem:$0x3FD9]  }
0x89: {  	s3 =	sld [smem:$0x3FFE];
	_ =	sdelay $0x1  }
0x8a: {  	s1 =	srdreg.scid  }
0x8b: {  	s0 =	sand.u32 $0x1, s1  }
0x8c: {  	s16 =	sshll.u32 s0, $0xA;
	s2 =	sadd.s32 s3, s2  }
0x8d: {  	s2 =	sadd.s32 s2, s16  }
0x8e: {  	[smem:$0x3FC2] =	sst s2  }
0x8f: {  	_ = 	snop  }
0x90: {  	(tm) =	ssettm $0x1  }
0x91: {  	s17 =	sld [smem:$0x3FFB];
	_ =	sdelay $0x3  }
0x92: {  	_ =	strace s17  }
0x93: {  	s2 =	sld [smem:$0x3FFC];
	_ =	sdelay $0x3  }
0x94: {  	_ =	strace s2  }
0x95: {  	s2 =	sld [smem:$0x3FFD];
	_ =	sdelay $0x3  }
0x96: {  	_ =	strace s2  }
0x97: {  	_ =	strace $0x8FFFFFFF  }
0x98: {  	s18 =	sld [smem:$0x3FDB];
	_ =	sdelay $0x1  }
0x99: {  	s19 =	simm.s32 $_scs_section_size  }
0x9a: {  	s4 =	simm.s32 $_size__tile_overlayer_lowered;
	s5 =	simm.s32 $_tile_overlayer_lowered  }
0x9b: {  	s22 =	simm.s32 $0x1BFF;
	s21 =	sshll.u32 s5, $0x1;
	s2 =	sadd.s32 s19, s18  }
0x9c: {  	s6 =	simm.s32 $0x0;
	s20 =	sshll.u32 s4, $0x1;
	s4 =	sadd.s32 s21, s2  }
0x9d: {  	[timem:s6], [sflag:s22] =	dma.local [hbm:s4], s20  }
0x9e: {  	_ =	swait.ge [sflag:s22], s20  }
0x9f: {  	s3 =	ssub.s32 $0x0, s20;
	[sflag:s22] =	ssyncset.done $0x0  }
0xa0: {  	[sflag:s22] =	ssyncadd.s32 s3;
	_ =	sdelay $0x1  }
0xa1: {  	s23 =	simm.s32 $0x1B8B  }
0xa2: {  	_ =	swait.ge [sflag:s23], $0x1  }
0xa3: {  	[sflag:s23] =	ssyncset.done $0x0  }
0xa4: {  	s25 =	simm.s32 $0x1B8E;
	s24 =	sld [smem:$0x3FFE];
	[sflag:s23] =	ssyncadd.s32 $0xFFFFFFFF  }
0xa5: {  	s26 =	simm.s32 $execute0_lowered;
	[smem:$0x3FD2] =	sst s25  }
0xa6: {  	s4 =	sshll.u32 s26, $0x1;
	_ =	strace $0x80000049;
	[dreg:$0x1] =	wrdreg $0xFFFFFFFF  }
0xa7: {  	s28 =	simm.s32 $_size_execute0_lowered;
	s2 =	sadd.s32 s2, s4;
	[dreg:$0x0] =	wrdreg $0x0  }
0xa8: {  	s4 =	sshll.u32 s28, $0x1;
	[dreg:$0x2] =	wrdreg s2  }
0xa9: {  	[dreg:$0x3] =	wrdreg s4  }
0xaa: {  	[dreg:$0x4] =	wrdreg $0xC0  }
0xab: {  	_ =	task [dreg:s6], $0x5FFFF  }
0xac: {  	[dreg:$0x1] =	wrdreg $0xFFFFFFFF  }
0xad: {  	[dreg:$0x0] =	wrdreg $0x60  }
0xae: {  	[dreg:$0x2] =	wrdreg s24  }
0xaf: {  	[dreg:$0x3] =	wrdreg $0xC0000  }
0xb0: {  	[dreg:$0x4] =	wrdreg $0x9  }
0xb1: {  	_ =	task.clear_ibuf [dreg:s6], $0x5FFFF;
	_ =	strace $0x90000049  }
0xb2: {  	s29 =	simm.s32 $0x9;
	_ =	strace $0x8000004B  }
0xb3: {  	_ =	swait.ge [sflag:s29], $0x1  }
0xb4: {  	[sflag:s29] =	ssyncadd.s32 $0xFFFFFFFF  }
0xb5: {  	_ =	strace $0x9000004B  }
0xb6: {  	_ =	sfence  }
0xb7: {  	s30 =	sld [smem:$0x0];
	_ =	sdelay $0x2  }
0xb8: {  	s31 =	sshll.u32 s1, $0xD;
	s1 =	sshrl.u32 s1, $0x2  }
0xb9: {  	s3 =	sand.u32 $0x4000, s31;
	s1 =	sadd.s32 s1, s30  }
0xba: {  	s0 =	sor.u32 s3, s0;
	s1 =	sshll.u32 s1, $0x11  }
0xbb: {  	s0 =	sor.u32 s1, s0  }
0xbc: {  	s0 =	sadd.s32 $0x8F2B, s0  }
0xbd: {  	[sflag:s0] =	ssyncadd.remote.s32 $0x1  }
0xbe: {  	_ =	sfence.sel $0xFFFF  }
0xbf: {  	[dreg:$0x0] =	wrdreg $0xFFFFFFFF;
	(pc) =	sbr.abs _section_cstart, $3  }
0xc0: {  	[dreg:$0x1] =	wrdreg $0xFFFFFFFF  }
0xc1: {  	_ =	task.clear_ibuf [dreg:s6], $0x2FFFF;
	_ =	strace $0x9FFFFFFF  }
0xc2: {  	(tm) =	ssettm $0x7FFFFFFF  }
0xc3: {  	_ =	shalt  }
tec
execute0_lowered:
.L_overlay_start_1:
0x0: {  	(tag) =	ssettag $0x1  }
0x1: {  	s0 =	rddreg [dreg:$0x0]  }
0x2: {  	s1 =	rddreg [dreg:$0x1];
	s2 =	srdreg.scid;
	s15 =	simm.s32 $0x0  }
0x3: {  	s12 =	stileid.u32;
	s28 =	simm.s32 $0x5;
	s31 =	simm.s32 $0xB00  }
0x4: {  	s29 =	simm.s32 $0x1A00;
	s30 =	simm.s32 $0x1B80;
	s2 =	sand.u32 $0x1, s2  }
0x5: {  	[smem:$0x7FF] =	sst s15;
	s4 =	sadd.s32 $0x2AA00, s0;
	s7 =	smul.u32 $0x50000, s12  }
0x6: {  	s18 =	sadd.s32 $0x2A00, s0;
	s0 =	sadd.s32 $0x52A00, s0;
	s9 =	smul.u32 $0x14000, s12  }
0x7: {  	s3 =	sshll.u32 s2, $0x4;
	_ =	strace $0x8000004A;
	s6 =	ssub.s32 $0x2, s2  }
0x8: {  	s3 =	sor.u32 s12, s3;
	s8 =	sshrl.u32 s6, $0x1;
	s24 =	sshrl.u32 s7, $0x2  }
0x9: {  	s7 =	smul.u32 $0x140000, s2;
	s25 =	sor.u32 $0x2800, s9;
	s5 =	sadd.s32 $0x5000, s9  }
0xa: {  	s17 =	sadd.s32 $0x7800, s9;
	s19 =	sadd.s32 $0xA000, s9;
	s2 =	smul.u32 $0x50000, s2  }
0xb: {  	s23 =	sadd.s32 $0xC800, s9;
	s3 =	smul.u32 $0x5000, s3;
	s6 =	ssub.s32 s6, s8  }
0xc: {  	s14 =	sadd.s32 s24, s1;
	s26 =	sadd.s32 s25, s1;
	s16 =	sadd.s32 s5, s1  }
0xd: {  	s11 =	sadd.s32 s17, s1;
	s24 =	sadd.s32 $0xF000, s9;
	[dreg:$0x6] =	wrdreg s26  }
0xe: {  	s6 =	smax.u32 s6, $0x1;
	[dreg:$0x7] =	wrdreg s16;
	s10 =	sadd.s32 s7, s9  }
0xf: {  	[dreg:$0x8] =	wrdreg s11;
	s16 =	sadd.s32 s19, s1;
	s8 =	sadd.s32 s7, s17  }
0x10: {  	s26 =	sadd.s32 s7, s23;
	s9 =	sadd.s32 $0x11800, s9;
	[dreg:$0x4] =	wrdreg s14  }
0x11: {  	s11 =	simm.s32 $0xA80;
	s3 =	sshrl.u32 s3, $0x3;
	[dreg:$0x5] =	wrdreg s6  }
0x12: {  	s10 =	sshrl.u32 s10, $0x3;
	[dreg:$0x9] =	wrdreg s16;
	s6 =	sadd.s32 s7, s5  }
0x13: {  	s21 =	sshrl.u32 s8, $0x3;
	s5 =	smul.u32 $0x5000, s12;
	s12 =	sshrl.u32 s26, $0x3  }
0x14: {  	s16 =	sadd.s32 s7, s24;
	s26 =	sadd.s32 $0x11800, s14;
	s13 =	sadd.s32 s18, s3  }
0x15: {  	s10 =	sadd.s32 s0, s10;
	s3 =	sadd.s32 s7, s25;
	s20 =	sshrl.u32 s6, $0x3  }
0x16: {  	s22 =	sadd.s32 s0, s21;
	s25 =	sadd.s32 s7, s19;
	s7 =	sadd.s32 s7, s9  }
0x17: {  	s17 =	sshrl.u32 s16, $0x3;
	s21 =	sadd.s32 s9, s1;
	[dreg:$0x19] =	wrdreg s26  }
0x18: {  	s6 =	simm.s32 $0x9800;
	s16 =	simm.s32 $0x2;
	[dreg:$0xa] =	wrdreg s10  }
0x19: {  	s26 =	simm.s32 $0x1B00;
	s3 =	sshrl.u32 s3, $0x3;
	[dreg:$0xd] =	wrdreg s22  }
0x1a: {  	s8 =	sshrl.u32 s25, $0x3;
	s2 =	sadd.s32 s5, s2;
	[dreg:$0x14] =	wrdreg s21  }
0x1b: {  	s7 =	sshrl.u32 s7, $0x3;
	[dreg:$0x3] =	wrdreg s13;
	s25 =	sadd.s32 $0xF000, s14  }
0x1c: {  	s5 =	simm.s32 $0x1;
	s21 =	simm.s32 $0x1880;
	s10 =	simm.s32 $0x1C00  }
0x1d: {  	s3 =	sadd.s32 s0, s3;
	s8 =	sadd.s32 s0, s8;
	[dreg:$0x18] =	wrdreg s25  }
0x1e: {  	s19 =	sadd.s32 $0xA1000, s2;
	s22 =	sadd.s32 $0x1000, s2;
	[dreg:$0xb] =	wrdreg s3  }
0x1f: {  	s2 =	simm.s32 $0x50;
	s25 =	simm.s32 $0xB80;
	[dreg:$0xe] =	wrdreg s8  }
0x20: {  	s3 =	sadd.s32 s0, s20;
	s8 =	sadd.s32 s0, s12;
	[dreg:$0x15] =	wrdreg s22  }
0x21: {  	s20 =	sadd.s32 s24, s1;
	s24 =	sadd.s32 $0xC800, s14;
	[dreg:$0xc] =	wrdreg s3  }
0x22: {  	s14 =	simm.s32 $0x2000;
	s22 =	simm.s32 $0x4;
	[dreg:$0xf] =	wrdreg s8  }
0x23: {  	s8 =	sadd.s32 s0, s17;
	s0 =	sadd.s32 s0, s7;
	[dreg:$0x13] =	wrdreg s20  }
0x24: {  	s3 =	sadd.s32 s23, s1;
	s23 =	sadd.s32 $0x14000, s13;
	[dreg:$0x17] =	wrdreg s24  }
0x25: {  	s13 =	simm.s32 $0x7000;
	s17 =	simm.s32 $0x7;
	[dreg:$0x10] =	wrdreg s8  }
0x26: {  	s7 =	simm.s32 $0x0;
	s24 =	simm.s32 $0xC00;
	[dreg:$0x11] =	wrdreg s0  }
0x27: {  	s20 =	simm.s32 $0x1A80;
	[dreg:$0x12] =	wrdreg s3;
	s0 =	sshrl.u32 s19, $0x3  }
0x28: {  	[dreg:$0x16] =	wrdreg s23;
	s3 =	simm.s32 $0x1000;
	s8 =	simm.s32 $0x4800  }
0x29: {  	v0 =	vimm.f32 $0.0e+00;
	s19 =	simm.s32 $0x3;
	s23 =	simm.s32 $0x1980;
	s9 =	sadd.s32 s0, s18  }
.LBB2_1:
0x2a: {  	[dreg:$0x1a] =	wrdreg s7  }
0x2b: {  	s0 =	rddreg [dreg:$0x3]  }
0x2c: {  	[tilespmem:s15], [sflag:$0x1] =	stream.linear.gather [hbm4b:s0+s15], $0xC80, $0x38;
	v63 =	vld [tilespmem:$0x0]  }
0x2d: {  	s12 =	rddreg [dreg:$0x16]  }
0x2e: {  	[tilespmem:s3], [sflag:$0x1] =	stream.linear.gather [hbm4b:s12+s15], $0xC80, $0x38;
	v63 =	vld [tilespmem:$0x0]  }
0x2f: {  	_ =	swait.ge [sflag:s5], $0xC80  }
0x30: {  	[sflag:s5] =	ssyncset.done $0x0  }
0x31: {  	s7 =	simm.s32 $0x80;
	[sflag:s5] =	ssyncadd.s32 $0xFFFFF380  }
0x32: {  	[tilespmem:s8], [sflag:$0x3] =	stream.indirect.gather [hbm4b:s4+s2], $0x80, s7, s2, $0xb8;
	v63 =	vld [tilespmem:$0x0]  }
0x33: {  	s12 =	simm.s32 $0x100  }
0x34: {  	[tilespmem:s13], [sflag:$0x4] =	stream.indirect.gather [hbm4b:s4+s2], $0x80, s12, s2, $0xb8;
	v63 =	vld [tilespmem:$0x0]  }
0x35: {  	s15 =	simm.s32 $0x180;
	s7 =	simm.s32 $0x70;
	s12 =	simm.s32 $0x3C0  }
0x36: {  	[tilespmem:s6], [sflag:$0x5] =	stream.indirect.gather [hbm4b:s4+s2], $0x80, s15, s2, $0xb8;
	v63 =	vld [tilespmem:$0x0]  }
.LBB2_2:
0x37: {  	p0 =	seq.s32 s12, $0x9FC0;
	[tilespmem:s7+$0x2000] =	vst v0  }
0x38: {  	[tilespmem:s7+$0x1F90] =	vst v0  }
0x39: {  	[tilespmem:s7+$0x1FA0] =	vst v0  }
.Ltmp0:
0x3a: {  	[tilespmem:s7+$0x1FB0] =	vst v0;
	(pc) =	sbr.rel @!p0 .LBB2_2-.Ltmp0, $4  }
0x3b: {  	[tilespmem:s7+$0x1FC0] =	vst v0  }
0x3c: {  	[tilespmem:s7+$0x1FD0] =	vst v0  }
0x3d: {  	[tilespmem:s7+$0x1FE0] =	vst v0  }
0x3e: {  	[tilespmem:s7+$0x1FF0] =	vst v0;
	s7 =	sshra.s32 s12, $0x2;
	s12 =	sadd.s32 $0x200, s12  }
0x3f: {  	[tilespmem:s7+$0x2000] =	vst v0  }
0x40: {  	[tilespmem:s7+$0x1F90] =	vst v0  }
0x41: {  	[tilespmem:s7+$0x1FA0] =	vst v0  }
0x42: {  	[tilespmem:s7+$0x1FB0] =	vst v0  }
0x43: {  	[tilespmem:s7+$0x1FC0] =	vst v0  }
0x44: {  	[tilespmem:s7+$0x1FD0] =	vst v0  }
0x45: {  	[tilespmem:s7+$0x1FE0] =	vst v0  }
0x46: {  	[tilespmem:s7+$0x1FF0] =	vst v0;
	s0 =	rddreg [dreg:$0x4];
	s3 =	simm.s32 $0x6  }
0x47: {  	[spmem:s0] =	stream.linear.scatter [tilespmem:s14], [sflag:$0x6], $0x2800, $0x38;
	v63 =	vld [tilespmem:$0x0]  }
0x48: {  	_ =	swait.ge [sflag:s3], $0x2800  }
0x49: {  	[sflag:s3] =	ssyncset.done $0x0  }
0x4a: {  	s15 =	rddreg [dreg:$0x6];
	[sflag:s3] =	ssyncadd.s32 $0xFFFFD800  }
0x4b: {  	[spmem:s15] =	stream.linear.scatter [tilespmem:s14], [sflag:$0x6], $0x2800, $0x38;
	v63 =	vld [tilespmem:$0x0]  }
0x4c: {  	_ =	swait.ge [sflag:s3], $0x2800  }
0x4d: {  	[sflag:s3] =	ssyncset.done $0x0  }
0x4e: {  	s7 =	rddreg [dreg:$0x7];
	[sflag:s3] =	ssyncadd.s32 $0xFFFFD800  }
0x4f: {  	[spmem:s7] =	stream.linear.scatter [tilespmem:s14], [sflag:$0x6], $0x2800, $0x38;
	v63 =	vld [tilespmem:$0x0]  }
0x50: {  	_ =	swait.ge [sflag:s3], $0x2800  }
0x51: {  	[sflag:s3] =	ssyncset.done $0x0  }
0x52: {  	s12 =	rddreg [dreg:$0x8];
	[sflag:s3] =	ssyncadd.s32 $0xFFFFD800  }
0x53: {  	[spmem:s12] =	stream.linear.scatter [tilespmem:s14], [sflag:$0x6], $0x2800, $0x38;
	v63 =	vld [tilespmem:$0x0]  }
0x54: {  	_ =	swait.ge [sflag:s3], $0x2800  }
0x55: {  	[sflag:s3] =	ssyncset.done $0x0  }
0x56: {  	s15 =	rddreg [dreg:$0x9];
	[sflag:s3] =	ssyncadd.s32 $0xFFFFD800  }
0x57: {  	[spmem:s15] =	stream.linear.scatter [tilespmem:s14], [sflag:$0x6], $0x2800, $0x38;
	v63 =	vld [tilespmem:$0x0]  }
0x58: {  	_ =	swait.ge [sflag:s3], $0x2800  }
0x59: {  	[sflag:s3] =	ssyncset.done $0x0  }
0x5a: {  	s7 =	rddreg [dreg:$0x17];
	[sflag:s3] =	ssyncadd.s32 $0xFFFFD800  }
0x5b: {  	[spmem:s7] =	stream.linear.scatter [tilespmem:s14], [sflag:$0x6], $0x2800, $0x38;
	v63 =	vld [tilespmem:$0x0]  }
0x5c: {  	_ =	swait.ge [sflag:s3], $0x2800  }
0x5d: {  	[sflag:s3] =	ssyncset.done $0x0  }
0x5e: {  	s12 =	rddreg [dreg:$0x18];
	[sflag:s3] =	ssyncadd.s32 $0xFFFFD800  }
0x5f: {  	[spmem:s12] =	stream.linear.scatter [tilespmem:s14], [sflag:$0x6], $0x2800, $0x38;
	v63 =	vld [tilespmem:$0x0]  }
0x60: {  	_ =	swait.ge [sflag:s3], $0x2800  }
0x61: {  	[sflag:s3] =	ssyncset.done $0x0  }
0x62: {  	s15 =	rddreg [dreg:$0x19];
	[sflag:s3] =	ssyncadd.s32 $0xFFFFD800  }
0x63: {  	[spmem:s15] =	stream.linear.scatter [tilespmem:s14], [sflag:$0x6], $0x2800, $0x38;
	v63 =	vld [tilespmem:$0x0]  }
0x64: {  	_ =	swait.ge [sflag:s3], $0x2800  }
0x65: {  	[sflag:s3] =	ssyncset.done $0x0  }
0x66: {  	s12 =	simm.s32 $0x0;
	[sflag:s3] =	ssyncadd.s32 $0xFFFFD800  }
0x67: {  	[tilespmem:s14], [sflag:$0x2] =	stream.indirect.gather [hbm4b:s4+s2], $0x80, s12, s2, $0xb8;
	v63 =	vld [tilespmem:$0x0]  }
0x68: {  	[bflag:$0x0] =	sbarrier.arrive $0xFFFF  }
0x69: {  	_ =	swait.ge [sflag:s5], $0xC80  }
0x6a: {  	[sflag:s5] =	ssyncset.done $0x0  }
0x6b: {  	s7 =	rddreg [dreg:$0x15];
	[sflag:s5] =	ssyncadd.s32 $0xFFFFF380;
	s5 =	simm.s32 $0x1900  }
.LBB2_4:
0x6c: {  	p0 =	seq.s32 s12, $0x0  }
0x6d: {  	s0 =	simm.s32 @!p0 $0x50;
	s3 =	simm.s32 @!p0 $0x0;
	s15 =	simm.s32 @!p0 $0x2000  }
0x6e: {  	[tilespmem:s15], [sflag:$0x2] =	stream.indirect.gather @!p0 [hbm4b:s4+s0], $0x80, s3, s0, $0xb8;
	v63 =	vld [tilespmem:$0x0]  }
0x6f: {  	s3 =	simm.s32 @!p0 $0x80;
	s15 =	simm.s32 @!p0 $0x4800  }
0x70: {  	[tilespmem:s15], [sflag:$0x3] =	stream.indirect.gather @!p0 [hbm4b:s4+s0], $0x80, s3, s0, $0xb8;
	v63 =	vld [tilespmem:$0x0]  }
0x71: {  	s3 =	simm.s32 @!p0 $0x100;
	s15 =	simm.s32 @!p0 $0x7000  }
0x72: {  	[tilespmem:s15], [sflag:$0x4] =	stream.indirect.gather @!p0 [hbm4b:s4+s0], $0x80, s3, s0, $0xb8;
	v63 =	vld [tilespmem:$0x0]  }
0x73: {  	s3 =	simm.s32 @!p0 $0x180;
	s15 =	simm.s32 @!p0 $0x9800  }
0x74: {  	[tilespmem:s15], [sflag:$0x5] =	stream.indirect.gather @!p0 [hbm4b:s4+s0], $0x80, s3, s0, $0xb8;
	v63 =	vld [tilespmem:$0x0]  }
0x75: {  	_ =	swait.ge [sflag:s16], $0x2800  }
0x76: {  	[sflag:s16] =	ssyncset.done $0x0  }
0x77: {  	s3 =	simm.s32 $0x1000;
	[sflag:s16] =	ssyncadd.s32 $0xFFFFD800  }
0x78: {  	[spmem:s1] =	stream.indirect.scatter.add.f32 [tilespmem:s14], [sflag:$0x7], $0x80, s3, s2, $0xb8;
	v63 =	vld [tilespmem:$0x0]  }
0x79: {  	_ =	swait.ge [sflag:s17], $0x2800  }
0x7a: {  	[sflag:s17] =	ssyncset.done $0x0  }
0x7b: {  	s15 =	simm.s32 $0x200;
	[sflag:s17] =	ssyncadd.s32 $0xFFFFD800  }
0x7c: {  	[tilespmem:s14], [sflag:$0x2] =	stream.indirect.gather [hbm4b:s4+s2], $0x80, s15, s2, $0xb8;
	v63 =	vld [tilespmem:$0x0]  }
0x7d: {  	_ =	swait.ge [sflag:s19], $0x2800  }
0x7e: {  	[sflag:s19] =	ssyncset.done $0x0  }
0x7f: {  	s3 =	simm.s32 $0x1080;
	[sflag:s19] =	ssyncadd.s32 $0xFFFFD800  }
0x80: {  	[spmem:s1] =	stream.indirect.scatter.add.f32 [tilespmem:s8], [sflag:$0x7], $0x80, s3, s2, $0xb8;
	v63 =	vld [tilespmem:$0x0]  }
0x81: {  	_ =	swait.ge [sflag:s17], $0x2800  }
0x82: {  	[sflag:s17] =	ssyncset.done $0x0  }
0x83: {  	s15 =	simm.s32 $0x280;
	[sflag:s17] =	ssyncadd.s32 $0xFFFFD800  }
0x84: {  	[tilespmem:s8], [sflag:$0x3] =	stream.indirect.gather [hbm4b:s4+s2], $0x80, s15, s2, $0xb8;
	v63 =	vld [tilespmem:$0x0]  }
0x85: {  	_ =	swait.ge [sflag:s22], $0x2800  }
0x86: {  	[sflag:s22] =	ssyncset.done $0x0  }
0x87: {  	s3 =	simm.s32 $0x1100;
	[sflag:s22] =	ssyncadd.s32 $0xFFFFD800  }
0x88: {  	[spmem:s1] =	stream.indirect.scatter.add.f32 [tilespmem:s13], [sflag:$0x7], $0x80, s3, s2, $0xb8;
	v63 =	vld [tilespmem:$0x0]  }
0x89: {  	_ =	swait.ge [sflag:s17], $0x2800  }
0x8a: {  	[sflag:s17] =	ssyncset.done $0x0  }
0x8b: {  	s15 =	simm.s32 $0x300;
	[sflag:s17] =	ssyncadd.s32 $0xFFFFD800  }
0x8c: {  	[tilespmem:s13], [sflag:$0x4] =	stream.indirect.gather [hbm4b:s4+s2], $0x80, s15, s2, $0xb8;
	v63 =	vld [tilespmem:$0x0]  }
0x8d: {  	_ =	swait.ge [sflag:s28], $0x2800  }
0x8e: {  	[sflag:s28] =	ssyncset.done $0x0  }
0x8f: {  	s3 =	simm.s32 $0x1180;
	[sflag:s28] =	ssyncadd.s32 $0xFFFFD800  }
0x90: {  	[spmem:s1] =	stream.indirect.scatter.add.f32 [tilespmem:s6], [sflag:$0x7], $0x80, s3, s2, $0xb8;
	v63 =	vld [tilespmem:$0x0]  }
0x91: {  	_ =	swait.ge [sflag:s17], $0x2800  }
0x92: {  	[sflag:s17] =	ssyncset.done $0x0  }
0x93: {  	s15 =	simm.s32 $0x380;
	[sflag:s17] =	ssyncadd.s32 $0xFFFFD800  }
0x94: {  	[tilespmem:s6], [sflag:$0x5] =	stream.indirect.gather [hbm4b:s4+s2], $0x80, s15, s2, $0xb8;
	v63 =	vld [tilespmem:$0x0]  }
0x95: {  	_ =	swait.ge [sflag:s16], $0x2800  }
0x96: {  	[sflag:s16] =	ssyncset.done $0x0  }
0x97: {  	s3 =	simm.s32 $0x1200;
	[sflag:s16] =	ssyncadd.s32 $0xFFFFD800  }
0x98: {  	[spmem:s1] =	stream.indirect.scatter.add.f32 [tilespmem:s14], [sflag:$0x7], $0x80, s3, s2, $0xb8;
	v63 =	vld [tilespmem:$0x0]  }
0x99: {  	_ =	swait.ge [sflag:s17], $0x2800  }
0x9a: {  	[sflag:s17] =	ssyncset.done $0x0  }
0x9b: {  	s15 =	simm.s32 $0x400;
	[sflag:s17] =	ssyncadd.s32 $0xFFFFD800  }
0x9c: {  	[tilespmem:s14], [sflag:$0x2] =	stream.indirect.gather [hbm4b:s4+s2], $0x80, s15, s2, $0xb8;
	v63 =	vld [tilespmem:$0x0]  }
0x9d: {  	_ =	swait.ge [sflag:s19], $0x2800  }
0x9e: {  	[sflag:s19] =	ssyncset.done $0x0  }
0x9f: {  	s3 =	simm.s32 $0x1280;
	[sflag:s19] =	ssyncadd.s32 $0xFFFFD800  }
0xa0: {  	[spmem:s1] =	stream.indirect.scatter.add.f32 [tilespmem:s8], [sflag:$0x7], $0x80, s3, s2, $0xb8;
	v63 =	vld [tilespmem:$0x0]  }
0xa1: {  	_ =	swait.ge [sflag:s17], $0x2800  }
0xa2: {  	[sflag:s17] =	ssyncset.done $0x0  }
0xa3: {  	s15 =	simm.s32 $0x480;
	[sflag:s17] =	ssyncadd.s32 $0xFFFFD800  }
0xa4: {  	[tilespmem:s8], [sflag:$0x3] =	stream.indirect.gather [hbm4b:s4+s2], $0x80, s15, s2, $0xb8;
	v63 =	vld [tilespmem:$0x0]  }
0xa5: {  	_ =	swait.ge [sflag:s22], $0x2800  }
0xa6: {  	[sflag:s22] =	ssyncset.done $0x0  }
0xa7: {  	s3 =	simm.s32 $0x1300;
	[sflag:s22] =	ssyncadd.s32 $0xFFFFD800  }
0xa8: {  	[spmem:s1] =	stream.indirect.scatter.add.f32 [tilespmem:s13], [sflag:$0x7], $0x80, s3, s2, $0xb8;
	v63 =	vld [tilespmem:$0x0]  }
0xa9: {  	_ =	swait.ge [sflag:s17], $0x2800  }
0xaa: {  	[sflag:s17] =	ssyncset.done $0x0  }
0xab: {  	s15 =	simm.s32 $0x500;
	[sflag:s17] =	ssyncadd.s32 $0xFFFFD800  }
0xac: {  	[tilespmem:s13], [sflag:$0x4] =	stream.indirect.gather [hbm4b:s4+s2], $0x80, s15, s2, $0xb8;
	v63 =	vld [tilespmem:$0x0]  }
0xad: {  	_ =	swait.ge [sflag:s28], $0x2800  }
0xae: {  	[sflag:s28] =	ssyncset.done $0x0  }
0xaf: {  	s3 =	simm.s32 $0x1380;
	[sflag:s28] =	ssyncadd.s32 $0xFFFFD800  }
0xb0: {  	[spmem:s1] =	stream.indirect.scatter.add.f32 [tilespmem:s6], [sflag:$0x7], $0x80, s3, s2, $0xb8;
	v63 =	vld [tilespmem:$0x0]  }
0xb1: {  	_ =	swait.ge [sflag:s17], $0x2800  }
0xb2: {  	[sflag:s17] =	ssyncset.done $0x0  }
0xb3: {  	s15 =	simm.s32 $0x580;
	[sflag:s17] =	ssyncadd.s32 $0xFFFFD800  }
0xb4: {  	[tilespmem:s6], [sflag:$0x5] =	stream.indirect.gather [hbm4b:s4+s2], $0x80, s15, s2, $0xb8;
	v63 =	vld [tilespmem:$0x0]  }
0xb5: {  	_ =	swait.ge [sflag:s16], $0x2800  }
0xb6: {  	[sflag:s16] =	ssyncset.done $0x0  }
0xb7: {  	s3 =	simm.s32 $0x1400;
	[sflag:s16] =	ssyncadd.s32 $0xFFFFD800  }
0xb8: {  	[spmem:s1] =	stream.indirect.scatter.add.f32 [tilespmem:s14], [sflag:$0x7], $0x80, s3, s2, $0xb8;
	v63 =	vld [tilespmem:$0x0]  }
0xb9: {  	_ =	swait.ge [sflag:s17], $0x2800  }
0xba: {  	[sflag:s17] =	ssyncset.done $0x0  }
0xbb: {  	s15 =	simm.s32 $0x600;
	[sflag:s17] =	ssyncadd.s32 $0xFFFFD800  }
0xbc: {  	[tilespmem:s14], [sflag:$0x2] =	stream.indirect.gather [hbm4b:s4+s2], $0x80, s15, s2, $0xb8;
	v63 =	vld [tilespmem:$0x0]  }
0xbd: {  	_ =	swait.ge [sflag:s19], $0x2800  }
0xbe: {  	[sflag:s19] =	ssyncset.done $0x0  }
0xbf: {  	s3 =	simm.s32 $0x1480;
	[sflag:s19] =	ssyncadd.s32 $0xFFFFD800  }
0xc0: {  	[spmem:s1] =	stream.indirect.scatter.add.f32 [tilespmem:s8], [sflag:$0x7], $0x80, s3, s2, $0xb8;
	v63 =	vld [tilespmem:$0x0]  }
0xc1: {  	_ =	swait.ge [sflag:s17], $0x2800  }
0xc2: {  	[sflag:s17] =	ssyncset.done $0x0  }
0xc3: {  	s15 =	simm.s32 $0x680;
	[sflag:s17] =	ssyncadd.s32 $0xFFFFD800  }
0xc4: {  	[tilespmem:s8], [sflag:$0x3] =	stream.indirect.gather [hbm4b:s4+s2], $0x80, s15, s2, $0xb8;
	v63 =	vld [tilespmem:$0x0]  }
0xc5: {  	_ =	swait.ge [sflag:s22], $0x2800  }
0xc6: {  	[sflag:s22] =	ssyncset.done $0x0  }
0xc7: {  	s3 =	simm.s32 $0x1500;
	[sflag:s22] =	ssyncadd.s32 $0xFFFFD800  }
0xc8: {  	[spmem:s1] =	stream.indirect.scatter.add.f32 [tilespmem:s13], [sflag:$0x7], $0x80, s3, s2, $0xb8;
	v63 =	vld [tilespmem:$0x0]  }
0xc9: {  	_ =	swait.ge [sflag:s17], $0x2800  }
0xca: {  	[sflag:s17] =	ssyncset.done $0x0  }
0xcb: {  	s15 =	simm.s32 $0x700;
	[sflag:s17] =	ssyncadd.s32 $0xFFFFD800  }
0xcc: {  	[tilespmem:s13], [sflag:$0x4] =	stream.indirect.gather [hbm4b:s4+s2], $0x80, s15, s2, $0xb8;
	v63 =	vld [tilespmem:$0x0]  }
0xcd: {  	_ =	swait.ge [sflag:s28], $0x2800  }
0xce: {  	[sflag:s28] =	ssyncset.done $0x0  }
0xcf: {  	s3 =	simm.s32 $0x1580;
	[sflag:s28] =	ssyncadd.s32 $0xFFFFD800  }
0xd0: {  	[spmem:s1] =	stream.indirect.scatter.add.f32 [tilespmem:s6], [sflag:$0x7], $0x80, s3, s2, $0xb8;
	v63 =	vld [tilespmem:$0x0]  }
0xd1: {  	_ =	swait.ge [sflag:s17], $0x2800  }
0xd2: {  	[sflag:s17] =	ssyncset.done $0x0  }
0xd3: {  	s15 =	simm.s32 $0x780;
	[sflag:s17] =	ssyncadd.s32 $0xFFFFD800  }
0xd4: {  	[tilespmem:s6], [sflag:$0x5] =	stream.indirect.gather [hbm4b:s4+s2], $0x80, s15, s2, $0xb8;
	v63 =	vld [tilespmem:$0x0]  }
0xd5: {  	_ =	swait.ge [sflag:s16], $0x2800  }
0xd6: {  	[sflag:s16] =	ssyncset.done $0x0  }
0xd7: {  	s3 =	simm.s32 $0x1600;
	[sflag:s16] =	ssyncadd.s32 $0xFFFFD800  }
0xd8: {  	[spmem:s1] =	stream.indirect.scatter.add.f32 [tilespmem:s14], [sflag:$0x7], $0x80, s3, s2, $0xb8;
	v63 =	vld [tilespmem:$0x0]  }
0xd9: {  	_ =	swait.ge [sflag:s17], $0x2800  }
0xda: {  	[sflag:s17] =	ssyncset.done $0x0  }
0xdb: {  	s15 =	simm.s32 $0x800;
	[sflag:s17] =	ssyncadd.s32 $0xFFFFD800  }
0xdc: {  	[tilespmem:s14], [sflag:$0x2] =	stream.indirect.gather [hbm4b:s4+s2], $0x80, s15, s2, $0xb8;
	v63 =	vld [tilespmem:$0x0]  }
0xdd: {  	_ =	swait.ge [sflag:s19], $0x2800  }
0xde: {  	[sflag:s19] =	ssyncset.done $0x0  }
0xdf: {  	s3 =	simm.s32 $0x1680;
	[sflag:s19] =	ssyncadd.s32 $0xFFFFD800  }
0xe0: {  	[spmem:s1] =	stream.indirect.scatter.add.f32 [tilespmem:s8], [sflag:$0x7], $0x80, s3, s2, $0xb8;
	v63 =	vld [tilespmem:$0x0]  }
0xe1: {  	_ =	swait.ge [sflag:s17], $0x2800  }
0xe2: {  	[sflag:s17] =	ssyncset.done $0x0  }
0xe3: {  	s15 =	simm.s32 $0x880;
	[sflag:s17] =	ssyncadd.s32 $0xFFFFD800  }
0xe4: {  	[tilespmem:s8], [sflag:$0x3] =	stream.indirect.gather [hbm4b:s4+s2], $0x80, s15, s2, $0xb8;
	v63 =	vld [tilespmem:$0x0]  }
0xe5: {  	_ =	swait.ge [sflag:s22], $0x2800  }
0xe6: {  	[sflag:s22] =	ssyncset.done $0x0  }
0xe7: {  	s3 =	simm.s32 $0x1700;
	[sflag:s22] =	ssyncadd.s32 $0xFFFFD800  }
0xe8: {  	[spmem:s1] =	stream.indirect.scatter.add.f32 [tilespmem:s13], [sflag:$0x7], $0x80, s3, s2, $0xb8;
	v63 =	vld [tilespmem:$0x0]  }
0xe9: {  	_ =	swait.ge [sflag:s17], $0x2800  }
0xea: {  	[sflag:s17] =	ssyncset.done $0x0  }
0xeb: {  	s15 =	simm.s32 $0x900;
	[sflag:s17] =	ssyncadd.s32 $0xFFFFD800  }
0xec: {  	[tilespmem:s13], [sflag:$0x4] =	stream.indirect.gather [hbm4b:s4+s2], $0x80, s15, s2, $0xb8;
	v63 =	vld [tilespmem:$0x0]  }
0xed: {  	_ =	swait.ge [sflag:s28], $0x2800  }
0xee: {  	[sflag:s28] =	ssyncset.done $0x0  }
0xef: {  	s3 =	simm.s32 $0x1780;
	[sflag:s28] =	ssyncadd.s32 $0xFFFFD800  }
0xf0: {  	[spmem:s1] =	stream.indirect.scatter.add.f32 [tilespmem:s6], [sflag:$0x7], $0x80, s3, s2, $0xb8;
	v63 =	vld [tilespmem:$0x0]  }
0xf1: {  	_ =	swait.ge [sflag:s17], $0x2800  }
0xf2: {  	[sflag:s17] =	ssyncset.done $0x0  }
0xf3: {  	s15 =	simm.s32 $0x980;
	[sflag:s17] =	ssyncadd.s32 $0xFFFFD800  }
0xf4: {  	[tilespmem:s6], [sflag:$0x5] =	stream.indirect.gather [hbm4b:s4+s2], $0x80, s15, s2, $0xb8;
	v63 =	vld [tilespmem:$0x0]  }
0xf5: {  	_ =	swait.ge [sflag:s16], $0x2800  }
0xf6: {  	[sflag:s16] =	ssyncset.done $0x0  }
0xf7: {  	s3 =	simm.s32 $0x1800;
	[sflag:s16] =	ssyncadd.s32 $0xFFFFD800  }
0xf8: {  	[spmem:s1] =	stream.indirect.scatter.add.f32 [tilespmem:s14], [sflag:$0x7], $0x80, s3, s2, $0xb8;
	v63 =	vld [tilespmem:$0x0]  }
0xf9: {  	_ =	swait.ge [sflag:s17], $0x2800  }
0xfa: {  	[sflag:s17] =	ssyncset.done $0x0  }
0xfb: {  	s15 =	simm.s32 $0xA00;
	[sflag:s17] =	ssyncadd.s32 $0xFFFFD800  }
0xfc: {  	[tilespmem:s14], [sflag:$0x2] =	stream.indirect.gather [hbm4b:s4+s2], $0x80, s15, s2, $0xb8;
	v63 =	vld [tilespmem:$0x0]  }
0xfd: {  	_ =	swait.ge [sflag:s19], $0x2800  }
0xfe: {  	[sflag:s19] =	ssyncset.done $0x0  }
0xff: {  	[sflag:s19] =	ssyncadd.s32 $0xFFFFD800  }
0x100: {  	[spmem:s1] =	stream.indirect.scatter.add.f32 [tilespmem:s8], [sflag:$0x7], $0x80, s21, s2, $0xb8;
	v63 =	vld [tilespmem:$0x0]  }
0x101: {  	_ =	swait.ge [sflag:s17], $0x2800  }
0x102: {  	[sflag:s17] =	ssyncset.done $0x0  }
0x103: {  	[sflag:s17] =	ssyncadd.s32 $0xFFFFD800  }
0x104: {  	[tilespmem:s8], [sflag:$0x3] =	stream.indirect.gather [hbm4b:s4+s2], $0x80, s11, s2, $0xb8;
	v63 =	vld [tilespmem:$0x0]  }
0x105: {  	_ =	swait.ge [sflag:s22], $0x2800  }
0x106: {  	[sflag:s22] =	ssyncset.done $0x0  }
0x107: {  	[sflag:s22] =	ssyncadd.s32 $0xFFFFD800  }
0x108: {  	[spmem:s1] =	stream.indirect.scatter.add.f32 [tilespmem:s13], [sflag:$0x7], $0x80, s5, s2, $0xb8;
	v63 =	vld [tilespmem:$0x0]  }
0x109: {  	_ =	swait.ge [sflag:s17], $0x2800  }
0x10a: {  	[sflag:s17] =	ssyncset.done $0x0  }
0x10b: {  	[sflag:s17] =	ssyncadd.s32 $0xFFFFD800  }
0x10c: {  	[tilespmem:s13], [sflag:$0x4] =	stream.indirect.gather [hbm4b:s4+s2], $0x80, s31, s2, $0xb8;
	v63 =	vld [tilespmem:$0x0]  }
0x10d: {  	_ =	swait.ge [sflag:s28], $0x2800  }
0x10e: {  	[sflag:s28] =	ssyncset.done $0x0  }
0x10f: {  	[sflag:s28] =	ssyncadd.s32 $0xFFFFD800  }
0x110: {  	[spmem:s1] =	stream.indirect.scatter.add.f32 [tilespmem:s6], [sflag:$0x7], $0x80, s23, s2, $0xb8;
	v63 =	vld [tilespmem:$0x0]  }
0x111: {  	_ =	swait.ge [sflag:s17], $0x2800  }
0x112: {  	[sflag:s17] =	ssyncset.done $0x0  }
0x113: {  	[sflag:s17] =	ssyncadd.s32 $0xFFFFD800  }
0x114: {  	[tilespmem:s6], [sflag:$0x5] =	stream.indirect.gather [hbm4b:s4+s2], $0x80, s25, s2, $0xb8;
	v63 =	vld [tilespmem:$0x0]  }
0x115: {  	_ =	swait.ge [sflag:s16], $0x2800  }
0x116: {  	[sflag:s16] =	ssyncset.done $0x0  }
0x117: {  	[sflag:s16] =	ssyncadd.s32 $0xFFFFD800  }
0x118: {  	[spmem:s1] =	stream.indirect.scatter.add.f32 [tilespmem:s14], [sflag:$0x7], $0x80, s29, s2, $0xb8;
	v63 =	vld [tilespmem:$0x0]  }
0x119: {  	_ =	swait.ge [sflag:s17], $0x2800  }
0x11a: {  	[sflag:s17] =	ssyncset.done $0x0  }
0x11b: {  	[sflag:s17] =	ssyncadd.s32 $0xFFFFD800  }
0x11c: {  	[tilespmem:s14], [sflag:$0x2] =	stream.indirect.gather [hbm4b:s4+s2], $0x80, s24, s2, $0xb8;
	v63 =	vld [tilespmem:$0x0]  }
0x11d: {  	_ =	swait.ge [sflag:s19], $0x2800  }
0x11e: {  	[sflag:s19] =	ssyncset.done $0x0  }
0x11f: {  	[sflag:s19] =	ssyncadd.s32 $0xFFFFD800  }
0x120: {  	[spmem:s1] =	stream.indirect.scatter.add.f32 [tilespmem:s8], [sflag:$0x7], $0x80, s20, s2, $0xb8;
	v63 =	vld [tilespmem:$0x0]  }
0x121: {  	_ =	swait.ge [sflag:s17], $0x2800  }
0x122: {  	[sflag:s17] =	ssyncset.done $0x0  }
0x123: {  	[sflag:s17] =	ssyncadd.s32 $0xFFFFD800  }
0x124: {  	_ =	swait.ge [sflag:s22], $0x2800  }
0x125: {  	[sflag:s22] =	ssyncset.done $0x0  }
0x126: {  	[sflag:s22] =	ssyncadd.s32 $0xFFFFD800  }
0x127: {  	[spmem:s1] =	stream.indirect.scatter.add.f32 [tilespmem:s13], [sflag:$0x7], $0x80, s26, s2, $0xb8;
	v63 =	vld [tilespmem:$0x0]  }
0x128: {  	_ =	swait.ge [sflag:s17], $0x2800  }
0x129: {  	[sflag:s17] =	ssyncset.done $0x0  }
0x12a: {  	[sflag:s17] =	ssyncadd.s32 $0xFFFFD800  }
0x12b: {  	_ =	swait.ge [sflag:s28], $0x2800  }
0x12c: {  	[sflag:s28] =	ssyncset.done $0x0  }
0x12d: {  	[sflag:s28] =	ssyncadd.s32 $0xFFFFD800  }
0x12e: {  	[spmem:s1] =	stream.indirect.scatter.add.f32 [tilespmem:s6], [sflag:$0x7], $0x80, s30, s2, $0xb8;
	v63 =	vld [tilespmem:$0x0]  }
0x12f: {  	_ =	swait.ge [sflag:s17], $0x2800  }
0x130: {  	[sflag:s17] =	ssyncset.done $0x0  }
0x131: {  	[sflag:s17] =	ssyncadd.s32 $0xFFFFD800  }
0x132: {  	_ =	swait.ge [sflag:s16], $0x2800  }
0x133: {  	[sflag:s16] =	ssyncset.done $0x0  }
0x134: {  	[sflag:s16] =	ssyncadd.s32 $0xFFFFD800  }
0x135: {  	[spmem:s1] =	stream.indirect.scatter.add.f32 [tilespmem:s14], [sflag:$0x7], $0x80, s10, s2, $0xb8;
	v63 =	vld [tilespmem:$0x0]  }
0x136: {  	p0 =	seq.s32 s12, $0x800;
	_ =	swait.ge [sflag:s17], $0x2800  }
0x137: {  	s0 =	sshrl.u32 @!p0 s7, $0x3;
	[sflag:s17] =	ssyncset.done $0x0  }
0x138: {  	s0 =	sadd.s32 @!p0 s18, s0;
	s3 =	simm.s32 @!p0 $0x0;
	[sflag:s17] =	ssyncadd.s32 $0xFFFFD800  }
0x139: {  	[tilespmem:s3], [sflag:$0x7] =	stream.linear.gather @!p0 [hbm4b:s0+s3], $0xC80, $0x38;
	v63 =	vld [tilespmem:$0x0]  }
0x13a: {  	s0 =	simm.s32 @!p0 $0x7  }
0x13b: {  	_ =	swait.ge @!p0 [sflag:s0], $0xC80  }
0x13c: {  	s15 =	simm.s32 @!p0 $0x1000;
	[sflag:s0] =	ssyncset.done @!p0 $0x0  }
0x13d: {  	[sflag:s0] =	ssyncadd.s32 @!p0 $0xFFFFF380;
	s0 =	sadd.s32 @!p0 s12, s9;
	s12 =	sadd.s32 @!p0 $0x200, s12  }
0x13e: {  	[tilespmem:s15], [sflag:$0x6] =	stream.linear.gather @!p0 [hbm4b:s0+s3], $0xC80, $0x38;
	v63 =	vld [tilespmem:$0x0]  }
0x13f: {  	p1 =	sne.s32 @!p0 s12, $0xA00  }
0x140: {  	p1 =	por p0, !p1  }
.Ltmp1:
0x141: {  	_ = 	snop;
	(pc) =	sbr.rel @!p1 .LBB2_4-.Ltmp1, $4  }
0x142: {  	s0 =	simm.s32 @!p0 $0x6  }
0x143: {  	_ =	swait.ge @!p0 [sflag:s0], $0xC80  }
0x144: {  	[sflag:s0] =	ssyncset.done @!p0 $0x0  }
0x145: {  	s7 =	sadd.s32 @!p0 $0x1000, s7;
	[sflag:s0] =	ssyncadd.s32 @!p0 $0xFFFFF380  }
0x146: {  	[bflag:$0x0] =	sbarrier.arrive $0xFFFF  }
0x147: {  	s0 =	rddreg [dreg:$0x4]  }
0x148: {  	[tilespmem:s14], [sflag:$0x2] =	stream.linear.gather [spmem:s0], $0x2800, $0x38;
	v63 =	vld [tilespmem:$0x0]  }
0x149: {  	s3 =	rddreg [dreg:$0x6]  }
0x14a: {  	[tilespmem:s8], [sflag:$0x3] =	stream.linear.gather [spmem:s3], $0x2800, $0x38;
	v63 =	vld [tilespmem:$0x0]  }
0x14b: {  	s5 =	rddreg [dreg:$0x7]  }
0x14c: {  	[tilespmem:s13], [sflag:$0x4] =	stream.linear.gather [spmem:s5], $0x2800, $0x38;
	v63 =	vld [tilespmem:$0x0]  }
0x14d: {  	s7 =	rddreg [dreg:$0x8]  }
0x14e: {  	[tilespmem:s6], [sflag:$0x5] =	stream.linear.gather [spmem:s7], $0x2800, $0x38;
	v63 =	vld [tilespmem:$0x0]  }
0x14f: {  	_ =	swait.ge [sflag:s16], $0x2800  }
0x150: {  	[sflag:s16] =	ssyncset.done $0x0  }
0x151: {  	s15 =	simm.s32 $0x0;
	s12 =	rddreg [dreg:$0xa];
	[sflag:s16] =	ssyncadd.s32 $0xFFFFD800  }
0x152: {  	[hbm4b:s12+s15] =	stream.linear.scatter [tilespmem:s14], [sflag:$0x2], $0x2800, $0x38;
	v63 =	vld [tilespmem:$0x0]  }
0x153: {  	_ =	swait.ge [sflag:s19], $0x2800  }
0x154: {  	[sflag:s19] =	ssyncset.done $0x0  }
0x155: {  	s3 =	rddreg [dreg:$0xb];
	[sflag:s19] =	ssyncadd.s32 $0xFFFFD800  }
0x156: {  	[hbm4b:s3+s15] =	stream.linear.scatter [tilespmem:s8], [sflag:$0x3], $0x2800, $0x38;
	v63 =	vld [tilespmem:$0x0]  }
0x157: {  	_ =	swait.ge [sflag:s22], $0x2800  }
0x158: {  	[sflag:s22] =	ssyncset.done $0x0  }
0x159: {  	s5 =	rddreg [dreg:$0xc];
	[sflag:s22] =	ssyncadd.s32 $0xFFFFD800  }
0x15a: {  	[hbm4b:s5+s15] =	stream.linear.scatter [tilespmem:s13], [sflag:$0x4], $0x2800, $0x38;
	v63 =	vld [tilespmem:$0x0]  }
0x15b: {  	_ =	swait.ge [sflag:s28], $0x2800  }
0x15c: {  	[sflag:s28] =	ssyncset.done $0x0  }
0x15d: {  	s7 =	rddreg [dreg:$0xd];
	[sflag:s28] =	ssyncadd.s32 $0xFFFFD800  }
0x15e: {  	[hbm4b:s7+s15] =	stream.linear.scatter [tilespmem:s6], [sflag:$0x5], $0x2800, $0x38;
	v63 =	vld [tilespmem:$0x0]  }
0x15f: {  	_ =	swait.ge [sflag:s16], $0x2800  }
0x160: {  	[sflag:s16] =	ssyncset.done $0x0  }
0x161: {  	[sflag:s16] =	ssyncadd.s32 $0xFFFFD800  }
0x162: {  	_ =	swait.ge [sflag:s19], $0x2800  }
0x163: {  	[sflag:s19] =	ssyncset.done $0x0  }
0x164: {  	[sflag:s19] =	ssyncadd.s32 $0xFFFFD800  }
0x165: {  	_ =	swait.ge [sflag:s22], $0x2800  }
0x166: {  	[sflag:s22] =	ssyncset.done $0x0  }
0x167: {  	[sflag:s22] =	ssyncadd.s32 $0xFFFFD800  }
0x168: {  	_ =	swait.ge [sflag:s28], $0x2800  }
0x169: {  	[sflag:s28] =	ssyncset.done $0x0  }
0x16a: {  	s12 =	rddreg [dreg:$0x9];
	[sflag:s28] =	ssyncadd.s32 $0xFFFFD800  }
0x16b: {  	[tilespmem:s14], [sflag:$0x2] =	stream.linear.gather [spmem:s12], $0x2800, $0x38;
	v63 =	vld [tilespmem:$0x0]  }
0x16c: {  	s3 =	rddreg [dreg:$0x12]  }
0x16d: {  	[tilespmem:s8], [sflag:$0x3] =	stream.linear.gather [spmem:s3], $0x2800, $0x38;
	v63 =	vld [tilespmem:$0x0]  }
0x16e: {  	s5 =	rddreg [dreg:$0x13]  }
0x16f: {  	[tilespmem:s13], [sflag:$0x4] =	stream.linear.gather [spmem:s5], $0x2800, $0x38;
	v63 =	vld [tilespmem:$0x0]  }
0x170: {  	s7 =	rddreg [dreg:$0x14]  }
0x171: {  	[tilespmem:s6], [sflag:$0x5] =	stream.linear.gather [spmem:s7], $0x2800, $0x38;
	v63 =	vld [tilespmem:$0x0]  }
0x172: {  	_ =	swait.ge [sflag:s16], $0x2800  }
0x173: {  	[sflag:s16] =	ssyncset.done $0x0  }
0x174: {  	s12 =	rddreg [dreg:$0xe];
	[sflag:s16] =	ssyncadd.s32 $0xFFFFD800  }
0x175: {  	[hbm4b:s12+s15] =	stream.linear.scatter [tilespmem:s14], [sflag:$0x2], $0x2800, $0x38;
	v63 =	vld [tilespmem:$0x0]  }
0x176: {  	_ =	swait.ge [sflag:s19], $0x2800  }
0x177: {  	[sflag:s19] =	ssyncset.done $0x0  }
0x178: {  	s3 =	rddreg [dreg:$0xf];
	[sflag:s19] =	ssyncadd.s32 $0xFFFFD800  }
0x179: {  	[hbm4b:s3+s15] =	stream.linear.scatter [tilespmem:s8], [sflag:$0x3], $0x2800, $0x38;
	v63 =	vld [tilespmem:$0x0]  }
0x17a: {  	_ =	swait.ge [sflag:s22], $0x2800  }
0x17b: {  	[sflag:s22] =	ssyncset.done $0x0  }
0x17c: {  	s5 =	rddreg [dreg:$0x10];
	[sflag:s22] =	ssyncadd.s32 $0xFFFFD800  }
0x17d: {  	[hbm4b:s5+s15] =	stream.linear.scatter [tilespmem:s13], [sflag:$0x4], $0x2800, $0x38;
	v63 =	vld [tilespmem:$0x0]  }
0x17e: {  	_ =	swait.ge [sflag:s28], $0x2800  }
0x17f: {  	[sflag:s28] =	ssyncset.done $0x0  }
0x180: {  	s7 =	rddreg [dreg:$0x11];
	[sflag:s28] =	ssyncadd.s32 $0xFFFFD800  }
0x181: {  	[hbm4b:s7+s15] =	stream.linear.scatter [tilespmem:s6], [sflag:$0x5], $0x2800, $0x38;
	v63 =	vld [tilespmem:$0x0]  }
0x182: {  	_ =	swait.ge [sflag:s16], $0x2800  }
0x183: {  	[sflag:s16] =	ssyncset.done $0x0  }
0x184: {  	[sflag:s16] =	ssyncadd.s32 $0xFFFFD800  }
0x185: {  	_ =	swait.ge [sflag:s19], $0x2800  }
0x186: {  	[sflag:s19] =	ssyncset.done $0x0  }
0x187: {  	[sflag:s19] =	ssyncadd.s32 $0xFFFFD800  }
0x188: {  	_ =	swait.ge [sflag:s22], $0x2800  }
0x189: {  	[sflag:s22] =	ssyncset.done $0x0  }
0x18a: {  	[sflag:s22] =	ssyncadd.s32 $0xFFFFD800  }
0x18b: {  	_ =	swait.ge [sflag:s28], $0x2800  }
0x18c: {  	s7 =	rddreg [dreg:$0x1a]  }
0x18d: {  	s12 =	rddreg [dreg:$0x5];
	s7 =	sadd.s32 $0x1, s7  }
0x18e: {  	p0 =	sne.s32 s7, s12  }
.Ltmp2:
0x18f: {  	_ = 	snop;
	(pc) =	sbr.rel @p0 .LBB2_1-.Ltmp2, $3  }
0x190: {  	_ =	sdelay $0x1  }
0x191: {  	[sflag:s28] =	ssyncset.done $0x0  }
0x192: {  	s3 =	simm.s32 $0x1000;
	s5 =	simm.s32 $0x1;
	[sflag:s28] =	ssyncadd.s32 $0xFFFFD800  }
0x193: {  	_ =	sfence.sel $0x180000  }
0x194: {  	[bflag:$0x0] =	sbarrier.arrive $0xFFFF  }
0x195: {  	_ =	strace $0x9000004A  }
0x196: {  	s0 =	stileid.u32;
	[bflag:$0x2] =	sbarrier.arrive $0xFFFF  }
0x197: {  	p0 =	sne.s32 s0, $0x0;
	s0 =	rddreg [dreg:$0x2]  }
0x198: {  	s0 =	sadd.s32 @!p0 $0x100000, s0  }
0x199: {  	[sflag:s0] =	ssyncadd.tile.s32 @!p0 $0x1;
	_ =	shalt  }
.Lfunc_end2:
_tile_overlayer_lowered:
.L_overlay_start_2:
0x19a: {  	(tag) =	ssettag $0x2  }
0x19b: {  	s0 =	rddreg [dreg:$0x0];
	s2 =	stileid.u32  }
0x19c: {  	s1 =	rddreg [dreg:$0x1];
	p0 =	sne.s32 s2, $0x0  }
0x19d: {  	s3 =	rddreg [dreg:$0x2];
	[bflag:$0x3] =	sbarrier.arrive $0xFFFF;
	s2 =	simm.s32 @!p0 $0x1C06  }
0x19e: {  	[timem:s3], [sflag:s2] =	dma.local @!p0 [hbm:s0], s1  }
0x19f: {  	s0 =	simm.s32 @!p0 $0x6  }
0x1a0: {  	_ =	swait.ge @!p0 [sflag:s0], s1  }
0x1a1: {  	s1 =	ssub.s32 @!p0 $0x0, s1;
	[sflag:s0] =	ssyncset.done @!p0 $0x0  }
0x1a2: {  	[sflag:s0] =	ssyncadd.s32 @!p0 s1  }
0x1a3: {  	[bflag:$0x3] =	sbarrier.arrive $0xFFFF  }
0x1a4: {  	_ =	shalt  }

// kernel: kernel.14.cloned.1.call-start
scs
__scs_entry_jumppad:
0x0: {  	(pc) =	sbr.rel $0x88, $3  }
0x1: {  	(tag) =	ssettag $0x0;
	lr =	simm.s32 $0x1  }
0x2: {  	[smem:$0x3F9B] =	sst lr;
	_ =	strace $0xD0000000  }
0x3: {  	_ = 	snop  }
0x4: {  	_ = 	snop  }
0x5: {  	_ = 	snop  }
0x6: {  	_ = 	snop  }
0x7: {  	_ = 	snop  }
__scs_overlays_trampoline_lowered:
0x8: {  	[smem:$0x3FAA] =	sst s0  }
0x9: {  	[smem:$0x3FAB] =	sst s1  }
0xa: {  	[smem:$0x3FAC] =	sst s2  }
0xb: {  	[smem:$0x3FAD] =	sst s3  }
0xc: {  	[smem:$0x3FAE] =	sst s4  }
0xd: {  	[smem:$0x3FAF] =	sst s5  }
0xe: {  	[smem:$0x3FB0] =	sst s6  }
0xf: {  	[smem:$0x3FB1] =	sst s7  }
0x10: {  	[smem:$0x3FB2] =	sst s8  }
0x11: {  	[smem:$0x3FB3] =	sst s9;
	s0 =	simm.s32 @!p0 $0x0  }
0x12: {  	s1 =	sld [smem:$0x3F99];
	s0 =	simm.s32 @p0 $0x1  }
0x13: {  	[smem:$0x3FB4] =	sst s0;
	s0 =	simm.s32 @!p1 $0x0  }
0x14: {  	s2 =	sld [smem:$0x3F98];
	s0 =	simm.s32 @p1 $0x1  }
0x15: {  	[smem:$0x3FB5] =	sst s0;
	s0 =	simm.s32 @!p2 $0x0  }
0x16: {  	s3 =	sld [smem:$0x3FDB];
	s0 =	simm.s32 @p2 $0x1  }
0x17: {  	s4 =	simm.s32 $0x1BF5;
	[smem:$0x3FB7] =	sst s0  }
0x18: {  	s0 =	sld [smem:$0x3F9A];
	_ =	swait.ge [sflag:s4], $0x0  }
0x19: {  	s7 =	sld [smem:$0x3F9B]  }
0x1a: {  	s8 =	sadd.s32 $0xFFFFE003, lr  }
0x1b: {  	s9 =	sadd.s32 $0xFFFFFEF7, lr;
	s5 =	simm.s32 $0xFFFFFFFF;
	p2 =	slt.u32 s8, $0xFFFFF086  }
0x1c: {  	p1 =	slt.u32 s9, $0xF7A;
	s5 =	simm.s32 @!p2 $0x0  }
0x1d: {  	s5 =	simm.s32 @p1 $0x1;
	p0 =	seq.s32 s7, s2  }
0x1e: {  	s7 =	smul.u32 @!p0 $0xF7A, s2;
	p2 =	seq.s32 @!p0 s5, $0x0  }
0x1f: {  	s9 =	smul.u32 $0xF7A, s1;
	s8 =	simm.s32 @!p0 $0x1BF5;
	p2 =	por !p2, p0  }
0x20: {  	[sflag:s8] =	ssyncset.s32 @!p0 $0xFFFFF086;
	s6 =	sadd.s32 @!p0 s3, s7;
	s7 =	simm.s32 @!p0 $0x108  }
0x21: {  	s3 =	sadd.s32 s3, s9;
	s6 =	sadd.s32 @!p0 $0x88, s6;
	s7 =	simm.s32 @p2 $0x1082  }
0x22: {  	[simem:s7], [sflag:s8] =	dma.local @!p0 [hbm:s6], $0xF7A  }
0x23: {  	s9 =	sor.u32 $0xD0000000, s2;
	s6 =	simm.s32 $0x108;
	_ =	swait.ge @!p0 [sflag:s8], $0x0  }
0x24: {  	s3 =	sadd.s32 $0x88, s3;
	s6 =	simm.s32 @!p1 $0x1082;
	[sflag:s4] =	ssyncset.s32 $0xFFFFF086  }
0x25: {  	[simem:s6], [sflag:s4] =	dma.local [hbm:s3], $0xF7A  }
0x26: {  	[smem:$0x3F9B] =	sst s1;
	(tag) =	ssettag s2;
	_ =	strace s9  }
0x27: {  	s1 =	sld [smem:$0x3FAB]  }
0x28: {  	s2 =	sld [smem:$0x3FAC]  }
0x29: {  	s4 =	sld [smem:$0x3FAE]  }
0x2a: {  	p0 =	seq.s32 s5, $0x0;
	s5 =	sld [smem:$0x3FAF]  }
0x2b: {  	s6 =	sld [smem:$0x3FB0]  }
0x2c: {  	s7 =	sld [smem:$0x3FB1]  }
0x2d: {  	s3 =	simm.s32 $0x108;
	s8 =	sld [smem:$0x3FB2]  }
0x2e: {  	s3 =	simm.s32 @!p0 $0x1082;
	s9 =	sld [smem:$0x3FB3]  }
0x2f: {  	lr =	sadd.s32 s0, s3;
	s0 =	sld [smem:$0x3FAA]  }
0x30: {  	s3 =	sld [smem:$0x3FAD]  }
0x31: {  	[smem:$0x3FB6] =	sst s10  }
0x32: {  	s10 =	sld [smem:$0x3FB4];
	_ =	sdelay $0x3  }
0x33: {  	p0 =	seq.s32 s10, $0x1;
	s10 =	sld [smem:$0x3FB6];
	_ =	sdelay $0x3  }
0x34: {  	[smem:$0x3FB6] =	sst s10  }
0x35: {  	s10 =	sld [smem:$0x3FB5];
	_ =	sdelay $0x3  }
0x36: {  	p1 =	seq.s32 s10, $0x1;
	s10 =	sld [smem:$0x3FB6];
	_ =	sdelay $0x3  }
0x37: {  	[smem:$0x3FB6] =	sst s10  }
0x38: {  	s10 =	sld [smem:$0x3FB7]  }
0x39: {  	_ = 	snop;
	(pc) =	sbr.ind lr, $3  }
0x3a: {  	_ = 	snop  }
0x3b: {  	_ = 	snop  }
0x3c: {  	p2 =	seq.s32 s10, $0x1;
	s10 =	sld [smem:$0x3FB6]  }
0x3d: {  	_ =	shalt  }
0x3e: {  	_ =	shalt  }
0x3f: {  	_ =	shalt  }
0x40: {  	_ =	shalt  }
0x41: {  	_ =	shalt  }
0x42: {  	_ =	shalt  }
0x43: {  	_ =	shalt  }
0x44: {  	_ =	shalt  }
0x45: {  	_ =	shalt  }
0x46: {  	_ =	shalt  }
0x47: {  	_ =	shalt  }
0x48: {  	_ =	shalt  }
0x49: {  	_ =	shalt  }
0x4a: {  	_ =	shalt  }
0x4b: {  	_ =	shalt  }
0x4c: {  	_ =	shalt  }
0x4d: {  	_ =	shalt  }
0x4e: {  	_ =	shalt  }
0x4f: {  	_ =	shalt  }
0x50: {  	_ =	shalt  }
0x51: {  	_ =	shalt  }
0x52: {  	_ =	shalt  }
0x53: {  	_ =	shalt  }
0x54: {  	_ =	shalt  }
0x55: {  	_ =	shalt  }
0x56: {  	_ =	shalt  }
0x57: {  	_ =	shalt  }
0x58: {  	_ =	shalt  }
0x59: {  	_ =	shalt  }
0x5a: {  	_ =	shalt  }
0x5b: {  	_ =	shalt  }
0x5c: {  	_ =	shalt  }
0x5d: {  	_ =	shalt  }
0x5e: {  	_ =	shalt  }
0x5f: {  	_ =	shalt  }
0x60: {  	_ =	shalt  }
0x61: {  	_ =	shalt  }
0x62: {  	_ =	shalt  }
0x63: {  	_ =	shalt  }
0x64: {  	_ =	shalt  }
0x65: {  	_ =	shalt  }
0x66: {  	_ =	shalt  }
0x67: {  	_ =	shalt  }
0x68: {  	_ =	shalt  }
0x69: {  	_ =	shalt  }
0x6a: {  	_ =	shalt  }
0x6b: {  	_ =	shalt  }
0x6c: {  	_ =	shalt  }
0x6d: {  	_ =	shalt  }
0x6e: {  	_ =	shalt  }
0x6f: {  	_ =	shalt  }
0x70: {  	_ =	shalt  }
0x71: {  	_ =	shalt  }
0x72: {  	_ =	shalt  }
0x73: {  	_ =	shalt  }
0x74: {  	_ =	shalt  }
0x75: {  	_ =	shalt  }
0x76: {  	_ =	shalt  }
0x77: {  	_ =	shalt  }
0x78: {  	_ =	shalt  }
0x79: {  	_ =	shalt  }
0x7a: {  	_ =	shalt  }
0x7b: {  	_ =	shalt  }
0x7c: {  	_ =	shalt  }
0x7d: {  	_ =	shalt  }
0x7e: {  	_ =	shalt  }
0x7f: {  	_ =	shalt  }
0x80: {  	_ =	shalt  }
0x81: {  	_ =	shalt  }
0x82: {  	_ =	shalt  }
0x83: {  	_ =	shalt  }
0x84: {  	_ =	shalt  }
0x85: {  	_ =	shalt  }
0x86: {  	_ =	shalt  }
0x87: {  	_ =	shalt  }
.Lfunc_end0:
.L_simem_size_0:
called_computation.2_lowered:
.L_overlay_start_0:
0x88: {  	s2 =	sld [smem:$0x3FD9]  }
0x89: {  	s3 =	sld [smem:$0x3FFE];
	_ =	sdelay $0x1  }
0x8a: {  	s1 =	srdreg.scid  }
0x8b: {  	s0 =	sand.u32 $0x1, s1  }
0x8c: {  	s16 =	sshll.u32 s0, $0xA;
	s2 =	sadd.s32 s3, s2  }
0x8d: {  	s2 =	sadd.s32 s2, s16  }
0x8e: {  	[smem:$0x3FC2] =	sst s2  }
0x8f: {  	_ = 	snop  }
0x90: {  	(tm) =	ssettm $0x1  }
0x91: {  	s17 =	sld [smem:$0x3FFB];
	_ =	sdelay $0x3  }
0x92: {  	_ =	strace s17  }
0x93: {  	s2 =	sld [smem:$0x3FFC];
	_ =	sdelay $0x3  }
0x94: {  	_ =	strace s2  }
0x95: {  	s2 =	sld [smem:$0x3FFD];
	_ =	sdelay $0x3  }
0x96: {  	_ =	strace s2  }
0x97: {  	_ =	strace $0x8FFFFFFF  }
0x98: {  	s18 =	sld [smem:$0x3FDB];
	_ =	sdelay $0x1  }
0x99: {  	s19 =	simm.s32 $_scs_section_size  }
0x9a: {  	s4 =	simm.s32 $_size__tile_overlayer_lowered;
	s5 =	simm.s32 $_tile_overlayer_lowered  }
0x9b: {  	s22 =	simm.s32 $0x1BFF;
	s21 =	sshll.u32 s5, $0x1;
	s2 =	sadd.s32 s19, s18  }
0x9c: {  	s6 =	simm.s32 $0x0;
	s20 =	sshll.u32 s4, $0x1;
	s4 =	sadd.s32 s21, s2  }
0x9d: {  	[timem:s6], [sflag:s22] =	dma.local [hbm:s4], s20  }
0x9e: {  	_ =	swait.ge [sflag:s22], s20  }
0x9f: {  	s3 =	ssub.s32 $0x0, s20;
	[sflag:s22] =	ssyncset.done $0x0  }
0xa0: {  	[sflag:s22] =	ssyncadd.s32 s3;
	_ =	sdelay $0x1  }
0xa1: {  	s23 =	simm.s32 $0x1B8B  }
0xa2: {  	_ =	swait.ge [sflag:s23], $0x1  }
0xa3: {  	[sflag:s23] =	ssyncset.done $0x0  }
0xa4: {  	s25 =	simm.s32 $0x1B8E;
	s24 =	sld [smem:$0x3FFE];
	[sflag:s23] =	ssyncadd.s32 $0xFFFFFFFF  }
0xa5: {  	s26 =	simm.s32 $execute0_lowered;
	[smem:$0x3FD2] =	sst s25  }
0xa6: {  	s4 =	sshll.u32 s26, $0x1;
	_ =	strace $0x8000004C;
	[dreg:$0x1] =	wrdreg $0xFFFFFFFF  }
0xa7: {  	s28 =	simm.s32 $_size_execute0_lowered;
	s2 =	sadd.s32 s2, s4;
	[dreg:$0x0] =	wrdreg $0x0  }
0xa8: {  	s4 =	sshll.u32 s28, $0x1;
	[dreg:$0x2] =	wrdreg s2  }
0xa9: {  	[dreg:$0x3] =	wrdreg s4  }
0xaa: {  	[dreg:$0x4] =	wrdreg $0xC0  }
0xab: {  	_ =	task [dreg:s6], $0x5FFFF  }
0xac: {  	[dreg:$0x1] =	wrdreg $0xFFFFFFFF  }
0xad: {  	[dreg:$0x0] =	wrdreg $0x60  }
0xae: {  	[dreg:$0x2] =	wrdreg s24  }
0xaf: {  	[dreg:$0x3] =	wrdreg $0xC0000  }
0xb0: {  	[dreg:$0x4] =	wrdreg $0x9  }
0xb1: {  	_ =	task.clear_ibuf [dreg:s6], $0x5FFFF;
	_ =	strace $0x9000004C  }
0xb2: {  	s29 =	simm.s32 $0x9;
	_ =	strace $0x8000004E  }
0xb3: {  	_ =	swait.ge [sflag:s29], $0x1  }
0xb4: {  	[sflag:s29] =	ssyncadd.s32 $0xFFFFFFFF  }
0xb5: {  	_ =	strace $0x9000004E  }
0xb6: {  	_ =	sfence  }
0xb7: {  	s30 =	sld [smem:$0x0];
	_ =	sdelay $0x2  }
0xb8: {  	s31 =	sshll.u32 s1, $0xD;
	s1 =	sshrl.u32 s1, $0x2  }
0xb9: {  	s3 =	sand.u32 $0x4000, s31;
	s1 =	sadd.s32 s1, s30  }
0xba: {  	s0 =	sor.u32 s3, s0;
	s1 =	sshll.u32 s1, $0x11  }
0xbb: {  	s0 =	sor.u32 s1, s0  }
0xbc: {  	s0 =	sadd.s32 $0x8F2B, s0  }
0xbd: {  	[sflag:s0] =	ssyncadd.remote.s32 $0x1  }
0xbe: {  	_ =	sfence.sel $0xFFFF  }
0xbf: {  	[dreg:$0x0] =	wrdreg $0xFFFFFFFF;
	(pc) =	sbr.abs _section_cstart, $3  }
0xc0: {  	[dreg:$0x1] =	wrdreg $0xFFFFFFFF  }
0xc1: {  	_ =	task.clear_ibuf [dreg:s6], $0x2FFFF;
	_ =	strace $0x9FFFFFFF  }
0xc2: {  	(tm) =	ssettm $0x7FFFFFFF  }
0xc3: {  	_ =	shalt  }
tec
execute0_lowered:
.L_overlay_start_1:
0x0: {  	(tag) =	ssettag $0x1  }
0x1: {  	s0 =	rddreg [dreg:$0x0]  }
0x2: {  	s1 =	rddreg [dreg:$0x1];
	s2 =	srdreg.scid;
	s15 =	simm.s32 $0x0  }
0x3: {  	s12 =	stileid.u32;
	s28 =	simm.s32 $0x5;
	s31 =	simm.s32 $0xB00  }
0x4: {  	s29 =	simm.s32 $0x1A00;
	s30 =	simm.s32 $0x1B80;
	s2 =	sand.u32 $0x1, s2  }
0x5: {  	[smem:$0x7FF] =	sst s15;
	s4 =	sadd.s32 $0x2AA00, s0;
	s7 =	smul.u32 $0x50000, s12  }
0x6: {  	s18 =	sadd.s32 $0x2A00, s0;
	s0 =	sadd.s32 $0x52A00, s0;
	s9 =	smul.u32 $0x14000, s12  }
0x7: {  	s3 =	sshll.u32 s2, $0x4;
	_ =	strace $0x8000004D;
	s6 =	ssub.s32 $0x2, s2  }
0x8: {  	s3 =	sor.u32 s12, s3;
	s8 =	sshrl.u32 s6, $0x1;
	s24 =	sshrl.u32 s7, $0x2  }
0x9: {  	s7 =	smul.u32 $0x140000, s2;
	s25 =	sor.u32 $0x2800, s9;
	s5 =	sadd.s32 $0x5000, s9  }
0xa: {  	s17 =	sadd.s32 $0x7800, s9;
	s19 =	sadd.s32 $0xA000, s9;
	s2 =	smul.u32 $0x50000, s2  }
0xb: {  	s23 =	sadd.s32 $0xC800, s9;
	s3 =	smul.u32 $0x5000, s3;
	s6 =	ssub.s32 s6, s8  }
0xc: {  	s14 =	sadd.s32 s24, s1;
	s26 =	sadd.s32 s25, s1;
	s16 =	sadd.s32 s5, s1  }
0xd: {  	s11 =	sadd.s32 s17, s1;
	s24 =	sadd.s32 $0xF000, s9;
	[dreg:$0x6] =	wrdreg s26  }
0xe: {  	s6 =	smax.u32 s6, $0x1;
	[dreg:$0x7] =	wrdreg s16;
	s10 =	sadd.s32 s7, s9  }
0xf: {  	[dreg:$0x8] =	wrdreg s11;
	s16 =	sadd.s32 s19, s1;
	s8 =	sadd.s32 s7, s17  }
0x10: {  	s26 =	sadd.s32 s7, s23;
	s9 =	sadd.s32 $0x11800, s9;
	[dreg:$0x4] =	wrdreg s14  }
0x11: {  	s11 =	simm.s32 $0xA80;
	s3 =	sshrl.u32 s3, $0x3;
	[dreg:$0x5] =	wrdreg s6  }
0x12: {  	s10 =	sshrl.u32 s10, $0x3;
	[dreg:$0x9] =	wrdreg s16;
	s6 =	sadd.s32 s7, s5  }
0x13: {  	s21 =	sshrl.u32 s8, $0x3;
	s5 =	smul.u32 $0x5000, s12;
	s12 =	sshrl.u32 s26, $0x3  }
0x14: {  	s16 =	sadd.s32 s7, s24;
	s26 =	sadd.s32 $0x11800, s14;
	s13 =	sadd.s32 s18, s3  }
0x15: {  	s10 =	sadd.s32 s0, s10;
	s3 =	sadd.s32 s7, s25;
	s20 =	sshrl.u32 s6, $0x3  }
0x16: {  	s22 =	sadd.s32 s0, s21;
	s25 =	sadd.s32 s7, s19;
	s7 =	sadd.s32 s7, s9  }
0x17: {  	s17 =	sshrl.u32 s16, $0x3;
	s21 =	sadd.s32 s9, s1;
	[dreg:$0x19] =	wrdreg s26  }
0x18: {  	s6 =	simm.s32 $0x9800;
	s16 =	simm.s32 $0x2;
	[dreg:$0xa] =	wrdreg s10  }
0x19: {  	s26 =	simm.s32 $0x1B00;
	s3 =	sshrl.u32 s3, $0x3;
	[dreg:$0xd] =	wrdreg s22  }
0x1a: {  	s8 =	sshrl.u32 s25, $0x3;
	s2 =	sadd.s32 s5, s2;
	[dreg:$0x14] =	wrdreg s21  }
0x1b: {  	s7 =	sshrl.u32 s7, $0x3;
	[dreg:$0x3] =	wrdreg s13;
	s25 =	sadd.s32 $0xF000, s14  }
0x1c: {  	s5 =	simm.s32 $0x1;
	s21 =	simm.s32 $0x1880;
	s10 =	simm.s32 $0x1C00  }
0x1d: {  	s3 =	sadd.s32 s0, s3;
	s8 =	sadd.s32 s0, s8;
	[dreg:$0x18] =	wrdreg s25  }
0x1e: {  	s19 =	sadd.s32 $0xA1000, s2;
	s22 =	sadd.s32 $0x1000, s2;
	[dreg:$0xb] =	wrdreg s3  }
0x1f: {  	s2 =	simm.s32 $0x50;
	s25 =	simm.s32 $0xB80;
	[dreg:$0xe] =	wrdreg s8  }
0x20: {  	s3 =	sadd.s32 s0, s20;
	s8 =	sadd.s32 s0, s12;
	[dreg:$0x15] =	wrdreg s22  }
0x21: {  	s20 =	sadd.s32 s24, s1;
	s24 =	sadd.s32 $0xC800, s14;
	[dreg:$0xc] =	wrdreg s3  }
0x22: {  	s14 =	simm.s32 $0x2000;
	s22 =	simm.s32 $0x4;
	[dreg:$0xf] =	wrdreg s8  }
0x23: {  	s8 =	sadd.s32 s0, s17;
	s0 =	sadd.s32 s0, s7;
	[dreg:$0x13] =	wrdreg s20  }
0x24: {  	s3 =	sadd.s32 s23, s1;
	s23 =	sadd.s32 $0x14000, s13;
	[dreg:$0x17] =	wrdreg s24  }
0x25: {  	s13 =	simm.s32 $0x7000;
	s17 =	simm.s32 $0x7;
	[dreg:$0x10] =	wrdreg s8  }
0x26: {  	s7 =	simm.s32 $0x0;
	s24 =	simm.s32 $0xC00;
	[dreg:$0x11] =	wrdreg s0  }
0x27: {  	s20 =	simm.s32 $0x1A80;
	[dreg:$0x12] =	wrdreg s3;
	s0 =	sshrl.u32 s19, $0x3  }
0x28: {  	[dreg:$0x16] =	wrdreg s23;
	s3 =	simm.s32 $0x1000;
	s8 =	simm.s32 $0x4800  }
0x29: {  	v0 =	vimm.f32 $0.0e+00;
	s19 =	simm.s32 $0x3;
	s23 =	simm.s32 $0x1980;
	s9 =	sadd.s32 s0, s18  }
.LBB2_1:
0x2a: {  	[dreg:$0x1a] =	wrdreg s7  }
0x2b: {  	s0 =	rddreg [dreg:$0x3]  }
0x2c: {  	[tilespmem:s15], [sflag:$0x1] =	stream.linear.gather [hbm4b:s0+s15], $0xC80, $0x38;
	v63 =	vld [tilespmem:$0x0]  }
0x2d: {  	s12 =	rddreg [dreg:$0x16]  }
0x2e: {  	[tilespmem:s3], [sflag:$0x1] =	stream.linear.gather [hbm4b:s12+s15], $0xC80, $0x38;
	v63 =	vld [tilespmem:$0x0]  }
0x2f: {  	_ =	swait.ge [sflag:s5], $0xC80  }
0x30: {  	[sflag:s5] =	ssyncset.done $0x0  }
0x31: {  	s7 =	simm.s32 $0x80;
	[sflag:s5] =	ssyncadd.s32 $0xFFFFF380  }
0x32: {  	[tilespmem:s8], [sflag:$0x3] =	stream.indirect.gather [hbm4b:s4+s2], $0x80, s7, s2, $0xb8;
	v63 =	vld [tilespmem:$0x0]  }
0x33: {  	s12 =	simm.s32 $0x100  }
0x34: {  	[tilespmem:s13], [sflag:$0x4] =	stream.indirect.gather [hbm4b:s4+s2], $0x80, s12, s2, $0xb8;
	v63 =	vld [tilespmem:$0x0]  }
0x35: {  	s15 =	simm.s32 $0x180;
	s7 =	simm.s32 $0x70;
	s12 =	simm.s32 $0x3C0  }
0x36: {  	[tilespmem:s6], [sflag:$0x5] =	stream.indirect.gather [hbm4b:s4+s2], $0x80, s15, s2, $0xb8;
	v63 =	vld [tilespmem:$0x0]  }
.LBB2_2:
0x37: {  	p0 =	seq.s32 s12, $0x9FC0;
	[tilespmem:s7+$0x2000] =	vst v0  }
0x38: {  	[tilespmem:s7+$0x1F90] =	vst v0  }
0x39: {  	[tilespmem:s7+$0x1FA0] =	vst v0  }
.Ltmp0:
0x3a: {  	[tilespmem:s7+$0x1FB0] =	vst v0;
	(pc) =	sbr.rel @!p0 .LBB2_2-.Ltmp0, $4  }
0x3b: {  	[tilespmem:s7+$0x1FC0] =	vst v0  }
0x3c: {  	[tilespmem:s7+$0x1FD0] =	vst v0  }
0x3d: {  	[tilespmem:s7+$0x1FE0] =	vst v0  }
0x3e: {  	[tilespmem:s7+$0x1FF0] =	vst v0;
	s7 =	sshra.s32 s12, $0x2;
	s12 =	sadd.s32 $0x200, s12  }
0x3f: {  	[tilespmem:s7+$0x2000] =	vst v0  }
0x40: {  	[tilespmem:s7+$0x1F90] =	vst v0  }
0x41: {  	[tilespmem:s7+$0x1FA0] =	vst v0  }
0x42: {  	[tilespmem:s7+$0x1FB0] =	vst v0  }
0x43: {  	[tilespmem:s7+$0x1FC0] =	vst v0  }
0x44: {  	[tilespmem:s7+$0x1FD0] =	vst v0  }
0x45: {  	[tilespmem:s7+$0x1FE0] =	vst v0  }
0x46: {  	[tilespmem:s7+$0x1FF0] =	vst v0;
	s0 =	rddreg [dreg:$0x4];
	s3 =	simm.s32 $0x6  }
0x47: {  	[spmem:s0] =	stream.linear.scatter [tilespmem:s14], [sflag:$0x6], $0x2800, $0x38;
	v63 =	vld [tilespmem:$0x0]  }
0x48: {  	_ =	swait.ge [sflag:s3], $0x2800  }
0x49: {  	[sflag:s3] =	ssyncset.done $0x0  }
0x4a: {  	s15 =	rddreg [dreg:$0x6];
	[sflag:s3] =	ssyncadd.s32 $0xFFFFD800  }
0x4b: {  	[spmem:s15] =	stream.linear.scatter [tilespmem:s14], [sflag:$0x6], $0x2800, $0x38;
	v63 =	vld [tilespmem:$0x0]  }
0x4c: {  	_ =	swait.ge [sflag:s3], $0x2800  }
0x4d: {  	[sflag:s3] =	ssyncset.done $0x0  }
0x4e: {  	s7 =	rddreg [dreg:$0x7];
	[sflag:s3] =	ssyncadd.s32 $0xFFFFD800  }
0x4f: {  	[spmem:s7] =	stream.linear.scatter [tilespmem:s14], [sflag:$0x6], $0x2800, $0x38;
	v63 =	vld [tilespmem:$0x0]  }
0x50: {  	_ =	swait.ge [sflag:s3], $0x2800  }
0x51: {  	[sflag:s3] =	ssyncset.done $0x0  }
0x52: {  	s12 =	rddreg [dreg:$0x8];
	[sflag:s3] =	ssyncadd.s32 $0xFFFFD800  }
0x53: {  	[spmem:s12] =	stream.linear.scatter [tilespmem:s14], [sflag:$0x6], $0x2800, $0x38;
	v63 =	vld [tilespmem:$0x0]  }
0x54: {  	_ =	swait.ge [sflag:s3], $0x2800  }
0x55: {  	[sflag:s3] =	ssyncset.done $0x0  }
0x56: {  	s15 =	rddreg [dreg:$0x9];
	[sflag:s3] =	ssyncadd.s32 $0xFFFFD800  }
0x57: {  	[spmem:s15] =	stream.linear.scatter [tilespmem:s14], [sflag:$0x6], $0x2800, $0x38;
	v63 =	vld [tilespmem:$0x0]  }
0x58: {  	_ =	swait.ge [sflag:s3], $0x2800  }
0x59: {  	[sflag:s3] =	ssyncset.done $0x0  }
0x5a: {  	s7 =	rddreg [dreg:$0x17];
	[sflag:s3] =	ssyncadd.s32 $0xFFFFD800  }
0x5b: {  	[spmem:s7] =	stream.linear.scatter [tilespmem:s14], [sflag:$0x6], $0x2800, $0x38;
	v63 =	vld [tilespmem:$0x0]  }
0x5c: {  	_ =	swait.ge [sflag:s3], $0x2800  }
0x5d: {  	[sflag:s3] =	ssyncset.done $0x0  }
0x5e: {  	s12 =	rddreg [dreg:$0x18];
	[sflag:s3] =	ssyncadd.s32 $0xFFFFD800  }
0x5f: {  	[spmem:s12] =	stream.linear.scatter [tilespmem:s14], [sflag:$0x6], $0x2800, $0x38;
	v63 =	vld [tilespmem:$0x0]  }
0x60: {  	_ =	swait.ge [sflag:s3], $0x2800  }
0x61: {  	[sflag:s3] =	ssyncset.done $0x0  }
0x62: {  	s15 =	rddreg [dreg:$0x19];
	[sflag:s3] =	ssyncadd.s32 $0xFFFFD800  }
0x63: {  	[spmem:s15] =	stream.linear.scatter [tilespmem:s14], [sflag:$0x6], $0x2800, $0x38;
	v63 =	vld [tilespmem:$0x0]  }
0x64: {  	_ =	swait.ge [sflag:s3], $0x2800  }
0x65: {  	[sflag:s3] =	ssyncset.done $0x0  }
0x66: {  	s12 =	simm.s32 $0x0;
	[sflag:s3] =	ssyncadd.s32 $0xFFFFD800  }
0x67: {  	[tilespmem:s14], [sflag:$0x2] =	stream.indirect.gather [hbm4b:s4+s2], $0x80, s12, s2, $0xb8;
	v63 =	vld [tilespmem:$0x0]  }
0x68: {  	[bflag:$0x0] =	sbarrier.arrive $0xFFFF  }
0x69: {  	_ =	swait.ge [sflag:s5], $0xC80  }
0x6a: {  	[sflag:s5] =	ssyncset.done $0x0  }
0x6b: {  	s7 =	rddreg [dreg:$0x15];
	[sflag:s5] =	ssyncadd.s32 $0xFFFFF380;
	s5 =	simm.s32 $0x1900  }
.LBB2_4:
0x6c: {  	p0 =	seq.s32 s12, $0x0  }
0x6d: {  	s0 =	simm.s32 @!p0 $0x50;
	s3 =	simm.s32 @!p0 $0x0;
	s15 =	simm.s32 @!p0 $0x2000  }
0x6e: {  	[tilespmem:s15], [sflag:$0x2] =	stream.indirect.gather @!p0 [hbm4b:s4+s0], $0x80, s3, s0, $0xb8;
	v63 =	vld [tilespmem:$0x0]  }
0x6f: {  	s3 =	simm.s32 @!p0 $0x80;
	s15 =	simm.s32 @!p0 $0x4800  }
0x70: {  	[tilespmem:s15], [sflag:$0x3] =	stream.indirect.gather @!p0 [hbm4b:s4+s0], $0x80, s3, s0, $0xb8;
	v63 =	vld [tilespmem:$0x0]  }
0x71: {  	s3 =	simm.s32 @!p0 $0x100;
	s15 =	simm.s32 @!p0 $0x7000  }
0x72: {  	[tilespmem:s15], [sflag:$0x4] =	stream.indirect.gather @!p0 [hbm4b:s4+s0], $0x80, s3, s0, $0xb8;
	v63 =	vld [tilespmem:$0x0]  }
0x73: {  	s3 =	simm.s32 @!p0 $0x180;
	s15 =	simm.s32 @!p0 $0x9800  }
0x74: {  	[tilespmem:s15], [sflag:$0x5] =	stream.indirect.gather @!p0 [hbm4b:s4+s0], $0x80, s3, s0, $0xb8;
	v63 =	vld [tilespmem:$0x0]  }
0x75: {  	_ =	swait.ge [sflag:s16], $0x2800  }
0x76: {  	[sflag:s16] =	ssyncset.done $0x0  }
0x77: {  	s3 =	simm.s32 $0x1000;
	[sflag:s16] =	ssyncadd.s32 $0xFFFFD800  }
0x78: {  	[spmem:s1] =	stream.indirect.scatter.add.f32 [tilespmem:s14], [sflag:$0x7], $0x80, s3, s2, $0xb8;
	v63 =	vld [tilespmem:$0x0]  }
0x79: {  	_ =	swait.ge [sflag:s17], $0x2800  }
0x7a: {  	[sflag:s17] =	ssyncset.done $0x0  }
0x7b: {  	s15 =	simm.s32 $0x200;
	[sflag:s17] =	ssyncadd.s32 $0xFFFFD800  }
0x7c: {  	[tilespmem:s14], [sflag:$0x2] =	stream.indirect.gather [hbm4b:s4+s2], $0x80, s15, s2, $0xb8;
	v63 =	vld [tilespmem:$0x0]  }
0x7d: {  	_ =	swait.ge [sflag:s19], $0x2800  }
0x7e: {  	[sflag:s19] =	ssyncset.done $0x0  }
0x7f: {  	s3 =	simm.s32 $0x1080;
	[sflag:s19] =	ssyncadd.s32 $0xFFFFD800  }
0x80: {  	[spmem:s1] =	stream.indirect.scatter.add.f32 [tilespmem:s8], [sflag:$0x7], $0x80, s3, s2, $0xb8;
	v63 =	vld [tilespmem:$0x0]  }
0x81: {  	_ =	swait.ge [sflag:s17], $0x2800  }
0x82: {  	[sflag:s17] =	ssyncset.done $0x0  }
0x83: {  	s15 =	simm.s32 $0x280;
	[sflag:s17] =	ssyncadd.s32 $0xFFFFD800  }
0x84: {  	[tilespmem:s8], [sflag:$0x3] =	stream.indirect.gather [hbm4b:s4+s2], $0x80, s15, s2, $0xb8;
	v63 =	vld [tilespmem:$0x0]  }
0x85: {  	_ =	swait.ge [sflag:s22], $0x2800  }
0x86: {  	[sflag:s22] =	ssyncset.done $0x0  }
0x87: {  	s3 =	simm.s32 $0x1100;
	[sflag:s22] =	ssyncadd.s32 $0xFFFFD800  }
0x88: {  	[spmem:s1] =	stream.indirect.scatter.add.f32 [tilespmem:s13], [sflag:$0x7], $0x80, s3, s2, $0xb8;
	v63 =	vld [tilespmem:$0x0]  }
0x89: {  	_ =	swait.ge [sflag:s17], $0x2800  }
0x8a: {  	[sflag:s17] =	ssyncset.done $0x0  }
0x8b: {  	s15 =	simm.s32 $0x300;
	[sflag:s17] =	ssyncadd.s32 $0xFFFFD800  }
0x8c: {  	[tilespmem:s13], [sflag:$0x4] =	stream.indirect.gather [hbm4b:s4+s2], $0x80, s15, s2, $0xb8;
	v63 =	vld [tilespmem:$0x0]  }
0x8d: {  	_ =	swait.ge [sflag:s28], $0x2800  }
0x8e: {  	[sflag:s28] =	ssyncset.done $0x0  }
0x8f: {  	s3 =	simm.s32 $0x1180;
	[sflag:s28] =	ssyncadd.s32 $0xFFFFD800  }
0x90: {  	[spmem:s1] =	stream.indirect.scatter.add.f32 [tilespmem:s6], [sflag:$0x7], $0x80, s3, s2, $0xb8;
	v63 =	vld [tilespmem:$0x0]  }
0x91: {  	_ =	swait.ge [sflag:s17], $0x2800  }
0x92: {  	[sflag:s17] =	ssyncset.done $0x0  }
0x93: {  	s15 =	simm.s32 $0x380;
	[sflag:s17] =	ssyncadd.s32 $0xFFFFD800  }
0x94: {  	[tilespmem:s6], [sflag:$0x5] =	stream.indirect.gather [hbm4b:s4+s2], $0x80, s15, s2, $0xb8;
	v63 =	vld [tilespmem:$0x0]  }
0x95: {  	_ =	swait.ge [sflag:s16], $0x2800  }
0x96: {  	[sflag:s16] =	ssyncset.done $0x0  }
0x97: {  	s3 =	simm.s32 $0x1200;
	[sflag:s16] =	ssyncadd.s32 $0xFFFFD800  }
0x98: {  	[spmem:s1] =	stream.indirect.scatter.add.f32 [tilespmem:s14], [sflag:$0x7], $0x80, s3, s2, $0xb8;
	v63 =	vld [tilespmem:$0x0]  }
0x99: {  	_ =	swait.ge [sflag:s17], $0x2800  }
0x9a: {  	[sflag:s17] =	ssyncset.done $0x0  }
0x9b: {  	s15 =	simm.s32 $0x400;
	[sflag:s17] =	ssyncadd.s32 $0xFFFFD800  }
0x9c: {  	[tilespmem:s14], [sflag:$0x2] =	stream.indirect.gather [hbm4b:s4+s2], $0x80, s15, s2, $0xb8;
	v63 =	vld [tilespmem:$0x0]  }
0x9d: {  	_ =	swait.ge [sflag:s19], $0x2800  }
0x9e: {  	[sflag:s19] =	ssyncset.done $0x0  }
0x9f: {  	s3 =	simm.s32 $0x1280;
	[sflag:s19] =	ssyncadd.s32 $0xFFFFD800  }
0xa0: {  	[spmem:s1] =	stream.indirect.scatter.add.f32 [tilespmem:s8], [sflag:$0x7], $0x80, s3, s2, $0xb8;
	v63 =	vld [tilespmem:$0x0]  }
0xa1: {  	_ =	swait.ge [sflag:s17], $0x2800  }
0xa2: {  	[sflag:s17] =	ssyncset.done $0x0  }
0xa3: {  	s15 =	simm.s32 $0x480;
	[sflag:s17] =	ssyncadd.s32 $0xFFFFD800  }
0xa4: {  	[tilespmem:s8], [sflag:$0x3] =	stream.indirect.gather [hbm4b:s4+s2], $0x80, s15, s2, $0xb8;
	v63 =	vld [tilespmem:$0x0]  }
0xa5: {  	_ =	swait.ge [sflag:s22], $0x2800  }
0xa6: {  	[sflag:s22] =	ssyncset.done $0x0  }
0xa7: {  	s3 =	simm.s32 $0x1300;
	[sflag:s22] =	ssyncadd.s32 $0xFFFFD800  }
0xa8: {  	[spmem:s1] =	stream.indirect.scatter.add.f32 [tilespmem:s13], [sflag:$0x7], $0x80, s3, s2, $0xb8;
	v63 =	vld [tilespmem:$0x0]  }
0xa9: {  	_ =	swait.ge [sflag:s17], $0x2800  }
0xaa: {  	[sflag:s17] =	ssyncset.done $0x0  }
0xab: {  	s15 =	simm.s32 $0x500;
	[sflag:s17] =	ssyncadd.s32 $0xFFFFD800  }
0xac: {  	[tilespmem:s13], [sflag:$0x4] =	stream.indirect.gather [hbm4b:s4+s2], $0x80, s15, s2, $0xb8;
	v63 =	vld [tilespmem:$0x0]  }
0xad: {  	_ =	swait.ge [sflag:s28], $0x2800  }
0xae: {  	[sflag:s28] =	ssyncset.done $0x0  }
0xaf: {  	s3 =	simm.s32 $0x1380;
	[sflag:s28] =	ssyncadd.s32 $0xFFFFD800  }
0xb0: {  	[spmem:s1] =	stream.indirect.scatter.add.f32 [tilespmem:s6], [sflag:$0x7], $0x80, s3, s2, $0xb8;
	v63 =	vld [tilespmem:$0x0]  }
0xb1: {  	_ =	swait.ge [sflag:s17], $0x2800  }
0xb2: {  	[sflag:s17] =	ssyncset.done $0x0  }
0xb3: {  	s15 =	simm.s32 $0x580;
	[sflag:s17] =	ssyncadd.s32 $0xFFFFD800  }
0xb4: {  	[tilespmem:s6], [sflag:$0x5] =	stream.indirect.gather [hbm4b:s4+s2], $0x80, s15, s2, $0xb8;
	v63 =	vld [tilespmem:$0x0]  }
0xb5: {  	_ =	swait.ge [sflag:s16], $0x2800  }
0xb6: {  	[sflag:s16] =	ssyncset.done $0x0  }
0xb7: {  	s3 =	simm.s32 $0x1400;
	[sflag:s16] =	ssyncadd.s32 $0xFFFFD800  }
0xb8: {  	[spmem:s1] =	stream.indirect.scatter.add.f32 [tilespmem:s14], [sflag:$0x7], $0x80, s3, s2, $0xb8;
	v63 =	vld [tilespmem:$0x0]  }
0xb9: {  	_ =	swait.ge [sflag:s17], $0x2800  }
0xba: {  	[sflag:s17] =	ssyncset.done $0x0  }
0xbb: {  	s15 =	simm.s32 $0x600;
	[sflag:s17] =	ssyncadd.s32 $0xFFFFD800  }
0xbc: {  	[tilespmem:s14], [sflag:$0x2] =	stream.indirect.gather [hbm4b:s4+s2], $0x80, s15, s2, $0xb8;
	v63 =	vld [tilespmem:$0x0]  }
0xbd: {  	_ =	swait.ge [sflag:s19], $0x2800  }
0xbe: {  	[sflag:s19] =	ssyncset.done $0x0  }
0xbf: {  	s3 =	simm.s32 $0x1480;
	[sflag:s19] =	ssyncadd.s32 $0xFFFFD800  }
0xc0: {  	[spmem:s1] =	stream.indirect.scatter.add.f32 [tilespmem:s8], [sflag:$0x7], $0x80, s3, s2, $0xb8;
	v63 =	vld [tilespmem:$0x0]  }
0xc1: {  	_ =	swait.ge [sflag:s17], $0x2800  }
0xc2: {  	[sflag:s17] =	ssyncset.done $0x0  }
0xc3: {  	s15 =	simm.s32 $0x680;
	[sflag:s17] =	ssyncadd.s32 $0xFFFFD800  }
0xc4: {  	[tilespmem:s8], [sflag:$0x3] =	stream.indirect.gather [hbm4b:s4+s2], $0x80, s15, s2, $0xb8;
	v63 =	vld [tilespmem:$0x0]  }
0xc5: {  	_ =	swait.ge [sflag:s22], $0x2800  }
0xc6: {  	[sflag:s22] =	ssyncset.done $0x0  }
0xc7: {  	s3 =	simm.s32 $0x1500;
	[sflag:s22] =	ssyncadd.s32 $0xFFFFD800  }
0xc8: {  	[spmem:s1] =	stream.indirect.scatter.add.f32 [tilespmem:s13], [sflag:$0x7], $0x80, s3, s2, $0xb8;
	v63 =	vld [tilespmem:$0x0]  }
0xc9: {  	_ =	swait.ge [sflag:s17], $0x2800  }
0xca: {  	[sflag:s17] =	ssyncset.done $0x0  }
0xcb: {  	s15 =	simm.s32 $0x700;
	[sflag:s17] =	ssyncadd.s32 $0xFFFFD800  }
0xcc: {  	[tilespmem:s13], [sflag:$0x4] =	stream.indirect.gather [hbm4b:s4+s2], $0x80, s15, s2, $0xb8;
	v63 =	vld [tilespmem:$0x0]  }
0xcd: {  	_ =	swait.ge [sflag:s28], $0x2800  }
0xce: {  	[sflag:s28] =	ssyncset.done $0x0  }
0xcf: {  	s3 =	simm.s32 $0x1580;
	[sflag:s28] =	ssyncadd.s32 $0xFFFFD800  }
0xd0: {  	[spmem:s1] =	stream.indirect.scatter.add.f32 [tilespmem:s6], [sflag:$0x7], $0x80, s3, s2, $0xb8;
	v63 =	vld [tilespmem:$0x0]  }
0xd1: {  	_ =	swait.ge [sflag:s17], $0x2800  }
0xd2: {  	[sflag:s17] =	ssyncset.done $0x0  }
0xd3: {  	s15 =	simm.s32 $0x780;
	[sflag:s17] =	ssyncadd.s32 $0xFFFFD800  }
0xd4: {  	[tilespmem:s6], [sflag:$0x5] =	stream.indirect.gather [hbm4b:s4+s2], $0x80, s15, s2, $0xb8;
	v63 =	vld [tilespmem:$0x0]  }
0xd5: {  	_ =	swait.ge [sflag:s16], $0x2800  }
0xd6: {  	[sflag:s16] =	ssyncset.done $0x0  }
0xd7: {  	s3 =	simm.s32 $0x1600;
	[sflag:s16] =	ssyncadd.s32 $0xFFFFD800  }
0xd8: {  	[spmem:s1] =	stream.indirect.scatter.add.f32 [tilespmem:s14], [sflag:$0x7], $0x80, s3, s2, $0xb8;
	v63 =	vld [tilespmem:$0x0]  }
0xd9: {  	_ =	swait.ge [sflag:s17], $0x2800  }
0xda: {  	[sflag:s17] =	ssyncset.done $0x0  }
0xdb: {  	s15 =	simm.s32 $0x800;
	[sflag:s17] =	ssyncadd.s32 $0xFFFFD800  }
0xdc: {  	[tilespmem:s14], [sflag:$0x2] =	stream.indirect.gather [hbm4b:s4+s2], $0x80, s15, s2, $0xb8;
	v63 =	vld [tilespmem:$0x0]  }
0xdd: {  	_ =	swait.ge [sflag:s19], $0x2800  }
0xde: {  	[sflag:s19] =	ssyncset.done $0x0  }
0xdf: {  	s3 =	simm.s32 $0x1680;
	[sflag:s19] =	ssyncadd.s32 $0xFFFFD800  }
0xe0: {  	[spmem:s1] =	stream.indirect.scatter.add.f32 [tilespmem:s8], [sflag:$0x7], $0x80, s3, s2, $0xb8;
	v63 =	vld [tilespmem:$0x0]  }
0xe1: {  	_ =	swait.ge [sflag:s17], $0x2800  }
0xe2: {  	[sflag:s17] =	ssyncset.done $0x0  }
0xe3: {  	s15 =	simm.s32 $0x880;
	[sflag:s17] =	ssyncadd.s32 $0xFFFFD800  }
0xe4: {  	[tilespmem:s8], [sflag:$0x3] =	stream.indirect.gather [hbm4b:s4+s2], $0x80, s15, s2, $0xb8;
	v63 =	vld [tilespmem:$0x0]  }
0xe5: {  	_ =	swait.ge [sflag:s22], $0x2800  }
0xe6: {  	[sflag:s22] =	ssyncset.done $0x0  }
0xe7: {  	s3 =	simm.s32 $0x1700;
	[sflag:s22] =	ssyncadd.s32 $0xFFFFD800  }
0xe8: {  	[spmem:s1] =	stream.indirect.scatter.add.f32 [tilespmem:s13], [sflag:$0x7], $0x80, s3, s2, $0xb8;
	v63 =	vld [tilespmem:$0x0]  }
0xe9: {  	_ =	swait.ge [sflag:s17], $0x2800  }
0xea: {  	[sflag:s17] =	ssyncset.done $0x0  }
0xeb: {  	s15 =	simm.s32 $0x900;
	[sflag:s17] =	ssyncadd.s32 $0xFFFFD800  }
0xec: {  	[tilespmem:s13], [sflag:$0x4] =	stream.indirect.gather [hbm4b:s4+s2], $0x80, s15, s2, $0xb8;
	v63 =	vld [tilespmem:$0x0]  }
0xed: {  	_ =	swait.ge [sflag:s28], $0x2800  }
0xee: {  	[sflag:s28] =	ssyncset.done $0x0  }
0xef: {  	s3 =	simm.s32 $0x1780;
	[sflag:s28] =	ssyncadd.s32 $0xFFFFD800  }
0xf0: {  	[spmem:s1] =	stream.indirect.scatter.add.f32 [tilespmem:s6], [sflag:$0x7], $0x80, s3, s2, $0xb8;
	v63 =	vld [tilespmem:$0x0]  }
0xf1: {  	_ =	swait.ge [sflag:s17], $0x2800  }
0xf2: {  	[sflag:s17] =	ssyncset.done $0x0  }
0xf3: {  	s15 =	simm.s32 $0x980;
	[sflag:s17] =	ssyncadd.s32 $0xFFFFD800  }
0xf4: {  	[tilespmem:s6], [sflag:$0x5] =	stream.indirect.gather [hbm4b:s4+s2], $0x80, s15, s2, $0xb8;
	v63 =	vld [tilespmem:$0x0]  }
0xf5: {  	_ =	swait.ge [sflag:s16], $0x2800  }
0xf6: {  	[sflag:s16] =	ssyncset.done $0x0  }
0xf7: {  	s3 =	simm.s32 $0x1800;
	[sflag:s16] =	ssyncadd.s32 $0xFFFFD800  }
0xf8: {  	[spmem:s1] =	stream.indirect.scatter.add.f32 [tilespmem:s14], [sflag:$0x7], $0x80, s3, s2, $0xb8;
	v63 =	vld [tilespmem:$0x0]  }
0xf9: {  	_ =	swait.ge [sflag:s17], $0x2800  }
0xfa: {  	[sflag:s17] =	ssyncset.done $0x0  }
0xfb: {  	s15 =	simm.s32 $0xA00;
	[sflag:s17] =	ssyncadd.s32 $0xFFFFD800  }
0xfc: {  	[tilespmem:s14], [sflag:$0x2] =	stream.indirect.gather [hbm4b:s4+s2], $0x80, s15, s2, $0xb8;
	v63 =	vld [tilespmem:$0x0]  }
0xfd: {  	_ =	swait.ge [sflag:s19], $0x2800  }
0xfe: {  	[sflag:s19] =	ssyncset.done $0x0  }
0xff: {  	[sflag:s19] =	ssyncadd.s32 $0xFFFFD800  }
0x100: {  	[spmem:s1] =	stream.indirect.scatter.add.f32 [tilespmem:s8], [sflag:$0x7], $0x80, s21, s2, $0xb8;
	v63 =	vld [tilespmem:$0x0]  }
0x101: {  	_ =	swait.ge [sflag:s17], $0x2800  }
0x102: {  	[sflag:s17] =	ssyncset.done $0x0  }
0x103: {  	[sflag:s17] =	ssyncadd.s32 $0xFFFFD800  }
0x104: {  	[tilespmem:s8], [sflag:$0x3] =	stream.indirect.gather [hbm4b:s4+s2], $0x80, s11, s2, $0xb8;
	v63 =	vld [tilespmem:$0x0]  }
0x105: {  	_ =	swait.ge [sflag:s22], $0x2800  }
0x106: {  	[sflag:s22] =	ssyncset.done $0x0  }
0x107: {  	[sflag:s22] =	ssyncadd.s32 $0xFFFFD800  }
0x108: {  	[spmem:s1] =	stream.indirect.scatter.add.f32 [tilespmem:s13], [sflag:$0x7], $0x80, s5, s2, $0xb8;
	v63 =	vld [tilespmem:$0x0]  }
0x109: {  	_ =	swait.ge [sflag:s17], $0x2800  }
0x10a: {  	[sflag:s17] =	ssyncset.done $0x0  }
0x10b: {  	[sflag:s17] =	ssyncadd.s32 $0xFFFFD800  }
0x10c: {  	[tilespmem:s13], [sflag:$0x4] =	stream.indirect.gather [hbm4b:s4+s2], $0x80, s31, s2, $0xb8;
	v63 =	vld [tilespmem:$0x0]  }
0x10d: {  	_ =	swait.ge [sflag:s28], $0x2800  }
0x10e: {  	[sflag:s28] =	ssyncset.done $0x0  }
0x10f: {  	[sflag:s28] =	ssyncadd.s32 $0xFFFFD800  }
0x110: {  	[spmem:s1] =	stream.indirect.scatter.add.f32 [tilespmem:s6], [sflag:$0x7], $0x80, s23, s2, $0xb8;
	v63 =	vld [tilespmem:$0x0]  }
0x111: {  	_ =	swait.ge [sflag:s17], $0x2800  }
0x112: {  	[sflag:s17] =	ssyncset.done $0x0  }
0x113: {  	[sflag:s17] =	ssyncadd.s32 $0xFFFFD800  }
0x114: {  	[tilespmem:s6], [sflag:$0x5] =	stream.indirect.gather [hbm4b:s4+s2], $0x80, s25, s2, $0xb8;
	v63 =	vld [tilespmem:$0x0]  }
0x115: {  	_ =	swait.ge [sflag:s16], $0x2800  }
0x116: {  	[sflag:s16] =	ssyncset.done $0x0  }
0x117: {  	[sflag:s16] =	ssyncadd.s32 $0xFFFFD800  }
0x118: {  	[spmem:s1] =	stream.indirect.scatter.add.f32 [tilespmem:s14], [sflag:$0x7], $0x80, s29, s2, $0xb8;
	v63 =	vld [tilespmem:$0x0]  }
0x119: {  	_ =	swait.ge [sflag:s17], $0x2800  }
0x11a: {  	[sflag:s17] =	ssyncset.done $0x0  }
0x11b: {  	[sflag:s17] =	ssyncadd.s32 $0xFFFFD800  }
0x11c: {  	[tilespmem:s14], [sflag:$0x2] =	stream.indirect.gather [hbm4b:s4+s2], $0x80, s24, s2, $0xb8;
	v63 =	vld [tilespmem:$0x0]  }
0x11d: {  	_ =	swait.ge [sflag:s19], $0x2800  }
0x11e: {  	[sflag:s19] =	ssyncset.done $0x0  }
0x11f: {  	[sflag:s19] =	ssyncadd.s32 $0xFFFFD800  }
0x120: {  	[spmem:s1] =	stream.indirect.scatter.add.f32 [tilespmem:s8], [sflag:$0x7], $0x80, s20, s2, $0xb8;
	v63 =	vld [tilespmem:$0x0]  }
0x121: {  	_ =	swait.ge [sflag:s17], $0x2800  }
0x122: {  	[sflag:s17] =	ssyncset.done $0x0  }
0x123: {  	[sflag:s17] =	ssyncadd.s32 $0xFFFFD800  }
0x124: {  	_ =	swait.ge [sflag:s22], $0x2800  }
0x125: {  	[sflag:s22] =	ssyncset.done $0x0  }
0x126: {  	[sflag:s22] =	ssyncadd.s32 $0xFFFFD800  }
0x127: {  	[spmem:s1] =	stream.indirect.scatter.add.f32 [tilespmem:s13], [sflag:$0x7], $0x80, s26, s2, $0xb8;
	v63 =	vld [tilespmem:$0x0]  }
0x128: {  	_ =	swait.ge [sflag:s17], $0x2800  }
0x129: {  	[sflag:s17] =	ssyncset.done $0x0  }
0x12a: {  	[sflag:s17] =	ssyncadd.s32 $0xFFFFD800  }
0x12b: {  	_ =	swait.ge [sflag:s28], $0x2800  }
0x12c: {  	[sflag:s28] =	ssyncset.done $0x0  }
0x12d: {  	[sflag:s28] =	ssyncadd.s32 $0xFFFFD800  }
0x12e: {  	[spmem:s1] =	stream.indirect.scatter.add.f32 [tilespmem:s6], [sflag:$0x7], $0x80, s30, s2, $0xb8;
	v63 =	vld [tilespmem:$0x0]  }
0x12f: {  	_ =	swait.ge [sflag:s17], $0x2800  }
0x130: {  	[sflag:s17] =	ssyncset.done $0x0  }
0x131: {  	[sflag:s17] =	ssyncadd.s32 $0xFFFFD800  }
0x132: {  	_ =	swait.ge [sflag:s16], $0x2800  }
0x133: {  	[sflag:s16] =	ssyncset.done $0x0  }
0x134: {  	[sflag:s16] =	ssyncadd.s32 $0xFFFFD800  }
0x135: {  	[spmem:s1] =	stream.indirect.scatter.add.f32 [tilespmem:s14], [sflag:$0x7], $0x80, s10, s2, $0xb8;
	v63 =	vld [tilespmem:$0x0]  }
0x136: {  	p0 =	seq.s32 s12, $0x800;
	_ =	swait.ge [sflag:s17], $0x2800  }
0x137: {  	s0 =	sshrl.u32 @!p0 s7, $0x3;
	[sflag:s17] =	ssyncset.done $0x0  }
0x138: {  	s0 =	sadd.s32 @!p0 s18, s0;
	s3 =	simm.s32 @!p0 $0x0;
	[sflag:s17] =	ssyncadd.s32 $0xFFFFD800  }
0x139: {  	[tilespmem:s3], [sflag:$0x7] =	stream.linear.gather @!p0 [hbm4b:s0+s3], $0xC80, $0x38;
	v63 =	vld [tilespmem:$0x0]  }
0x13a: {  	s0 =	simm.s32 @!p0 $0x7  }
0x13b: {  	_ =	swait.ge @!p0 [sflag:s0], $0xC80  }
0x13c: {  	s15 =	simm.s32 @!p0 $0x1000;
	[sflag:s0] =	ssyncset.done @!p0 $0x0  }
0x13d: {  	[sflag:s0] =	ssyncadd.s32 @!p0 $0xFFFFF380;
	s0 =	sadd.s32 @!p0 s12, s9;
	s12 =	sadd.s32 @!p0 $0x200, s12  }
0x13e: {  	[tilespmem:s15], [sflag:$0x6] =	stream.linear.gather @!p0 [hbm4b:s0+s3], $0xC80, $0x38;
	v63 =	vld [tilespmem:$0x0]  }
0x13f: {  	p1 =	sne.s32 @!p0 s12, $0xA00  }
0x140: {  	p1 =	por p0, !p1  }
.Ltmp1:
0x141: {  	_ = 	snop;
	(pc) =	sbr.rel @!p1 .LBB2_4-.Ltmp1, $4  }
0x142: {  	s0 =	simm.s32 @!p0 $0x6  }
0x143: {  	_ =	swait.ge @!p0 [sflag:s0], $0xC80  }
0x144: {  	[sflag:s0] =	ssyncset.done @!p0 $0x0  }
0x145: {  	s7 =	sadd.s32 @!p0 $0x1000, s7;
	[sflag:s0] =	ssyncadd.s32 @!p0 $0xFFFFF380  }
0x146: {  	[bflag:$0x0] =	sbarrier.arrive $0xFFFF  }
0x147: {  	s0 =	rddreg [dreg:$0x4]  }
0x148: {  	[tilespmem:s14], [sflag:$0x2] =	stream.linear.gather [spmem:s0], $0x2800, $0x38;
	v63 =	vld [tilespmem:$0x0]  }
0x149: {  	s3 =	rddreg [dreg:$0x6]  }
0x14a: {  	[tilespmem:s8], [sflag:$0x3] =	stream.linear.gather [spmem:s3], $0x2800, $0x38;
	v63 =	vld [tilespmem:$0x0]  }
0x14b: {  	s5 =	rddreg [dreg:$0x7]  }
0x14c: {  	[tilespmem:s13], [sflag:$0x4] =	stream.linear.gather [spmem:s5], $0x2800, $0x38;
	v63 =	vld [tilespmem:$0x0]  }
0x14d: {  	s7 =	rddreg [dreg:$0x8]  }
0x14e: {  	[tilespmem:s6], [sflag:$0x5] =	stream.linear.gather [spmem:s7], $0x2800, $0x38;
	v63 =	vld [tilespmem:$0x0]  }
0x14f: {  	_ =	swait.ge [sflag:s16], $0x2800  }
0x150: {  	[sflag:s16] =	ssyncset.done $0x0  }
0x151: {  	s15 =	simm.s32 $0x0;
	s12 =	rddreg [dreg:$0xa];
	[sflag:s16] =	ssyncadd.s32 $0xFFFFD800  }
0x152: {  	[hbm4b:s12+s15] =	stream.linear.scatter [tilespmem:s14], [sflag:$0x2], $0x2800, $0x38;
	v63 =	vld [tilespmem:$0x0]  }
0x153: {  	_ =	swait.ge [sflag:s19], $0x2800  }
0x154: {  	[sflag:s19] =	ssyncset.done $0x0  }
0x155: {  	s3 =	rddreg [dreg:$0xb];
	[sflag:s19] =	ssyncadd.s32 $0xFFFFD800  }
0x156: {  	[hbm4b:s3+s15] =	stream.linear.scatter [tilespmem:s8], [sflag:$0x3], $0x2800, $0x38;
	v63 =	vld [tilespmem:$0x0]  }
0x157: {  	_ =	swait.ge [sflag:s22], $0x2800  }
0x158: {  	[sflag:s22] =	ssyncset.done $0x0  }
0x159: {  	s5 =	rddreg [dreg:$0xc];
	[sflag:s22] =	ssyncadd.s32 $0xFFFFD800  }
0x15a: {  	[hbm4b:s5+s15] =	stream.linear.scatter [tilespmem:s13], [sflag:$0x4], $0x2800, $0x38;
	v63 =	vld [tilespmem:$0x0]  }
0x15b: {  	_ =	swait.ge [sflag:s28], $0x2800  }
0x15c: {  	[sflag:s28] =	ssyncset.done $0x0  }
0x15d: {  	s7 =	rddreg [dreg:$0xd];
	[sflag:s28] =	ssyncadd.s32 $0xFFFFD800  }
0x15e: {  	[hbm4b:s7+s15] =	stream.linear.scatter [tilespmem:s6], [sflag:$0x5], $0x2800, $0x38;
	v63 =	vld [tilespmem:$0x0]  }
0x15f: {  	_ =	swait.ge [sflag:s16], $0x2800  }
0x160: {  	[sflag:s16] =	ssyncset.done $0x0  }
0x161: {  	[sflag:s16] =	ssyncadd.s32 $0xFFFFD800  }
0x162: {  	_ =	swait.ge [sflag:s19], $0x2800  }
0x163: {  	[sflag:s19] =	ssyncset.done $0x0  }
0x164: {  	[sflag:s19] =	ssyncadd.s32 $0xFFFFD800  }
0x165: {  	_ =	swait.ge [sflag:s22], $0x2800  }
0x166: {  	[sflag:s22] =	ssyncset.done $0x0  }
0x167: {  	[sflag:s22] =	ssyncadd.s32 $0xFFFFD800  }
0x168: {  	_ =	swait.ge [sflag:s28], $0x2800  }
0x169: {  	[sflag:s28] =	ssyncset.done $0x0  }
0x16a: {  	s12 =	rddreg [dreg:$0x9];
	[sflag:s28] =	ssyncadd.s32 $0xFFFFD800  }
0x16b: {  	[tilespmem:s14], [sflag:$0x2] =	stream.linear.gather [spmem:s12], $0x2800, $0x38;
	v63 =	vld [tilespmem:$0x0]  }
0x16c: {  	s3 =	rddreg [dreg:$0x12]  }
0x16d: {  	[tilespmem:s8], [sflag:$0x3] =	stream.linear.gather [spmem:s3], $0x2800, $0x38;
	v63 =	vld [tilespmem:$0x0]  }
0x16e: {  	s5 =	rddreg [dreg:$0x13]  }
0x16f: {  	[tilespmem:s13], [sflag:$0x4] =	stream.linear.gather [spmem:s5], $0x2800, $0x38;
	v63 =	vld [tilespmem:$0x0]  }
0x170: {  	s7 =	rddreg [dreg:$0x14]  }
0x171: {  	[tilespmem:s6], [sflag:$0x5] =	stream.linear.gather [spmem:s7], $0x2800, $0x38;
	v63 =	vld [tilespmem:$0x0]  }
0x172: {  	_ =	swait.ge [sflag:s16], $0x2800  }
0x173: {  	[sflag:s16] =	ssyncset.done $0x0  }
0x174: {  	s12 =	rddreg [dreg:$0xe];
	[sflag:s16] =	ssyncadd.s32 $0xFFFFD800  }
0x175: {  	[hbm4b:s12+s15] =	stream.linear.scatter [tilespmem:s14], [sflag:$0x2], $0x2800, $0x38;
	v63 =	vld [tilespmem:$0x0]  }
0x176: {  	_ =	swait.ge [sflag:s19], $0x2800  }
0x177: {  	[sflag:s19] =	ssyncset.done $0x0  }
0x178: {  	s3 =	rddreg [dreg:$0xf];
	[sflag:s19] =	ssyncadd.s32 $0xFFFFD800  }
0x179: {  	[hbm4b:s3+s15] =	stream.linear.scatter [tilespmem:s8], [sflag:$0x3], $0x2800, $0x38;
	v63 =	vld [tilespmem:$0x0]  }
0x17a: {  	_ =	swait.ge [sflag:s22], $0x2800  }
0x17b: {  	[sflag:s22] =	ssyncset.done $0x0  }
0x17c: {  	s5 =	rddreg [dreg:$0x10];
	[sflag:s22] =	ssyncadd.s32 $0xFFFFD800  }
0x17d: {  	[hbm4b:s5+s15] =	stream.linear.scatter [tilespmem:s13], [sflag:$0x4], $0x2800, $0x38;
	v63 =	vld [tilespmem:$0x0]  }
0x17e: {  	_ =	swait.ge [sflag:s28], $0x2800  }
0x17f: {  	[sflag:s28] =	ssyncset.done $0x0  }
0x180: {  	s7 =	rddreg [dreg:$0x11];
	[sflag:s28] =	ssyncadd.s32 $0xFFFFD800  }
0x181: {  	[hbm4b:s7+s15] =	stream.linear.scatter [tilespmem:s6], [sflag:$0x5], $0x2800, $0x38;
	v63 =	vld [tilespmem:$0x0]  }
0x182: {  	_ =	swait.ge [sflag:s16], $0x2800  }
0x183: {  	[sflag:s16] =	ssyncset.done $0x0  }
0x184: {  	[sflag:s16] =	ssyncadd.s32 $0xFFFFD800  }
0x185: {  	_ =	swait.ge [sflag:s19], $0x2800  }
0x186: {  	[sflag:s19] =	ssyncset.done $0x0  }
0x187: {  	[sflag:s19] =	ssyncadd.s32 $0xFFFFD800  }
0x188: {  	_ =	swait.ge [sflag:s22], $0x2800  }
0x189: {  	[sflag:s22] =	ssyncset.done $0x0  }
0x18a: {  	[sflag:s22] =	ssyncadd.s32 $0xFFFFD800  }
0x18b: {  	_ =	swait.ge [sflag:s28], $0x2800  }
0x18c: {  	s7 =	rddreg [dreg:$0x1a]  }
0x18d: {  	s12 =	rddreg [dreg:$0x5];
	s7 =	sadd.s32 $0x1, s7  }
0x18e: {  	p0 =	sne.s32 s7, s12  }
.Ltmp2:
0x18f: {  	_ = 	snop;
	(pc) =	sbr.rel @p0 .LBB2_1-.Ltmp2, $3  }
0x190: {  	_ =	sdelay $0x1  }
0x191: {  	[sflag:s28] =	ssyncset.done $0x0  }
0x192: {  	s3 =	simm.s32 $0x1000;
	s5 =	simm.s32 $0x1;
	[sflag:s28] =	ssyncadd.s32 $0xFFFFD800  }
0x193: {  	_ =	sfence.sel $0x180000  }
0x194: {  	[bflag:$0x0] =	sbarrier.arrive $0xFFFF  }
0x195: {  	_ =	strace $0x9000004D  }
0x196: {  	s0 =	stileid.u32;
	[bflag:$0x2] =	sbarrier.arrive $0xFFFF  }
0x197: {  	p0 =	sne.s32 s0, $0x0;
	s0 =	rddreg [dreg:$0x2]  }
0x198: {  	s0 =	sadd.s32 @!p0 $0x100000, s0  }
0x199: {  	[sflag:s0] =	ssyncadd.tile.s32 @!p0 $0x1;
	_ =	shalt  }
.Lfunc_end2:
_tile_overlayer_lowered:
.L_overlay_start_2:
0x19a: {  	(tag) =	ssettag $0x2  }
0x19b: {  	s0 =	rddreg [dreg:$0x0];
	s2 =	stileid.u32  }
0x19c: {  	s1 =	rddreg [dreg:$0x1];
	p0 =	sne.s32 s2, $0x0  }
0x19d: {  	s3 =	rddreg [dreg:$0x2];
	[bflag:$0x3] =	sbarrier.arrive $0xFFFF;
	s2 =	simm.s32 @!p0 $0x1C06  }
0x19e: {  	[timem:s3], [sflag:s2] =	dma.local @!p0 [hbm:s0], s1  }
0x19f: {  	s0 =	simm.s32 @!p0 $0x6  }
0x1a0: {  	_ =	swait.ge @!p0 [sflag:s0], s1  }
0x1a1: {  	s1 =	ssub.s32 @!p0 $0x0, s1;
	[sflag:s0] =	ssyncset.done @!p0 $0x0  }
0x1a2: {  	[sflag:s0] =	ssyncadd.s32 @!p0 s1  }
0x1a3: {  	[bflag:$0x3] =	sbarrier.arrive $0xFFFF  }
0x1a4: {  	_ =	shalt  }

// kernel: kernel.8.cloned.1.call-start
scs
__scs_entry_jumppad:
0x0: {  	(pc) =	sbr.rel $0x88, $3  }
0x1: {  	(tag) =	ssettag $0x0;
	lr =	simm.s32 $0x1  }
0x2: {  	[smem:$0x3F9B] =	sst lr;
	_ =	strace $0xD0000000  }
0x3: {  	_ = 	snop  }
0x4: {  	_ = 	snop  }
0x5: {  	_ = 	snop  }
0x6: {  	_ = 	snop  }
0x7: {  	_ = 	snop  }
__scs_overlays_trampoline_lowered:
0x8: {  	[smem:$0x3FAA] =	sst s0  }
0x9: {  	[smem:$0x3FAB] =	sst s1  }
0xa: {  	[smem:$0x3FAC] =	sst s2  }
0xb: {  	[smem:$0x3FAD] =	sst s3  }
0xc: {  	[smem:$0x3FAE] =	sst s4  }
0xd: {  	[smem:$0x3FAF] =	sst s5  }
0xe: {  	[smem:$0x3FB0] =	sst s6  }
0xf: {  	[smem:$0x3FB1] =	sst s7  }
0x10: {  	[smem:$0x3FB2] =	sst s8  }
0x11: {  	[smem:$0x3FB3] =	sst s9;
	s0 =	simm.s32 @!p0 $0x0  }
0x12: {  	s1 =	sld [smem:$0x3F99];
	s0 =	simm.s32 @p0 $0x1  }
0x13: {  	[smem:$0x3FB4] =	sst s0;
	s0 =	simm.s32 @!p1 $0x0  }
0x14: {  	s2 =	sld [smem:$0x3F98];
	s0 =	simm.s32 @p1 $0x1  }
0x15: {  	[smem:$0x3FB5] =	sst s0;
	s0 =	simm.s32 @!p2 $0x0  }
0x16: {  	s3 =	sld [smem:$0x3FDB];
	s0 =	simm.s32 @p2 $0x1  }
0x17: {  	s4 =	simm.s32 $0x1BF5;
	[smem:$0x3FB7] =	sst s0  }
0x18: {  	s0 =	sld [smem:$0x3F9A];
	_ =	swait.ge [sflag:s4], $0x0  }
0x19: {  	s7 =	sld [smem:$0x3F9B]  }
0x1a: {  	s8 =	sadd.s32 $0xFFFFE003, lr  }
0x1b: {  	s9 =	sadd.s32 $0xFFFFFEF7, lr;
	s5 =	simm.s32 $0xFFFFFFFF;
	p2 =	slt.u32 s8, $0xFFFFF086  }
0x1c: {  	p1 =	slt.u32 s9, $0xF7A;
	s5 =	simm.s32 @!p2 $0x0  }
0x1d: {  	s5 =	simm.s32 @p1 $0x1;
	p0 =	seq.s32 s7, s2  }
0x1e: {  	s7 =	smul.u32 @!p0 $0xF7A, s2;
	p2 =	seq.s32 @!p0 s5, $0x0  }
0x1f: {  	s9 =	smul.u32 $0xF7A, s1;
	s8 =	simm.s32 @!p0 $0x1BF5;
	p2 =	por !p2, p0  }
0x20: {  	[sflag:s8] =	ssyncset.s32 @!p0 $0xFFFFF086;
	s6 =	sadd.s32 @!p0 s3, s7;
	s7 =	simm.s32 @!p0 $0x108  }
0x21: {  	s3 =	sadd.s32 s3, s9;
	s6 =	sadd.s32 @!p0 $0x88, s6;
	s7 =	simm.s32 @p2 $0x1082  }
0x22: {  	[simem:s7], [sflag:s8] =	dma.local @!p0 [hbm:s6], $0xF7A  }
0x23: {  	s9 =	sor.u32 $0xD0000000, s2;
	s6 =	simm.s32 $0x108;
	_ =	swait.ge @!p0 [sflag:s8], $0x0  }
0x24: {  	s3 =	sadd.s32 $0x88, s3;
	s6 =	simm.s32 @!p1 $0x1082;
	[sflag:s4] =	ssyncset.s32 $0xFFFFF086  }
0x25: {  	[simem:s6], [sflag:s4] =	dma.local [hbm:s3], $0xF7A  }
0x26: {  	[smem:$0x3F9B] =	sst s1;
	(tag) =	ssettag s2;
	_ =	strace s9  }
0x27: {  	s1 =	sld [smem:$0x3FAB]  }
0x28: {  	s2 =	sld [smem:$0x3FAC]  }
0x29: {  	s4 =	sld [smem:$0x3FAE]  }
0x2a: {  	p0 =	seq.s32 s5, $0x0;
	s5 =	sld [smem:$0x3FAF]  }
0x2b: {  	s6 =	sld [smem:$0x3FB0]  }
0x2c: {  	s7 =	sld [smem:$0x3FB1]  }
0x2d: {  	s3 =	simm.s32 $0x108;
	s8 =	sld [smem:$0x3FB2]  }
0x2e: {  	s3 =	simm.s32 @!p0 $0x1082;
	s9 =	sld [smem:$0x3FB3]  }
0x2f: {  	lr =	sadd.s32 s0, s3;
	s0 =	sld [smem:$0x3FAA]  }
0x30: {  	s3 =	sld [smem:$0x3FAD]  }
0x31: {  	[smem:$0x3FB6] =	sst s10  }
0x32: {  	s10 =	sld [smem:$0x3FB4];
	_ =	sdelay $0x3  }
0x33: {  	p0 =	seq.s32 s10, $0x1;
	s10 =	sld [smem:$0x3FB6];
	_ =	sdelay $0x3  }
0x34: {  	[smem:$0x3FB6] =	sst s10  }
0x35: {  	s10 =	sld [smem:$0x3FB5];
	_ =	sdelay $0x3  }
0x36: {  	p1 =	seq.s32 s10, $0x1;
	s10 =	sld [smem:$0x3FB6];
	_ =	sdelay $0x3  }
0x37: {  	[smem:$0x3FB6] =	sst s10  }
0x38: {  	s10 =	sld [smem:$0x3FB7]  }
0x39: {  	_ = 	snop;
	(pc) =	sbr.ind lr, $3  }
0x3a: {  	_ = 	snop  }
0x3b: {  	_ = 	snop  }
0x3c: {  	p2 =	seq.s32 s10, $0x1;
	s10 =	sld [smem:$0x3FB6]  }
0x3d: {  	_ =	shalt  }
0x3e: {  	_ =	shalt  }
0x3f: {  	_ =	shalt  }
0x40: {  	_ =	shalt  }
0x41: {  	_ =	shalt  }
0x42: {  	_ =	shalt  }
0x43: {  	_ =	shalt  }
0x44: {  	_ =	shalt  }
0x45: {  	_ =	shalt  }
0x46: {  	_ =	shalt  }
0x47: {  	_ =	shalt  }
0x48: {  	_ =	shalt  }
0x49: {  	_ =	shalt  }
0x4a: {  	_ =	shalt  }
0x4b: {  	_ =	shalt  }
0x4c: {  	_ =	shalt  }
0x4d: {  	_ =	shalt  }
0x4e: {  	_ =	shalt  }
0x4f: {  	_ =	shalt  }
0x50: {  	_ =	shalt  }
0x51: {  	_ =	shalt  }
0x52: {  	_ =	shalt  }
0x53: {  	_ =	shalt  }
0x54: {  	_ =	shalt  }
0x55: {  	_ =	shalt  }
0x56: {  	_ =	shalt  }
0x57: {  	_ =	shalt  }
0x58: {  	_ =	shalt  }
0x59: {  	_ =	shalt  }
0x5a: {  	_ =	shalt  }
0x5b: {  	_ =	shalt  }
0x5c: {  	_ =	shalt  }
0x5d: {  	_ =	shalt  }
0x5e: {  	_ =	shalt  }
0x5f: {  	_ =	shalt  }
0x60: {  	_ =	shalt  }
0x61: {  	_ =	shalt  }
0x62: {  	_ =	shalt  }
0x63: {  	_ =	shalt  }
0x64: {  	_ =	shalt  }
0x65: {  	_ =	shalt  }
0x66: {  	_ =	shalt  }
0x67: {  	_ =	shalt  }
0x68: {  	_ =	shalt  }
0x69: {  	_ =	shalt  }
0x6a: {  	_ =	shalt  }
0x6b: {  	_ =	shalt  }
0x6c: {  	_ =	shalt  }
0x6d: {  	_ =	shalt  }
0x6e: {  	_ =	shalt  }
0x6f: {  	_ =	shalt  }
0x70: {  	_ =	shalt  }
0x71: {  	_ =	shalt  }
0x72: {  	_ =	shalt  }
0x73: {  	_ =	shalt  }
0x74: {  	_ =	shalt  }
0x75: {  	_ =	shalt  }
0x76: {  	_ =	shalt  }
0x77: {  	_ =	shalt  }
0x78: {  	_ =	shalt  }
0x79: {  	_ =	shalt  }
0x7a: {  	_ =	shalt  }
0x7b: {  	_ =	shalt  }
0x7c: {  	_ =	shalt  }
0x7d: {  	_ =	shalt  }
0x7e: {  	_ =	shalt  }
0x7f: {  	_ =	shalt  }
0x80: {  	_ =	shalt  }
0x81: {  	_ =	shalt  }
0x82: {  	_ =	shalt  }
0x83: {  	_ =	shalt  }
0x84: {  	_ =	shalt  }
0x85: {  	_ =	shalt  }
0x86: {  	_ =	shalt  }
0x87: {  	_ =	shalt  }
.Lfunc_end0:
.L_simem_size_0:
called_computation_lowered:
.L_overlay_start_0:
0x88: {  	s2 =	sld [smem:$0x3FD9]  }
0x89: {  	s3 =	sld [smem:$0x3FFE];
	_ =	sdelay $0x1  }
0x8a: {  	s1 =	srdreg.scid  }
0x8b: {  	s0 =	sand.u32 $0x1, s1  }
0x8c: {  	s17 =	sshll.u32 s0, $0xA;
	s2 =	sadd.s32 s3, s2  }
0x8d: {  	s2 =	sadd.s32 s2, s17  }
0x8e: {  	[smem:$0x3FC2] =	sst s2  }
0x8f: {  	_ = 	snop  }
0x90: {  	s2 =	sld [smem:$0x3FD0];
	(tm) =	ssettm $0x1  }
0x91: {  	s18 =	sld [smem:$0x3FFB];
	_ =	sdelay $0x3  }
0x92: {  	_ =	strace s18  }
0x93: {  	s3 =	sld [smem:$0x3FFC];
	_ =	sdelay $0x3  }
0x94: {  	_ =	strace s3  }
0x95: {  	s3 =	sld [smem:$0x3FFD];
	_ =	sdelay $0x3  }
0x96: {  	_ =	strace s3  }
0x97: {  	_ =	strace $0x8FFFFFFF  }
0x98: {  	s19 =	sld [smem:$0x3FDB];
	_ =	sdelay $0x1  }
0x99: {  	s4 =	simm.s32 $_scs_section_size  }
0x9a: {  	s5 =	simm.s32 $_size__tile_overlayer_lowered;
	s6 =	simm.s32 $_tile_overlayer_lowered  }
0x9b: {  	s22 =	simm.s32 $0x1BFF;
	s21 =	sshll.u32 s6, $0x1;
	s3 =	sadd.s32 s4, s19  }
0x9c: {  	s7 =	simm.s32 $0x0;
	s20 =	sshll.u32 s5, $0x1;
	s5 =	sadd.s32 s21, s3  }
0x9d: {  	[timem:s7], [sflag:s22] =	dma.local [hbm:s5], s20  }
0x9e: {  	_ =	swait.ge [sflag:s22], s20  }
0x9f: {  	s4 =	ssub.s32 $0x0, s20;
	[sflag:s22] =	ssyncset.done $0x0  }
0xa0: {  	[sflag:s22] =	ssyncadd.s32 s4;
	_ =	sdelay $0x1  }
0xa1: {  	s23 =	simm.s32 $0x1B8B  }
0xa2: {  	_ =	swait.ge [sflag:s23], $0x1  }
0xa3: {  	[sflag:s23] =	ssyncset.done $0x0  }
0xa4: {  	s25 =	simm.s32 $0x1B8E;
	s24 =	sld [smem:$0x3FFE];
	[sflag:s23] =	ssyncadd.s32 $0xFFFFFFFF  }
0xa5: {  	s26 =	simm.s32 $execute0_lowered;
	[smem:$0x3FD2] =	sst s25  }
0xa6: {  	s5 =	sshll.u32 s26, $0x1;
	_ =	strace $0x80000046;
	[dreg:$0x1] =	wrdreg $0xFFFFFFFF  }
0xa7: {  	s28 =	simm.s32 $_size_execute0_lowered;
	s3 =	sadd.s32 s3, s5;
	[dreg:$0x0] =	wrdreg $0x0  }
0xa8: {  	s5 =	sshll.u32 s28, $0x1;
	[dreg:$0x2] =	wrdreg s3  }
0xa9: {  	[dreg:$0x3] =	wrdreg s5  }
0xaa: {  	[dreg:$0x4] =	wrdreg $0xC0  }
0xab: {  	_ =	task [dreg:s7], $0x5FFFF  }
0xac: {  	[dreg:$0x1] =	wrdreg $0xFFFFFFFF  }
0xad: {  	[dreg:$0x0] =	wrdreg $0x60  }
0xae: {  	[dreg:$0x2] =	wrdreg s24  }
0xaf: {  	[dreg:$0x3] =	wrdreg s2  }
0xb0: {  	[dreg:$0x4] =	wrdreg $0x23000  }
0xb1: {  	[dreg:$0x5] =	wrdreg $0x9  }
0xb2: {  	_ =	task.clear_ibuf [dreg:s7], $0x6FFFF;
	_ =	strace $0x90000046  }
0xb3: {  	s29 =	simm.s32 $0x9;
	_ =	strace $0x80000048  }
0xb4: {  	_ =	swait.ge [sflag:s29], $0x1  }
0xb5: {  	[sflag:s29] =	ssyncadd.s32 $0xFFFFFFFF  }
0xb6: {  	_ =	strace $0x90000048  }
0xb7: {  	_ =	sfence  }
0xb8: {  	s30 =	sld [smem:$0x0];
	_ =	sdelay $0x2  }
0xb9: {  	s31 =	sshll.u32 s1, $0xD;
	s1 =	sshrl.u32 s1, $0x2  }
0xba: {  	s3 =	sand.u32 $0x4000, s31;
	s1 =	sadd.s32 s1, s30  }
0xbb: {  	s0 =	sor.u32 s3, s0;
	s1 =	sshll.u32 s1, $0x11  }
0xbc: {  	s0 =	sor.u32 s1, s0  }
0xbd: {  	s0 =	sadd.s32 $0x8F2B, s0  }
0xbe: {  	[sflag:s0] =	ssyncadd.remote.s32 $0x1  }
0xbf: {  	_ =	sfence.sel $0xFFFF  }
0xc0: {  	[dreg:$0x0] =	wrdreg $0xFFFFFFFF;
	(pc) =	sbr.abs _section_cstart, $3  }
0xc1: {  	[dreg:$0x1] =	wrdreg $0xFFFFFFFF  }
0xc2: {  	_ =	task.clear_ibuf [dreg:s7], $0x2FFFF;
	_ =	strace $0x9FFFFFFF  }
0xc3: {  	(tm) =	ssettm $0x7FFFFFFF  }
tec
execute0_lowered:
.L_overlay_start_1:
0x0: {  	(tag) =	ssettag $0x1  }
0x1: {  	s0 =	srdreg.scid;
	s1 =	rddreg [dreg:$0x0]  }
0x2: {  	s8 =	stileid.u32;
	s5 =	rddreg [dreg:$0x1]  }
0x3: {  	s10 =	simm.s32 $0x50;
	s11 =	simm.s32 $0x2000;
	s14 =	simm.s32 $0x2  }
0x4: {  	s9 =	simm.s32 $0x1200;
	s12 =	simm.s32 $0x1280;
	s13 =	simm.s32 $0x1300  }
0x5: {  	s16 =	simm.s32 $0x1380;
	s17 =	simm.s32 $0x1400;
	s18 =	simm.s32 $0x1480  }
0x6: {  	s19 =	simm.s32 $0x1500;
	s20 =	simm.s32 $0x1580;
	s21 =	simm.s32 $0x1600  }
0x7: {  	s28 =	simm.s32 $0x1900;
	s29 =	simm.s32 $0x1980;
	s0 =	sand.u32 $0x1, s0  }
0x8: {  	s30 =	simm.s32 $0x1A00;
	s31 =	simm.s32 $0x1A80;
	s2 =	sshll.u32 s0, $0x4  }
0x9: {  	s22 =	ssub.s32 $0x2, s0;
	s0 =	smul.u32 $0x2800, s0;
	s3 =	sor.u32 s8, s2  }
0xa: {  	s2 =	rddreg [dreg:$0x2];
	s6 =	sshrl.u32 s22, $0x1;
	s8 =	smul.u32 $0x280, s8  }
0xb: {  	s4 =	smul.u32 $0x5000, s3;
	s3 =	simm.s32 $0x0;
	s6 =	ssub.s32 s22, s6  }
0xc: {  	[smem:$0x7FF] =	sst s3;
	s0 =	sadd.s32 s8, s0;
	s26 =	sadd.s32 s8, s2  }
0xd: {  	s4 =	sshrl.u32 s4, $0x3;
	_ =	strace $0x80000047;
	s0 =	sshrl.u32 s0, $0x3  }
0xe: {  	[dreg:$0xa] =	wrdreg s26;
	s1 =	sadd.s32 s4, s1;
	s0 =	sadd.s32 s5, s0  }
0xf: {  	s22 =	simm.s32 $0x1680;
	s7 =	sadd.s32 $0x16A00, s1;
	[dreg:$0x9] =	wrdreg s0  }
0x10: {  	s8 =	simm.s32 $0x1;
	s23 =	sadd.s32 $0x16C00, s1;
	[dreg:$0x4] =	wrdreg s7  }
0x11: {  	s26 =	simm.s32 $0x1880;
	s24 =	sadd.s32 $0x16E00, s1;
	[dreg:$0x5] =	wrdreg s23  }
0x12: {  	s5 =	smax.u32 s6, $0x1;
	s25 =	sadd.s32 $0x17000, s1;
	[dreg:$0x6] =	wrdreg s24  }
0x13: {  	s4 =	simm.s32 $0x1100;
	s1 =	sadd.s32 $0x17200, s1;
	[dreg:$0x7] =	wrdreg s25  }
0x14: {  	s6 =	simm.s32 $0x1180;
	[dreg:$0x8] =	wrdreg s1;
	s7 =	simm.s32 $0x3  }
0x15: {  	v0 =	vimm.f32 $1.000000000e+00;
	v1 =	vimm.f32 $0.0e+00;
	s23 =	simm.s32 $0x1700;
	s24 =	simm.s32 $0x1780;
	s25 =	simm.s32 $0x1800  }
.LBB2_1:
0x16: {  	s15 =	rddreg [dreg:$0x4]  }
0x17: {  	[tilespmem:s3], [sflag:$0x1] =	stream.linear.gather [hbm4b:s15+s3], $0xC80, $0x38;
	[tilespmem:$0x2580] =	vst v63  }
0x18: {  	[tilespmem:$0x2000] =	vst v0  }
0x19: {  	[tilespmem:$0x2010] =	vst v0  }
0x1a: {  	[tilespmem:$0x2020] =	vst v0  }
0x1b: {  	[tilespmem:$0x2030] =	vst v0  }
0x1c: {  	[tilespmem:$0x2040] =	vst v0  }
0x1d: {  	[tilespmem:$0x2080] =	vst v1  }
0x1e: {  	[tilespmem:$0x2090] =	vst v1  }
0x1f: {  	[tilespmem:$0x20A0] =	vst v1  }
0x20: {  	[tilespmem:$0x20B0] =	vst v1  }
0x21: {  	[tilespmem:$0x20C0] =	vst v1  }
0x22: {  	[tilespmem:$0x20D0] =	vst v1  }
0x23: {  	[tilespmem:$0x20E0] =	vst v1  }
0x24: {  	[tilespmem:$0x20F0] =	vst v1  }
0x25: {  	[tilespmem:$0x2100] =	vst v1  }
0x26: {  	[tilespmem:$0x2110] =	vst v1  }
0x27: {  	[tilespmem:$0x2120] =	vst v1  }
0x28: {  	[tilespmem:$0x2130] =	vst v1  }
0x29: {  	[tilespmem:$0x2140] =	vst v1  }
0x2a: {  	[tilespmem:$0x2150] =	vst v1  }
0x2b: {  	[tilespmem:$0x2160] =	vst v1  }
0x2c: {  	[tilespmem:$0x2170] =	vst v1  }
0x2d: {  	[tilespmem:$0x2180] =	vst v1  }
0x2e: {  	[tilespmem:$0x2190] =	vst v1  }
0x2f: {  	[tilespmem:$0x21A0] =	vst v1  }
0x30: {  	[tilespmem:$0x21B0] =	vst v1  }
0x31: {  	[tilespmem:$0x21C0] =	vst v1  }
0x32: {  	[tilespmem:$0x21D0] =	vst v1  }
0x33: {  	[tilespmem:$0x21E0] =	vst v1  }
0x34: {  	[tilespmem:$0x21F0] =	vst v1  }
0x35: {  	[tilespmem:$0x2200] =	vst v1  }
0x36: {  	[tilespmem:$0x2210] =	vst v1  }
0x37: {  	[tilespmem:$0x2220] =	vst v1  }
0x38: {  	[tilespmem:$0x2230] =	vst v1  }
0x39: {  	[tilespmem:$0x2240] =	vst v1  }
0x3a: {  	[tilespmem:$0x2250] =	vst v1  }
0x3b: {  	[tilespmem:$0x2260] =	vst v1  }
0x3c: {  	[tilespmem:$0x2270] =	vst v1  }
0x3d: {  	[tilespmem:$0x2280] =	vst v1  }
0x3e: {  	[tilespmem:$0x2290] =	vst v1  }
0x3f: {  	[tilespmem:$0x22A0] =	vst v1  }
0x40: {  	[tilespmem:$0x22B0] =	vst v1  }
0x41: {  	[tilespmem:$0x22C0] =	vst v1  }
0x42: {  	[tilespmem:$0x22D0] =	vst v1  }
0x43: {  	[tilespmem:$0x22E0] =	vst v1  }
0x44: {  	s0 =	simm.s32 $0x2080;
	s1 =	rddreg [dreg:$0xa];
	[tilespmem:$0x22F0] =	vst v1  }
0x45: {  	[spmem:s1] =	stream.linear.scatter [tilespmem:s0], [sflag:$0x3], $0x280, $0x38;
	[tilespmem:$0x2580] =	vst v63  }
0x46: {  	_ =	swait.ge [sflag:s7], $0x280  }
0x47: {  	[sflag:s7] =	ssyncset.done $0x0  }
0x48: {  	[sflag:s7] =	ssyncadd.s32 $0xFFFFFD80  }
0x49: {  	[bflag:$0x0] =	sbarrier.arrive $0xFFFF  }
0x4a: {  	_ =	swait.ge [sflag:s8], $0xC80  }
0x4b: {  	[sflag:s8] =	ssyncset.done $0x0  }
0x4c: {  	s0 =	simm.s32 $0x1000;
	s1 =	rddreg [dreg:$0x5];
	[sflag:s8] =	ssyncadd.s32 $0xFFFFF380  }
0x4d: {  	[tilespmem:s0], [sflag:$0x1] =	stream.linear.gather [hbm4b:s1+s3], $0xC80, $0x38;
	[tilespmem:$0x2580] =	vst v63  }
0x4e: {  	_ = 	snop  }
0x4f: {  	[spmem:s2] =	stream.indirect.scatter.add.f32 [tilespmem:s11], [sflag:$0x2], $0x1, s3, s10, $0xb8;
	[tilespmem:$0x2580] =	vst v63  }
0x50: {  	s15 =	simm.s32 $0x80  }
0x51: {  	[spmem:s2] =	stream.indirect.scatter.add.f32 [tilespmem:s11], [sflag:$0x2], $0x1, s15, s10, $0xb8;
	[tilespmem:$0x2580] =	vst v63  }
0x52: {  	s15 =	simm.s32 $0x100  }
0x53: {  	[spmem:s2] =	stream.indirect.scatter.add.f32 [tilespmem:s11], [sflag:$0x2], $0x1, s15, s10, $0xb8;
	[tilespmem:$0x2580] =	vst v63  }
0x54: {  	s15 =	simm.s32 $0x180  }
0x55: {  	[spmem:s2] =	stream.indirect.scatter.add.f32 [tilespmem:s11], [sflag:$0x2], $0x1, s15, s10, $0xb8;
	[tilespmem:$0x2580] =	vst v63  }
0x56: {  	s15 =	simm.s32 $0x200  }
0x57: {  	[spmem:s2] =	stream.indirect.scatter.add.f32 [tilespmem:s11], [sflag:$0x2], $0x1, s15, s10, $0xb8;
	[tilespmem:$0x2580] =	vst v63  }
0x58: {  	s15 =	simm.s32 $0x280  }
0x59: {  	[spmem:s2] =	stream.indirect.scatter.add.f32 [tilespmem:s11], [sflag:$0x2], $0x1, s15, s10, $0xb8;
	[tilespmem:$0x2580] =	vst v63  }
0x5a: {  	s15 =	simm.s32 $0x300  }
0x5b: {  	[spmem:s2] =	stream.indirect.scatter.add.f32 [tilespmem:s11], [sflag:$0x2], $0x1, s15, s10, $0xb8;
	[tilespmem:$0x2580] =	vst v63  }
0x5c: {  	s15 =	simm.s32 $0x380  }
0x5d: {  	[spmem:s2] =	stream.indirect.scatter.add.f32 [tilespmem:s11], [sflag:$0x2], $0x1, s15, s10, $0xb8;
	[tilespmem:$0x2580] =	vst v63  }
0x5e: {  	s15 =	simm.s32 $0x400  }
0x5f: {  	[spmem:s2] =	stream.indirect.scatter.add.f32 [tilespmem:s11], [sflag:$0x2], $0x1, s15, s10, $0xb8;
	[tilespmem:$0x2580] =	vst v63  }
0x60: {  	s15 =	simm.s32 $0x480  }
0x61: {  	[spmem:s2] =	stream.indirect.scatter.add.f32 [tilespmem:s11], [sflag:$0x2], $0x1, s15, s10, $0xb8;
	[tilespmem:$0x2580] =	vst v63  }
0x62: {  	s15 =	simm.s32 $0x500  }
0x63: {  	[spmem:s2] =	stream.indirect.scatter.add.f32 [tilespmem:s11], [sflag:$0x2], $0x1, s15, s10, $0xb8;
	[tilespmem:$0x2580] =	vst v63  }
0x64: {  	s15 =	simm.s32 $0x580  }
0x65: {  	[spmem:s2] =	stream.indirect.scatter.add.f32 [tilespmem:s11], [sflag:$0x2], $0x1, s15, s10, $0xb8;
	[tilespmem:$0x2580] =	vst v63  }
0x66: {  	s15 =	simm.s32 $0x600  }
0x67: {  	[spmem:s2] =	stream.indirect.scatter.add.f32 [tilespmem:s11], [sflag:$0x2], $0x1, s15, s10, $0xb8;
	[tilespmem:$0x2580] =	vst v63  }
0x68: {  	s15 =	simm.s32 $0x680  }
0x69: {  	[spmem:s2] =	stream.indirect.scatter.add.f32 [tilespmem:s11], [sflag:$0x2], $0x1, s15, s10, $0xb8;
	[tilespmem:$0x2580] =	vst v63  }
0x6a: {  	s15 =	simm.s32 $0x700  }
0x6b: {  	[spmem:s2] =	stream.indirect.scatter.add.f32 [tilespmem:s11], [sflag:$0x2], $0x1, s15, s10, $0xb8;
	[tilespmem:$0x2580] =	vst v63  }
0x6c: {  	s15 =	simm.s32 $0x780  }
0x6d: {  	[spmem:s2] =	stream.indirect.scatter.add.f32 [tilespmem:s11], [sflag:$0x2], $0x1, s15, s10, $0xb8;
	[tilespmem:$0x2580] =	vst v63  }
0x6e: {  	s15 =	simm.s32 $0x800  }
0x6f: {  	[spmem:s2] =	stream.indirect.scatter.add.f32 [tilespmem:s11], [sflag:$0x2], $0x1, s15, s10, $0xb8;
	[tilespmem:$0x2580] =	vst v63  }
0x70: {  	s15 =	simm.s32 $0x880  }
0x71: {  	[spmem:s2] =	stream.indirect.scatter.add.f32 [tilespmem:s11], [sflag:$0x2], $0x1, s15, s10, $0xb8;
	[tilespmem:$0x2580] =	vst v63  }
0x72: {  	s15 =	simm.s32 $0x900  }
0x73: {  	[spmem:s2] =	stream.indirect.scatter.add.f32 [tilespmem:s11], [sflag:$0x2], $0x1, s15, s10, $0xb8;
	[tilespmem:$0x2580] =	vst v63  }
0x74: {  	s15 =	simm.s32 $0x980  }
0x75: {  	[spmem:s2] =	stream.indirect.scatter.add.f32 [tilespmem:s11], [sflag:$0x2], $0x1, s15, s10, $0xb8;
	[tilespmem:$0x2580] =	vst v63  }
0x76: {  	s15 =	simm.s32 $0xA00  }
0x77: {  	[spmem:s2] =	stream.indirect.scatter.add.f32 [tilespmem:s11], [sflag:$0x2], $0x1, s15, s10, $0xb8;
	[tilespmem:$0x2580] =	vst v63  }
0x78: {  	s15 =	simm.s32 $0xA80  }
0x79: {  	[spmem:s2] =	stream.indirect.scatter.add.f32 [tilespmem:s11], [sflag:$0x2], $0x1, s15, s10, $0xb8;
	[tilespmem:$0x2580] =	vst v63  }
0x7a: {  	s15 =	simm.s32 $0xB00  }
0x7b: {  	[spmem:s2] =	stream.indirect.scatter.add.f32 [tilespmem:s11], [sflag:$0x2], $0x1, s15, s10, $0xb8;
	[tilespmem:$0x2580] =	vst v63  }
0x7c: {  	s15 =	simm.s32 $0xB80  }
0x7d: {  	[spmem:s2] =	stream.indirect.scatter.add.f32 [tilespmem:s11], [sflag:$0x2], $0x1, s15, s10, $0xb8;
	[tilespmem:$0x2580] =	vst v63  }
0x7e: {  	s15 =	simm.s32 $0xC00  }
0x7f: {  	[spmem:s2] =	stream.indirect.scatter.add.f32 [tilespmem:s11], [sflag:$0x2], $0x1, s15, s10, $0xb8;
	[tilespmem:$0x2580] =	vst v63  }
0x80: {  	_ =	swait.ge [sflag:s14], $0x50  }
0x81: {  	[sflag:s14] =	ssyncset.done $0x0  }
0x82: {  	[sflag:s14] =	ssyncadd.s32 $0xFFFFFFB0  }
0x83: {  	_ =	swait.ge [sflag:s14], $0x50  }
0x84: {  	[sflag:s14] =	ssyncset.done $0x0  }
0x85: {  	[sflag:s14] =	ssyncadd.s32 $0xFFFFFFB0  }
0x86: {  	_ =	swait.ge [sflag:s14], $0x50  }
0x87: {  	[sflag:s14] =	ssyncset.done $0x0  }
0x88: {  	[sflag:s14] =	ssyncadd.s32 $0xFFFFFFB0  }
0x89: {  	_ =	swait.ge [sflag:s14], $0x50  }
0x8a: {  	[sflag:s14] =	ssyncset.done $0x0  }
0x8b: {  	[sflag:s14] =	ssyncadd.s32 $0xFFFFFFB0  }
0x8c: {  	_ =	swait.ge [sflag:s14], $0x50  }
0x8d: {  	[sflag:s14] =	ssyncset.done $0x0  }
0x8e: {  	[sflag:s14] =	ssyncadd.s32 $0xFFFFFFB0  }
0x8f: {  	_ =	swait.ge [sflag:s14], $0x50  }
0x90: {  	[sflag:s14] =	ssyncset.done $0x0  }
0x91: {  	[sflag:s14] =	ssyncadd.s32 $0xFFFFFFB0  }
0x92: {  	_ =	swait.ge [sflag:s14], $0x50  }
0x93: {  	[sflag:s14] =	ssyncset.done $0x0  }
0x94: {  	[sflag:s14] =	ssyncadd.s32 $0xFFFFFFB0  }
0x95: {  	_ =	swait.ge [sflag:s14], $0x50  }
0x96: {  	[sflag:s14] =	ssyncset.done $0x0  }
0x97: {  	[sflag:s14] =	ssyncadd.s32 $0xFFFFFFB0  }
0x98: {  	_ =	swait.ge [sflag:s14], $0x50  }
0x99: {  	[sflag:s14] =	ssyncset.done $0x0  }
0x9a: {  	[sflag:s14] =	ssyncadd.s32 $0xFFFFFFB0  }
0x9b: {  	_ =	swait.ge [sflag:s14], $0x50  }
0x9c: {  	[sflag:s14] =	ssyncset.done $0x0  }
0x9d: {  	[sflag:s14] =	ssyncadd.s32 $0xFFFFFFB0  }
0x9e: {  	_ =	swait.ge [sflag:s14], $0x50  }
0x9f: {  	[sflag:s14] =	ssyncset.done $0x0  }
0xa0: {  	[sflag:s14] =	ssyncadd.s32 $0xFFFFFFB0  }
0xa1: {  	_ =	swait.ge [sflag:s14], $0x50  }
0xa2: {  	[sflag:s14] =	ssyncset.done $0x0  }
0xa3: {  	[sflag:s14] =	ssyncadd.s32 $0xFFFFFFB0  }
0xa4: {  	_ =	swait.ge [sflag:s14], $0x50  }
0xa5: {  	[sflag:s14] =	ssyncset.done $0x0  }
0xa6: {  	[sflag:s14] =	ssyncadd.s32 $0xFFFFFFB0  }
0xa7: {  	_ =	swait.ge [sflag:s14], $0x50  }
0xa8: {  	[sflag:s14] =	ssyncset.done $0x0  }
0xa9: {  	[sflag:s14] =	ssyncadd.s32 $0xFFFFFFB0  }
0xaa: {  	_ =	swait.ge [sflag:s14], $0x50  }
0xab: {  	[sflag:s14] =	ssyncset.done $0x0  }
0xac: {  	[sflag:s14] =	ssyncadd.s32 $0xFFFFFFB0  }
0xad: {  	_ =	swait.ge [sflag:s14], $0x50  }
0xae: {  	[sflag:s14] =	ssyncset.done $0x0  }
0xaf: {  	[sflag:s14] =	ssyncadd.s32 $0xFFFFFFB0  }
0xb0: {  	_ =	swait.ge [sflag:s14], $0x50  }
0xb1: {  	[sflag:s14] =	ssyncset.done $0x0  }
0xb2: {  	[sflag:s14] =	ssyncadd.s32 $0xFFFFFFB0  }
0xb3: {  	_ =	swait.ge [sflag:s14], $0x50  }
0xb4: {  	[sflag:s14] =	ssyncset.done $0x0  }
0xb5: {  	[sflag:s14] =	ssyncadd.s32 $0xFFFFFFB0  }
0xb6: {  	_ =	swait.ge [sflag:s14], $0x50  }
0xb7: {  	[sflag:s14] =	ssyncset.done $0x0  }
0xb8: {  	[sflag:s14] =	ssyncadd.s32 $0xFFFFFFB0  }
0xb9: {  	_ =	swait.ge [sflag:s14], $0x50  }
0xba: {  	[sflag:s14] =	ssyncset.done $0x0  }
0xbb: {  	[sflag:s14] =	ssyncadd.s32 $0xFFFFFFB0  }
0xbc: {  	_ =	swait.ge [sflag:s14], $0x50  }
0xbd: {  	[sflag:s14] =	ssyncset.done $0x0  }
0xbe: {  	[sflag:s14] =	ssyncadd.s32 $0xFFFFFFB0  }
0xbf: {  	_ =	swait.ge [sflag:s14], $0x50  }
0xc0: {  	[sflag:s14] =	ssyncset.done $0x0  }
0xc1: {  	[sflag:s14] =	ssyncadd.s32 $0xFFFFFFB0  }
0xc2: {  	_ =	swait.ge [sflag:s14], $0x50  }
0xc3: {  	[sflag:s14] =	ssyncset.done $0x0  }
0xc4: {  	[sflag:s14] =	ssyncadd.s32 $0xFFFFFFB0  }
0xc5: {  	_ =	swait.ge [sflag:s14], $0x50  }
0xc6: {  	[sflag:s14] =	ssyncset.done $0x0  }
0xc7: {  	[sflag:s14] =	ssyncadd.s32 $0xFFFFFFB0  }
0xc8: {  	_ =	swait.ge [sflag:s14], $0x50  }
0xc9: {  	[sflag:s14] =	ssyncset.done $0x0  }
0xca: {  	[sflag:s14] =	ssyncadd.s32 $0xFFFFFFB0  }
0xcb: {  	_ =	swait.ge [sflag:s8], $0xC80  }
0xcc: {  	[sflag:s8] =	ssyncset.done $0x0  }
0xcd: {  	s1 =	rddreg [dreg:$0x6];
	[sflag:s8] =	ssyncadd.s32 $0xFFFFF380  }
0xce: {  	[tilespmem:s3], [sflag:$0x1] =	stream.linear.gather [hbm4b:s1+s3], $0xC80, $0x38;
	[tilespmem:$0x2580] =	vst v63  }
0xcf: {  	_ = 	snop  }
0xd0: {  	[spmem:s2] =	stream.indirect.scatter.add.f32 [tilespmem:s11], [sflag:$0x2], $0x1, s0, s10, $0xb8;
	[tilespmem:$0x2580] =	vst v63  }
0xd1: {  	s1 =	simm.s32 $0x1080  }
0xd2: {  	[spmem:s2] =	stream.indirect.scatter.add.f32 [tilespmem:s11], [sflag:$0x2], $0x1, s1, s10, $0xb8;
	[tilespmem:$0x2580] =	vst v63  }
0xd3: {  	_ = 	snop  }
0xd4: {  	[spmem:s2] =	stream.indirect.scatter.add.f32 [tilespmem:s11], [sflag:$0x2], $0x1, s4, s10, $0xb8;
	[tilespmem:$0x2580] =	vst v63  }
0xd5: {  	_ = 	snop  }
0xd6: {  	[spmem:s2] =	stream.indirect.scatter.add.f32 [tilespmem:s11], [sflag:$0x2], $0x1, s6, s10, $0xb8;
	[tilespmem:$0x2580] =	vst v63  }
0xd7: {  	_ = 	snop  }
0xd8: {  	[spmem:s2] =	stream.indirect.scatter.add.f32 [tilespmem:s11], [sflag:$0x2], $0x1, s9, s10, $0xb8;
	[tilespmem:$0x2580] =	vst v63  }
0xd9: {  	_ = 	snop  }
0xda: {  	[spmem:s2] =	stream.indirect.scatter.add.f32 [tilespmem:s11], [sflag:$0x2], $0x1, s12, s10, $0xb8;
	[tilespmem:$0x2580] =	vst v63  }
0xdb: {  	_ = 	snop  }
0xdc: {  	[spmem:s2] =	stream.indirect.scatter.add.f32 [tilespmem:s11], [sflag:$0x2], $0x1, s13, s10, $0xb8;
	[tilespmem:$0x2580] =	vst v63  }
0xdd: {  	_ = 	snop  }
0xde: {  	[spmem:s2] =	stream.indirect.scatter.add.f32 [tilespmem:s11], [sflag:$0x2], $0x1, s16, s10, $0xb8;
	[tilespmem:$0x2580] =	vst v63  }
0xdf: {  	_ = 	snop  }
0xe0: {  	[spmem:s2] =	stream.indirect.scatter.add.f32 [tilespmem:s11], [sflag:$0x2], $0x1, s17, s10, $0xb8;
	[tilespmem:$0x2580] =	vst v63  }
0xe1: {  	_ = 	snop  }
0xe2: {  	[spmem:s2] =	stream.indirect.scatter.add.f32 [tilespmem:s11], [sflag:$0x2], $0x1, s18, s10, $0xb8;
	[tilespmem:$0x2580] =	vst v63  }
0xe3: {  	_ = 	snop  }
0xe4: {  	[spmem:s2] =	stream.indirect.scatter.add.f32 [tilespmem:s11], [sflag:$0x2], $0x1, s19, s10, $0xb8;
	[tilespmem:$0x2580] =	vst v63  }
0xe5: {  	_ = 	snop  }
0xe6: {  	[spmem:s2] =	stream.indirect.scatter.add.f32 [tilespmem:s11], [sflag:$0x2], $0x1, s20, s10, $0xb8;
	[tilespmem:$0x2580] =	vst v63  }
0xe7: {  	_ = 	snop  }
0xe8: {  	[spmem:s2] =	stream.indirect.scatter.add.f32 [tilespmem:s11], [sflag:$0x2], $0x1, s21, s10, $0xb8;
	[tilespmem:$0x2580] =	vst v63  }
0xe9: {  	_ = 	snop  }
0xea: {  	[spmem:s2] =	stream.indirect.scatter.add.f32 [tilespmem:s11], [sflag:$0x2], $0x1, s22, s10, $0xb8;
	[tilespmem:$0x2580] =	vst v63  }
0xeb: {  	_ = 	snop  }
0xec: {  	[spmem:s2] =	stream.indirect.scatter.add.f32 [tilespmem:s11], [sflag:$0x2], $0x1, s23, s10, $0xb8;
	[tilespmem:$0x2580] =	vst v63  }
0xed: {  	_ = 	snop  }
0xee: {  	[spmem:s2] =	stream.indirect.scatter.add.f32 [tilespmem:s11], [sflag:$0x2], $0x1, s24, s10, $0xb8;
	[tilespmem:$0x2580] =	vst v63  }
0xef: {  	_ = 	snop  }
0xf0: {  	[spmem:s2] =	stream.indirect.scatter.add.f32 [tilespmem:s11], [sflag:$0x2], $0x1, s25, s10, $0xb8;
	[tilespmem:$0x2580] =	vst v63  }
0xf1: {  	_ = 	snop  }
0xf2: {  	[spmem:s2] =	stream.indirect.scatter.add.f32 [tilespmem:s11], [sflag:$0x2], $0x1, s26, s10, $0xb8;
	[tilespmem:$0x2580] =	vst v63  }
0xf3: {  	_ = 	snop  }
0xf4: {  	[spmem:s2] =	stream.indirect.scatter.add.f32 [tilespmem:s11], [sflag:$0x2], $0x1, s28, s10, $0xb8;
	[tilespmem:$0x2580] =	vst v63  }
0xf5: {  	_ = 	snop  }
0xf6: {  	[spmem:s2] =	stream.indirect.scatter.add.f32 [tilespmem:s11], [sflag:$0x2], $0x1, s29, s10, $0xb8;
	[tilespmem:$0x2580] =	vst v63  }
0xf7: {  	_ = 	snop  }
0xf8: {  	[spmem:s2] =	stream.indirect.scatter.add.f32 [tilespmem:s11], [sflag:$0x2], $0x1, s30, s10, $0xb8;
	[tilespmem:$0x2580] =	vst v63  }
0xf9: {  	_ = 	snop  }
0xfa: {  	[spmem:s2] =	stream.indirect.scatter.add.f32 [tilespmem:s11], [sflag:$0x2], $0x1, s31, s10, $0xb8;
	[tilespmem:$0x2580] =	vst v63  }
0xfb: {  	s15 =	simm.s32 $0x1B00  }
0xfc: {  	[spmem:s2] =	stream.indirect.scatter.add.f32 [tilespmem:s11], [sflag:$0x2], $0x1, s15, s10, $0xb8;
	[tilespmem:$0x2580] =	vst v63  }
0xfd: {  	s15 =	simm.s32 $0x1B80  }
0xfe: {  	[spmem:s2] =	stream.indirect.scatter.add.f32 [tilespmem:s11], [sflag:$0x2], $0x1, s15, s10, $0xb8;
	[tilespmem:$0x2580] =	vst v63  }
0xff: {  	s15 =	simm.s32 $0x1C00  }
0x100: {  	[spmem:s2] =	stream.indirect.scatter.add.f32 [tilespmem:s11], [sflag:$0x2], $0x1, s15, s10, $0xb8;
	[tilespmem:$0x2580] =	vst v63  }
0x101: {  	_ =	swait.ge [sflag:s14], $0x50  }
0x102: {  	[sflag:s14] =	ssyncset.done $0x0  }
0x103: {  	[sflag:s14] =	ssyncadd.s32 $0xFFFFFFB0  }
0x104: {  	_ =	swait.ge [sflag:s14], $0x50  }
0x105: {  	[sflag:s14] =	ssyncset.done $0x0  }
0x106: {  	[sflag:s14] =	ssyncadd.s32 $0xFFFFFFB0  }
0x107: {  	_ =	swait.ge [sflag:s14], $0x50  }
0x108: {  	[sflag:s14] =	ssyncset.done $0x0  }
0x109: {  	[sflag:s14] =	ssyncadd.s32 $0xFFFFFFB0  }
0x10a: {  	_ =	swait.ge [sflag:s14], $0x50  }
0x10b: {  	[sflag:s14] =	ssyncset.done $0x0  }
0x10c: {  	[sflag:s14] =	ssyncadd.s32 $0xFFFFFFB0  }
0x10d: {  	_ =	swait.ge [sflag:s14], $0x50  }
0x10e: {  	[sflag:s14] =	ssyncset.done $0x0  }
0x10f: {  	[sflag:s14] =	ssyncadd.s32 $0xFFFFFFB0  }
0x110: {  	_ =	swait.ge [sflag:s14], $0x50  }
0x111: {  	[sflag:s14] =	ssyncset.done $0x0  }
0x112: {  	[sflag:s14] =	ssyncadd.s32 $0xFFFFFFB0  }
0x113: {  	_ =	swait.ge [sflag:s14], $0x50  }
0x114: {  	[sflag:s14] =	ssyncset.done $0x0  }
0x115: {  	[sflag:s14] =	ssyncadd.s32 $0xFFFFFFB0  }
0x116: {  	_ =	swait.ge [sflag:s14], $0x50  }
0x117: {  	[sflag:s14] =	ssyncset.done $0x0  }
0x118: {  	[sflag:s14] =	ssyncadd.s32 $0xFFFFFFB0  }
0x119: {  	_ =	swait.ge [sflag:s14], $0x50  }
0x11a: {  	[sflag:s14] =	ssyncset.done $0x0  }
0x11b: {  	[sflag:s14] =	ssyncadd.s32 $0xFFFFFFB0  }
0x11c: {  	_ =	swait.ge [sflag:s14], $0x50  }
0x11d: {  	[sflag:s14] =	ssyncset.done $0x0  }
0x11e: {  	[sflag:s14] =	ssyncadd.s32 $0xFFFFFFB0  }
0x11f: {  	_ =	swait.ge [sflag:s14], $0x50  }
0x120: {  	[sflag:s14] =	ssyncset.done $0x0  }
0x121: {  	[sflag:s14] =	ssyncadd.s32 $0xFFFFFFB0  }
0x122: {  	_ =	swait.ge [sflag:s14], $0x50  }
0x123: {  	[sflag:s14] =	ssyncset.done $0x0  }
0x124: {  	[sflag:s14] =	ssyncadd.s32 $0xFFFFFFB0  }
0x125: {  	_ =	swait.ge [sflag:s14], $0x50  }
0x126: {  	[sflag:s14] =	ssyncset.done $0x0  }
0x127: {  	[sflag:s14] =	ssyncadd.s32 $0xFFFFFFB0  }
0x128: {  	_ =	swait.ge [sflag:s14], $0x50  }
0x129: {  	[sflag:s14] =	ssyncset.done $0x0  }
0x12a: {  	[sflag:s14] =	ssyncadd.s32 $0xFFFFFFB0  }
0x12b: {  	_ =	swait.ge [sflag:s14], $0x50  }
0x12c: {  	[sflag:s14] =	ssyncset.done $0x0  }
0x12d: {  	[sflag:s14] =	ssyncadd.s32 $0xFFFFFFB0  }
0x12e: {  	_ =	swait.ge [sflag:s14], $0x50  }
0x12f: {  	[sflag:s14] =	ssyncset.done $0x0  }
0x130: {  	[sflag:s14] =	ssyncadd.s32 $0xFFFFFFB0  }
0x131: {  	_ =	swait.ge [sflag:s14], $0x50  }
0x132: {  	[sflag:s14] =	ssyncset.done $0x0  }
0x133: {  	[sflag:s14] =	ssyncadd.s32 $0xFFFFFFB0  }
0x134: {  	_ =	swait.ge [sflag:s14], $0x50  }
0x135: {  	[sflag:s14] =	ssyncset.done $0x0  }
0x136: {  	[sflag:s14] =	ssyncadd.s32 $0xFFFFFFB0  }
0x137: {  	_ =	swait.ge [sflag:s14], $0x50  }
0x138: {  	[sflag:s14] =	ssyncset.done $0x0  }
0x139: {  	[sflag:s14] =	ssyncadd.s32 $0xFFFFFFB0  }
0x13a: {  	_ =	swait.ge [sflag:s14], $0x50  }
0x13b: {  	[sflag:s14] =	ssyncset.done $0x0  }
0x13c: {  	[sflag:s14] =	ssyncadd.s32 $0xFFFFFFB0  }
0x13d: {  	_ =	swait.ge [sflag:s14], $0x50  }
0x13e: {  	[sflag:s14] =	ssyncset.done $0x0  }
0x13f: {  	[sflag:s14] =	ssyncadd.s32 $0xFFFFFFB0  }
0x140: {  	_ =	swait.ge [sflag:s14], $0x50  }
0x141: {  	[sflag:s14] =	ssyncset.done $0x0  }
0x142: {  	[sflag:s14] =	ssyncadd.s32 $0xFFFFFFB0  }
0x143: {  	_ =	swait.ge [sflag:s14], $0x50  }
0x144: {  	[sflag:s14] =	ssyncset.done $0x0  }
0x145: {  	[sflag:s14] =	ssyncadd.s32 $0xFFFFFFB0  }
0x146: {  	_ =	swait.ge [sflag:s14], $0x50  }
0x147: {  	[sflag:s14] =	ssyncset.done $0x0  }
0x148: {  	[sflag:s14] =	ssyncadd.s32 $0xFFFFFFB0  }
0x149: {  	_ =	swait.ge [sflag:s14], $0x50  }
0x14a: {  	[sflag:s14] =	ssyncset.done $0x0  }
0x14b: {  	[sflag:s14] =	ssyncadd.s32 $0xFFFFFFB0  }
0x14c: {  	_ =	swait.ge [sflag:s8], $0xC80  }
0x14d: {  	[sflag:s8] =	ssyncset.done $0x0  }
0x14e: {  	s15 =	rddreg [dreg:$0x7];
	[sflag:s8] =	ssyncadd.s32 $0xFFFFF380  }
0x14f: {  	[tilespmem:s0], [sflag:$0x1] =	stream.linear.gather [hbm4b:s15+s3], $0xC80, $0x38;
	[tilespmem:$0x2580] =	vst v63  }
0x150: {  	_ = 	snop  }
0x151: {  	[spmem:s2] =	stream.indirect.scatter.add.f32 [tilespmem:s11], [sflag:$0x2], $0x1, s3, s10, $0xb8;
	[tilespmem:$0x2580] =	vst v63  }
0x152: {  	s15 =	simm.s32 $0x80  }
0x153: {  	[spmem:s2] =	stream.indirect.scatter.add.f32 [tilespmem:s11], [sflag:$0x2], $0x1, s15, s10, $0xb8;
	[tilespmem:$0x2580] =	vst v63  }
0x154: {  	s15 =	simm.s32 $0x100  }
0x155: {  	[spmem:s2] =	stream.indirect.scatter.add.f32 [tilespmem:s11], [sflag:$0x2], $0x1, s15, s10, $0xb8;
	[tilespmem:$0x2580] =	vst v63  }
0x156: {  	s15 =	simm.s32 $0x180  }
0x157: {  	[spmem:s2] =	stream.indirect.scatter.add.f32 [tilespmem:s11], [sflag:$0x2], $0x1, s15, s10, $0xb8;
	[tilespmem:$0x2580] =	vst v63  }
0x158: {  	s15 =	simm.s32 $0x200  }
0x159: {  	[spmem:s2] =	stream.indirect.scatter.add.f32 [tilespmem:s11], [sflag:$0x2], $0x1, s15, s10, $0xb8;
	[tilespmem:$0x2580] =	vst v63  }
0x15a: {  	s15 =	simm.s32 $0x280  }
0x15b: {  	[spmem:s2] =	stream.indirect.scatter.add.f32 [tilespmem:s11], [sflag:$0x2], $0x1, s15, s10, $0xb8;
	[tilespmem:$0x2580] =	vst v63  }
0x15c: {  	s15 =	simm.s32 $0x300  }
0x15d: {  	[spmem:s2] =	stream.indirect.scatter.add.f32 [tilespmem:s11], [sflag:$0x2], $0x1, s15, s10, $0xb8;
	[tilespmem:$0x2580] =	vst v63  }
0x15e: {  	s15 =	simm.s32 $0x380  }
0x15f: {  	[spmem:s2] =	stream.indirect.scatter.add.f32 [tilespmem:s11], [sflag:$0x2], $0x1, s15, s10, $0xb8;
	[tilespmem:$0x2580] =	vst v63  }
0x160: {  	s15 =	simm.s32 $0x400  }
0x161: {  	[spmem:s2] =	stream.indirect.scatter.add.f32 [tilespmem:s11], [sflag:$0x2], $0x1, s15, s10, $0xb8;
	[tilespmem:$0x2580] =	vst v63  }
0x162: {  	s15 =	simm.s32 $0x480  }
0x163: {  	[spmem:s2] =	stream.indirect.scatter.add.f32 [tilespmem:s11], [sflag:$0x2], $0x1, s15, s10, $0xb8;
	[tilespmem:$0x2580] =	vst v63  }
0x164: {  	s15 =	simm.s32 $0x500  }
0x165: {  	[spmem:s2] =	stream.indirect.scatter.add.f32 [tilespmem:s11], [sflag:$0x2], $0x1, s15, s10, $0xb8;
	[tilespmem:$0x2580] =	vst v63  }
0x166: {  	s15 =	simm.s32 $0x580  }
0x167: {  	[spmem:s2] =	stream.indirect.scatter.add.f32 [tilespmem:s11], [sflag:$0x2], $0x1, s15, s10, $0xb8;
	[tilespmem:$0x2580] =	vst v63  }
0x168: {  	s15 =	simm.s32 $0x600  }
0x169: {  	[spmem:s2] =	stream.indirect.scatter.add.f32 [tilespmem:s11], [sflag:$0x2], $0x1, s15, s10, $0xb8;
	[tilespmem:$0x2580] =	vst v63  }
0x16a: {  	s15 =	simm.s32 $0x680  }
0x16b: {  	[spmem:s2] =	stream.indirect.scatter.add.f32 [tilespmem:s11], [sflag:$0x2], $0x1, s15, s10, $0xb8;
	[tilespmem:$0x2580] =	vst v63  }
0x16c: {  	s15 =	simm.s32 $0x700  }
0x16d: {  	[spmem:s2] =	stream.indirect.scatter.add.f32 [tilespmem:s11], [sflag:$0x2], $0x1, s15, s10, $0xb8;
	[tilespmem:$0x2580] =	vst v63  }
0x16e: {  	s15 =	simm.s32 $0x780  }
0x16f: {  	[spmem:s2] =	stream.indirect.scatter.add.f32 [tilespmem:s11], [sflag:$0x2], $0x1, s15, s10, $0xb8;
	[tilespmem:$0x2580] =	vst v63  }
0x170: {  	s15 =	simm.s32 $0x800  }
0x171: {  	[spmem:s2] =	stream.indirect.scatter.add.f32 [tilespmem:s11], [sflag:$0x2], $0x1, s15, s10, $0xb8;
	[tilespmem:$0x2580] =	vst v63  }
0x172: {  	s15 =	simm.s32 $0x880  }
0x173: {  	[spmem:s2] =	stream.indirect.scatter.add.f32 [tilespmem:s11], [sflag:$0x2], $0x1, s15, s10, $0xb8;
	[tilespmem:$0x2580] =	vst v63  }
0x174: {  	s15 =	simm.s32 $0x900  }
0x175: {  	[spmem:s2] =	stream.indirect.scatter.add.f32 [tilespmem:s11], [sflag:$0x2], $0x1, s15, s10, $0xb8;
	[tilespmem:$0x2580] =	vst v63  }
0x176: {  	s15 =	simm.s32 $0x980  }
0x177: {  	[spmem:s2] =	stream.indirect.scatter.add.f32 [tilespmem:s11], [sflag:$0x2], $0x1, s15, s10, $0xb8;
	[tilespmem:$0x2580] =	vst v63  }
0x178: {  	s15 =	simm.s32 $0xA00  }
0x179: {  	[spmem:s2] =	stream.indirect.scatter.add.f32 [tilespmem:s11], [sflag:$0x2], $0x1, s15, s10, $0xb8;
	[tilespmem:$0x2580] =	vst v63  }
0x17a: {  	s15 =	simm.s32 $0xA80  }
0x17b: {  	[spmem:s2] =	stream.indirect.scatter.add.f32 [tilespmem:s11], [sflag:$0x2], $0x1, s15, s10, $0xb8;
	[tilespmem:$0x2580] =	vst v63  }
0x17c: {  	s15 =	simm.s32 $0xB00  }
0x17d: {  	[spmem:s2] =	stream.indirect.scatter.add.f32 [tilespmem:s11], [sflag:$0x2], $0x1, s15, s10, $0xb8;
	[tilespmem:$0x2580] =	vst v63  }
0x17e: {  	s15 =	simm.s32 $0xB80  }
0x17f: {  	[spmem:s2] =	stream.indirect.scatter.add.f32 [tilespmem:s11], [sflag:$0x2], $0x1, s15, s10, $0xb8;
	[tilespmem:$0x2580] =	vst v63  }
0x180: {  	s15 =	simm.s32 $0xC00  }
0x181: {  	[spmem:s2] =	stream.indirect.scatter.add.f32 [tilespmem:s11], [sflag:$0x2], $0x1, s15, s10, $0xb8;
	[tilespmem:$0x2580] =	vst v63  }
0x182: {  	_ =	swait.ge [sflag:s14], $0x50  }
0x183: {  	[sflag:s14] =	ssyncset.done $0x0  }
0x184: {  	[sflag:s14] =	ssyncadd.s32 $0xFFFFFFB0  }
0x185: {  	_ =	swait.ge [sflag:s14], $0x50  }
0x186: {  	[sflag:s14] =	ssyncset.done $0x0  }
0x187: {  	[sflag:s14] =	ssyncadd.s32 $0xFFFFFFB0  }
0x188: {  	_ =	swait.ge [sflag:s14], $0x50  }
0x189: {  	[sflag:s14] =	ssyncset.done $0x0  }
0x18a: {  	[sflag:s14] =	ssyncadd.s32 $0xFFFFFFB0  }
0x18b: {  	_ =	swait.ge [sflag:s14], $0x50  }
0x18c: {  	[sflag:s14] =	ssyncset.done $0x0  }
0x18d: {  	[sflag:s14] =	ssyncadd.s32 $0xFFFFFFB0  }
0x18e: {  	_ =	swait.ge [sflag:s14], $0x50  }
0x18f: {  	[sflag:s14] =	ssyncset.done $0x0  }
0x190: {  	[sflag:s14] =	ssyncadd.s32 $0xFFFFFFB0  }
0x191: {  	_ =	swait.ge [sflag:s14], $0x50  }
0x192: {  	[sflag:s14] =	ssyncset.done $0x0  }
0x193: {  	[sflag:s14] =	ssyncadd.s32 $0xFFFFFFB0  }
0x194: {  	_ =	swait.ge [sflag:s14], $0x50  }
0x195: {  	[sflag:s14] =	ssyncset.done $0x0  }
0x196: {  	[sflag:s14] =	ssyncadd.s32 $0xFFFFFFB0  }
0x197: {  	_ =	swait.ge [sflag:s14], $0x50  }
0x198: {  	[sflag:s14] =	ssyncset.done $0x0  }
0x199: {  	[sflag:s14] =	ssyncadd.s32 $0xFFFFFFB0  }
0x19a: {  	_ =	swait.ge [sflag:s14], $0x50  }
0x19b: {  	[sflag:s14] =	ssyncset.done $0x0  }
0x19c: {  	[sflag:s14] =	ssyncadd.s32 $0xFFFFFFB0  }
0x19d: {  	_ =	swait.ge [sflag:s14], $0x50  }
0x19e: {  	[sflag:s14] =	ssyncset.done $0x0  }
0x19f: {  	[sflag:s14] =	ssyncadd.s32 $0xFFFFFFB0  }
0x1a0: {  	_ =	swait.ge [sflag:s14], $0x50  }
0x1a1: {  	[sflag:s14] =	ssyncset.done $0x0  }
0x1a2: {  	[sflag:s14] =	ssyncadd.s32 $0xFFFFFFB0  }
0x1a3: {  	_ =	swait.ge [sflag:s14], $0x50  }
0x1a4: {  	[sflag:s14] =	ssyncset.done $0x0  }
0x1a5: {  	[sflag:s14] =	ssyncadd.s32 $0xFFFFFFB0  }
0x1a6: {  	_ =	swait.ge [sflag:s14], $0x50  }
0x1a7: {  	[sflag:s14] =	ssyncset.done $0x0  }
0x1a8: {  	[sflag:s14] =	ssyncadd.s32 $0xFFFFFFB0  }
0x1a9: {  	_ =	swait.ge [sflag:s14], $0x50  }
0x1aa: {  	[sflag:s14] =	ssyncset.done $0x0  }
0x1ab: {  	[sflag:s14] =	ssyncadd.s32 $0xFFFFFFB0  }
0x1ac: {  	_ =	swait.ge [sflag:s14], $0x50  }
0x1ad: {  	[sflag:s14] =	ssyncset.done $0x0  }
0x1ae: {  	[sflag:s14] =	ssyncadd.s32 $0xFFFFFFB0  }
0x1af: {  	_ =	swait.ge [sflag:s14], $0x50  }
0x1b0: {  	[sflag:s14] =	ssyncset.done $0x0  }
0x1b1: {  	[sflag:s14] =	ssyncadd.s32 $0xFFFFFFB0  }
0x1b2: {  	_ =	swait.ge [sflag:s14], $0x50  }
0x1b3: {  	[sflag:s14] =	ssyncset.done $0x0  }
0x1b4: {  	[sflag:s14] =	ssyncadd.s32 $0xFFFFFFB0  }
0x1b5: {  	_ =	swait.ge [sflag:s14], $0x50  }
0x1b6: {  	[sflag:s14] =	ssyncset.done $0x0  }
0x1b7: {  	[sflag:s14] =	ssyncadd.s32 $0xFFFFFFB0  }
0x1b8: {  	_ =	swait.ge [sflag:s14], $0x50  }
0x1b9: {  	[sflag:s14] =	ssyncset.done $0x0  }
0x1ba: {  	[sflag:s14] =	ssyncadd.s32 $0xFFFFFFB0  }
0x1bb: {  	_ =	swait.ge [sflag:s14], $0x50  }
0x1bc: {  	[sflag:s14] =	ssyncset.done $0x0  }
0x1bd: {  	[sflag:s14] =	ssyncadd.s32 $0xFFFFFFB0  }
0x1be: {  	_ =	swait.ge [sflag:s14], $0x50  }
0x1bf: {  	[sflag:s14] =	ssyncset.done $0x0  }
0x1c0: {  	[sflag:s14] =	ssyncadd.s32 $0xFFFFFFB0  }
0x1c1: {  	_ =	swait.ge [sflag:s14], $0x50  }
0x1c2: {  	[sflag:s14] =	ssyncset.done $0x0  }
0x1c3: {  	[sflag:s14] =	ssyncadd.s32 $0xFFFFFFB0  }
0x1c4: {  	_ =	swait.ge [sflag:s14], $0x50  }
0x1c5: {  	[sflag:s14] =	ssyncset.done $0x0  }
0x1c6: {  	[sflag:s14] =	ssyncadd.s32 $0xFFFFFFB0  }
0x1c7: {  	_ =	swait.ge [sflag:s14], $0x50  }
0x1c8: {  	[sflag:s14] =	ssyncset.done $0x0  }
0x1c9: {  	[sflag:s14] =	ssyncadd.s32 $0xFFFFFFB0  }
0x1ca: {  	_ =	swait.ge [sflag:s14], $0x50  }
0x1cb: {  	[sflag:s14] =	ssyncset.done $0x0  }
0x1cc: {  	[sflag:s14] =	ssyncadd.s32 $0xFFFFFFB0  }
0x1cd: {  	_ =	swait.ge [sflag:s8], $0xC80  }
0x1ce: {  	[sflag:s8] =	ssyncset.done $0x0  }
0x1cf: {  	s15 =	rddreg [dreg:$0x8];
	[sflag:s8] =	ssyncadd.s32 $0xFFFFF380  }
0x1d0: {  	[tilespmem:s3], [sflag:$0x1] =	stream.linear.gather [hbm4b:s15+s3], $0xC80, $0x38;
	[tilespmem:$0x2580] =	vst v63  }
0x1d1: {  	_ = 	snop  }
0x1d2: {  	[spmem:s2] =	stream.indirect.scatter.add.f32 [tilespmem:s11], [sflag:$0x2], $0x1, s0, s10, $0xb8;
	[tilespmem:$0x2580] =	vst v63  }
0x1d3: {  	_ = 	snop  }
0x1d4: {  	[spmem:s2] =	stream.indirect.scatter.add.f32 [tilespmem:s11], [sflag:$0x2], $0x1, s1, s10, $0xb8;
	[tilespmem:$0x2580] =	vst v63  }
0x1d5: {  	_ = 	snop  }
0x1d6: {  	[spmem:s2] =	stream.indirect.scatter.add.f32 [tilespmem:s11], [sflag:$0x2], $0x1, s4, s10, $0xb8;
	[tilespmem:$0x2580] =	vst v63  }
0x1d7: {  	_ = 	snop  }
0x1d8: {  	[spmem:s2] =	stream.indirect.scatter.add.f32 [tilespmem:s11], [sflag:$0x2], $0x1, s6, s10, $0xb8;
	[tilespmem:$0x2580] =	vst v63  }
0x1d9: {  	_ = 	snop  }
0x1da: {  	[spmem:s2] =	stream.indirect.scatter.add.f32 [tilespmem:s11], [sflag:$0x2], $0x1, s9, s10, $0xb8;
	[tilespmem:$0x2580] =	vst v63  }
0x1db: {  	_ = 	snop  }
0x1dc: {  	[spmem:s2] =	stream.indirect.scatter.add.f32 [tilespmem:s11], [sflag:$0x2], $0x1, s12, s10, $0xb8;
	[tilespmem:$0x2580] =	vst v63  }
0x1dd: {  	_ = 	snop  }
0x1de: {  	[spmem:s2] =	stream.indirect.scatter.add.f32 [tilespmem:s11], [sflag:$0x2], $0x1, s13, s10, $0xb8;
	[tilespmem:$0x2580] =	vst v63  }
0x1df: {  	_ = 	snop  }
0x1e0: {  	[spmem:s2] =	stream.indirect.scatter.add.f32 [tilespmem:s11], [sflag:$0x2], $0x1, s16, s10, $0xb8;
	[tilespmem:$0x2580] =	vst v63  }
0x1e1: {  	_ = 	snop  }
0x1e2: {  	[spmem:s2] =	stream.indirect.scatter.add.f32 [tilespmem:s11], [sflag:$0x2], $0x1, s17, s10, $0xb8;
	[tilespmem:$0x2580] =	vst v63  }
0x1e3: {  	_ = 	snop  }
0x1e4: {  	[spmem:s2] =	stream.indirect.scatter.add.f32 [tilespmem:s11], [sflag:$0x2], $0x1, s18, s10, $0xb8;
	[tilespmem:$0x2580] =	vst v63  }
0x1e5: {  	_ = 	snop  }
0x1e6: {  	[spmem:s2] =	stream.indirect.scatter.add.f32 [tilespmem:s11], [sflag:$0x2], $0x1, s19, s10, $0xb8;
	[tilespmem:$0x2580] =	vst v63  }
0x1e7: {  	_ = 	snop  }
0x1e8: {  	[spmem:s2] =	stream.indirect.scatter.add.f32 [tilespmem:s11], [sflag:$0x2], $0x1, s20, s10, $0xb8;
	[tilespmem:$0x2580] =	vst v63  }
0x1e9: {  	_ = 	snop  }
0x1ea: {  	[spmem:s2] =	stream.indirect.scatter.add.f32 [tilespmem:s11], [sflag:$0x2], $0x1, s21, s10, $0xb8;
	[tilespmem:$0x2580] =	vst v63  }
0x1eb: {  	_ = 	snop  }
0x1ec: {  	[spmem:s2] =	stream.indirect.scatter.add.f32 [tilespmem:s11], [sflag:$0x2], $0x1, s22, s10, $0xb8;
	[tilespmem:$0x2580] =	vst v63  }
0x1ed: {  	_ = 	snop  }
0x1ee: {  	[spmem:s2] =	stream.indirect.scatter.add.f32 [tilespmem:s11], [sflag:$0x2], $0x1, s23, s10, $0xb8;
	[tilespmem:$0x2580] =	vst v63  }
0x1ef: {  	_ = 	snop  }
0x1f0: {  	[spmem:s2] =	stream.indirect.scatter.add.f32 [tilespmem:s11], [sflag:$0x2], $0x1, s24, s10, $0xb8;
	[tilespmem:$0x2580] =	vst v63  }
0x1f1: {  	_ = 	snop  }
0x1f2: {  	[spmem:s2] =	stream.indirect.scatter.add.f32 [tilespmem:s11], [sflag:$0x2], $0x1, s25, s10, $0xb8;
	[tilespmem:$0x2580] =	vst v63  }
0x1f3: {  	_ = 	snop  }
0x1f4: {  	[spmem:s2] =	stream.indirect.scatter.add.f32 [tilespmem:s11], [sflag:$0x2], $0x1, s26, s10, $0xb8;
	[tilespmem:$0x2580] =	vst v63  }
0x1f5: {  	_ = 	snop  }
0x1f6: {  	[spmem:s2] =	stream.indirect.scatter.add.f32 [tilespmem:s11], [sflag:$0x2], $0x1, s28, s10, $0xb8;
	[tilespmem:$0x2580] =	vst v63  }
0x1f7: {  	_ = 	snop  }
0x1f8: {  	[spmem:s2] =	stream.indirect.scatter.add.f32 [tilespmem:s11], [sflag:$0x2], $0x1, s29, s10, $0xb8;
	[tilespmem:$0x2580] =	vst v63  }
0x1f9: {  	_ = 	snop  }
0x1fa: {  	[spmem:s2] =	stream.indirect.scatter.add.f32 [tilespmem:s11], [sflag:$0x2], $0x1, s30, s10, $0xb8;
	[tilespmem:$0x2580] =	vst v63  }
0x1fb: {  	_ = 	snop  }
0x1fc: {  	[spmem:s2] =	stream.indirect.scatter.add.f32 [tilespmem:s11], [sflag:$0x2], $0x1, s31, s10, $0xb8;
	[tilespmem:$0x2580] =	vst v63  }
0x1fd: {  	s1 =	simm.s32 $0x1B00  }
0x1fe: {  	[spmem:s2] =	stream.indirect.scatter.add.f32 [tilespmem:s11], [sflag:$0x2], $0x1, s1, s10, $0xb8;
	[tilespmem:$0x2580] =	vst v63  }
0x1ff: {  	s15 =	simm.s32 $0x1B80  }
0x200: {  	[spmem:s2] =	stream.indirect.scatter.add.f32 [tilespmem:s11], [sflag:$0x2], $0x1, s15, s10, $0xb8;
	[tilespmem:$0x2580] =	vst v63  }
0x201: {  	s1 =	simm.s32 $0x1C00  }
0x202: {  	[spmem:s2] =	stream.indirect.scatter.add.f32 [tilespmem:s11], [sflag:$0x2], $0x1, s1, s10, $0xb8;
	[tilespmem:$0x2580] =	vst v63  }
0x203: {  	_ =	swait.ge [sflag:s14], $0x50  }
0x204: {  	[sflag:s14] =	ssyncset.done $0x0  }
0x205: {  	[sflag:s14] =	ssyncadd.s32 $0xFFFFFFB0  }
0x206: {  	_ =	swait.ge [sflag:s14], $0x50  }
0x207: {  	[sflag:s14] =	ssyncset.done $0x0  }
0x208: {  	[sflag:s14] =	ssyncadd.s32 $0xFFFFFFB0  }
0x209: {  	_ =	swait.ge [sflag:s14], $0x50  }
0x20a: {  	[sflag:s14] =	ssyncset.done $0x0  }
0x20b: {  	[sflag:s14] =	ssyncadd.s32 $0xFFFFFFB0  }
0x20c: {  	_ =	swait.ge [sflag:s14], $0x50  }
0x20d: {  	[sflag:s14] =	ssyncset.done $0x0  }
0x20e: {  	[sflag:s14] =	ssyncadd.s32 $0xFFFFFFB0  }
0x20f: {  	_ =	swait.ge [sflag:s14], $0x50  }
0x210: {  	[sflag:s14] =	ssyncset.done $0x0  }
0x211: {  	[sflag:s14] =	ssyncadd.s32 $0xFFFFFFB0  }
0x212: {  	_ =	swait.ge [sflag:s14], $0x50  }
0x213: {  	[sflag:s14] =	ssyncset.done $0x0  }
0x214: {  	[sflag:s14] =	ssyncadd.s32 $0xFFFFFFB0  }
0x215: {  	_ =	swait.ge [sflag:s14], $0x50  }
0x216: {  	[sflag:s14] =	ssyncset.done $0x0  }
0x217: {  	[sflag:s14] =	ssyncadd.s32 $0xFFFFFFB0  }
0x218: {  	_ =	swait.ge [sflag:s14], $0x50  }
0x219: {  	[sflag:s14] =	ssyncset.done $0x0  }
0x21a: {  	[sflag:s14] =	ssyncadd.s32 $0xFFFFFFB0  }
0x21b: {  	_ =	swait.ge [sflag:s14], $0x50  }
0x21c: {  	[sflag:s14] =	ssyncset.done $0x0  }
0x21d: {  	[sflag:s14] =	ssyncadd.s32 $0xFFFFFFB0  }
0x21e: {  	_ =	swait.ge [sflag:s14], $0x50  }
0x21f: {  	[sflag:s14] =	ssyncset.done $0x0  }
0x220: {  	[sflag:s14] =	ssyncadd.s32 $0xFFFFFFB0  }
0x221: {  	_ =	swait.ge [sflag:s14], $0x50  }
0x222: {  	[sflag:s14] =	ssyncset.done $0x0  }
0x223: {  	[sflag:s14] =	ssyncadd.s32 $0xFFFFFFB0  }
0x224: {  	_ =	swait.ge [sflag:s14], $0x50  }
0x225: {  	[sflag:s14] =	ssyncset.done $0x0  }
0x226: {  	[sflag:s14] =	ssyncadd.s32 $0xFFFFFFB0  }
0x227: {  	_ =	swait.ge [sflag:s14], $0x50  }
0x228: {  	[sflag:s14] =	ssyncset.done $0x0  }
0x229: {  	[sflag:s14] =	ssyncadd.s32 $0xFFFFFFB0  }
0x22a: {  	_ =	swait.ge [sflag:s14], $0x50  }
0x22b: {  	[sflag:s14] =	ssyncset.done $0x0  }
0x22c: {  	[sflag:s14] =	ssyncadd.s32 $0xFFFFFFB0  }
0x22d: {  	_ =	swait.ge [sflag:s14], $0x50  }
0x22e: {  	[sflag:s14] =	ssyncset.done $0x0  }
0x22f: {  	[sflag:s14] =	ssyncadd.s32 $0xFFFFFFB0  }
0x230: {  	_ =	swait.ge [sflag:s14], $0x50  }
0x231: {  	[sflag:s14] =	ssyncset.done $0x0  }
0x232: {  	[sflag:s14] =	ssyncadd.s32 $0xFFFFFFB0  }
0x233: {  	_ =	swait.ge [sflag:s14], $0x50  }
0x234: {  	[sflag:s14] =	ssyncset.done $0x0  }
0x235: {  	[sflag:s14] =	ssyncadd.s32 $0xFFFFFFB0  }
0x236: {  	_ =	swait.ge [sflag:s14], $0x50  }
0x237: {  	[sflag:s14] =	ssyncset.done $0x0  }
0x238: {  	[sflag:s14] =	ssyncadd.s32 $0xFFFFFFB0  }
0x239: {  	_ =	swait.ge [sflag:s14], $0x50  }
0x23a: {  	[sflag:s14] =	ssyncset.done $0x0  }
0x23b: {  	[sflag:s14] =	ssyncadd.s32 $0xFFFFFFB0  }
0x23c: {  	_ =	swait.ge [sflag:s14], $0x50  }
0x23d: {  	[sflag:s14] =	ssyncset.done $0x0  }
0x23e: {  	[sflag:s14] =	ssyncadd.s32 $0xFFFFFFB0  }
0x23f: {  	_ =	swait.ge [sflag:s14], $0x50  }
0x240: {  	[sflag:s14] =	ssyncset.done $0x0  }
0x241: {  	[sflag:s14] =	ssyncadd.s32 $0xFFFFFFB0  }
0x242: {  	_ =	swait.ge [sflag:s14], $0x50  }
0x243: {  	[sflag:s14] =	ssyncset.done $0x0  }
0x244: {  	[sflag:s14] =	ssyncadd.s32 $0xFFFFFFB0  }
0x245: {  	_ =	swait.ge [sflag:s14], $0x50  }
0x246: {  	[sflag:s14] =	ssyncset.done $0x0  }
0x247: {  	[sflag:s14] =	ssyncadd.s32 $0xFFFFFFB0  }
0x248: {  	_ =	swait.ge [sflag:s14], $0x50  }
0x249: {  	[sflag:s14] =	ssyncset.done $0x0  }
0x24a: {  	[sflag:s14] =	ssyncadd.s32 $0xFFFFFFB0  }
0x24b: {  	_ =	swait.ge [sflag:s14], $0x50  }
0x24c: {  	[sflag:s14] =	ssyncset.done $0x0  }
0x24d: {  	[sflag:s14] =	ssyncadd.s32 $0xFFFFFFB0  }
0x24e: {  	_ =	swait.ge [sflag:s8], $0xC80  }
0x24f: {  	[sflag:s8] =	ssyncset.done $0x0  }
0x250: {  	[sflag:s8] =	ssyncadd.s32 $0xFFFFF380  }
0x251: {  	[spmem:s2] =	stream.indirect.scatter.add.f32 [tilespmem:s11], [sflag:$0x2], $0x1, s3, s10, $0xb8;
	[tilespmem:$0x2580] =	vst v63  }
0x252: {  	s15 =	simm.s32 $0x80  }
0x253: {  	[spmem:s2] =	stream.indirect.scatter.add.f32 [tilespmem:s11], [sflag:$0x2], $0x1, s15, s10, $0xb8;
	[tilespmem:$0x2580] =	vst v63  }
0x254: {  	s1 =	simm.s32 $0x100  }
0x255: {  	[spmem:s2] =	stream.indirect.scatter.add.f32 [tilespmem:s11], [sflag:$0x2], $0x1, s1, s10, $0xb8;
	[tilespmem:$0x2580] =	vst v63  }
0x256: {  	s15 =	simm.s32 $0x180  }
0x257: {  	[spmem:s2] =	stream.indirect.scatter.add.f32 [tilespmem:s11], [sflag:$0x2], $0x1, s15, s10, $0xb8;
	[tilespmem:$0x2580] =	vst v63  }
0x258: {  	s1 =	simm.s32 $0x200  }
0x259: {  	[spmem:s2] =	stream.indirect.scatter.add.f32 [tilespmem:s11], [sflag:$0x2], $0x1, s1, s10, $0xb8;
	[tilespmem:$0x2580] =	vst v63  }
0x25a: {  	s15 =	simm.s32 $0x280  }
0x25b: {  	[spmem:s2] =	stream.indirect.scatter.add.f32 [tilespmem:s11], [sflag:$0x2], $0x1, s15, s10, $0xb8;
	[tilespmem:$0x2580] =	vst v63  }
0x25c: {  	s1 =	simm.s32 $0x300  }
0x25d: {  	[spmem:s2] =	stream.indirect.scatter.add.f32 [tilespmem:s11], [sflag:$0x2], $0x1, s1, s10, $0xb8;
	[tilespmem:$0x2580] =	vst v63  }
0x25e: {  	s15 =	simm.s32 $0x380  }
0x25f: {  	[spmem:s2] =	stream.indirect.scatter.add.f32 [tilespmem:s11], [sflag:$0x2], $0x1, s15, s10, $0xb8;
	[tilespmem:$0x2580] =	vst v63  }
0x260: {  	s1 =	simm.s32 $0x400  }
0x261: {  	[spmem:s2] =	stream.indirect.scatter.add.f32 [tilespmem:s11], [sflag:$0x2], $0x1, s1, s10, $0xb8;
	[tilespmem:$0x2580] =	vst v63  }
0x262: {  	s15 =	simm.s32 $0x480  }
0x263: {  	[spmem:s2] =	stream.indirect.scatter.add.f32 [tilespmem:s11], [sflag:$0x2], $0x1, s15, s10, $0xb8;
	[tilespmem:$0x2580] =	vst v63  }
0x264: {  	s1 =	simm.s32 $0x500  }
0x265: {  	[spmem:s2] =	stream.indirect.scatter.add.f32 [tilespmem:s11], [sflag:$0x2], $0x1, s1, s10, $0xb8;
	[tilespmem:$0x2580] =	vst v63  }
0x266: {  	s15 =	simm.s32 $0x580  }
0x267: {  	[spmem:s2] =	stream.indirect.scatter.add.f32 [tilespmem:s11], [sflag:$0x2], $0x1, s15, s10, $0xb8;
	[tilespmem:$0x2580] =	vst v63  }
0x268: {  	s1 =	simm.s32 $0x600  }
0x269: {  	[spmem:s2] =	stream.indirect.scatter.add.f32 [tilespmem:s11], [sflag:$0x2], $0x1, s1, s10, $0xb8;
	[tilespmem:$0x2580] =	vst v63  }
0x26a: {  	s15 =	simm.s32 $0x680  }
0x26b: {  	[spmem:s2] =	stream.indirect.scatter.add.f32 [tilespmem:s11], [sflag:$0x2], $0x1, s15, s10, $0xb8;
	[tilespmem:$0x2580] =	vst v63  }
0x26c: {  	s1 =	simm.s32 $0x700  }
0x26d: {  	[spmem:s2] =	stream.indirect.scatter.add.f32 [tilespmem:s11], [sflag:$0x2], $0x1, s1, s10, $0xb8;
	[tilespmem:$0x2580] =	vst v63  }
0x26e: {  	s15 =	simm.s32 $0x780  }
0x26f: {  	[spmem:s2] =	stream.indirect.scatter.add.f32 [tilespmem:s11], [sflag:$0x2], $0x1, s15, s10, $0xb8;
	[tilespmem:$0x2580] =	vst v63  }
0x270: {  	s1 =	simm.s32 $0x800  }
0x271: {  	[spmem:s2] =	stream.indirect.scatter.add.f32 [tilespmem:s11], [sflag:$0x2], $0x1, s1, s10, $0xb8;
	[tilespmem:$0x2580] =	vst v63  }
0x272: {  	s15 =	simm.s32 $0x880  }
0x273: {  	[spmem:s2] =	stream.indirect.scatter.add.f32 [tilespmem:s11], [sflag:$0x2], $0x1, s15, s10, $0xb8;
	[tilespmem:$0x2580] =	vst v63  }
0x274: {  	s1 =	simm.s32 $0x900  }
0x275: {  	[spmem:s2] =	stream.indirect.scatter.add.f32 [tilespmem:s11], [sflag:$0x2], $0x1, s1, s10, $0xb8;
	[tilespmem:$0x2580] =	vst v63  }
0x276: {  	s15 =	simm.s32 $0x980  }
0x277: {  	[spmem:s2] =	stream.indirect.scatter.add.f32 [tilespmem:s11], [sflag:$0x2], $0x1, s15, s10, $0xb8;
	[tilespmem:$0x2580] =	vst v63  }
0x278: {  	s1 =	simm.s32 $0xA00  }
0x279: {  	[spmem:s2] =	stream.indirect.scatter.add.f32 [tilespmem:s11], [sflag:$0x2], $0x1, s1, s10, $0xb8;
	[tilespmem:$0x2580] =	vst v63  }
0x27a: {  	s15 =	simm.s32 $0xA80  }
0x27b: {  	[spmem:s2] =	stream.indirect.scatter.add.f32 [tilespmem:s11], [sflag:$0x2], $0x1, s15, s10, $0xb8;
	[tilespmem:$0x2580] =	vst v63  }
0x27c: {  	s1 =	simm.s32 $0xB00  }
0x27d: {  	[spmem:s2] =	stream.indirect.scatter.add.f32 [tilespmem:s11], [sflag:$0x2], $0x1, s1, s10, $0xb8;
	[tilespmem:$0x2580] =	vst v63  }
0x27e: {  	s15 =	simm.s32 $0xB80  }
0x27f: {  	[spmem:s2] =	stream.indirect.scatter.add.f32 [tilespmem:s11], [sflag:$0x2], $0x1, s15, s10, $0xb8;
	[tilespmem:$0x2580] =	vst v63  }
0x280: {  	s1 =	simm.s32 $0xC00  }
0x281: {  	[spmem:s2] =	stream.indirect.scatter.add.f32 [tilespmem:s11], [sflag:$0x2], $0x1, s1, s10, $0xb8;
	[tilespmem:$0x2580] =	vst v63  }
0x282: {  	_ =	swait.ge [sflag:s14], $0x50  }
0x283: {  	[sflag:s14] =	ssyncset.done $0x0  }
0x284: {  	[sflag:s14] =	ssyncadd.s32 $0xFFFFFFB0  }
0x285: {  	_ =	swait.ge [sflag:s14], $0x50  }
0x286: {  	[sflag:s14] =	ssyncset.done $0x0  }
0x287: {  	[sflag:s14] =	ssyncadd.s32 $0xFFFFFFB0  }
0x288: {  	_ =	swait.ge [sflag:s14], $0x50  }
0x289: {  	[sflag:s14] =	ssyncset.done $0x0  }
0x28a: {  	[sflag:s14] =	ssyncadd.s32 $0xFFFFFFB0  }
0x28b: {  	_ =	swait.ge [sflag:s14], $0x50  }
0x28c: {  	[sflag:s14] =	ssyncset.done $0x0  }
0x28d: {  	[sflag:s14] =	ssyncadd.s32 $0xFFFFFFB0  }
0x28e: {  	_ =	swait.ge [sflag:s14], $0x50  }
0x28f: {  	[sflag:s14] =	ssyncset.done $0x0  }
0x290: {  	[sflag:s14] =	ssyncadd.s32 $0xFFFFFFB0  }
0x291: {  	_ =	swait.ge [sflag:s14], $0x50  }
0x292: {  	[sflag:s14] =	ssyncset.done $0x0  }
0x293: {  	[sflag:s14] =	ssyncadd.s32 $0xFFFFFFB0  }
0x294: {  	_ =	swait.ge [sflag:s14], $0x50  }
0x295: {  	[sflag:s14] =	ssyncset.done $0x0  }
0x296: {  	[sflag:s14] =	ssyncadd.s32 $0xFFFFFFB0  }
0x297: {  	_ =	swait.ge [sflag:s14], $0x50  }
0x298: {  	[sflag:s14] =	ssyncset.done $0x0  }
0x299: {  	[sflag:s14] =	ssyncadd.s32 $0xFFFFFFB0  }
0x29a: {  	_ =	swait.ge [sflag:s14], $0x50  }
0x29b: {  	[sflag:s14] =	ssyncset.done $0x0  }
0x29c: {  	[sflag:s14] =	ssyncadd.s32 $0xFFFFFFB0  }
0x29d: {  	_ =	swait.ge [sflag:s14], $0x50  }
0x29e: {  	[sflag:s14] =	ssyncset.done $0x0  }
0x29f: {  	[sflag:s14] =	ssyncadd.s32 $0xFFFFFFB0  }
0x2a0: {  	_ =	swait.ge [sflag:s14], $0x50  }
0x2a1: {  	[sflag:s14] =	ssyncset.done $0x0  }
0x2a2: {  	[sflag:s14] =	ssyncadd.s32 $0xFFFFFFB0  }
0x2a3: {  	_ =	swait.ge [sflag:s14], $0x50  }
0x2a4: {  	[sflag:s14] =	ssyncset.done $0x0  }
0x2a5: {  	[sflag:s14] =	ssyncadd.s32 $0xFFFFFFB0  }
0x2a6: {  	_ =	swait.ge [sflag:s14], $0x50  }
0x2a7: {  	[sflag:s14] =	ssyncset.done $0x0  }
0x2a8: {  	[sflag:s14] =	ssyncadd.s32 $0xFFFFFFB0  }
0x2a9: {  	_ =	swait.ge [sflag:s14], $0x50  }
0x2aa: {  	[sflag:s14] =	ssyncset.done $0x0  }
0x2ab: {  	[sflag:s14] =	ssyncadd.s32 $0xFFFFFFB0  }
0x2ac: {  	_ =	swait.ge [sflag:s14], $0x50  }
0x2ad: {  	[sflag:s14] =	ssyncset.done $0x0  }
0x2ae: {  	[sflag:s14] =	ssyncadd.s32 $0xFFFFFFB0  }
0x2af: {  	_ =	swait.ge [sflag:s14], $0x50  }
0x2b0: {  	[sflag:s14] =	ssyncset.done $0x0  }
0x2b1: {  	[sflag:s14] =	ssyncadd.s32 $0xFFFFFFB0  }
0x2b2: {  	_ =	swait.ge [sflag:s14], $0x50  }
0x2b3: {  	[sflag:s14] =	ssyncset.done $0x0  }
0x2b4: {  	[sflag:s14] =	ssyncadd.s32 $0xFFFFFFB0  }
0x2b5: {  	_ =	swait.ge [sflag:s14], $0x50  }
0x2b6: {  	[sflag:s14] =	ssyncset.done $0x0  }
0x2b7: {  	[sflag:s14] =	ssyncadd.s32 $0xFFFFFFB0  }
0x2b8: {  	_ =	swait.ge [sflag:s14], $0x50  }
0x2b9: {  	[sflag:s14] =	ssyncset.done $0x0  }
0x2ba: {  	[sflag:s14] =	ssyncadd.s32 $0xFFFFFFB0  }
0x2bb: {  	_ =	swait.ge [sflag:s14], $0x50  }
0x2bc: {  	[sflag:s14] =	ssyncset.done $0x0  }
0x2bd: {  	[sflag:s14] =	ssyncadd.s32 $0xFFFFFFB0  }
0x2be: {  	_ =	swait.ge [sflag:s14], $0x50  }
0x2bf: {  	[sflag:s14] =	ssyncset.done $0x0  }
0x2c0: {  	[sflag:s14] =	ssyncadd.s32 $0xFFFFFFB0  }
0x2c1: {  	_ =	swait.ge [sflag:s14], $0x50  }
0x2c2: {  	[sflag:s14] =	ssyncset.done $0x0  }
0x2c3: {  	[sflag:s14] =	ssyncadd.s32 $0xFFFFFFB0  }
0x2c4: {  	_ =	swait.ge [sflag:s14], $0x50  }
0x2c5: {  	[sflag:s14] =	ssyncset.done $0x0  }
0x2c6: {  	[sflag:s14] =	ssyncadd.s32 $0xFFFFFFB0  }
0x2c7: {  	_ =	swait.ge [sflag:s14], $0x50  }
0x2c8: {  	[sflag:s14] =	ssyncset.done $0x0  }
0x2c9: {  	[sflag:s14] =	ssyncadd.s32 $0xFFFFFFB0  }
0x2ca: {  	_ =	swait.ge [sflag:s14], $0x50  }
0x2cb: {  	[sflag:s14] =	ssyncset.done $0x0  }
0x2cc: {  	[sflag:s14] =	ssyncadd.s32 $0xFFFFFFB0  }
0x2cd: {  	[bflag:$0x0] =	sbarrier.arrive $0xFFFF  }
0x2ce: {  	s0 =	simm.s32 $0x2080;
	s15 =	rddreg [dreg:$0xa]  }
0x2cf: {  	[tilespmem:s0], [sflag:$0x3] =	stream.linear.gather [spmem:s15], $0x280, $0x38;
	[tilespmem:$0x2580] =	vst v63  }
0x2d0: {  	_ =	swait.ge [sflag:s7], $0x280  }
0x2d1: {  	p0 =	sne.s32 s5, $0x1;
	[sflag:s7] =	ssyncset.done $0x0  }
.Ltmp0:
0x2d2: {  	s1 =	rddreg [dreg:$0x9];
	[sflag:s7] =	ssyncadd.s32 $0xFFFFFD80;
	(pc) =	sbr.rel @p0 .LBB2_1-.Ltmp0, $4  }
0x2d3: {  	[hbm4b:s1+s3] =	stream.linear.scatter [tilespmem:s0], [sflag:$0x3], $0x280, $0x38;
	[tilespmem:$0x2580] =	vst v63  }
0x2d4: {  	_ =	swait.ge [sflag:s7], $0x280  }
0x2d5: {  	[sflag:s7] =	ssyncset.done $0x0  }
0x2d6: {  	s5 =	sadd.s32 $0xFFFFFFFF, s5;
	[sflag:s7] =	ssyncadd.s32 $0xFFFFFD80  }
0x2d7: {  	_ =	sfence.sel $0x180000  }
0x2d8: {  	[bflag:$0x0] =	sbarrier.arrive $0xFFFF  }
0x2d9: {  	_ =	strace $0x90000047  }
0x2da: {  	s0 =	stileid.u32;
	[bflag:$0x2] =	sbarrier.arrive $0xFFFF  }
0x2db: {  	p0 =	sne.s32 s0, $0x0;
	s0 =	rddreg [dreg:$0x3]  }
0x2dc: {  	s0 =	sadd.s32 @!p0 $0x100000, s0  }
0x2dd: {  	[sflag:s0] =	ssyncadd.tile.s32 @!p0 $0x1;
	_ =	shalt  }
.Lfunc_end2:
_tile_overlayer_lowered:
.L_overlay_start_2:
0x2de: {  	(tag) =	ssettag $0x2  }
0x2df: {  	s0 =	rddreg [dreg:$0x0];
	s2 =	stileid.u32  }
0x2e0: {  	s1 =	rddreg [dreg:$0x1];
	p0 =	sne.s32 s2, $0x0  }
0x2e1: {  	s3 =	rddreg [dreg:$0x2];
	[bflag:$0x3] =	sbarrier.arrive $0xFFFF;
	s2 =	simm.s32 @!p0 $0x1C03  }
0x2e2: {  	[timem:s3], [sflag:s2] =	dma.local @!p0 [hbm:s0], s1  }
0x2e3: {  	s0 =	simm.s32 @!p0 $0x3  }
0x2e4: {  	_ =	swait.ge @!p0 [sflag:s0], s1  }
0x2e5: {  	s1 =	ssub.s32 @!p0 $0x0, s1;
	[sflag:s0] =	ssyncset.done @!p0 $0x0  }
0x2e6: {  	[sflag:s0] =	ssyncadd.s32 @!p0 s1  }
0x2e7: {  	[bflag:$0x3] =	sbarrier.arrive $0xFFFF  }
0x2e8: {  	_ =	shalt  }

</sc_bundles>
